<compile_context>
chip_gen: v7x
topology: tpu7x:2x2x1
jax: 0.10.2.dev20260603
libtpu: 0.0.44.dev20260713+nightly
codegen_flags: <defaults>
</compile_context>

<pallas_src>
import functools

import jax
import jax.numpy as jnp
import numpy as np
from jax import lax
from jax.experimental import pallas as pl
from jax.experimental.pallas import tpu as pltpu
from jax.experimental.pallas import tpu_sc as plsc

_NEG_UPPER = 0.4
_NEG_LOWER = 0.1
_SIGMA = 10.0
_BETA = 1.0 / (_SIGMA * _SIGMA)

_N = 20000
_M = 128
_BLK = 2000
_GRID = _N // _BLK

_SC_CH = 2000
_SC_NCH = _N // _SC_CH
_SC_INNER = _SC_CH // 16
_SC_PAD = _N + 16


def _tf_rotl(x, r):
    return ((x << np.uint32(r)) | (x >> np.uint32(32 - r))).astype(np.uint32)


def _tf2x32(k0, k1, x0, x1):
    x0 = x0.astype(np.uint32).copy()
    x1 = x1.astype(np.uint32).copy()
    ks0 = np.uint32(k0)
    ks1 = np.uint32(k1)
    ks2 = np.uint32(ks0 ^ ks1 ^ np.uint32(0x1BD11BDA))
    r1 = (13, 15, 26, 6)
    r2 = (17, 29, 16, 24)
    x0 = x0 + ks0
    x1 = x1 + ks1
    inj = [(ks1, ks2), (ks2, ks0), (ks0, ks1), (ks1, ks2), (ks2, ks0)]
    for i in range(5):
        for r in (r1 if i % 2 == 0 else r2):
            x0 = x0 + x1
            x1 = _tf_rotl(x1, r)
            x1 = x1 ^ x0
        a, b = inj[i]
        x0 = x0 + a
        x1 = x1 + b + np.uint32(i + 1)
    return x0, x1


def _shuffle_orders():
    k = (np.uint32(0), np.uint32(42))
    orders = []
    for _ in range(2):
        o0, o1 = _tf2x32(k[0], k[1], np.zeros(2, np.uint32),
                         np.arange(2, dtype=np.uint32))
        k, sub = (o0[0], o1[0]), (o0[1], o1[1])
        b0, b1 = _tf2x32(sub[0], sub[1], np.zeros(_N, np.uint32),
                         np.arange(_N, dtype=np.uint32))
        orders.append(np.argsort(b0 ^ b1, kind="stable").astype(np.int32))
    return orders


_ORD1_NP, _ORD2_NP = _shuffle_orders()


def _tc_body(pk, gt, gtcls, negenc, scal,
             allq_s, gmax_s, garg_s, acc_s):
    ph = pl.program_id(0)
    t = pl.program_id(1)
    nt = pl.num_programs(1)
    rows = pl.ds(t * _BLK, _BLK)

    @pl.when(ph == 0)
    def _phase0():
        s0 = pk[:, 4:5]
        s1 = pk[:, 5:6]
        sel = s1 > s0

        p = []
        for k in range(4):
            d = jnp.where(sel, pk[:, 10 + k:11 + k], pk[:, 6 + k:7 + k])
            pv = pk[:, k:k + 1] + d
            allq_s[rows, k:k + 1] = pv
            p.append(pv)
        px1, py1, px2, py2 = p

        gx1, gy1 = gt[0:1, :], gt[1:2, :]
        gx2, gy2 = gt[2:3, :], gt[3:4, :]
        area1 = (px2 - px1) * (py2 - py1)
        area2 = (gx2 - gx1) * (gy2 - gy1)
        ltx = jnp.maximum(px1, gx1)
        lty = jnp.maximum(py1, gy1)
        rbx = jnp.minimum(px2, gx2)
        rby = jnp.minimum(py2, gy2)
        wx = jnp.clip(rbx - ltx, 0.0, None)
        wy = jnp.clip(rby - lty, 0.0, None)
        inter = wx * wy
        union = area1 + area2 - inter
        ov = inter / jnp.maximum(union, 1e-9)

        b = jnp.max(ov, axis=1, keepdims=True)
        gidx = lax.broadcasted_iota(jnp.int32, (_BLK, _M), 1)
        gidxf = gidx.astype(jnp.float32)
        allq_s[rows, 5:6] = jnp.min(jnp.where(ov == b, gidxf, float(_M)),
                                    axis=1, keepdims=True)
        allq_s[rows, 4:5] = b

        m = jnp.maximum(s0, s1)
        lse = jnp.log(jnp.exp(s0 - m) + jnp.exp(s1 - m))
        allq_s[rows, 6:7] = s0 - m - lse
        allq_s[rows, 7:8] = s1 - m - lse

        colmax = jnp.max(ov, axis=0, keepdims=True)
        ridx = (jnp.float32(1.0) * t * _BLK
                + lax.broadcasted_iota(jnp.int32, (_BLK, _M), 0)
                .astype(jnp.float32))
        colarg = jnp.min(jnp.where(ov == colmax, ridx, 1e9), axis=0,
                         keepdims=True)

        @pl.when(t == 0)
        def _():
            gmax_s[...] = jnp.full((1, _M), -1.0, jnp.float32)
            garg_s[...] = jnp.zeros((1, _M), jnp.float32)

        prev_max = gmax_s[...]
        prev_arg = garg_s[...]
        better = colmax > prev_max
        garg_s[...] = jnp.where(better, colarg, prev_arg)
        gmax_s[...] = jnp.maximum(colmax, prev_max)

    @pl.when(ph == 1)
    def _phase1():
        ridx = (jnp.float32(1.0) * t * _BLK
                + lax.broadcasted_iota(jnp.int32, (_BLK, _M), 0)
                .astype(jnp.float32))
        gvec = lax.broadcasted_iota(jnp.int32, (_BLK, _M), 1) \
            .astype(jnp.float32)
        eq = garg_s[...] == ridx
        maxg = jnp.max(jnp.where(eq, gvec, -1.0), axis=1, keepdims=True)
        is_b = maxg >= 0.0

        aq = allq_s[rows, :]
        b = aq[:, 4:5]
        match = jnp.where(is_b, maxg, aq[:, 5:6])
        neg = b < _NEG_LOWER
        pos = jnp.logical_and(b >= _NEG_LOWER,
                              jnp.logical_or(b >= _NEG_UPPER, is_b))
        posf = pos.astype(jnp.float32)

        eqm = gvec == match
        label = jnp.sum(jnp.where(eqm, gtcls[...], 0.0), axis=1,
                        keepdims=True)
        lp1v = aq[:, 7:8]
        poslp = jnp.where(label < 0.5, aq[:, 6:7], lp1v)

        row_bbox = jnp.zeros((_BLK, 1), jnp.float32)
        for k in range(4):
            gk = jnp.sum(jnp.where(eqm, gt[k:k + 1, :], 0.0), axis=1,
                         keepdims=True)
            d = aq[:, k:k + 1] - gk
            ad = jnp.abs(d)
            row_bbox += jnp.where(ad < _BETA, 0.5 * d * d / _BETA,
                                  ad - 0.5 * _BETA)

        negenc[...] = jnp.where(neg, lp1v - 1.0, 1.0)

        li = lax.broadcasted_iota(jnp.int32, (1, _M), 1)
        contrib = (jnp.where(li == 1, jnp.sum(posf), 0.0)
                   + jnp.where(li == 2, jnp.sum(poslp * posf), 0.0)
                   + jnp.where(li == 3, jnp.sum(row_bbox * posf), 0.0))

        @pl.when(t == 0)
        def _():
            acc_s[...] = jnp.zeros((1, _M), jnp.float32)

        acc_s[...] += contrib

        @pl.when(t == nt - 1)
        def _():
            scal[...] = acc_s[...]


def _tc(packed, gt_t, gtcls_row):
    blk = lambda p, t: (t, 0)
    blk0 = lambda p, t: (t * (1 - p), 0)
    rep = lambda p, t: (0, 0)
    return pl.pallas_call(
        _tc_body,
        grid=(2, _GRID),
        in_specs=[
            pl.BlockSpec((_BLK, 14), blk0),
            pl.BlockSpec((4, _M), rep),
            pl.BlockSpec((1, _M), rep),
        ],
        out_specs=[
            pl.BlockSpec((_BLK, 1), lambda p, t: (t * p, 0)),
            pl.BlockSpec((1, _M), rep),
        ],
        out_shape=[
            jax.ShapeDtypeStruct((_N, 1), jnp.float32),
            jax.ShapeDtypeStruct((1, _M), jnp.float32),
        ],
        scratch_shapes=[
            pltpu.VMEM((_N, 8), jnp.float32),
            pltpu.VMEM((1, _M), jnp.float32),
            pltpu.VMEM((1, _M), jnp.float32),
            pltpu.VMEM((1, _M), jnp.float32),
        ],
        compiler_params=pltpu.CompilerParams(
            dimension_semantics=("arbitrary", "arbitrary")),
    )(packed, gt_t, gtcls_row)


def _sc_body(negenc_h, ord1_h, ord2_h, scal_h, out_h,
             g_v, s1_v, s2_v, stg_i, stg_f, scal_v, out_v):
    c = lax.axis_index("c")
    s = lax.axis_index("s")

    @pl.when(jnp.logical_and(c == 0, s == 0))
    def _():
        pltpu.sync_copy(scal_h.at[pl.ds(0, 16)], scal_v)
        lanes = lax.iota(jnp.int32, 16)
        zero_i = jnp.zeros((16,), jnp.int32)
        npos_f = plsc.load_gather(scal_v, [zero_i + 1])
        pos_sum = plsc.load_gather(scal_v, [zero_i + 2])
        bbox_sum = plsc.load_gather(scal_v, [zero_i + 3])
        npos_v = npos_f.astype(jnp.int32)

        cnt = zero_i
        for ch in range(_SC_NCH):
            pltpu.sync_copy(negenc_h.at[pl.ds(ch * _SC_CH, _SC_CH)], stg_f)

            def inner1(k, cn):
                off = pl.multiple_of(k * 80, 16)
                tot = cn
                for u in range(5):
                    ev = stg_f[pl.ds(off + u * 16, 16)]
                    msk = ev < 0.0
                    xv = ev + 1.0
                    mi = msk.astype(jnp.int32)
                    incl = plsc.cumsum(mi)
                    plsc.store_scatter(g_v, [tot + incl - mi], xv, mask=msk)
                    tot = tot + plsc.all_reduce_population_count(msk)
                return tot

            cnt = lax.fori_loop(0, _SC_CH // 80, inner1, cnt)
        kneg = cnt

        for src, dst in ((ord1_h, s1_v), (ord2_h, s2_v)):
            cnt2 = zero_i
            for ch in range(_SC_NCH):
                pltpu.sync_copy(src.at[pl.ds(ch * _SC_CH, _SC_CH)], stg_i)

                def inner2(k, cn):
                    off = pl.multiple_of(k * 80, 16)
                    tot = cn
                    for u in range(5):
                        ovv = stg_i[pl.ds(off + u * 16, 16)]
                        msk = ovv < kneg
                        mi = msk.astype(jnp.int32)
                        incl = plsc.cumsum(mi)
                        plsc.store_scatter(dst, [tot + incl - mi], ovv,
                                           mask=msk)
                        tot = tot + plsc.all_reduce_population_count(msk)
                    return tot

                cnt2 = lax.fori_loop(0, _SC_CH // 80, inner2, cnt2)

        n_v = jnp.minimum(npos_v, kneg)
        n_s = jnp.max(n_v)

        def inner3(r, acc):
            base = pl.multiple_of(r * 16, 16)
            msk = (base + lanes) < n_v
            v2 = s2_v[pl.ds(base, 16)]
            v1 = plsc.load_gather(s1_v, [v2], mask=msk)
            gv = plsc.load_gather(g_v, [v1], mask=msk)
            return acc + jnp.where(msk, gv, jnp.zeros((16,), jnp.float32))

        acc = lax.fori_loop(0, (n_s + 15) // 16, inner3,
                            jnp.zeros((16,), jnp.float32))

        out_v[...] = plsc.cumsum(acc)
        negsum = plsc.load_gather(out_v, [zero_i + 15])
        denom = (npos_v + n_v).astype(jnp.float32)
        cls_loss = -(pos_sum + negsum) / denom
        out_v[...] = jnp.where(lanes == 0, cls_loss,
                               jnp.where(lanes == 1, bbox_sum,
                                         jnp.zeros((16,), jnp.float32)))
        pltpu.sync_copy(out_v, out_h)


def _sc(negenc, ord1, ord2, scal128):
    mesh = plsc.VectorSubcoreMesh(core_axis_name="c", subcore_axis_name="s")
    fn = pl.kernel(
        _sc_body,
        out_type=jax.ShapeDtypeStruct((16,), jnp.float32),
        mesh=mesh,
        compiler_params=pltpu.CompilerParams(needs_layout_passes=False),
        scratch_types=[
            pltpu.VMEM((_SC_PAD,), jnp.float32),
            pltpu.VMEM((_SC_PAD,), jnp.int32),
            pltpu.VMEM((_SC_PAD,), jnp.int32),
            pltpu.VMEM((_SC_CH,), jnp.int32),
            pltpu.VMEM((_SC_CH,), jnp.float32),
            pltpu.VMEM((16,), jnp.float32),
            pltpu.VMEM((16,), jnp.float32),
        ],
    )
    return fn(negenc, ord1, ord2, scal128)


def kernel(rois, cls_scores, bbox_deltas, gt_boxes, gt_cls):
    packed = jnp.concatenate([rois[:, 1:], cls_scores, bbox_deltas], axis=1)
    gt_t = gt_boxes.T
    gtcls_row = gt_cls.astype(jnp.float32).reshape(1, _M)

    negenc, scal = _tc(packed, gt_t, gtcls_row)

    out16 = _sc(negenc.reshape(_N),
                jnp.asarray(_ORD1_NP), jnp.asarray(_ORD2_NP),
                scal.reshape(_M))
    return (out16[0], out16[1])

# --- scband reference (transcript-rebuilt; emitter-appended) ---
"""Pipeline reference for scband-head-target-layer-37598143710088 (READ-ONLY COPY).

The authoritative reference and input builder live on the scoring server;
editing this copy changes nothing except your own understanding.
"""

import jax, jax.numpy as jnp
from jax import lax
import numpy as np

NEGATIVE = -2
NEITHER = -1
UPPER = 0.4
LOWER = 0.1
BG_RATIO = 1.0
NCLS = 1
BACKGROUND = NCLS
SIGMA = 10.0


def bbox_overlaps(boxes, gt):
    area1 = (boxes[:, 2] - boxes[:, 0]) * (boxes[:, 3] - boxes[:, 1])
    area2 = (gt[:, 2] - gt[:, 0]) * (gt[:, 3] - gt[:, 1])
    lt = jnp.maximum(boxes[:, None, :2], gt[None, :, :2])
    rb = jnp.minimum(boxes[:, None, 2:], gt[None, :, 2:])
    wh = jnp.clip(rb - lt, 0.0, None)
    inter = wh[..., 0] * wh[..., 1]
    union = area1[:, None] + area2[None, :] - inter
    return inter / jnp.maximum(union, 1e-9)


def match(regions, gt_boxes, upper, lower):
    overlaps = bbox_overlaps(regions, gt_boxes)
    best_score_pred = overlaps.max(axis=1)
    match_idxs_pred = overlaps.argmax(axis=1)
    ret = NEITHER * jnp.ones((regions.shape[0],), dtype=jnp.float32)
    mask = best_score_pred >= upper
    ret = jnp.where(mask, match_idxs_pred.astype(jnp.float32), ret)
    match_idxs_gt = overlaps.argmax(axis=0)
    ret = ret.at[match_idxs_gt].set(jnp.arange(gt_boxes.shape[0], dtype=jnp.float32))
    ret = jnp.where(best_score_pred < lower, float(NEGATIVE), ret)
    return ret


def cross_entropy_mean(logits, labels):
    logp = jax.nn.log_softmax(logits, axis=1)
    return -jnp.take_along_axis(logp, labels[:, None].astype(jnp.int32), axis=1).mean()


def smooth_l1(pred, target, norm, sigma=SIGMA):
    beta = 1.0 / (sigma * sigma)
    pred = pred.reshape(target.shape)
    d = pred - target
    ad = jnp.abs(d)
    loss = jnp.where(ad < beta, 0.5 * d * d / beta, ad - 0.5 * beta)
    return loss.sum() / norm[0]


def setup_inputs(seed: int = 0) -> dict:
    key = jax.random.key(seed)
    ks = jax.random.split(key, 6)
    N, M, C, IMG = 20000, 128, 2, 1920.0

    def make_boxes(k, n):
        k1, k2 = jax.random.split(k)
        cxy = jax.random.uniform(k1, (n, 2), minval=100.0, maxval=IMG - 100.0)
        wh = jax.random.uniform(k2, (n, 2), minval=20.0, maxval=200.0)
        return jnp.concatenate([cxy - wh / 2.0, cxy + wh / 2.0], axis=1)

    boxes = make_boxes(ks[0], N)
    rois = jnp.concatenate([jnp.zeros((N, 1), dtype=jnp.float32), boxes], axis=1)
    cls_scores = jax.random.normal(ks[1], (N, C), dtype=jnp.float32)
    bbox_deltas = 2.0 * jax.random.normal(ks[2], (N, 4 * C), dtype=jnp.float32)
    gt_boxes = make_boxes(ks[3], M)
    gt_cls = jax.random.randint(ks[4], (M,), 0, NCLS).astype(jnp.int32)
    return {"rois": rois, "cls_scores": cls_scores, "bbox_deltas": bbox_deltas,
            "gt_boxes": gt_boxes, "gt_cls": gt_cls}


def reference(rois, cls_scores, bbox_deltas, gt_boxes, gt_cls):
    L, C = cls_scores.shape
    rois4 = rois[:, 1:]
    score_idxs = jnp.argmax(cls_scores, axis=1)
    bd = bbox_deltas.reshape(L, C, 4)
    deltas = bd[jnp.arange(L), score_idxs]
    pred = rois4 + deltas
    matches = match(pred, gt_boxes, UPPER, LOWER)
    pos_mask = matches >= 0
    neg_mask = matches == float(NEGATIVE)
    num_pos = pos_mask.sum()
    num_neg = neg_mask.sum()
    pos_inds = jnp.nonzero(pos_mask, size=L, fill_value=0)[0]
    neg_inds = jnp.nonzero(neg_mask, size=L, fill_value=0)[0]
    bg_num = jnp.round(num_pos * BG_RATIO).astype(jnp.int32)
    idx = jnp.arange(L)
    neg_valid = idx < num_neg
    pad = (~neg_valid).astype(jnp.uint32)
    key = jax.random.key(42)
    shuffled = neg_inds
    for _ in range(2):
        key, subkey = jax.random.split(key)
        bits = jax.random.bits(subkey, (L,), dtype=jnp.uint32)
        _, _, shuffled = lax.sort((pad, bits, shuffled), num_keys=2, is_stable=True)
    n_sample = jnp.minimum(bg_num, num_neg)
    sample_mask = idx < n_sample
    sample_neg_inds = jnp.where(sample_mask, shuffled, 0)
    pos_valid = idx < num_pos
    gt_indxs = jnp.where(pos_valid, matches[pos_inds].astype(jnp.int32), 0)
    pos_labels = gt_cls[gt_indxs].astype(jnp.int32)
    logp = jax.nn.log_softmax(cls_scores, axis=1)
    pos_lp = jnp.take_along_axis(logp[pos_inds, :], pos_labels[:, None], axis=1)[:, 0]
    neg_lp = logp[sample_neg_inds, BACKGROUND]
    total = jnp.where(pos_valid, pos_lp, 0.0).sum() + jnp.where(sample_mask, neg_lp, 0.0).sum()
    cls_loss = -total / (num_pos + n_sample)
    sample_pred_bbox = pred[pos_inds, :]
    gt_bbox = jnp.where(pos_valid[:, None], gt_boxes[gt_indxs, :], sample_pred_bbox).reshape(-1, 1, 4)
    norm = jnp.ones(1)
    bbox_loss = smooth_l1(sample_pred_bbox, gt_bbox, norm)
    return (cls_loss, bbox_loss)

if __name__ == "__main__":
    import jax
    _d = setup_inputs()
    print(jax.jit(kernel)(*tuple(_d.values())))

</pallas_src>

<mosaic_0001>
#map = affine_map<(d0, d1) -> (0)>
module attributes {stable_mosaic.version = 14 : i64} {
  func.func @_sc_body(%arg0: i32, %arg1: i32, %arg2: memref<20000xf32, #tpu.memory_space<hbm>>, %arg3: memref<20000xi32, #tpu.memory_space<hbm>>, %arg4: memref<20000xi32, #tpu.memory_space<hbm>>, %arg5: memref<128xf32, #tpu.memory_space<hbm>>, %arg6: memref<16xf32, #tpu.memory_space<hbm>>, %arg7: memref<20016xf32, #tpu.memory_space<vmem>>, %arg8: memref<20016xi32, #tpu.memory_space<vmem>>, %arg9: memref<20016xi32, #tpu.memory_space<vmem>>, %arg10: memref<2000xi32, #tpu.memory_space<vmem>>, %arg11: memref<2000xf32, #tpu.memory_space<vmem>>, %arg12: memref<16xf32, #tpu.memory_space<vmem>>, %arg13: memref<16xf32, #tpu.memory_space<vmem>>) attributes {dimension_semantics = [#tpu.dimension_semantics<core_parallel>, #tpu.dimension_semantics<subcore_parallel>], iteration_bounds = array<i64: 2, 16>, scalar_prefetch = 0 : i64, scratch_operands = 7 : i64, tpu.core_type = #tpu.core_type<sc_vector_subcore>, window_params = [{transform_indices = #map}, {transform_indices = #map}, {transform_indices = #map}, {transform_indices = #map}, {transform_indices = #map}]} {
    %eq3A = arith.constant 0 : i32
    %eq3A_0 = arith.cmpi eq, %arg0, %eq3A : i32
    %eq3A_1 = arith.constant 0 : i32
    %eq3A_2 = arith.cmpi eq, %arg1, %eq3A_1 : i32
    %and3A = arith.andi %eq3A_0, %eq3A_2 : i1
    %convert_element_type3A = arith.extui %and3A : i1 to i32
    %cond3A = arith.constant 0 : i32
    %cond3A_3 = arith.cmpi ne, %convert_element_type3A, %cond3A : i32
    scf.if %cond3A_3 {
      "tpu.region"() ({
        %run_scoped3A = tpu.sem_alloc : memref<!tpu.dma_semaphore, #tpu.memory_space<semaphore_mem>>
        %dma_start3A = arith.constant 0 : i32
        %dma_start3A_258 = tpu.memref_slice %arg5[%dma_start3A] : memref<128xf32, #tpu.memory_space<hbm>> -> memref<16xf32, #tpu.memory_space<hbm>>
        %dma_start3A_259 = arith.constant 0 : i32
        %dma_start3A_260 = tpu.memref_slice %arg5[%dma_start3A_259] : memref<128xf32, #tpu.memory_space<hbm>> -> memref<16xf32, #tpu.memory_space<hbm>>
        tpu.enqueue_dma source(%dma_start3A_260 : memref<16xf32, #tpu.memory_space<hbm>>) target(%arg12 : memref<16xf32, #tpu.memory_space<vmem>>) target_semaphore(%run_scoped3A : memref<!tpu.dma_semaphore, #tpu.memory_space<semaphore_mem>>)
        %dma_wait3A = arith.constant 0 : i32
        %dma_wait3A_261 = tpu.memref_slice %arg5[%dma_wait3A] : memref<128xf32, #tpu.memory_space<hbm>> -> memref<16xf32, #tpu.memory_space<hbm>>
        %dma_wait3A_262 = arith.constant 0 : i32
        %dma_wait3A_263 = tpu.memref_slice %arg5[%dma_wait3A_262] : memref<128xf32, #tpu.memory_space<hbm>> -> memref<16xf32, #tpu.memory_space<hbm>>
        tpu.wait_dma2 semaphore(%run_scoped3A : memref<!tpu.dma_semaphore, #tpu.memory_space<semaphore_mem>>) src(%dma_wait3A_263 : memref<16xf32, #tpu.memory_space<hbm>>) dst(%arg12 : memref<16xf32, #tpu.memory_space<vmem>>)
        tpu.yield
      }) : () -> ()
      %iota3A = tpu.iota {dimensions = array<i32: 0>} : vector<16xi32>
      %broadcast_in_dim3A = arith.constant 0 : i32
      %broadcast_in_dim3A_4 = vector.broadcast %broadcast_in_dim3A : i32 to vector<16xi32>
      %add3A = arith.constant 1 : i32
      %add3A_5 = vector.broadcast %add3A : i32 to vector<16xi32>
      %add3A_6 = arith.addi %broadcast_in_dim3A_4, %add3A_5 : vector<16xi32>
      %gather3A = tpu.vector_load_idx %arg12[%add3A_6] : memref<16xf32, #tpu.memory_space<vmem>>[vector<16xi32>], vector<16xf32>,
      %add3A_7 = arith.constant 2 : i32
      %add3A_8 = vector.broadcast %add3A_7 : i32 to vector<16xi32>
      %add3A_9 = arith.addi %broadcast_in_dim3A_4, %add3A_8 : vector<16xi32>
      %gather3A_10 = tpu.vector_load_idx %arg12[%add3A_9] : memref<16xf32, #tpu.memory_space<vmem>>[vector<16xi32>], vector<16xf32>,
      %add3A_11 = arith.constant 3 : i32
      %add3A_12 = vector.broadcast %add3A_11 : i32 to vector<16xi32>
      %add3A_13 = arith.addi %broadcast_in_dim3A_4, %add3A_12 : vector<16xi32>
      %gather3A_14 = tpu.vector_load_idx %arg12[%add3A_13] : memref<16xf32, #tpu.memory_space<vmem>>[vector<16xi32>], vector<16xf32>,
      %convert_element_type3A_15 = arith.fptosi %gather3A : vector<16xf32> to vector<16xi32>
      "tpu.region"() ({
        %run_scoped3A = tpu.sem_alloc : memref<!tpu.dma_semaphore, #tpu.memory_space<semaphore_mem>>
        %dma_start3A = arith.constant 0 : i32
        %dma_start3A_258 = tpu.memref_slice %arg2[%dma_start3A] : memref<20000xf32, #tpu.memory_space<hbm>> -> memref<2000xf32, #tpu.memory_space<hbm>>
        %dma_start3A_259 = arith.constant 0 : i32
        %dma_start3A_260 = tpu.memref_slice %arg2[%dma_start3A_259] : memref<20000xf32, #tpu.memory_space<hbm>> -> memref<2000xf32, #tpu.memory_space<hbm>>
        tpu.enqueue_dma source(%dma_start3A_260 : memref<2000xf32, #tpu.memory_space<hbm>>) target(%arg11 : memref<2000xf32, #tpu.memory_space<vmem>>) target_semaphore(%run_scoped3A : memref<!tpu.dma_semaphore, #tpu.memory_space<semaphore_mem>>)
        %dma_wait3A = arith.constant 0 : i32
        %dma_wait3A_261 = tpu.memref_slice %arg2[%dma_wait3A] : memref<20000xf32, #tpu.memory_space<hbm>> -> memref<2000xf32, #tpu.memory_space<hbm>>
        %dma_wait3A_262 = arith.constant 0 : i32
        %dma_wait3A_263 = tpu.memref_slice %arg2[%dma_wait3A_262] : memref<20000xf32, #tpu.memory_space<hbm>> -> memref<2000xf32, #tpu.memory_space<hbm>>
        tpu.wait_dma2 semaphore(%run_scoped3A : memref<!tpu.dma_semaphore, #tpu.memory_space<semaphore_mem>>) src(%dma_wait3A_263 : memref<2000xf32, #tpu.memory_space<hbm>>) dst(%arg11 : memref<2000xf32, #tpu.memory_space<vmem>>)
        tpu.yield
      }) : () -> ()
      %scan3A = arith.constant 0 : i32
      %scan3A_16 = arith.constant 25 : i32
      %scan3A_17 = arith.addi %scan3A, %scan3A_16 : i32
      %scan3A_18 = arith.constant 1 : i32
      %scan3A_19 = scf.for %scan3A_258 = %scan3A to %scan3A_17 step %scan3A_18 iter_args(%scan3A_259 = %broadcast_in_dim3A_4) -> (vector<16xi32>)  : i32 {
        %mul3A = arith.constant 80 : i32
        %mul3A_260 = arith.muli %scan3A_258, %mul3A : i32
        %multiple_of3A = tpu.assume_multiple %mul3A_260, 16 : i32
        %add3A_261 = arith.constant 0 : i32
        %add3A_262 = arith.addi %multiple_of3A, %add3A_261 : i32
        %get3A = arith.index_cast %add3A_262 : i32 to index
        %get3A_263 = tpu.vector_load %arg11[%get3A] {strides = array<i32>} : memref<2000xf32, #tpu.memory_space<vmem>>, vector<16xf32>,
        %lt3A = arith.constant 0.000000e+00 : f32
        %lt3A_264 = vector.broadcast %lt3A : f32 to vector<16xf32>
        %lt3A_265 = arith.cmpf olt, %get3A_263, %lt3A_264 : vector<16xf32>
        %add3A_266 = arith.constant 1.000000e+00 : f32
        %add3A_267 = vector.broadcast %add3A_266 : f32 to vector<16xf32>
        %add3A_268 = arith.addf %get3A_263, %add3A_267 : vector<16xf32>
        %convert_element_type3A_269 = arith.extui %lt3A_265 : vector<16xi1> to vector<16xi32>
        %broadcast_in_dim3A_270 = arith.constant true
        %broadcast_in_dim3A_271 = vector.broadcast %broadcast_in_dim3A_270 : i1 to vector<16xi1>
        %masked_cumsum3A_272 = tpu.scan <sum>, %convert_element_type3A_269 masked %broadcast_in_dim3A_271 : vector<16xi32>, vector<16xi1> -> vector<16xi32>
        %add3A_273 = arith.addi %scan3A_259, %masked_cumsum3A_272 : vector<16xi32>
        %sub3A_274 = arith.subi %add3A_273, %convert_element_type3A_269 : vector<16xi32>
        tpu.vector_store_idx %arg7[%sub3A_274], %add3A_268 masked %lt3A_265 : memref<20016xf32, #tpu.memory_space<vmem>>[vector<16xi32>], vector<16xf32>, vector<16xi1>
        %all_reduce_population_count3A = tpu.all_reduce %lt3A_265 {dim = 0 : i64, kind = #tpu.reduction_kind<sum>} : vector<16xi1> -> vector<16xi32>
        %add3A_275 = arith.addi %scan3A_259, %all_reduce_population_count3A : vector<16xi32>
        %add3A_276 = arith.constant 16 : i32
        %add3A_277 = arith.addi %multiple_of3A, %add3A_276 : i32
        %get3A_278 = arith.index_cast %add3A_277 : i32 to index
        %get3A_279 = tpu.vector_load %arg11[%get3A_278] {strides = array<i32>} : memref<2000xf32, #tpu.memory_space<vmem>>, vector<16xf32>,
        %lt3A_280 = arith.constant 0.000000e+00 : f32
        %lt3A_281 = vector.broadcast %lt3A_280 : f32 to vector<16xf32>
        %lt3A_282 = arith.cmpf olt, %get3A_279, %lt3A_281 : vector<16xf32>
        %add3A_283 = arith.constant 1.000000e+00 : f32
        %add3A_284 = vector.broadcast %add3A_283 : f32 to vector<16xf32>
        %add3A_285 = arith.addf %get3A_279, %add3A_284 : vector<16xf32>
        %convert_element_type3A_286 = arith.extui %lt3A_282 : vector<16xi1> to vector<16xi32>
        %broadcast_in_dim3A_287 = arith.constant true
        %broadcast_in_dim3A_288 = vector.broadcast %broadcast_in_dim3A_287 : i1 to vector<16xi1>
        %masked_cumsum3A_289 = tpu.scan <sum>, %convert_element_type3A_286 masked %broadcast_in_dim3A_288 : vector<16xi32>, vector<16xi1> -> vector<16xi32>
        %add3A_290 = arith.addi %add3A_275, %masked_cumsum3A_289 : vector<16xi32>
        %sub3A_291 = arith.subi %add3A_290, %convert_element_type3A_286 : vector<16xi32>
        tpu.vector_store_idx %arg7[%sub3A_291], %add3A_285 masked %lt3A_282 : memref<20016xf32, #tpu.memory_space<vmem>>[vector<16xi32>], vector<16xf32>, vector<16xi1>
        %all_reduce_population_count3A_292 = tpu.all_reduce %lt3A_282 {dim = 0 : i64, kind = #tpu.reduction_kind<sum>} : vector<16xi1> -> vector<16xi32>
        %add3A_293 = arith.addi %add3A_275, %all_reduce_population_count3A_292 : vector<16xi32>
        %add3A_294 = arith.constant 32 : i32
        %add3A_295 = arith.addi %multiple_of3A, %add3A_294 : i32
        %get3A_296 = arith.index_cast %add3A_295 : i32 to index
        %get3A_297 = tpu.vector_load %arg11[%get3A_296] {strides = array<i32>} : memref<2000xf32, #tpu.memory_space<vmem>>, vector<16xf32>,
        %lt3A_298 = arith.constant 0.000000e+00 : f32
        %lt3A_299 = vector.broadcast %lt3A_298 : f32 to vector<16xf32>
        %lt3A_300 = arith.cmpf olt, %get3A_297, %lt3A_299 : vector<16xf32>
        %add3A_301 = arith.constant 1.000000e+00 : f32
        %add3A_302 = vector.broadcast %add3A_301 : f32 to vector<16xf32>
        %add3A_303 = arith.addf %get3A_297, %add3A_302 : vector<16xf32>
        %convert_element_type3A_304 = arith.extui %lt3A_300 : vector<16xi1> to vector<16xi32>
        %broadcast_in_dim3A_305 = arith.constant true
        %broadcast_in_dim3A_306 = vector.broadcast %broadcast_in_dim3A_305 : i1 to vector<16xi1>
        %masked_cumsum3A_307 = tpu.scan <sum>, %convert_element_type3A_304 masked %broadcast_in_dim3A_306 : vector<16xi32>, vector<16xi1> -> vector<16xi32>
        %add3A_308 = arith.addi %add3A_293, %masked_cumsum3A_307 : vector<16xi32>
        %sub3A_309 = arith.subi %add3A_308, %convert_element_type3A_304 : vector<16xi32>
        tpu.vector_store_idx %arg7[%sub3A_309], %add3A_303 masked %lt3A_300 : memref<20016xf32, #tpu.memory_space<vmem>>[vector<16xi32>], vector<16xf32>, vector<16xi1>
        %all_reduce_population_count3A_310 = tpu.all_reduce %lt3A_300 {dim = 0 : i64, kind = #tpu.reduction_kind<sum>} : vector<16xi1> -> vector<16xi32>
        %add3A_311 = arith.addi %add3A_293, %all_reduce_population_count3A_310 : vector<16xi32>
        %add3A_312 = arith.constant 48 : i32
        %add3A_313 = arith.addi %multiple_of3A, %add3A_312 : i32
        %get3A_314 = arith.index_cast %add3A_313 : i32 to index
        %get3A_315 = tpu.vector_load %arg11[%get3A_314] {strides = array<i32>} : memref<2000xf32, #tpu.memory_space<vmem>>, vector<16xf32>,
        %lt3A_316 = arith.constant 0.000000e+00 : f32
        %lt3A_317 = vector.broadcast %lt3A_316 : f32 to vector<16xf32>
        %lt3A_318 = arith.cmpf olt, %get3A_315, %lt3A_317 : vector<16xf32>
        %add3A_319 = arith.constant 1.000000e+00 : f32
        %add3A_320 = vector.broadcast %add3A_319 : f32 to vector<16xf32>
        %add3A_321 = arith.addf %get3A_315, %add3A_320 : vector<16xf32>
        %convert_element_type3A_322 = arith.extui %lt3A_318 : vector<16xi1> to vector<16xi32>
        %broadcast_in_dim3A_323 = arith.constant true
        %broadcast_in_dim3A_324 = vector.broadcast %broadcast_in_dim3A_323 : i1 to vector<16xi1>
        %masked_cumsum3A_325 = tpu.scan <sum>, %convert_element_type3A_322 masked %broadcast_in_dim3A_324 : vector<16xi32>, vector<16xi1> -> vector<16xi32>
        %add3A_326 = arith.addi %add3A_311, %masked_cumsum3A_325 : vector<16xi32>
        %sub3A_327 = arith.subi %add3A_326, %convert_element_type3A_322 : vector<16xi32>
        tpu.vector_store_idx %arg7[%sub3A_327], %add3A_321 masked %lt3A_318 : memref<20016xf32, #tpu.memory_space<vmem>>[vector<16xi32>], vector<16xf32>, vector<16xi1>
        %all_reduce_population_count3A_328 = tpu.all_reduce %lt3A_318 {dim = 0 : i64, kind = #tpu.reduction_kind<sum>} : vector<16xi1> -> vector<16xi32>
        %add3A_329 = arith.addi %add3A_311, %all_reduce_population_count3A_328 : vector<16xi32>
        %add3A_330 = arith.constant 64 : i32
        %add3A_331 = arith.addi %multiple_of3A, %add3A_330 : i32
        %get3A_332 = arith.index_cast %add3A_331 : i32 to index
        %get3A_333 = tpu.vector_load %arg11[%get3A_332] {strides = array<i32>} : memref<2000xf32, #tpu.memory_space<vmem>>, vector<16xf32>,
        %lt3A_334 = arith.constant 0.000000e+00 : f32
        %lt3A_335 = vector.broadcast %lt3A_334 : f32 to vector<16xf32>
        %lt3A_336 = arith.cmpf olt, %get3A_333, %lt3A_335 : vector<16xf32>
        %add3A_337 = arith.constant 1.000000e+00 : f32
        %add3A_338 = vector.broadcast %add3A_337 : f32 to vector<16xf32>
        %add3A_339 = arith.addf %get3A_333, %add3A_338 : vector<16xf32>
        %convert_element_type3A_340 = arith.extui %lt3A_336 : vector<16xi1> to vector<16xi32>
        %broadcast_in_dim3A_341 = arith.constant true
        %broadcast_in_dim3A_342 = vector.broadcast %broadcast_in_dim3A_341 : i1 to vector<16xi1>
        %masked_cumsum3A_343 = tpu.scan <sum>, %convert_element_type3A_340 masked %broadcast_in_dim3A_342 : vector<16xi32>, vector<16xi1> -> vector<16xi32>
        %add3A_344 = arith.addi %add3A_329, %masked_cumsum3A_343 : vector<16xi32>
        %sub3A_345 = arith.subi %add3A_344, %convert_element_type3A_340 : vector<16xi32>
        tpu.vector_store_idx %arg7[%sub3A_345], %add3A_339 masked %lt3A_336 : memref<20016xf32, #tpu.memory_space<vmem>>[vector<16xi32>], vector<16xf32>, vector<16xi1>
        %all_reduce_population_count3A_346 = tpu.all_reduce %lt3A_336 {dim = 0 : i64, kind = #tpu.reduction_kind<sum>} : vector<16xi1> -> vector<16xi32>
        %add3A_347 = arith.addi %add3A_329, %all_reduce_population_count3A_346 : vector<16xi32>
        scf.yield %add3A_347 : vector<16xi32>
      }
      %scan3A_20 = arith.constant 25 : i32
      "tpu.region"() ({
        %run_scoped3A = tpu.sem_alloc : memref<!tpu.dma_semaphore, #tpu.memory_space<semaphore_mem>>
        %dma_start3A = arith.constant 2000 : i32
        %dma_start3A_258 = tpu.memref_slice %arg2[%dma_start3A] : memref<20000xf32, #tpu.memory_space<hbm>> -> memref<2000xf32, #tpu.memory_space<hbm>>
        %dma_start3A_259 = arith.constant 2000 : i32
        %dma_start3A_260 = tpu.memref_slice %arg2[%dma_start3A_259] : memref<20000xf32, #tpu.memory_space<hbm>> -> memref<2000xf32, #tpu.memory_space<hbm>>
        tpu.enqueue_dma source(%dma_start3A_260 : memref<2000xf32, #tpu.memory_space<hbm>>) target(%arg11 : memref<2000xf32, #tpu.memory_space<vmem>>) target_semaphore(%run_scoped3A : memref<!tpu.dma_semaphore, #tpu.memory_space<semaphore_mem>>)
        %dma_wait3A = arith.constant 2000 : i32
        %dma_wait3A_261 = tpu.memref_slice %arg2[%dma_wait3A] : memref<20000xf32, #tpu.memory_space<hbm>> -> memref<2000xf32, #tpu.memory_space<hbm>>
        %dma_wait3A_262 = arith.constant 2000 : i32
        %dma_wait3A_263 = tpu.memref_slice %arg2[%dma_wait3A_262] : memref<20000xf32, #tpu.memory_space<hbm>> -> memref<2000xf32, #tpu.memory_space<hbm>>
        tpu.wait_dma2 semaphore(%run_scoped3A : memref<!tpu.dma_semaphore, #tpu.memory_space<semaphore_mem>>) src(%dma_wait3A_263 : memref<2000xf32, #tpu.memory_space<hbm>>) dst(%arg11 : memref<2000xf32, #tpu.memory_space<vmem>>)
        tpu.yield
      }) : () -> ()
      %scan3A_21 = arith.constant 0 : i32
      %scan3A_22 = arith.constant 25 : i32
      %scan3A_23 = arith.addi %scan3A_21, %scan3A_22 : i32
      %scan3A_24 = arith.constant 1 : i32
      %scan3A_25 = scf.for %scan3A_258 = %scan3A_21 to %scan3A_23 step %scan3A_24 iter_args(%scan3A_259 = %scan3A_19) -> (vector<16xi32>)  : i32 {
        %mul3A = arith.constant 80 : i32
        %mul3A_260 = arith.muli %scan3A_258, %mul3A : i32
        %multiple_of3A = tpu.assume_multiple %mul3A_260, 16 : i32
        %add3A_261 = arith.constant 0 : i32
        %add3A_262 = arith.addi %multiple_of3A, %add3A_261 : i32
        %get3A = arith.index_cast %add3A_262 : i32 to index
        %get3A_263 = tpu.vector_load %arg11[%get3A] {strides = array<i32>} : memref<2000xf32, #tpu.memory_space<vmem>>, vector<16xf32>,
        %lt3A = arith.constant 0.000000e+00 : f32
        %lt3A_264 = vector.broadcast %lt3A : f32 to vector<16xf32>
        %lt3A_265 = arith.cmpf olt, %get3A_263, %lt3A_264 : vector<16xf32>
        %add3A_266 = arith.constant 1.000000e+00 : f32
        %add3A_267 = vector.broadcast %add3A_266 : f32 to vector<16xf32>
        %add3A_268 = arith.addf %get3A_263, %add3A_267 : vector<16xf32>
        %convert_element_type3A_269 = arith.extui %lt3A_265 : vector<16xi1> to vector<16xi32>
        %broadcast_in_dim3A_270 = arith.constant true
        %broadcast_in_dim3A_271 = vector.broadcast %broadcast_in_dim3A_270 : i1 to vector<16xi1>
        %masked_cumsum3A_272 = tpu.scan <sum>, %convert_element_type3A_269 masked %broadcast_in_dim3A_271 : vector<16xi32>, vector<16xi1> -> vector<16xi32>
        %add3A_273 = arith.addi %scan3A_259, %masked_cumsum3A_272 : vector<16xi32>
        %sub3A_274 = arith.subi %add3A_273, %convert_element_type3A_269 : vector<16xi32>
        tpu.vector_store_idx %arg7[%sub3A_274], %add3A_268 masked %lt3A_265 : memref<20016xf32, #tpu.memory_space<vmem>>[vector<16xi32>], vector<16xf32>, vector<16xi1>
        %all_reduce_population_count3A = tpu.all_reduce %lt3A_265 {dim = 0 : i64, kind = #tpu.reduction_kind<sum>} : vector<16xi1> -> vector<16xi32>
        %add3A_275 = arith.addi %scan3A_259, %all_reduce_population_count3A : vector<16xi32>
        %add3A_276 = arith.constant 16 : i32
        %add3A_277 = arith.addi %multiple_of3A, %add3A_276 : i32
        %get3A_278 = arith.index_cast %add3A_277 : i32 to index
        %get3A_279 = tpu.vector_load %arg11[%get3A_278] {strides = array<i32>} : memref<2000xf32, #tpu.memory_space<vmem>>, vector<16xf32>,
        %lt3A_280 = arith.constant 0.000000e+00 : f32
        %lt3A_281 = vector.broadcast %lt3A_280 : f32 to vector<16xf32>
        %lt3A_282 = arith.cmpf olt, %get3A_279, %lt3A_281 : vector<16xf32>
        %add3A_283 = arith.constant 1.000000e+00 : f32
        %add3A_284 = vector.broadcast %add3A_283 : f32 to vector<16xf32>
        %add3A_285 = arith.addf %get3A_279, %add3A_284 : vector<16xf32>
        %convert_element_type3A_286 = arith.extui %lt3A_282 : vector<16xi1> to vector<16xi32>
        %broadcast_in_dim3A_287 = arith.constant true
        %broadcast_in_dim3A_288 = vector.broadcast %broadcast_in_dim3A_287 : i1 to vector<16xi1>
        %masked_cumsum3A_289 = tpu.scan <sum>, %convert_element_type3A_286 masked %broadcast_in_dim3A_288 : vector<16xi32>, vector<16xi1> -> vector<16xi32>
        %add3A_290 = arith.addi %add3A_275, %masked_cumsum3A_289 : vector<16xi32>
        %sub3A_291 = arith.subi %add3A_290, %convert_element_type3A_286 : vector<16xi32>
        tpu.vector_store_idx %arg7[%sub3A_291], %add3A_285 masked %lt3A_282 : memref<20016xf32, #tpu.memory_space<vmem>>[vector<16xi32>], vector<16xf32>, vector<16xi1>
        %all_reduce_population_count3A_292 = tpu.all_reduce %lt3A_282 {dim = 0 : i64, kind = #tpu.reduction_kind<sum>} : vector<16xi1> -> vector<16xi32>
        %add3A_293 = arith.addi %add3A_275, %all_reduce_population_count3A_292 : vector<16xi32>
        %add3A_294 = arith.constant 32 : i32
        %add3A_295 = arith.addi %multiple_of3A, %add3A_294 : i32
        %get3A_296 = arith.index_cast %add3A_295 : i32 to index
        %get3A_297 = tpu.vector_load %arg11[%get3A_296] {strides = array<i32>} : memref<2000xf32, #tpu.memory_space<vmem>>, vector<16xf32>,
        %lt3A_298 = arith.constant 0.000000e+00 : f32
        %lt3A_299 = vector.broadcast %lt3A_298 : f32 to vector<16xf32>
        %lt3A_300 = arith.cmpf olt, %get3A_297, %lt3A_299 : vector<16xf32>
        %add3A_301 = arith.constant 1.000000e+00 : f32
        %add3A_302 = vector.broadcast %add3A_301 : f32 to vector<16xf32>
        %add3A_303 = arith.addf %get3A_297, %add3A_302 : vector<16xf32>
        %convert_element_type3A_304 = arith.extui %lt3A_300 : vector<16xi1> to vector<16xi32>
        %broadcast_in_dim3A_305 = arith.constant true
        %broadcast_in_dim3A_306 = vector.broadcast %broadcast_in_dim3A_305 : i1 to vector<16xi1>
        %masked_cumsum3A_307 = tpu.scan <sum>, %convert_element_type3A_304 masked %broadcast_in_dim3A_306 : vector<16xi32>, vector<16xi1> -> vector<16xi32>
        %add3A_308 = arith.addi %add3A_293, %masked_cumsum3A_307 : vector<16xi32>
        %sub3A_309 = arith.subi %add3A_308, %convert_element_type3A_304 : vector<16xi32>
        tpu.vector_store_idx %arg7[%sub3A_309], %add3A_303 masked %lt3A_300 : memref<20016xf32, #tpu.memory_space<vmem>>[vector<16xi32>], vector<16xf32>, vector<16xi1>
        %all_reduce_population_count3A_310 = tpu.all_reduce %lt3A_300 {dim = 0 : i64, kind = #tpu.reduction_kind<sum>} : vector<16xi1> -> vector<16xi32>
        %add3A_311 = arith.addi %add3A_293, %all_reduce_population_count3A_310 : vector<16xi32>
        %add3A_312 = arith.constant 48 : i32
        %add3A_313 = arith.addi %multiple_of3A, %add3A_312 : i32
        %get3A_314 = arith.index_cast %add3A_313 : i32 to index
        %get3A_315 = tpu.vector_load %arg11[%get3A_314] {strides = array<i32>} : memref<2000xf32, #tpu.memory_space<vmem>>, vector<16xf32>,
        %lt3A_316 = arith.constant 0.000000e+00 : f32
        %lt3A_317 = vector.broadcast %lt3A_316 : f32 to vector<16xf32>
        %lt3A_318 = arith.cmpf olt, %get3A_315, %lt3A_317 : vector<16xf32>
        %add3A_319 = arith.constant 1.000000e+00 : f32
        %add3A_320 = vector.broadcast %add3A_319 : f32 to vector<16xf32>
        %add3A_321 = arith.addf %get3A_315, %add3A_320 : vector<16xf32>
        %convert_element_type3A_322 = arith.extui %lt3A_318 : vector<16xi1> to vector<16xi32>
        %broadcast_in_dim3A_323 = arith.constant true
        %broadcast_in_dim3A_324 = vector.broadcast %broadcast_in_dim3A_323 : i1 to vector<16xi1>
        %masked_cumsum3A_325 = tpu.scan <sum>, %convert_element_type3A_322 masked %broadcast_in_dim3A_324 : vector<16xi32>, vector<16xi1> -> vector<16xi32>
        %add3A_326 = arith.addi %add3A_311, %masked_cumsum3A_325 : vector<16xi32>
        %sub3A_327 = arith.subi %add3A_326, %convert_element_type3A_322 : vector<16xi32>
        tpu.vector_store_idx %arg7[%sub3A_327], %add3A_321 masked %lt3A_318 : memref<20016xf32, #tpu.memory_space<vmem>>[vector<16xi32>], vector<16xf32>, vector<16xi1>
        %all_reduce_population_count3A_328 = tpu.all_reduce %lt3A_318 {dim = 0 : i64, kind = #tpu.reduction_kind<sum>} : vector<16xi1> -> vector<16xi32>
        %add3A_329 = arith.addi %add3A_311, %all_reduce_population_count3A_328 : vector<16xi32>
        %add3A_330 = arith.constant 64 : i32
        %add3A_331 = arith.addi %multiple_of3A, %add3A_330 : i32
        %get3A_332 = arith.index_cast %add3A_331 : i32 to index
        %get3A_333 = tpu.vector_load %arg11[%get3A_332] {strides = array<i32>} : memref<2000xf32, #tpu.memory_space<vmem>>, vector<16xf32>,
        %lt3A_334 = arith.constant 0.000000e+00 : f32
        %lt3A_335 = vector.broadcast %lt3A_334 : f32 to vector<16xf32>
        %lt3A_336 = arith.cmpf olt, %get3A_333, %lt3A_335 : vector<16xf32>
        %add3A_337 = arith.constant 1.000000e+00 : f32
        %add3A_338 = vector.broadcast %add3A_337 : f32 to vector<16xf32>
        %add3A_339 = arith.addf %get3A_333, %add3A_338 : vector<16xf32>
        %convert_element_type3A_340 = arith.extui %lt3A_336 : vector<16xi1> to vector<16xi32>
        %broadcast_in_dim3A_341 = arith.constant true
        %broadcast_in_dim3A_342 = vector.broadcast %broadcast_in_dim3A_341 : i1 to vector<16xi1>
        %masked_cumsum3A_343 = tpu.scan <sum>, %convert_element_type3A_340 masked %broadcast_in_dim3A_342 : vector<16xi32>, vector<16xi1> -> vector<16xi32>
        %add3A_344 = arith.addi %add3A_329, %masked_cumsum3A_343 : vector<16xi32>
        %sub3A_345 = arith.subi %add3A_344, %convert_element_type3A_340 : vector<16xi32>
        tpu.vector_store_idx %arg7[%sub3A_345], %add3A_339 masked %lt3A_336 : memref<20016xf32, #tpu.memory_space<vmem>>[vector<16xi32>], vector<16xf32>, vector<16xi1>
        %all_reduce_population_count3A_346 = tpu.all_reduce %lt3A_336 {dim = 0 : i64, kind = #tpu.reduction_kind<sum>} : vector<16xi1> -> vector<16xi32>
        %add3A_347 = arith.addi %add3A_329, %all_reduce_population_count3A_346 : vector<16xi32>
        scf.yield %add3A_347 : vector<16xi32>
      }
      %scan3A_26 = arith.constant 25 : i32
      "tpu.region"() ({
        %run_scoped3A = tpu.sem_alloc : memref<!tpu.dma_semaphore, #tpu.memory_space<semaphore_mem>>
        %dma_start3A = arith.constant 4000 : i32
        %dma_start3A_258 = tpu.memref_slice %arg2[%dma_start3A] : memref<20000xf32, #tpu.memory_space<hbm>> -> memref<2000xf32, #tpu.memory_space<hbm>>
        %dma_start3A_259 = arith.constant 4000 : i32
        %dma_start3A_260 = tpu.memref_slice %arg2[%dma_start3A_259] : memref<20000xf32, #tpu.memory_space<hbm>> -> memref<2000xf32, #tpu.memory_space<hbm>>
        tpu.enqueue_dma source(%dma_start3A_260 : memref<2000xf32, #tpu.memory_space<hbm>>) target(%arg11 : memref<2000xf32, #tpu.memory_space<vmem>>) target_semaphore(%run_scoped3A : memref<!tpu.dma_semaphore, #tpu.memory_space<semaphore_mem>>)
        %dma_wait3A = arith.constant 4000 : i32
        %dma_wait3A_261 = tpu.memref_slice %arg2[%dma_wait3A] : memref<20000xf32, #tpu.memory_space<hbm>> -> memref<2000xf32, #tpu.memory_space<hbm>>
        %dma_wait3A_262 = arith.constant 4000 : i32
        %dma_wait3A_263 = tpu.memref_slice %arg2[%dma_wait3A_262] : memref<20000xf32, #tpu.memory_space<hbm>> -> memref<2000xf32, #tpu.memory_space<hbm>>
        tpu.wait_dma2 semaphore(%run_scoped3A : memref<!tpu.dma_semaphore, #tpu.memory_space<semaphore_mem>>) src(%dma_wait3A_263 : memref<2000xf32, #tpu.memory_space<hbm>>) dst(%arg11 : memref<2000xf32, #tpu.memory_space<vmem>>)
        tpu.yield
      }) : () -> ()
      %scan3A_27 = arith.constant 0 : i32
      %scan3A_28 = arith.constant 25 : i32
      %scan3A_29 = arith.addi %scan3A_27, %scan3A_28 : i32
      %scan3A_30 = arith.constant 1 : i32
      %scan3A_31 = scf.for %scan3A_258 = %scan3A_27 to %scan3A_29 step %scan3A_30 iter_args(%scan3A_259 = %scan3A_25) -> (vector<16xi32>)  : i32 {
        %mul3A = arith.constant 80 : i32
        %mul3A_260 = arith.muli %scan3A_258, %mul3A : i32
        %multiple_of3A = tpu.assume_multiple %mul3A_260, 16 : i32
        %add3A_261 = arith.constant 0 : i32
        %add3A_262 = arith.addi %multiple_of3A, %add3A_261 : i32
        %get3A = arith.index_cast %add3A_262 : i32 to index
        %get3A_263 = tpu.vector_load %arg11[%get3A] {strides = array<i32>} : memref<2000xf32, #tpu.memory_space<vmem>>, vector<16xf32>,
        %lt3A = arith.constant 0.000000e+00 : f32
        %lt3A_264 = vector.broadcast %lt3A : f32 to vector<16xf32>
        %lt3A_265 = arith.cmpf olt, %get3A_263, %lt3A_264 : vector<16xf32>
        %add3A_266 = arith.constant 1.000000e+00 : f32
        %add3A_267 = vector.broadcast %add3A_266 : f32 to vector<16xf32>
        %add3A_268 = arith.addf %get3A_263, %add3A_267 : vector<16xf32>
        %convert_element_type3A_269 = arith.extui %lt3A_265 : vector<16xi1> to vector<16xi32>
        %broadcast_in_dim3A_270 = arith.constant true
        %broadcast_in_dim3A_271 = vector.broadcast %broadcast_in_dim3A_270 : i1 to vector<16xi1>
        %masked_cumsum3A_272 = tpu.scan <sum>, %convert_element_type3A_269 masked %broadcast_in_dim3A_271 : vector<16xi32>, vector<16xi1> -> vector<16xi32>
        %add3A_273 = arith.addi %scan3A_259, %masked_cumsum3A_272 : vector<16xi32>
        %sub3A_274 = arith.subi %add3A_273, %convert_element_type3A_269 : vector<16xi32>
        tpu.vector_store_idx %arg7[%sub3A_274], %add3A_268 masked %lt3A_265 : memref<20016xf32, #tpu.memory_space<vmem>>[vector<16xi32>], vector<16xf32>, vector<16xi1>
        %all_reduce_population_count3A = tpu.all_reduce %lt3A_265 {dim = 0 : i64, kind = #tpu.reduction_kind<sum>} : vector<16xi1> -> vector<16xi32>
        %add3A_275 = arith.addi %scan3A_259, %all_reduce_population_count3A : vector<16xi32>
        %add3A_276 = arith.constant 16 : i32
        %add3A_277 = arith.addi %multiple_of3A, %add3A_276 : i32
        %get3A_278 = arith.index_cast %add3A_277 : i32 to index
        %get3A_279 = tpu.vector_load %arg11[%get3A_278] {strides = array<i32>} : memref<2000xf32, #tpu.memory_space<vmem>>, vector<16xf32>,
        %lt3A_280 = arith.constant 0.000000e+00 : f32
        %lt3A_281 = vector.broadcast %lt3A_280 : f32 to vector<16xf32>
        %lt3A_282 = arith.cmpf olt, %get3A_279, %lt3A_281 : vector<16xf32>
        %add3A_283 = arith.constant 1.000000e+00 : f32
        %add3A_284 = vector.broadcast %add3A_283 : f32 to vector<16xf32>
        %add3A_285 = arith.addf %get3A_279, %add3A_284 : vector<16xf32>
        %convert_element_type3A_286 = arith.extui %lt3A_282 : vector<16xi1> to vector<16xi32>
        %broadcast_in_dim3A_287 = arith.constant true
        %broadcast_in_dim3A_288 = vector.broadcast %broadcast_in_dim3A_287 : i1 to vector<16xi1>
        %masked_cumsum3A_289 = tpu.scan <sum>, %convert_element_type3A_286 masked %broadcast_in_dim3A_288 : vector<16xi32>, vector<16xi1> -> vector<16xi32>
        %add3A_290 = arith.addi %add3A_275, %masked_cumsum3A_289 : vector<16xi32>
        %sub3A_291 = arith.subi %add3A_290, %convert_element_type3A_286 : vector<16xi32>
        tpu.vector_store_idx %arg7[%sub3A_291], %add3A_285 masked %lt3A_282 : memref<20016xf32, #tpu.memory_space<vmem>>[vector<16xi32>], vector<16xf32>, vector<16xi1>
        %all_reduce_population_count3A_292 = tpu.all_reduce %lt3A_282 {dim = 0 : i64, kind = #tpu.reduction_kind<sum>} : vector<16xi1> -> vector<16xi32>
        %add3A_293 = arith.addi %add3A_275, %all_reduce_population_count3A_292 : vector<16xi32>
        %add3A_294 = arith.constant 32 : i32
        %add3A_295 = arith.addi %multiple_of3A, %add3A_294 : i32
        %get3A_296 = arith.index_cast %add3A_295 : i32 to index
        %get3A_297 = tpu.vector_load %arg11[%get3A_296] {strides = array<i32>} : memref<2000xf32, #tpu.memory_space<vmem>>, vector<16xf32>,
        %lt3A_298 = arith.constant 0.000000e+00 : f32
        %lt3A_299 = vector.broadcast %lt3A_298 : f32 to vector<16xf32>
        %lt3A_300 = arith.cmpf olt, %get3A_297, %lt3A_299 : vector<16xf32>
        %add3A_301 = arith.constant 1.000000e+00 : f32
        %add3A_302 = vector.broadcast %add3A_301 : f32 to vector<16xf32>
        %add3A_303 = arith.addf %get3A_297, %add3A_302 : vector<16xf32>
        %convert_element_type3A_304 = arith.extui %lt3A_300 : vector<16xi1> to vector<16xi32>
        %broadcast_in_dim3A_305 = arith.constant true
        %broadcast_in_dim3A_306 = vector.broadcast %broadcast_in_dim3A_305 : i1 to vector<16xi1>
        %masked_cumsum3A_307 = tpu.scan <sum>, %convert_element_type3A_304 masked %broadcast_in_dim3A_306 : vector<16xi32>, vector<16xi1> -> vector<16xi32>
        %add3A_308 = arith.addi %add3A_293, %masked_cumsum3A_307 : vector<16xi32>
        %sub3A_309 = arith.subi %add3A_308, %convert_element_type3A_304 : vector<16xi32>
        tpu.vector_store_idx %arg7[%sub3A_309], %add3A_303 masked %lt3A_300 : memref<20016xf32, #tpu.memory_space<vmem>>[vector<16xi32>], vector<16xf32>, vector<16xi1>
        %all_reduce_population_count3A_310 = tpu.all_reduce %lt3A_300 {dim = 0 : i64, kind = #tpu.reduction_kind<sum>} : vector<16xi1> -> vector<16xi32>
        %add3A_311 = arith.addi %add3A_293, %all_reduce_population_count3A_310 : vector<16xi32>
        %add3A_312 = arith.constant 48 : i32
        %add3A_313 = arith.addi %multiple_of3A, %add3A_312 : i32
        %get3A_314 = arith.index_cast %add3A_313 : i32 to index
        %get3A_315 = tpu.vector_load %arg11[%get3A_314] {strides = array<i32>} : memref<2000xf32, #tpu.memory_space<vmem>>, vector<16xf32>,
        %lt3A_316 = arith.constant 0.000000e+00 : f32
        %lt3A_317 = vector.broadcast %lt3A_316 : f32 to vector<16xf32>
        %lt3A_318 = arith.cmpf olt, %get3A_315, %lt3A_317 : vector<16xf32>
        %add3A_319 = arith.constant 1.000000e+00 : f32
        %add3A_320 = vector.broadcast %add3A_319 : f32 to vector<16xf32>
        %add3A_321 = arith.addf %get3A_315, %add3A_320 : vector<16xf32>
        %convert_element_type3A_322 = arith.extui %lt3A_318 : vector<16xi1> to vector<16xi32>
        %broadcast_in_dim3A_323 = arith.constant true
        %broadcast_in_dim3A_324 = vector.broadcast %broadcast_in_dim3A_323 : i1 to vector<16xi1>
        %masked_cumsum3A_325 = tpu.scan <sum>, %convert_element_type3A_322 masked %broadcast_in_dim3A_324 : vector<16xi32>, vector<16xi1> -> vector<16xi32>
        %add3A_326 = arith.addi %add3A_311, %masked_cumsum3A_325 : vector<16xi32>
        %sub3A_327 = arith.subi %add3A_326, %convert_element_type3A_322 : vector<16xi32>
        tpu.vector_store_idx %arg7[%sub3A_327], %add3A_321 masked %lt3A_318 : memref<20016xf32, #tpu.memory_space<vmem>>[vector<16xi32>], vector<16xf32>, vector<16xi1>
        %all_reduce_population_count3A_328 = tpu.all_reduce %lt3A_318 {dim = 0 : i64, kind = #tpu.reduction_kind<sum>} : vector<16xi1> -> vector<16xi32>
        %add3A_329 = arith.addi %add3A_311, %all_reduce_population_count3A_328 : vector<16xi32>
        %add3A_330 = arith.constant 64 : i32
        %add3A_331 = arith.addi %multiple_of3A, %add3A_330 : i32
        %get3A_332 = arith.index_cast %add3A_331 : i32 to index
        %get3A_333 = tpu.vector_load %arg11[%get3A_332] {strides = array<i32>} : memref<2000xf32, #tpu.memory_space<vmem>>, vector<16xf32>,
        %lt3A_334 = arith.constant 0.000000e+00 : f32
        %lt3A_335 = vector.broadcast %lt3A_334 : f32 to vector<16xf32>
        %lt3A_336 = arith.cmpf olt, %get3A_333, %lt3A_335 : vector<16xf32>
        %add3A_337 = arith.constant 1.000000e+00 : f32
        %add3A_338 = vector.broadcast %add3A_337 : f32 to vector<16xf32>
        %add3A_339 = arith.addf %get3A_333, %add3A_338 : vector<16xf32>
        %convert_element_type3A_340 = arith.extui %lt3A_336 : vector<16xi1> to vector<16xi32>
        %broadcast_in_dim3A_341 = arith.constant true
        %broadcast_in_dim3A_342 = vector.broadcast %broadcast_in_dim3A_341 : i1 to vector<16xi1>
        %masked_cumsum3A_343 = tpu.scan <sum>, %convert_element_type3A_340 masked %broadcast_in_dim3A_342 : vector<16xi32>, vector<16xi1> -> vector<16xi32>
        %add3A_344 = arith.addi %add3A_329, %masked_cumsum3A_343 : vector<16xi32>
        %sub3A_345 = arith.subi %add3A_344, %convert_element_type3A_340 : vector<16xi32>
        tpu.vector_store_idx %arg7[%sub3A_345], %add3A_339 masked %lt3A_336 : memref<20016xf32, #tpu.memory_space<vmem>>[vector<16xi32>], vector<16xf32>, vector<16xi1>
        %all_reduce_population_count3A_346 = tpu.all_reduce %lt3A_336 {dim = 0 : i64, kind = #tpu.reduction_kind<sum>} : vector<16xi1> -> vector<16xi32>
        %add3A_347 = arith.addi %add3A_329, %all_reduce_population_count3A_346 : vector<16xi32>
        scf.yield %add3A_347 : vector<16xi32>
      }
      %scan3A_32 = arith.constant 25 : i32
      "tpu.region"() ({
        %run_scoped3A = tpu.sem_alloc : memref<!tpu.dma_semaphore, #tpu.memory_space<semaphore_mem>>
        %dma_start3A = arith.constant 6000 : i32
        %dma_start3A_258 = tpu.memref_slice %arg2[%dma_start3A] : memref<20000xf32, #tpu.memory_space<hbm>> -> memref<2000xf32, #tpu.memory_space<hbm>>
        %dma_start3A_259 = arith.constant 6000 : i32
        %dma_start3A_260 = tpu.memref_slice %arg2[%dma_start3A_259] : memref<20000xf32, #tpu.memory_space<hbm>> -> memref<2000xf32, #tpu.memory_space<hbm>>
        tpu.enqueue_dma source(%dma_start3A_260 : memref<2000xf32, #tpu.memory_space<hbm>>) target(%arg11 : memref<2000xf32, #tpu.memory_space<vmem>>) target_semaphore(%run_scoped3A : memref<!tpu.dma_semaphore, #tpu.memory_space<semaphore_mem>>)
        %dma_wait3A = arith.constant 6000 : i32
        %dma_wait3A_261 = tpu.memref_slice %arg2[%dma_wait3A] : memref<20000xf32, #tpu.memory_space<hbm>> -> memref<2000xf32, #tpu.memory_space<hbm>>
        %dma_wait3A_262 = arith.constant 6000 : i32
        %dma_wait3A_263 = tpu.memref_slice %arg2[%dma_wait3A_262] : memref<20000xf32, #tpu.memory_space<hbm>> -> memref<2000xf32, #tpu.memory_space<hbm>>
        tpu.wait_dma2 semaphore(%run_scoped3A : memref<!tpu.dma_semaphore, #tpu.memory_space<semaphore_mem>>) src(%dma_wait3A_263 : memref<2000xf32, #tpu.memory_space<hbm>>) dst(%arg11 : memref<2000xf32, #tpu.memory_space<vmem>>)
        tpu.yield
      }) : () -> ()
      %scan3A_33 = arith.constant 0 : i32
      %scan3A_34 = arith.constant 25 : i32
      %scan3A_35 = arith.addi %scan3A_33, %scan3A_34 : i32
      %scan3A_36 = arith.constant 1 : i32
      %scan3A_37 = scf.for %scan3A_258 = %scan3A_33 to %scan3A_35 step %scan3A_36 iter_args(%scan3A_259 = %scan3A_31) -> (vector<16xi32>)  : i32 {
        %mul3A = arith.constant 80 : i32
        %mul3A_260 = arith.muli %scan3A_258, %mul3A : i32
        %multiple_of3A = tpu.assume_multiple %mul3A_260, 16 : i32
        %add3A_261 = arith.constant 0 : i32
        %add3A_262 = arith.addi %multiple_of3A, %add3A_261 : i32
        %get3A = arith.index_cast %add3A_262 : i32 to index
        %get3A_263 = tpu.vector_load %arg11[%get3A] {strides = array<i32>} : memref<2000xf32, #tpu.memory_space<vmem>>, vector<16xf32>,
        %lt3A = arith.constant 0.000000e+00 : f32
        %lt3A_264 = vector.broadcast %lt3A : f32 to vector<16xf32>
        %lt3A_265 = arith.cmpf olt, %get3A_263, %lt3A_264 : vector<16xf32>
        %add3A_266 = arith.constant 1.000000e+00 : f32
        %add3A_267 = vector.broadcast %add3A_266 : f32 to vector<16xf32>
        %add3A_268 = arith.addf %get3A_263, %add3A_267 : vector<16xf32>
        %convert_element_type3A_269 = arith.extui %lt3A_265 : vector<16xi1> to vector<16xi32>
        %broadcast_in_dim3A_270 = arith.constant true
        %broadcast_in_dim3A_271 = vector.broadcast %broadcast_in_dim3A_270 : i1 to vector<16xi1>
        %masked_cumsum3A_272 = tpu.scan <sum>, %convert_element_type3A_269 masked %broadcast_in_dim3A_271 : vector<16xi32>, vector<16xi1> -> vector<16xi32>
        %add3A_273 = arith.addi %scan3A_259, %masked_cumsum3A_272 : vector<16xi32>
        %sub3A_274 = arith.subi %add3A_273, %convert_element_type3A_269 : vector<16xi32>
        tpu.vector_store_idx %arg7[%sub3A_274], %add3A_268 masked %lt3A_265 : memref<20016xf32, #tpu.memory_space<vmem>>[vector<16xi32>], vector<16xf32>, vector<16xi1>
        %all_reduce_population_count3A = tpu.all_reduce %lt3A_265 {dim = 0 : i64, kind = #tpu.reduction_kind<sum>} : vector<16xi1> -> vector<16xi32>
        %add3A_275 = arith.addi %scan3A_259, %all_reduce_population_count3A : vector<16xi32>
        %add3A_276 = arith.constant 16 : i32
        %add3A_277 = arith.addi %multiple_of3A, %add3A_276 : i32
        %get3A_278 = arith.index_cast %add3A_277 : i32 to index
        %get3A_279 = tpu.vector_load %arg11[%get3A_278] {strides = array<i32>} : memref<2000xf32, #tpu.memory_space<vmem>>, vector<16xf32>,
        %lt3A_280 = arith.constant 0.000000e+00 : f32
        %lt3A_281 = vector.broadcast %lt3A_280 : f32 to vector<16xf32>
        %lt3A_282 = arith.cmpf olt, %get3A_279, %lt3A_281 : vector<16xf32>
        %add3A_283 = arith.constant 1.000000e+00 : f32
        %add3A_284 = vector.broadcast %add3A_283 : f32 to vector<16xf32>
        %add3A_285 = arith.addf %get3A_279, %add3A_284 : vector<16xf32>
        %convert_element_type3A_286 = arith.extui %lt3A_282 : vector<16xi1> to vector<16xi32>
        %broadcast_in_dim3A_287 = arith.constant true
        %broadcast_in_dim3A_288 = vector.broadcast %broadcast_in_dim3A_287 : i1 to vector<16xi1>
        %masked_cumsum3A_289 = tpu.scan <sum>, %convert_element_type3A_286 masked %broadcast_in_dim3A_288 : vector<16xi32>, vector<16xi1> -> vector<16xi32>
        %add3A_290 = arith.addi %add3A_275, %masked_cumsum3A_289 : vector<16xi32>
        %sub3A_291 = arith.subi %add3A_290, %convert_element_type3A_286 : vector<16xi32>
        tpu.vector_store_idx %arg7[%sub3A_291], %add3A_285 masked %lt3A_282 : memref<20016xf32, #tpu.memory_space<vmem>>[vector<16xi32>], vector<16xf32>, vector<16xi1>
        %all_reduce_population_count3A_292 = tpu.all_reduce %lt3A_282 {dim = 0 : i64, kind = #tpu.reduction_kind<sum>} : vector<16xi1> -> vector<16xi32>
        %add3A_293 = arith.addi %add3A_275, %all_reduce_population_count3A_292 : vector<16xi32>
        %add3A_294 = arith.constant 32 : i32
        %add3A_295 = arith.addi %multiple_of3A, %add3A_294 : i32
        %get3A_296 = arith.index_cast %add3A_295 : i32 to index
        %get3A_297 = tpu.vector_load %arg11[%get3A_296] {strides = array<i32>} : memref<2000xf32, #tpu.memory_space<vmem>>, vector<16xf32>,
        %lt3A_298 = arith.constant 0.000000e+00 : f32
        %lt3A_299 = vector.broadcast %lt3A_298 : f32 to vector<16xf32>
        %lt3A_300 = arith.cmpf olt, %get3A_297, %lt3A_299 : vector<16xf32>
        %add3A_301 = arith.constant 1.000000e+00 : f32
        %add3A_302 = vector.broadcast %add3A_301 : f32 to vector<16xf32>
        %add3A_303 = arith.addf %get3A_297, %add3A_302 : vector<16xf32>
        %convert_element_type3A_304 = arith.extui %lt3A_300 : vector<16xi1> to vector<16xi32>
        %broadcast_in_dim3A_305 = arith.constant true
        %broadcast_in_dim3A_306 = vector.broadcast %broadcast_in_dim3A_305 : i1 to vector<16xi1>
        %masked_cumsum3A_307 = tpu.scan <sum>, %convert_element_type3A_304 masked %broadcast_in_dim3A_306 : vector<16xi32>, vector<16xi1> -> vector<16xi32>
        %add3A_308 = arith.addi %add3A_293, %masked_cumsum3A_307 : vector<16xi32>
        %sub3A_309 = arith.subi %add3A_308, %convert_element_type3A_304 : vector<16xi32>
        tpu.vector_store_idx %arg7[%sub3A_309], %add3A_303 masked %lt3A_300 : memref<20016xf32, #tpu.memory_space<vmem>>[vector<16xi32>], vector<16xf32>, vector<16xi1>
        %all_reduce_population_count3A_310 = tpu.all_reduce %lt3A_300 {dim = 0 : i64, kind = #tpu.reduction_kind<sum>} : vector<16xi1> -> vector<16xi32>
        %add3A_311 = arith.addi %add3A_293, %all_reduce_population_count3A_310 : vector<16xi32>
        %add3A_312 = arith.constant 48 : i32
        %add3A_313 = arith.addi %multiple_of3A, %add3A_312 : i32
        %get3A_314 = arith.index_cast %add3A_313 : i32 to index
        %get3A_315 = tpu.vector_load %arg11[%get3A_314] {strides = array<i32>} : memref<2000xf32, #tpu.memory_space<vmem>>, vector<16xf32>,
        %lt3A_316 = arith.constant 0.000000e+00 : f32
        %lt3A_317 = vector.broadcast %lt3A_316 : f32 to vector<16xf32>
        %lt3A_318 = arith.cmpf olt, %get3A_315, %lt3A_317 : vector<16xf32>
        %add3A_319 = arith.constant 1.000000e+00 : f32
        %add3A_320 = vector.broadcast %add3A_319 : f32 to vector<16xf32>
        %add3A_321 = arith.addf %get3A_315, %add3A_320 : vector<16xf32>
        %convert_element_type3A_322 = arith.extui %lt3A_318 : vector<16xi1> to vector<16xi32>
        %broadcast_in_dim3A_323 = arith.constant true
        %broadcast_in_dim3A_324 = vector.broadcast %broadcast_in_dim3A_323 : i1 to vector<16xi1>
        %masked_cumsum3A_325 = tpu.scan <sum>, %convert_element_type3A_322 masked %broadcast_in_dim3A_324 : vector<16xi32>, vector<16xi1> -> vector<16xi32>
        %add3A_326 = arith.addi %add3A_311, %masked_cumsum3A_325 : vector<16xi32>
        %sub3A_327 = arith.subi %add3A_326, %convert_element_type3A_322 : vector<16xi32>
        tpu.vector_store_idx %arg7[%sub3A_327], %add3A_321 masked %lt3A_318 : memref<20016xf32, #tpu.memory_space<vmem>>[vector<16xi32>], vector<16xf32>, vector<16xi1>
        %all_reduce_population_count3A_328 = tpu.all_reduce %lt3A_318 {dim = 0 : i64, kind = #tpu.reduction_kind<sum>} : vector<16xi1> -> vector<16xi32>
        %add3A_329 = arith.addi %add3A_311, %all_reduce_population_count3A_328 : vector<16xi32>
        %add3A_330 = arith.constant 64 : i32
        %add3A_331 = arith.addi %multiple_of3A, %add3A_330 : i32
        %get3A_332 = arith.index_cast %add3A_331 : i32 to index
        %get3A_333 = tpu.vector_load %arg11[%get3A_332] {strides = array<i32>} : memref<2000xf32, #tpu.memory_space<vmem>>, vector<16xf32>,
        %lt3A_334 = arith.constant 0.000000e+00 : f32
        %lt3A_335 = vector.broadcast %lt3A_334 : f32 to vector<16xf32>
        %lt3A_336 = arith.cmpf olt, %get3A_333, %lt3A_335 : vector<16xf32>
        %add3A_337 = arith.constant 1.000000e+00 : f32
        %add3A_338 = vector.broadcast %add3A_337 : f32 to vector<16xf32>
        %add3A_339 = arith.addf %get3A_333, %add3A_338 : vector<16xf32>
        %convert_element_type3A_340 = arith.extui %lt3A_336 : vector<16xi1> to vector<16xi32>
        %broadcast_in_dim3A_341 = arith.constant true
        %broadcast_in_dim3A_342 = vector.broadcast %broadcast_in_dim3A_341 : i1 to vector<16xi1>
        %masked_cumsum3A_343 = tpu.scan <sum>, %convert_element_type3A_340 masked %broadcast_in_dim3A_342 : vector<16xi32>, vector<16xi1> -> vector<16xi32>
        %add3A_344 = arith.addi %add3A_329, %masked_cumsum3A_343 : vector<16xi32>
        %sub3A_345 = arith.subi %add3A_344, %convert_element_type3A_340 : vector<16xi32>
        tpu.vector_store_idx %arg7[%sub3A_345], %add3A_339 masked %lt3A_336 : memref<20016xf32, #tpu.memory_space<vmem>>[vector<16xi32>], vector<16xf32>, vector<16xi1>
        %all_reduce_population_count3A_346 = tpu.all_reduce %lt3A_336 {dim = 0 : i64, kind = #tpu.reduction_kind<sum>} : vector<16xi1> -> vector<16xi32>
        %add3A_347 = arith.addi %add3A_329, %all_reduce_population_count3A_346 : vector<16xi32>
        scf.yield %add3A_347 : vector<16xi32>
      }
      %scan3A_38 = arith.constant 25 : i32
      "tpu.region"() ({
        %run_scoped3A = tpu.sem_alloc : memref<!tpu.dma_semaphore, #tpu.memory_space<semaphore_mem>>
        %dma_start3A = arith.constant 8000 : i32
        %dma_start3A_258 = tpu.memref_slice %arg2[%dma_start3A] : memref<20000xf32, #tpu.memory_space<hbm>> -> memref<2000xf32, #tpu.memory_space<hbm>>
        %dma_start3A_259 = arith.constant 8000 : i32
        %dma_start3A_260 = tpu.memref_slice %arg2[%dma_start3A_259] : memref<20000xf32, #tpu.memory_space<hbm>> -> memref<2000xf32, #tpu.memory_space<hbm>>
        tpu.enqueue_dma source(%dma_start3A_260 : memref<2000xf32, #tpu.memory_space<hbm>>) target(%arg11 : memref<2000xf32, #tpu.memory_space<vmem>>) target_semaphore(%run_scoped3A : memref<!tpu.dma_semaphore, #tpu.memory_space<semaphore_mem>>)
        %dma_wait3A = arith.constant 8000 : i32
        %dma_wait3A_261 = tpu.memref_slice %arg2[%dma_wait3A] : memref<20000xf32, #tpu.memory_space<hbm>> -> memref<2000xf32, #tpu.memory_space<hbm>>
        %dma_wait3A_262 = arith.constant 8000 : i32
        %dma_wait3A_263 = tpu.memref_slice %arg2[%dma_wait3A_262] : memref<20000xf32, #tpu.memory_space<hbm>> -> memref<2000xf32, #tpu.memory_space<hbm>>
        tpu.wait_dma2 semaphore(%run_scoped3A : memref<!tpu.dma_semaphore, #tpu.memory_space<semaphore_mem>>) src(%dma_wait3A_263 : memref<2000xf32, #tpu.memory_space<hbm>>) dst(%arg11 : memref<2000xf32, #tpu.memory_space<vmem>>)
        tpu.yield
      }) : () -> ()
      %scan3A_39 = arith.constant 0 : i32
      %scan3A_40 = arith.constant 25 : i32
      %scan3A_41 = arith.addi %scan3A_39, %scan3A_40 : i32
      %scan3A_42 = arith.constant 1 : i32
      %scan3A_43 = scf.for %scan3A_258 = %scan3A_39 to %scan3A_41 step %scan3A_42 iter_args(%scan3A_259 = %scan3A_37) -> (vector<16xi32>)  : i32 {
        %mul3A = arith.constant 80 : i32
        %mul3A_260 = arith.muli %scan3A_258, %mul3A : i32
        %multiple_of3A = tpu.assume_multiple %mul3A_260, 16 : i32
        %add3A_261 = arith.constant 0 : i32
        %add3A_262 = arith.addi %multiple_of3A, %add3A_261 : i32
        %get3A = arith.index_cast %add3A_262 : i32 to index
        %get3A_263 = tpu.vector_load %arg11[%get3A] {strides = array<i32>} : memref<2000xf32, #tpu.memory_space<vmem>>, vector<16xf32>,
        %lt3A = arith.constant 0.000000e+00 : f32
        %lt3A_264 = vector.broadcast %lt3A : f32 to vector<16xf32>
        %lt3A_265 = arith.cmpf olt, %get3A_263, %lt3A_264 : vector<16xf32>
        %add3A_266 = arith.constant 1.000000e+00 : f32
        %add3A_267 = vector.broadcast %add3A_266 : f32 to vector<16xf32>
        %add3A_268 = arith.addf %get3A_263, %add3A_267 : vector<16xf32>
        %convert_element_type3A_269 = arith.extui %lt3A_265 : vector<16xi1> to vector<16xi32>
        %broadcast_in_dim3A_270 = arith.constant true
        %broadcast_in_dim3A_271 = vector.broadcast %broadcast_in_dim3A_270 : i1 to vector<16xi1>
        %masked_cumsum3A_272 = tpu.scan <sum>, %convert_element_type3A_269 masked %broadcast_in_dim3A_271 : vector<16xi32>, vector<16xi1> -> vector<16xi32>
        %add3A_273 = arith.addi %scan3A_259, %masked_cumsum3A_272 : vector<16xi32>
        %sub3A_274 = arith.subi %add3A_273, %convert_element_type3A_269 : vector<16xi32>
        tpu.vector_store_idx %arg7[%sub3A_274], %add3A_268 masked %lt3A_265 : memref<20016xf32, #tpu.memory_space<vmem>>[vector<16xi32>], vector<16xf32>, vector<16xi1>
        %all_reduce_population_count3A = tpu.all_reduce %lt3A_265 {dim = 0 : i64, kind = #tpu.reduction_kind<sum>} : vector<16xi1> -> vector<16xi32>
        %add3A_275 = arith.addi %scan3A_259, %all_reduce_population_count3A : vector<16xi32>
        %add3A_276 = arith.constant 16 : i32
        %add3A_277 = arith.addi %multiple_of3A, %add3A_276 : i32
        %get3A_278 = arith.index_cast %add3A_277 : i32 to index
        %get3A_279 = tpu.vector_load %arg11[%get3A_278] {strides = array<i32>} : memref<2000xf32, #tpu.memory_space<vmem>>, vector<16xf32>,
        %lt3A_280 = arith.constant 0.000000e+00 : f32
        %lt3A_281 = vector.broadcast %lt3A_280 : f32 to vector<16xf32>
        %lt3A_282 = arith.cmpf olt, %get3A_279, %lt3A_281 : vector<16xf32>
        %add3A_283 = arith.constant 1.000000e+00 : f32
        %add3A_284 = vector.broadcast %add3A_283 : f32 to vector<16xf32>
        %add3A_285 = arith.addf %get3A_279, %add3A_284 : vector<16xf32>
        %convert_element_type3A_286 = arith.extui %lt3A_282 : vector<16xi1> to vector<16xi32>
        %broadcast_in_dim3A_287 = arith.constant true
        %broadcast_in_dim3A_288 = vector.broadcast %broadcast_in_dim3A_287 : i1 to vector<16xi1>
        %masked_cumsum3A_289 = tpu.scan <sum>, %convert_element_type3A_286 masked %broadcast_in_dim3A_288 : vector<16xi32>, vector<16xi1> -> vector<16xi32>
        %add3A_290 = arith.addi %add3A_275, %masked_cumsum3A_289 : vector<16xi32>
        %sub3A_291 = arith.subi %add3A_290, %convert_element_type3A_286 : vector<16xi32>
        tpu.vector_store_idx %arg7[%sub3A_291], %add3A_285 masked %lt3A_282 : memref<20016xf32, #tpu.memory_space<vmem>>[vector<16xi32>], vector<16xf32>, vector<16xi1>
        %all_reduce_population_count3A_292 = tpu.all_reduce %lt3A_282 {dim = 0 : i64, kind = #tpu.reduction_kind<sum>} : vector<16xi1> -> vector<16xi32>
        %add3A_293 = arith.addi %add3A_275, %all_reduce_population_count3A_292 : vector<16xi32>
        %add3A_294 = arith.constant 32 : i32
        %add3A_295 = arith.addi %multiple_of3A, %add3A_294 : i32
        %get3A_296 = arith.index_cast %add3A_295 : i32 to index
        %get3A_297 = tpu.vector_load %arg11[%get3A_296] {strides = array<i32>} : memref<2000xf32, #tpu.memory_space<vmem>>, vector<16xf32>,
        %lt3A_298 = arith.constant 0.000000e+00 : f32
        %lt3A_299 = vector.broadcast %lt3A_298 : f32 to vector<16xf32>
        %lt3A_300 = arith.cmpf olt, %get3A_297, %lt3A_299 : vector<16xf32>
        %add3A_301 = arith.constant 1.000000e+00 : f32
        %add3A_302 = vector.broadcast %add3A_301 : f32 to vector<16xf32>
        %add3A_303 = arith.addf %get3A_297, %add3A_302 : vector<16xf32>
        %convert_element_type3A_304 = arith.extui %lt3A_300 : vector<16xi1> to vector<16xi32>
        %broadcast_in_dim3A_305 = arith.constant true
        %broadcast_in_dim3A_306 = vector.broadcast %broadcast_in_dim3A_305 : i1 to vector<16xi1>
        %masked_cumsum3A_307 = tpu.scan <sum>, %convert_element_type3A_304 masked %broadcast_in_dim3A_306 : vector<16xi32>, vector<16xi1> -> vector<16xi32>
        %add3A_308 = arith.addi %add3A_293, %masked_cumsum3A_307 : vector<16xi32>
        %sub3A_309 = arith.subi %add3A_308, %convert_element_type3A_304 : vector<16xi32>
        tpu.vector_store_idx %arg7[%sub3A_309], %add3A_303 masked %lt3A_300 : memref<20016xf32, #tpu.memory_space<vmem>>[vector<16xi32>], vector<16xf32>, vector<16xi1>
        %all_reduce_population_count3A_310 = tpu.all_reduce %lt3A_300 {dim = 0 : i64, kind = #tpu.reduction_kind<sum>} : vector<16xi1> -> vector<16xi32>
        %add3A_311 = arith.addi %add3A_293, %all_reduce_population_count3A_310 : vector<16xi32>
        %add3A_312 = arith.constant 48 : i32
        %add3A_313 = arith.addi %multiple_of3A, %add3A_312 : i32
        %get3A_314 = arith.index_cast %add3A_313 : i32 to index
        %get3A_315 = tpu.vector_load %arg11[%get3A_314] {strides = array<i32>} : memref<2000xf32, #tpu.memory_space<vmem>>, vector<16xf32>,
        %lt3A_316 = arith.constant 0.000000e+00 : f32
        %lt3A_317 = vector.broadcast %lt3A_316 : f32 to vector<16xf32>
        %lt3A_318 = arith.cmpf olt, %get3A_315, %lt3A_317 : vector<16xf32>
        %add3A_319 = arith.constant 1.000000e+00 : f32
        %add3A_320 = vector.broadcast %add3A_319 : f32 to vector<16xf32>
        %add3A_321 = arith.addf %get3A_315, %add3A_320 : vector<16xf32>
        %convert_element_type3A_322 = arith.extui %lt3A_318 : vector<16xi1> to vector<16xi32>
        %broadcast_in_dim3A_323 = arith.constant true
        %broadcast_in_dim3A_324 = vector.broadcast %broadcast_in_dim3A_323 : i1 to vector<16xi1>
        %masked_cumsum3A_325 = tpu.scan <sum>, %convert_element_type3A_322 masked %broadcast_in_dim3A_324 : vector<16xi32>, vector<16xi1> -> vector<16xi32>
        %add3A_326 = arith.addi %add3A_311, %masked_cumsum3A_325 : vector<16xi32>
        %sub3A_327 = arith.subi %add3A_326, %convert_element_type3A_322 : vector<16xi32>
        tpu.vector_store_idx %arg7[%sub3A_327], %add3A_321 masked %lt3A_318 : memref<20016xf32, #tpu.memory_space<vmem>>[vector<16xi32>], vector<16xf32>, vector<16xi1>
        %all_reduce_population_count3A_328 = tpu.all_reduce %lt3A_318 {dim = 0 : i64, kind = #tpu.reduction_kind<sum>} : vector<16xi1> -> vector<16xi32>
        %add3A_329 = arith.addi %add3A_311, %all_reduce_population_count3A_328 : vector<16xi32>
        %add3A_330 = arith.constant 64 : i32
        %add3A_331 = arith.addi %multiple_of3A, %add3A_330 : i32
        %get3A_332 = arith.index_cast %add3A_331 : i32 to index
        %get3A_333 = tpu.vector_load %arg11[%get3A_332] {strides = array<i32>} : memref<2000xf32, #tpu.memory_space<vmem>>, vector<16xf32>,
        %lt3A_334 = arith.constant 0.000000e+00 : f32
        %lt3A_335 = vector.broadcast %lt3A_334 : f32 to vector<16xf32>
        %lt3A_336 = arith.cmpf olt, %get3A_333, %lt3A_335 : vector<16xf32>
        %add3A_337 = arith.constant 1.000000e+00 : f32
        %add3A_338 = vector.broadcast %add3A_337 : f32 to vector<16xf32>
        %add3A_339 = arith.addf %get3A_333, %add3A_338 : vector<16xf32>
        %convert_element_type3A_340 = arith.extui %lt3A_336 : vector<16xi1> to vector<16xi32>
        %broadcast_in_dim3A_341 = arith.constant true
        %broadcast_in_dim3A_342 = vector.broadcast %broadcast_in_dim3A_341 : i1 to vector<16xi1>
        %masked_cumsum3A_343 = tpu.scan <sum>, %convert_element_type3A_340 masked %broadcast_in_dim3A_342 : vector<16xi32>, vector<16xi1> -> vector<16xi32>
        %add3A_344 = arith.addi %add3A_329, %masked_cumsum3A_343 : vector<16xi32>
        %sub3A_345 = arith.subi %add3A_344, %convert_element_type3A_340 : vector<16xi32>
        tpu.vector_store_idx %arg7[%sub3A_345], %add3A_339 masked %lt3A_336 : memref<20016xf32, #tpu.memory_space<vmem>>[vector<16xi32>], vector<16xf32>, vector<16xi1>
        %all_reduce_population_count3A_346 = tpu.all_reduce %lt3A_336 {dim = 0 : i64, kind = #tpu.reduction_kind<sum>} : vector<16xi1> -> vector<16xi32>
        %add3A_347 = arith.addi %add3A_329, %all_reduce_population_count3A_346 : vector<16xi32>
        scf.yield %add3A_347 : vector<16xi32>
      }
      %scan3A_44 = arith.constant 25 : i32
      "tpu.region"() ({
        %run_scoped3A = tpu.sem_alloc : memref<!tpu.dma_semaphore, #tpu.memory_space<semaphore_mem>>
        %dma_start3A = arith.constant 10000 : i32
        %dma_start3A_258 = tpu.memref_slice %arg2[%dma_start3A] : memref<20000xf32, #tpu.memory_space<hbm>> -> memref<2000xf32, #tpu.memory_space<hbm>>
        %dma_start3A_259 = arith.constant 10000 : i32
        %dma_start3A_260 = tpu.memref_slice %arg2[%dma_start3A_259] : memref<20000xf32, #tpu.memory_space<hbm>> -> memref<2000xf32, #tpu.memory_space<hbm>>
        tpu.enqueue_dma source(%dma_start3A_260 : memref<2000xf32, #tpu.memory_space<hbm>>) target(%arg11 : memref<2000xf32, #tpu.memory_space<vmem>>) target_semaphore(%run_scoped3A : memref<!tpu.dma_semaphore, #tpu.memory_space<semaphore_mem>>)
        %dma_wait3A = arith.constant 10000 : i32
        %dma_wait3A_261 = tpu.memref_slice %arg2[%dma_wait3A] : memref<20000xf32, #tpu.memory_space<hbm>> -> memref<2000xf32, #tpu.memory_space<hbm>>
        %dma_wait3A_262 = arith.constant 10000 : i32
        %dma_wait3A_263 = tpu.memref_slice %arg2[%dma_wait3A_262] : memref<20000xf32, #tpu.memory_space<hbm>> -> memref<2000xf32, #tpu.memory_space<hbm>>
        tpu.wait_dma2 semaphore(%run_scoped3A : memref<!tpu.dma_semaphore, #tpu.memory_space<semaphore_mem>>) src(%dma_wait3A_263 : memref<2000xf32, #tpu.memory_space<hbm>>) dst(%arg11 : memref<2000xf32, #tpu.memory_space<vmem>>)
        tpu.yield
      }) : () -> ()
      %scan3A_45 = arith.constant 0 : i32
      %scan3A_46 = arith.constant 25 : i32
      %scan3A_47 = arith.addi %scan3A_45, %scan3A_46 : i32
      %scan3A_48 = arith.constant 1 : i32
      %scan3A_49 = scf.for %scan3A_258 = %scan3A_45 to %scan3A_47 step %scan3A_48 iter_args(%scan3A_259 = %scan3A_43) -> (vector<16xi32>)  : i32 {
        %mul3A = arith.constant 80 : i32
        %mul3A_260 = arith.muli %scan3A_258, %mul3A : i32
        %multiple_of3A = tpu.assume_multiple %mul3A_260, 16 : i32
        %add3A_261 = arith.constant 0 : i32
        %add3A_262 = arith.addi %multiple_of3A, %add3A_261 : i32
        %get3A = arith.index_cast %add3A_262 : i32 to index
        %get3A_263 = tpu.vector_load %arg11[%get3A] {strides = array<i32>} : memref<2000xf32, #tpu.memory_space<vmem>>, vector<16xf32>,
        %lt3A = arith.constant 0.000000e+00 : f32
        %lt3A_264 = vector.broadcast %lt3A : f32 to vector<16xf32>
        %lt3A_265 = arith.cmpf olt, %get3A_263, %lt3A_264 : vector<16xf32>
        %add3A_266 = arith.constant 1.000000e+00 : f32
        %add3A_267 = vector.broadcast %add3A_266 : f32 to vector<16xf32>
        %add3A_268 = arith.addf %get3A_263, %add3A_267 : vector<16xf32>
        %convert_element_type3A_269 = arith.extui %lt3A_265 : vector<16xi1> to vector<16xi32>
        %broadcast_in_dim3A_270 = arith.constant true
        %broadcast_in_dim3A_271 = vector.broadcast %broadcast_in_dim3A_270 : i1 to vector<16xi1>
        %masked_cumsum3A_272 = tpu.scan <sum>, %convert_element_type3A_269 masked %broadcast_in_dim3A_271 : vector<16xi32>, vector<16xi1> -> vector<16xi32>
        %add3A_273 = arith.addi %scan3A_259, %masked_cumsum3A_272 : vector<16xi32>
        %sub3A_274 = arith.subi %add3A_273, %convert_element_type3A_269 : vector<16xi32>
        tpu.vector_store_idx %arg7[%sub3A_274], %add3A_268 masked %lt3A_265 : memref<20016xf32, #tpu.memory_space<vmem>>[vector<16xi32>], vector<16xf32>, vector<16xi1>
        %all_reduce_population_count3A = tpu.all_reduce %lt3A_265 {dim = 0 : i64, kind = #tpu.reduction_kind<sum>} : vector<16xi1> -> vector<16xi32>
        %add3A_275 = arith.addi %scan3A_259, %all_reduce_population_count3A : vector<16xi32>
        %add3A_276 = arith.constant 16 : i32
        %add3A_277 = arith.addi %multiple_of3A, %add3A_276 : i32
        %get3A_278 = arith.index_cast %add3A_277 : i32 to index
        %get3A_279 = tpu.vector_load %arg11[%get3A_278] {strides = array<i32>} : memref<2000xf32, #tpu.memory_space<vmem>>, vector<16xf32>,
        %lt3A_280 = arith.constant 0.000000e+00 : f32
        %lt3A_281 = vector.broadcast %lt3A_280 : f32 to vector<16xf32>
        %lt3A_282 = arith.cmpf olt, %get3A_279, %lt3A_281 : vector<16xf32>
        %add3A_283 = arith.constant 1.000000e+00 : f32
        %add3A_284 = vector.broadcast %add3A_283 : f32 to vector<16xf32>
        %add3A_285 = arith.addf %get3A_279, %add3A_284 : vector<16xf32>
        %convert_element_type3A_286 = arith.extui %lt3A_282 : vector<16xi1> to vector<16xi32>
        %broadcast_in_dim3A_287 = arith.constant true
        %broadcast_in_dim3A_288 = vector.broadcast %broadcast_in_dim3A_287 : i1 to vector<16xi1>
        %masked_cumsum3A_289 = tpu.scan <sum>, %convert_element_type3A_286 masked %broadcast_in_dim3A_288 : vector<16xi32>, vector<16xi1> -> vector<16xi32>
        %add3A_290 = arith.addi %add3A_275, %masked_cumsum3A_289 : vector<16xi32>
        %sub3A_291 = arith.subi %add3A_290, %convert_element_type3A_286 : vector<16xi32>
        tpu.vector_store_idx %arg7[%sub3A_291], %add3A_285 masked %lt3A_282 : memref<20016xf32, #tpu.memory_space<vmem>>[vector<16xi32>], vector<16xf32>, vector<16xi1>
        %all_reduce_population_count3A_292 = tpu.all_reduce %lt3A_282 {dim = 0 : i64, kind = #tpu.reduction_kind<sum>} : vector<16xi1> -> vector<16xi32>
        %add3A_293 = arith.addi %add3A_275, %all_reduce_population_count3A_292 : vector<16xi32>
        %add3A_294 = arith.constant 32 : i32
        %add3A_295 = arith.addi %multiple_of3A, %add3A_294 : i32
        %get3A_296 = arith.index_cast %add3A_295 : i32 to index
        %get3A_297 = tpu.vector_load %arg11[%get3A_296] {strides = array<i32>} : memref<2000xf32, #tpu.memory_space<vmem>>, vector<16xf32>,
        %lt3A_298 = arith.constant 0.000000e+00 : f32
        %lt3A_299 = vector.broadcast %lt3A_298 : f32 to vector<16xf32>
        %lt3A_300 = arith.cmpf olt, %get3A_297, %lt3A_299 : vector<16xf32>
        %add3A_301 = arith.constant 1.000000e+00 : f32
        %add3A_302 = vector.broadcast %add3A_301 : f32 to vector<16xf32>
        %add3A_303 = arith.addf %get3A_297, %add3A_302 : vector<16xf32>
        %convert_element_type3A_304 = arith.extui %lt3A_300 : vector<16xi1> to vector<16xi32>
        %broadcast_in_dim3A_305 = arith.constant true
        %broadcast_in_dim3A_306 = vector.broadcast %broadcast_in_dim3A_305 : i1 to vector<16xi1>
        %masked_cumsum3A_307 = tpu.scan <sum>, %convert_element_type3A_304 masked %broadcast_in_dim3A_306 : vector<16xi32>, vector<16xi1> -> vector<16xi32>
        %add3A_308 = arith.addi %add3A_293, %masked_cumsum3A_307 : vector<16xi32>
        %sub3A_309 = arith.subi %add3A_308, %convert_element_type3A_304 : vector<16xi32>
        tpu.vector_store_idx %arg7[%sub3A_309], %add3A_303 masked %lt3A_300 : memref<20016xf32, #tpu.memory_space<vmem>>[vector<16xi32>], vector<16xf32>, vector<16xi1>
        %all_reduce_population_count3A_310 = tpu.all_reduce %lt3A_300 {dim = 0 : i64, kind = #tpu.reduction_kind<sum>} : vector<16xi1> -> vector<16xi32>
        %add3A_311 = arith.addi %add3A_293, %all_reduce_population_count3A_310 : vector<16xi32>
        %add3A_312 = arith.constant 48 : i32
        %add3A_313 = arith.addi %multiple_of3A, %add3A_312 : i32
        %get3A_314 = arith.index_cast %add3A_313 : i32 to index
        %get3A_315 = tpu.vector_load %arg11[%get3A_314] {strides = array<i32>} : memref<2000xf32, #tpu.memory_space<vmem>>, vector<16xf32>,
        %lt3A_316 = arith.constant 0.000000e+00 : f32
        %lt3A_317 = vector.broadcast %lt3A_316 : f32 to vector<16xf32>
        %lt3A_318 = arith.cmpf olt, %get3A_315, %lt3A_317 : vector<16xf32>
        %add3A_319 = arith.constant 1.000000e+00 : f32
        %add3A_320 = vector.broadcast %add3A_319 : f32 to vector<16xf32>
        %add3A_321 = arith.addf %get3A_315, %add3A_320 : vector<16xf32>
        %convert_element_type3A_322 = arith.extui %lt3A_318 : vector<16xi1> to vector<16xi32>
        %broadcast_in_dim3A_323 = arith.constant true
        %broadcast_in_dim3A_324 = vector.broadcast %broadcast_in_dim3A_323 : i1 to vector<16xi1>
        %masked_cumsum3A_325 = tpu.scan <sum>, %convert_element_type3A_322 masked %broadcast_in_dim3A_324 : vector<16xi32>, vector<16xi1> -> vector<16xi32>
        %add3A_326 = arith.addi %add3A_311, %masked_cumsum3A_325 : vector<16xi32>
        %sub3A_327 = arith.subi %add3A_326, %convert_element_type3A_322 : vector<16xi32>
        tpu.vector_store_idx %arg7[%sub3A_327], %add3A_321 masked %lt3A_318 : memref<20016xf32, #tpu.memory_space<vmem>>[vector<16xi32>], vector<16xf32>, vector<16xi1>
        %all_reduce_population_count3A_328 = tpu.all_reduce %lt3A_318 {dim = 0 : i64, kind = #tpu.reduction_kind<sum>} : vector<16xi1> -> vector<16xi32>
        %add3A_329 = arith.addi %add3A_311, %all_reduce_population_count3A_328 : vector<16xi32>
        %add3A_330 = arith.constant 64 : i32
        %add3A_331 = arith.addi %multiple_of3A, %add3A_330 : i32
        %get3A_332 = arith.index_cast %add3A_331 : i32 to index
        %get3A_333 = tpu.vector_load %arg11[%get3A_332] {strides = array<i32>} : memref<2000xf32, #tpu.memory_space<vmem>>, vector<16xf32>,
        %lt3A_334 = arith.constant 0.000000e+00 : f32
        %lt3A_335 = vector.broadcast %lt3A_334 : f32 to vector<16xf32>
        %lt3A_336 = arith.cmpf olt, %get3A_333, %lt3A_335 : vector<16xf32>
        %add3A_337 = arith.constant 1.000000e+00 : f32
        %add3A_338 = vector.broadcast %add3A_337 : f32 to vector<16xf32>
        %add3A_339 = arith.addf %get3A_333, %add3A_338 : vector<16xf32>
        %convert_element_type3A_340 = arith.extui %lt3A_336 : vector<16xi1> to vector<16xi32>
        %broadcast_in_dim3A_341 = arith.constant true
        %broadcast_in_dim3A_342 = vector.broadcast %broadcast_in_dim3A_341 : i1 to vector<16xi1>
        %masked_cumsum3A_343 = tpu.scan <sum>, %convert_element_type3A_340 masked %broadcast_in_dim3A_342 : vector<16xi32>, vector<16xi1> -> vector<16xi32>
        %add3A_344 = arith.addi %add3A_329, %masked_cumsum3A_343 : vector<16xi32>
        %sub3A_345 = arith.subi %add3A_344, %convert_element_type3A_340 : vector<16xi32>
        tpu.vector_store_idx %arg7[%sub3A_345], %add3A_339 masked %lt3A_336 : memref<20016xf32, #tpu.memory_space<vmem>>[vector<16xi32>], vector<16xf32>, vector<16xi1>
        %all_reduce_population_count3A_346 = tpu.all_reduce %lt3A_336 {dim = 0 : i64, kind = #tpu.reduction_kind<sum>} : vector<16xi1> -> vector<16xi32>
        %add3A_347 = arith.addi %add3A_329, %all_reduce_population_count3A_346 : vector<16xi32>
        scf.yield %add3A_347 : vector<16xi32>
      }
      %scan3A_50 = arith.constant 25 : i32
      "tpu.region"() ({
        %run_scoped3A = tpu.sem_alloc : memref<!tpu.dma_semaphore, #tpu.memory_space<semaphore_mem>>
        %dma_start3A = arith.constant 12000 : i32
        %dma_start3A_258 = tpu.memref_slice %arg2[%dma_start3A] : memref<20000xf32, #tpu.memory_space<hbm>> -> memref<2000xf32, #tpu.memory_space<hbm>>
        %dma_start3A_259 = arith.constant 12000 : i32
        %dma_start3A_260 = tpu.memref_slice %arg2[%dma_start3A_259] : memref<20000xf32, #tpu.memory_space<hbm>> -> memref<2000xf32, #tpu.memory_space<hbm>>
        tpu.enqueue_dma source(%dma_start3A_260 : memref<2000xf32, #tpu.memory_space<hbm>>) target(%arg11 : memref<2000xf32, #tpu.memory_space<vmem>>) target_semaphore(%run_scoped3A : memref<!tpu.dma_semaphore, #tpu.memory_space<semaphore_mem>>)
        %dma_wait3A = arith.constant 12000 : i32
        %dma_wait3A_261 = tpu.memref_slice %arg2[%dma_wait3A] : memref<20000xf32, #tpu.memory_space<hbm>> -> memref<2000xf32, #tpu.memory_space<hbm>>
        %dma_wait3A_262 = arith.constant 12000 : i32
        %dma_wait3A_263 = tpu.memref_slice %arg2[%dma_wait3A_262] : memref<20000xf32, #tpu.memory_space<hbm>> -> memref<2000xf32, #tpu.memory_space<hbm>>
        tpu.wait_dma2 semaphore(%run_scoped3A : memref<!tpu.dma_semaphore, #tpu.memory_space<semaphore_mem>>) src(%dma_wait3A_263 : memref<2000xf32, #tpu.memory_space<hbm>>) dst(%arg11 : memref<2000xf32, #tpu.memory_space<vmem>>)
        tpu.yield
      }) : () -> ()
      %scan3A_51 = arith.constant 0 : i32
      %scan3A_52 = arith.constant 25 : i32
      %scan3A_53 = arith.addi %scan3A_51, %scan3A_52 : i32
      %scan3A_54 = arith.constant 1 : i32
      %scan3A_55 = scf.for %scan3A_258 = %scan3A_51 to %scan3A_53 step %scan3A_54 iter_args(%scan3A_259 = %scan3A_49) -> (vector<16xi32>)  : i32 {
        %mul3A = arith.constant 80 : i32
        %mul3A_260 = arith.muli %scan3A_258, %mul3A : i32
        %multiple_of3A = tpu.assume_multiple %mul3A_260, 16 : i32
        %add3A_261 = arith.constant 0 : i32
        %add3A_262 = arith.addi %multiple_of3A, %add3A_261 : i32
        %get3A = arith.index_cast %add3A_262 : i32 to index
        %get3A_263 = tpu.vector_load %arg11[%get3A] {strides = array<i32>} : memref<2000xf32, #tpu.memory_space<vmem>>, vector<16xf32>,
        %lt3A = arith.constant 0.000000e+00 : f32
        %lt3A_264 = vector.broadcast %lt3A : f32 to vector<16xf32>
        %lt3A_265 = arith.cmpf olt, %get3A_263, %lt3A_264 : vector<16xf32>
        %add3A_266 = arith.constant 1.000000e+00 : f32
        %add3A_267 = vector.broadcast %add3A_266 : f32 to vector<16xf32>
        %add3A_268 = arith.addf %get3A_263, %add3A_267 : vector<16xf32>
        %convert_element_type3A_269 = arith.extui %lt3A_265 : vector<16xi1> to vector<16xi32>
        %broadcast_in_dim3A_270 = arith.constant true
        %broadcast_in_dim3A_271 = vector.broadcast %broadcast_in_dim3A_270 : i1 to vector<16xi1>
        %masked_cumsum3A_272 = tpu.scan <sum>, %convert_element_type3A_269 masked %broadcast_in_dim3A_271 : vector<16xi32>, vector<16xi1> -> vector<16xi32>
        %add3A_273 = arith.addi %scan3A_259, %masked_cumsum3A_272 : vector<16xi32>
        %sub3A_274 = arith.subi %add3A_273, %convert_element_type3A_269 : vector<16xi32>
        tpu.vector_store_idx %arg7[%sub3A_274], %add3A_268 masked %lt3A_265 : memref<20016xf32, #tpu.memory_space<vmem>>[vector<16xi32>], vector<16xf32>, vector<16xi1>
        %all_reduce_population_count3A = tpu.all_reduce %lt3A_265 {dim = 0 : i64, kind = #tpu.reduction_kind<sum>} : vector<16xi1> -> vector<16xi32>
        %add3A_275 = arith.addi %scan3A_259, %all_reduce_population_count3A : vector<16xi32>
        %add3A_276 = arith.constant 16 : i32
        %add3A_277 = arith.addi %multiple_of3A, %add3A_276 : i32
        %get3A_278 = arith.index_cast %add3A_277 : i32 to index
        %get3A_279 = tpu.vector_load %arg11[%get3A_278] {strides = array<i32>} : memref<2000xf32, #tpu.memory_space<vmem>>, vector<16xf32>,
        %lt3A_280 = arith.constant 0.000000e+00 : f32
        %lt3A_281 = vector.broadcast %lt3A_280 : f32 to vector<16xf32>
        %lt3A_282 = arith.cmpf olt, %get3A_279, %lt3A_281 : vector<16xf32>
        %add3A_283 = arith.constant 1.000000e+00 : f32
        %add3A_284 = vector.broadcast %add3A_283 : f32 to vector<16xf32>
        %add3A_285 = arith.addf %get3A_279, %add3A_284 : vector<16xf32>
        %convert_element_type3A_286 = arith.extui %lt3A_282 : vector<16xi1> to vector<16xi32>
        %broadcast_in_dim3A_287 = arith.constant true
        %broadcast_in_dim3A_288 = vector.broadcast %broadcast_in_dim3A_287 : i1 to vector<16xi1>
        %masked_cumsum3A_289 = tpu.scan <sum>, %convert_element_type3A_286 masked %broadcast_in_dim3A_288 : vector<16xi32>, vector<16xi1> -> vector<16xi32>
        %add3A_290 = arith.addi %add3A_275, %masked_cumsum3A_289 : vector<16xi32>
        %sub3A_291 = arith.subi %add3A_290, %convert_element_type3A_286 : vector<16xi32>
        tpu.vector_store_idx %arg7[%sub3A_291], %add3A_285 masked %lt3A_282 : memref<20016xf32, #tpu.memory_space<vmem>>[vector<16xi32>], vector<16xf32>, vector<16xi1>
        %all_reduce_population_count3A_292 = tpu.all_reduce %lt3A_282 {dim = 0 : i64, kind = #tpu.reduction_kind<sum>} : vector<16xi1> -> vector<16xi32>
        %add3A_293 = arith.addi %add3A_275, %all_reduce_population_count3A_292 : vector<16xi32>
        %add3A_294 = arith.constant 32 : i32
        %add3A_295 = arith.addi %multiple_of3A, %add3A_294 : i32
        %get3A_296 = arith.index_cast %add3A_295 : i32 to index
        %get3A_297 = tpu.vector_load %arg11[%get3A_296] {strides = array<i32>} : memref<2000xf32, #tpu.memory_space<vmem>>, vector<16xf32>,
        %lt3A_298 = arith.constant 0.000000e+00 : f32
        %lt3A_299 = vector.broadcast %lt3A_298 : f32 to vector<16xf32>
        %lt3A_300 = arith.cmpf olt, %get3A_297, %lt3A_299 : vector<16xf32>
        %add3A_301 = arith.constant 1.000000e+00 : f32
        %add3A_302 = vector.broadcast %add3A_301 : f32 to vector<16xf32>
        %add3A_303 = arith.addf %get3A_297, %add3A_302 : vector<16xf32>
        %convert_element_type3A_304 = arith.extui %lt3A_300 : vector<16xi1> to vector<16xi32>
        %broadcast_in_dim3A_305 = arith.constant true
        %broadcast_in_dim3A_306 = vector.broadcast %broadcast_in_dim3A_305 : i1 to vector<16xi1>
        %masked_cumsum3A_307 = tpu.scan <sum>, %convert_element_type3A_304 masked %broadcast_in_dim3A_306 : vector<16xi32>, vector<16xi1> -> vector<16xi32>
        %add3A_308 = arith.addi %add3A_293, %masked_cumsum3A_307 : vector<16xi32>
        %sub3A_309 = arith.subi %add3A_308, %convert_element_type3A_304 : vector<16xi32>
        tpu.vector_store_idx %arg7[%sub3A_309], %add3A_303 masked %lt3A_300 : memref<20016xf32, #tpu.memory_space<vmem>>[vector<16xi32>], vector<16xf32>, vector<16xi1>
        %all_reduce_population_count3A_310 = tpu.all_reduce %lt3A_300 {dim = 0 : i64, kind = #tpu.reduction_kind<sum>} : vector<16xi1> -> vector<16xi32>
        %add3A_311 = arith.addi %add3A_293, %all_reduce_population_count3A_310 : vector<16xi32>
        %add3A_312 = arith.constant 48 : i32
        %add3A_313 = arith.addi %multiple_of3A, %add3A_312 : i32
        %get3A_314 = arith.index_cast %add3A_313 : i32 to index
        %get3A_315 = tpu.vector_load %arg11[%get3A_314] {strides = array<i32>} : memref<2000xf32, #tpu.memory_space<vmem>>, vector<16xf32>,
        %lt3A_316 = arith.constant 0.000000e+00 : f32
        %lt3A_317 = vector.broadcast %lt3A_316 : f32 to vector<16xf32>
        %lt3A_318 = arith.cmpf olt, %get3A_315, %lt3A_317 : vector<16xf32>
        %add3A_319 = arith.constant 1.000000e+00 : f32
        %add3A_320 = vector.broadcast %add3A_319 : f32 to vector<16xf32>
        %add3A_321 = arith.addf %get3A_315, %add3A_320 : vector<16xf32>
        %convert_element_type3A_322 = arith.extui %lt3A_318 : vector<16xi1> to vector<16xi32>
        %broadcast_in_dim3A_323 = arith.constant true
        %broadcast_in_dim3A_324 = vector.broadcast %broadcast_in_dim3A_323 : i1 to vector<16xi1>
        %masked_cumsum3A_325 = tpu.scan <sum>, %convert_element_type3A_322 masked %broadcast_in_dim3A_324 : vector<16xi32>, vector<16xi1> -> vector<16xi32>
        %add3A_326 = arith.addi %add3A_311, %masked_cumsum3A_325 : vector<16xi32>
        %sub3A_327 = arith.subi %add3A_326, %convert_element_type3A_322 : vector<16xi32>
        tpu.vector_store_idx %arg7[%sub3A_327], %add3A_321 masked %lt3A_318 : memref<20016xf32, #tpu.memory_space<vmem>>[vector<16xi32>], vector<16xf32>, vector<16xi1>
        %all_reduce_population_count3A_328 = tpu.all_reduce %lt3A_318 {dim = 0 : i64, kind = #tpu.reduction_kind<sum>} : vector<16xi1> -> vector<16xi32>
        %add3A_329 = arith.addi %add3A_311, %all_reduce_population_count3A_328 : vector<16xi32>
        %add3A_330 = arith.constant 64 : i32
        %add3A_331 = arith.addi %multiple_of3A, %add3A_330 : i32
        %get3A_332 = arith.index_cast %add3A_331 : i32 to index
        %get3A_333 = tpu.vector_load %arg11[%get3A_332] {strides = array<i32>} : memref<2000xf32, #tpu.memory_space<vmem>>, vector<16xf32>,
        %lt3A_334 = arith.constant 0.000000e+00 : f32
        %lt3A_335 = vector.broadcast %lt3A_334 : f32 to vector<16xf32>
        %lt3A_336 = arith.cmpf olt, %get3A_333, %lt3A_335 : vector<16xf32>
        %add3A_337 = arith.constant 1.000000e+00 : f32
        %add3A_338 = vector.broadcast %add3A_337 : f32 to vector<16xf32>
        %add3A_339 = arith.addf %get3A_333, %add3A_338 : vector<16xf32>
        %convert_element_type3A_340 = arith.extui %lt3A_336 : vector<16xi1> to vector<16xi32>
        %broadcast_in_dim3A_341 = arith.constant true
        %broadcast_in_dim3A_342 = vector.broadcast %broadcast_in_dim3A_341 : i1 to vector<16xi1>
        %masked_cumsum3A_343 = tpu.scan <sum>, %convert_element_type3A_340 masked %broadcast_in_dim3A_342 : vector<16xi32>, vector<16xi1> -> vector<16xi32>
        %add3A_344 = arith.addi %add3A_329, %masked_cumsum3A_343 : vector<16xi32>
        %sub3A_345 = arith.subi %add3A_344, %convert_element_type3A_340 : vector<16xi32>
        tpu.vector_store_idx %arg7[%sub3A_345], %add3A_339 masked %lt3A_336 : memref<20016xf32, #tpu.memory_space<vmem>>[vector<16xi32>], vector<16xf32>, vector<16xi1>
        %all_reduce_population_count3A_346 = tpu.all_reduce %lt3A_336 {dim = 0 : i64, kind = #tpu.reduction_kind<sum>} : vector<16xi1> -> vector<16xi32>
        %add3A_347 = arith.addi %add3A_329, %all_reduce_population_count3A_346 : vector<16xi32>
        scf.yield %add3A_347 : vector<16xi32>
      }
      %scan3A_56 = arith.constant 25 : i32
      "tpu.region"() ({
        %run_scoped3A = tpu.sem_alloc : memref<!tpu.dma_semaphore, #tpu.memory_space<semaphore_mem>>
        %dma_start3A = arith.constant 14000 : i32
        %dma_start3A_258 = tpu.memref_slice %arg2[%dma_start3A] : memref<20000xf32, #tpu.memory_space<hbm>> -> memref<2000xf32, #tpu.memory_space<hbm>>
        %dma_start3A_259 = arith.constant 14000 : i32
        %dma_start3A_260 = tpu.memref_slice %arg2[%dma_start3A_259] : memref<20000xf32, #tpu.memory_space<hbm>> -> memref<2000xf32, #tpu.memory_space<hbm>>
        tpu.enqueue_dma source(%dma_start3A_260 : memref<2000xf32, #tpu.memory_space<hbm>>) target(%arg11 : memref<2000xf32, #tpu.memory_space<vmem>>) target_semaphore(%run_scoped3A : memref<!tpu.dma_semaphore, #tpu.memory_space<semaphore_mem>>)
        %dma_wait3A = arith.constant 14000 : i32
        %dma_wait3A_261 = tpu.memref_slice %arg2[%dma_wait3A] : memref<20000xf32, #tpu.memory_space<hbm>> -> memref<2000xf32, #tpu.memory_space<hbm>>
        %dma_wait3A_262 = arith.constant 14000 : i32
        %dma_wait3A_263 = tpu.memref_slice %arg2[%dma_wait3A_262] : memref<20000xf32, #tpu.memory_space<hbm>> -> memref<2000xf32, #tpu.memory_space<hbm>>
        tpu.wait_dma2 semaphore(%run_scoped3A : memref<!tpu.dma_semaphore, #tpu.memory_space<semaphore_mem>>) src(%dma_wait3A_263 : memref<2000xf32, #tpu.memory_space<hbm>>) dst(%arg11 : memref<2000xf32, #tpu.memory_space<vmem>>)
        tpu.yield
      }) : () -> ()
      %scan3A_57 = arith.constant 0 : i32
      %scan3A_58 = arith.constant 25 : i32
      %scan3A_59 = arith.addi %scan3A_57, %scan3A_58 : i32
      %scan3A_60 = arith.constant 1 : i32
      %scan3A_61 = scf.for %scan3A_258 = %scan3A_57 to %scan3A_59 step %scan3A_60 iter_args(%scan3A_259 = %scan3A_55) -> (vector<16xi32>)  : i32 {
        %mul3A = arith.constant 80 : i32
        %mul3A_260 = arith.muli %scan3A_258, %mul3A : i32
        %multiple_of3A = tpu.assume_multiple %mul3A_260, 16 : i32
        %add3A_261 = arith.constant 0 : i32
        %add3A_262 = arith.addi %multiple_of3A, %add3A_261 : i32
        %get3A = arith.index_cast %add3A_262 : i32 to index
        %get3A_263 = tpu.vector_load %arg11[%get3A] {strides = array<i32>} : memref<2000xf32, #tpu.memory_space<vmem>>, vector<16xf32>,
        %lt3A = arith.constant 0.000000e+00 : f32
        %lt3A_264 = vector.broadcast %lt3A : f32 to vector<16xf32>
        %lt3A_265 = arith.cmpf olt, %get3A_263, %lt3A_264 : vector<16xf32>
        %add3A_266 = arith.constant 1.000000e+00 : f32
        %add3A_267 = vector.broadcast %add3A_266 : f32 to vector<16xf32>
        %add3A_268 = arith.addf %get3A_263, %add3A_267 : vector<16xf32>
        %convert_element_type3A_269 = arith.extui %lt3A_265 : vector<16xi1> to vector<16xi32>
        %broadcast_in_dim3A_270 = arith.constant true
        %broadcast_in_dim3A_271 = vector.broadcast %broadcast_in_dim3A_270 : i1 to vector<16xi1>
        %masked_cumsum3A_272 = tpu.scan <sum>, %convert_element_type3A_269 masked %broadcast_in_dim3A_271 : vector<16xi32>, vector<16xi1> -> vector<16xi32>
        %add3A_273 = arith.addi %scan3A_259, %masked_cumsum3A_272 : vector<16xi32>
        %sub3A_274 = arith.subi %add3A_273, %convert_element_type3A_269 : vector<16xi32>
        tpu.vector_store_idx %arg7[%sub3A_274], %add3A_268 masked %lt3A_265 : memref<20016xf32, #tpu.memory_space<vmem>>[vector<16xi32>], vector<16xf32>, vector<16xi1>
        %all_reduce_population_count3A = tpu.all_reduce %lt3A_265 {dim = 0 : i64, kind = #tpu.reduction_kind<sum>} : vector<16xi1> -> vector<16xi32>
        %add3A_275 = arith.addi %scan3A_259, %all_reduce_population_count3A : vector<16xi32>
        %add3A_276 = arith.constant 16 : i32
        %add3A_277 = arith.addi %multiple_of3A, %add3A_276 : i32
        %get3A_278 = arith.index_cast %add3A_277 : i32 to index
        %get3A_279 = tpu.vector_load %arg11[%get3A_278] {strides = array<i32>} : memref<2000xf32, #tpu.memory_space<vmem>>, vector<16xf32>,
        %lt3A_280 = arith.constant 0.000000e+00 : f32
        %lt3A_281 = vector.broadcast %lt3A_280 : f32 to vector<16xf32>
        %lt3A_282 = arith.cmpf olt, %get3A_279, %lt3A_281 : vector<16xf32>
        %add3A_283 = arith.constant 1.000000e+00 : f32
        %add3A_284 = vector.broadcast %add3A_283 : f32 to vector<16xf32>
        %add3A_285 = arith.addf %get3A_279, %add3A_284 : vector<16xf32>
        %convert_element_type3A_286 = arith.extui %lt3A_282 : vector<16xi1> to vector<16xi32>
        %broadcast_in_dim3A_287 = arith.constant true
        %broadcast_in_dim3A_288 = vector.broadcast %broadcast_in_dim3A_287 : i1 to vector<16xi1>
        %masked_cumsum3A_289 = tpu.scan <sum>, %convert_element_type3A_286 masked %broadcast_in_dim3A_288 : vector<16xi32>, vector<16xi1> -> vector<16xi32>
        %add3A_290 = arith.addi %add3A_275, %masked_cumsum3A_289 : vector<16xi32>
        %sub3A_291 = arith.subi %add3A_290, %convert_element_type3A_286 : vector<16xi32>
        tpu.vector_store_idx %arg7[%sub3A_291], %add3A_285 masked %lt3A_282 : memref<20016xf32, #tpu.memory_space<vmem>>[vector<16xi32>], vector<16xf32>, vector<16xi1>
        %all_reduce_population_count3A_292 = tpu.all_reduce %lt3A_282 {dim = 0 : i64, kind = #tpu.reduction_kind<sum>} : vector<16xi1> -> vector<16xi32>
        %add3A_293 = arith.addi %add3A_275, %all_reduce_population_count3A_292 : vector<16xi32>
        %add3A_294 = arith.constant 32 : i32
        %add3A_295 = arith.addi %multiple_of3A, %add3A_294 : i32
        %get3A_296 = arith.index_cast %add3A_295 : i32 to index
        %get3A_297 = tpu.vector_load %arg11[%get3A_296] {strides = array<i32>} : memref<2000xf32, #tpu.memory_space<vmem>>, vector<16xf32>,
        %lt3A_298 = arith.constant 0.000000e+00 : f32
        %lt3A_299 = vector.broadcast %lt3A_298 : f32 to vector<16xf32>
        %lt3A_300 = arith.cmpf olt, %get3A_297, %lt3A_299 : vector<16xf32>
        %add3A_301 = arith.constant 1.000000e+00 : f32
        %add3A_302 = vector.broadcast %add3A_301 : f32 to vector<16xf32>
        %add3A_303 = arith.addf %get3A_297, %add3A_302 : vector<16xf32>
        %convert_element_type3A_304 = arith.extui %lt3A_300 : vector<16xi1> to vector<16xi32>
        %broadcast_in_dim3A_305 = arith.constant true
        %broadcast_in_dim3A_306 = vector.broadcast %broadcast_in_dim3A_305 : i1 to vector<16xi1>
        %masked_cumsum3A_307 = tpu.scan <sum>, %convert_element_type3A_304 masked %broadcast_in_dim3A_306 : vector<16xi32>, vector<16xi1> -> vector<16xi32>
        %add3A_308 = arith.addi %add3A_293, %masked_cumsum3A_307 : vector<16xi32>
        %sub3A_309 = arith.subi %add3A_308, %convert_element_type3A_304 : vector<16xi32>
        tpu.vector_store_idx %arg7[%sub3A_309], %add3A_303 masked %lt3A_300 : memref<20016xf32, #tpu.memory_space<vmem>>[vector<16xi32>], vector<16xf32>, vector<16xi1>
        %all_reduce_population_count3A_310 = tpu.all_reduce %lt3A_300 {dim = 0 : i64, kind = #tpu.reduction_kind<sum>} : vector<16xi1> -> vector<16xi32>
        %add3A_311 = arith.addi %add3A_293, %all_reduce_population_count3A_310 : vector<16xi32>
        %add3A_312 = arith.constant 48 : i32
        %add3A_313 = arith.addi %multiple_of3A, %add3A_312 : i32
        %get3A_314 = arith.index_cast %add3A_313 : i32 to index
        %get3A_315 = tpu.vector_load %arg11[%get3A_314] {strides = array<i32>} : memref<2000xf32, #tpu.memory_space<vmem>>, vector<16xf32>,
        %lt3A_316 = arith.constant 0.000000e+00 : f32
        %lt3A_317 = vector.broadcast %lt3A_316 : f32 to vector<16xf32>
        %lt3A_318 = arith.cmpf olt, %get3A_315, %lt3A_317 : vector<16xf32>
        %add3A_319 = arith.constant 1.000000e+00 : f32
        %add3A_320 = vector.broadcast %add3A_319 : f32 to vector<16xf32>
        %add3A_321 = arith.addf %get3A_315, %add3A_320 : vector<16xf32>
        %convert_element_type3A_322 = arith.extui %lt3A_318 : vector<16xi1> to vector<16xi32>
        %broadcast_in_dim3A_323 = arith.constant true
        %broadcast_in_dim3A_324 = vector.broadcast %broadcast_in_dim3A_323 : i1 to vector<16xi1>
        %masked_cumsum3A_325 = tpu.scan <sum>, %convert_element_type3A_322 masked %broadcast_in_dim3A_324 : vector<16xi32>, vector<16xi1> -> vector<16xi32>
        %add3A_326 = arith.addi %add3A_311, %masked_cumsum3A_325 : vector<16xi32>
        %sub3A_327 = arith.subi %add3A_326, %convert_element_type3A_322 : vector<16xi32>
        tpu.vector_store_idx %arg7[%sub3A_327], %add3A_321 masked %lt3A_318 : memref<20016xf32, #tpu.memory_space<vmem>>[vector<16xi32>], vector<16xf32>, vector<16xi1>
        %all_reduce_population_count3A_328 = tpu.all_reduce %lt3A_318 {dim = 0 : i64, kind = #tpu.reduction_kind<sum>} : vector<16xi1> -> vector<16xi32>
        %add3A_329 = arith.addi %add3A_311, %all_reduce_population_count3A_328 : vector<16xi32>
        %add3A_330 = arith.constant 64 : i32
        %add3A_331 = arith.addi %multiple_of3A, %add3A_330 : i32
        %get3A_332 = arith.index_cast %add3A_331 : i32 to index
        %get3A_333 = tpu.vector_load %arg11[%get3A_332] {strides = array<i32>} : memref<2000xf32, #tpu.memory_space<vmem>>, vector<16xf32>,
        %lt3A_334 = arith.constant 0.000000e+00 : f32
        %lt3A_335 = vector.broadcast %lt3A_334 : f32 to vector<16xf32>
        %lt3A_336 = arith.cmpf olt, %get3A_333, %lt3A_335 : vector<16xf32>
        %add3A_337 = arith.constant 1.000000e+00 : f32
        %add3A_338 = vector.broadcast %add3A_337 : f32 to vector<16xf32>
        %add3A_339 = arith.addf %get3A_333, %add3A_338 : vector<16xf32>
        %convert_element_type3A_340 = arith.extui %lt3A_336 : vector<16xi1> to vector<16xi32>
        %broadcast_in_dim3A_341 = arith.constant true
        %broadcast_in_dim3A_342 = vector.broadcast %broadcast_in_dim3A_341 : i1 to vector<16xi1>
        %masked_cumsum3A_343 = tpu.scan <sum>, %convert_element_type3A_340 masked %broadcast_in_dim3A_342 : vector<16xi32>, vector<16xi1> -> vector<16xi32>
        %add3A_344 = arith.addi %add3A_329, %masked_cumsum3A_343 : vector<16xi32>
        %sub3A_345 = arith.subi %add3A_344, %convert_element_type3A_340 : vector<16xi32>
        tpu.vector_store_idx %arg7[%sub3A_345], %add3A_339 masked %lt3A_336 : memref<20016xf32, #tpu.memory_space<vmem>>[vector<16xi32>], vector<16xf32>, vector<16xi1>
        %all_reduce_population_count3A_346 = tpu.all_reduce %lt3A_336 {dim = 0 : i64, kind = #tpu.reduction_kind<sum>} : vector<16xi1> -> vector<16xi32>
        %add3A_347 = arith.addi %add3A_329, %all_reduce_population_count3A_346 : vector<16xi32>
        scf.yield %add3A_347 : vector<16xi32>
      }
      %scan3A_62 = arith.constant 25 : i32
      "tpu.region"() ({
        %run_scoped3A = tpu.sem_alloc : memref<!tpu.dma_semaphore, #tpu.memory_space<semaphore_mem>>
        %dma_start3A = arith.constant 16000 : i32
        %dma_start3A_258 = tpu.memref_slice %arg2[%dma_start3A] : memref<20000xf32, #tpu.memory_space<hbm>> -> memref<2000xf32, #tpu.memory_space<hbm>>
        %dma_start3A_259 = arith.constant 16000 : i32
        %dma_start3A_260 = tpu.memref_slice %arg2[%dma_start3A_259] : memref<20000xf32, #tpu.memory_space<hbm>> -> memref<2000xf32, #tpu.memory_space<hbm>>
        tpu.enqueue_dma source(%dma_start3A_260 : memref<2000xf32, #tpu.memory_space<hbm>>) target(%arg11 : memref<2000xf32, #tpu.memory_space<vmem>>) target_semaphore(%run_scoped3A : memref<!tpu.dma_semaphore, #tpu.memory_space<semaphore_mem>>)
        %dma_wait3A = arith.constant 16000 : i32
        %dma_wait3A_261 = tpu.memref_slice %arg2[%dma_wait3A] : memref<20000xf32, #tpu.memory_space<hbm>> -> memref<2000xf32, #tpu.memory_space<hbm>>
        %dma_wait3A_262 = arith.constant 16000 : i32
        %dma_wait3A_263 = tpu.memref_slice %arg2[%dma_wait3A_262] : memref<20000xf32, #tpu.memory_space<hbm>> -> memref<2000xf32, #tpu.memory_space<hbm>>
        tpu.wait_dma2 semaphore(%run_scoped3A : memref<!tpu.dma_semaphore, #tpu.memory_space<semaphore_mem>>) src(%dma_wait3A_263 : memref<2000xf32, #tpu.memory_space<hbm>>) dst(%arg11 : memref<2000xf32, #tpu.memory_space<vmem>>)
        tpu.yield
      }) : () -> ()
      %scan3A_63 = arith.constant 0 : i32
      %scan3A_64 = arith.constant 25 : i32
      %scan3A_65 = arith.addi %scan3A_63, %scan3A_64 : i32
      %scan3A_66 = arith.constant 1 : i32
      %scan3A_67 = scf.for %scan3A_258 = %scan3A_63 to %scan3A_65 step %scan3A_66 iter_args(%scan3A_259 = %scan3A_61) -> (vector<16xi32>)  : i32 {
        %mul3A = arith.constant 80 : i32
        %mul3A_260 = arith.muli %scan3A_258, %mul3A : i32
        %multiple_of3A = tpu.assume_multiple %mul3A_260, 16 : i32
        %add3A_261 = arith.constant 0 : i32
        %add3A_262 = arith.addi %multiple_of3A, %add3A_261 : i32
        %get3A = arith.index_cast %add3A_262 : i32 to index
        %get3A_263 = tpu.vector_load %arg11[%get3A] {strides = array<i32>} : memref<2000xf32, #tpu.memory_space<vmem>>, vector<16xf32>,
        %lt3A = arith.constant 0.000000e+00 : f32
        %lt3A_264 = vector.broadcast %lt3A : f32 to vector<16xf32>
        %lt3A_265 = arith.cmpf olt, %get3A_263, %lt3A_264 : vector<16xf32>
        %add3A_266 = arith.constant 1.000000e+00 : f32
        %add3A_267 = vector.broadcast %add3A_266 : f32 to vector<16xf32>
        %add3A_268 = arith.addf %get3A_263, %add3A_267 : vector<16xf32>
        %convert_element_type3A_269 = arith.extui %lt3A_265 : vector<16xi1> to vector<16xi32>
        %broadcast_in_dim3A_270 = arith.constant true
        %broadcast_in_dim3A_271 = vector.broadcast %broadcast_in_dim3A_270 : i1 to vector<16xi1>
        %masked_cumsum3A_272 = tpu.scan <sum>, %convert_element_type3A_269 masked %broadcast_in_dim3A_271 : vector<16xi32>, vector<16xi1> -> vector<16xi32>
        %add3A_273 = arith.addi %scan3A_259, %masked_cumsum3A_272 : vector<16xi32>
        %sub3A_274 = arith.subi %add3A_273, %convert_element_type3A_269 : vector<16xi32>
        tpu.vector_store_idx %arg7[%sub3A_274], %add3A_268 masked %lt3A_265 : memref<20016xf32, #tpu.memory_space<vmem>>[vector<16xi32>], vector<16xf32>, vector<16xi1>
        %all_reduce_population_count3A = tpu.all_reduce %lt3A_265 {dim = 0 : i64, kind = #tpu.reduction_kind<sum>} : vector<16xi1> -> vector<16xi32>
        %add3A_275 = arith.addi %scan3A_259, %all_reduce_population_count3A : vector<16xi32>
        %add3A_276 = arith.constant 16 : i32
        %add3A_277 = arith.addi %multiple_of3A, %add3A_276 : i32
        %get3A_278 = arith.index_cast %add3A_277 : i32 to index
        %get3A_279 = tpu.vector_load %arg11[%get3A_278] {strides = array<i32>} : memref<2000xf32, #tpu.memory_space<vmem>>, vector<16xf32>,
        %lt3A_280 = arith.constant 0.000000e+00 : f32
        %lt3A_281 = vector.broadcast %lt3A_280 : f32 to vector<16xf32>
        %lt3A_282 = arith.cmpf olt, %get3A_279, %lt3A_281 : vector<16xf32>
        %add3A_283 = arith.constant 1.000000e+00 : f32
        %add3A_284 = vector.broadcast %add3A_283 : f32 to vector<16xf32>
        %add3A_285 = arith.addf %get3A_279, %add3A_284 : vector<16xf32>
        %convert_element_type3A_286 = arith.extui %lt3A_282 : vector<16xi1> to vector<16xi32>
        %broadcast_in_dim3A_287 = arith.constant true
        %broadcast_in_dim3A_288 = vector.broadcast %broadcast_in_dim3A_287 : i1 to vector<16xi1>
        %masked_cumsum3A_289 = tpu.scan <sum>, %convert_element_type3A_286 masked %broadcast_in_dim3A_288 : vector<16xi32>, vector<16xi1> -> vector<16xi32>
        %add3A_290 = arith.addi %add3A_275, %masked_cumsum3A_289 : vector<16xi32>
        %sub3A_291 = arith.subi %add3A_290, %convert_element_type3A_286 : vector<16xi32>
        tpu.vector_store_idx %arg7[%sub3A_291], %add3A_285 masked %lt3A_282 : memref<20016xf32, #tpu.memory_space<vmem>>[vector<16xi32>], vector<16xf32>, vector<16xi1>
        %all_reduce_population_count3A_292 = tpu.all_reduce %lt3A_282 {dim = 0 : i64, kind = #tpu.reduction_kind<sum>} : vector<16xi1> -> vector<16xi32>
        %add3A_293 = arith.addi %add3A_275, %all_reduce_population_count3A_292 : vector<16xi32>
        %add3A_294 = arith.constant 32 : i32
        %add3A_295 = arith.addi %multiple_of3A, %add3A_294 : i32
        %get3A_296 = arith.index_cast %add3A_295 : i32 to index
        %get3A_297 = tpu.vector_load %arg11[%get3A_296] {strides = array<i32>} : memref<2000xf32, #tpu.memory_space<vmem>>, vector<16xf32>,
        %lt3A_298 = arith.constant 0.000000e+00 : f32
        %lt3A_299 = vector.broadcast %lt3A_298 : f32 to vector<16xf32>
        %lt3A_300 = arith.cmpf olt, %get3A_297, %lt3A_299 : vector<16xf32>
        %add3A_301 = arith.constant 1.000000e+00 : f32
        %add3A_302 = vector.broadcast %add3A_301 : f32 to vector<16xf32>
        %add3A_303 = arith.addf %get3A_297, %add3A_302 : vector<16xf32>
        %convert_element_type3A_304 = arith.extui %lt3A_300 : vector<16xi1> to vector<16xi32>
        %broadcast_in_dim3A_305 = arith.constant true
        %broadcast_in_dim3A_306 = vector.broadcast %broadcast_in_dim3A_305 : i1 to vector<16xi1>
        %masked_cumsum3A_307 = tpu.scan <sum>, %convert_element_type3A_304 masked %broadcast_in_dim3A_306 : vector<16xi32>, vector<16xi1> -> vector<16xi32>
        %add3A_308 = arith.addi %add3A_293, %masked_cumsum3A_307 : vector<16xi32>
        %sub3A_309 = arith.subi %add3A_308, %convert_element_type3A_304 : vector<16xi32>
        tpu.vector_store_idx %arg7[%sub3A_309], %add3A_303 masked %lt3A_300 : memref<20016xf32, #tpu.memory_space<vmem>>[vector<16xi32>], vector<16xf32>, vector<16xi1>
        %all_reduce_population_count3A_310 = tpu.all_reduce %lt3A_300 {dim = 0 : i64, kind = #tpu.reduction_kind<sum>} : vector<16xi1> -> vector<16xi32>
        %add3A_311 = arith.addi %add3A_293, %all_reduce_population_count3A_310 : vector<16xi32>
        %add3A_312 = arith.constant 48 : i32
        %add3A_313 = arith.addi %multiple_of3A, %add3A_312 : i32
        %get3A_314 = arith.index_cast %add3A_313 : i32 to index
        %get3A_315 = tpu.vector_load %arg11[%get3A_314] {strides = array<i32>} : memref<2000xf32, #tpu.memory_space<vmem>>, vector<16xf32>,
        %lt3A_316 = arith.constant 0.000000e+00 : f32
        %lt3A_317 = vector.broadcast %lt3A_316 : f32 to vector<16xf32>
        %lt3A_318 = arith.cmpf olt, %get3A_315, %lt3A_317 : vector<16xf32>
        %add3A_319 = arith.constant 1.000000e+00 : f32
        %add3A_320 = vector.broadcast %add3A_319 : f32 to vector<16xf32>
        %add3A_321 = arith.addf %get3A_315, %add3A_320 : vector<16xf32>
        %convert_element_type3A_322 = arith.extui %lt3A_318 : vector<16xi1> to vector<16xi32>
        %broadcast_in_dim3A_323 = arith.constant true
        %broadcast_in_dim3A_324 = vector.broadcast %broadcast_in_dim3A_323 : i1 to vector<16xi1>
        %masked_cumsum3A_325 = tpu.scan <sum>, %convert_element_type3A_322 masked %broadcast_in_dim3A_324 : vector<16xi32>, vector<16xi1> -> vector<16xi32>
        %add3A_326 = arith.addi %add3A_311, %masked_cumsum3A_325 : vector<16xi32>
        %sub3A_327 = arith.subi %add3A_326, %convert_element_type3A_322 : vector<16xi32>
        tpu.vector_store_idx %arg7[%sub3A_327], %add3A_321 masked %lt3A_318 : memref<20016xf32, #tpu.memory_space<vmem>>[vector<16xi32>], vector<16xf32>, vector<16xi1>
        %all_reduce_population_count3A_328 = tpu.all_reduce %lt3A_318 {dim = 0 : i64, kind = #tpu.reduction_kind<sum>} : vector<16xi1> -> vector<16xi32>
        %add3A_329 = arith.addi %add3A_311, %all_reduce_population_count3A_328 : vector<16xi32>
        %add3A_330 = arith.constant 64 : i32
        %add3A_331 = arith.addi %multiple_of3A, %add3A_330 : i32
        %get3A_332 = arith.index_cast %add3A_331 : i32 to index
        %get3A_333 = tpu.vector_load %arg11[%get3A_332] {strides = array<i32>} : memref<2000xf32, #tpu.memory_space<vmem>>, vector<16xf32>,
        %lt3A_334 = arith.constant 0.000000e+00 : f32
        %lt3A_335 = vector.broadcast %lt3A_334 : f32 to vector<16xf32>
        %lt3A_336 = arith.cmpf olt, %get3A_333, %lt3A_335 : vector<16xf32>
        %add3A_337 = arith.constant 1.000000e+00 : f32
        %add3A_338 = vector.broadcast %add3A_337 : f32 to vector<16xf32>
        %add3A_339 = arith.addf %get3A_333, %add3A_338 : vector<16xf32>
        %convert_element_type3A_340 = arith.extui %lt3A_336 : vector<16xi1> to vector<16xi32>
        %broadcast_in_dim3A_341 = arith.constant true
        %broadcast_in_dim3A_342 = vector.broadcast %broadcast_in_dim3A_341 : i1 to vector<16xi1>
        %masked_cumsum3A_343 = tpu.scan <sum>, %convert_element_type3A_340 masked %broadcast_in_dim3A_342 : vector<16xi32>, vector<16xi1> -> vector<16xi32>
        %add3A_344 = arith.addi %add3A_329, %masked_cumsum3A_343 : vector<16xi32>
        %sub3A_345 = arith.subi %add3A_344, %convert_element_type3A_340 : vector<16xi32>
        tpu.vector_store_idx %arg7[%sub3A_345], %add3A_339 masked %lt3A_336 : memref<20016xf32, #tpu.memory_space<vmem>>[vector<16xi32>], vector<16xf32>, vector<16xi1>
        %all_reduce_population_count3A_346 = tpu.all_reduce %lt3A_336 {dim = 0 : i64, kind = #tpu.reduction_kind<sum>} : vector<16xi1> -> vector<16xi32>
        %add3A_347 = arith.addi %add3A_329, %all_reduce_population_count3A_346 : vector<16xi32>
        scf.yield %add3A_347 : vector<16xi32>
      }
      %scan3A_68 = arith.constant 25 : i32
      "tpu.region"() ({
        %run_scoped3A = tpu.sem_alloc : memref<!tpu.dma_semaphore, #tpu.memory_space<semaphore_mem>>
        %dma_start3A = arith.constant 18000 : i32
        %dma_start3A_258 = tpu.memref_slice %arg2[%dma_start3A] : memref<20000xf32, #tpu.memory_space<hbm>> -> memref<2000xf32, #tpu.memory_space<hbm>>
        %dma_start3A_259 = arith.constant 18000 : i32
        %dma_start3A_260 = tpu.memref_slice %arg2[%dma_start3A_259] : memref<20000xf32, #tpu.memory_space<hbm>> -> memref<2000xf32, #tpu.memory_space<hbm>>
        tpu.enqueue_dma source(%dma_start3A_260 : memref<2000xf32, #tpu.memory_space<hbm>>) target(%arg11 : memref<2000xf32, #tpu.memory_space<vmem>>) target_semaphore(%run_scoped3A : memref<!tpu.dma_semaphore, #tpu.memory_space<semaphore_mem>>)
        %dma_wait3A = arith.constant 18000 : i32
        %dma_wait3A_261 = tpu.memref_slice %arg2[%dma_wait3A] : memref<20000xf32, #tpu.memory_space<hbm>> -> memref<2000xf32, #tpu.memory_space<hbm>>
        %dma_wait3A_262 = arith.constant 18000 : i32
        %dma_wait3A_263 = tpu.memref_slice %arg2[%dma_wait3A_262] : memref<20000xf32, #tpu.memory_space<hbm>> -> memref<2000xf32, #tpu.memory_space<hbm>>
        tpu.wait_dma2 semaphore(%run_scoped3A : memref<!tpu.dma_semaphore, #tpu.memory_space<semaphore_mem>>) src(%dma_wait3A_263 : memref<2000xf32, #tpu.memory_space<hbm>>) dst(%arg11 : memref<2000xf32, #tpu.memory_space<vmem>>)
        tpu.yield
      }) : () -> ()
      %scan3A_69 = arith.constant 0 : i32
      %scan3A_70 = arith.constant 25 : i32
      %scan3A_71 = arith.addi %scan3A_69, %scan3A_70 : i32
      %scan3A_72 = arith.constant 1 : i32
      %scan3A_73 = scf.for %scan3A_258 = %scan3A_69 to %scan3A_71 step %scan3A_72 iter_args(%scan3A_259 = %scan3A_67) -> (vector<16xi32>)  : i32 {
        %mul3A = arith.constant 80 : i32
        %mul3A_260 = arith.muli %scan3A_258, %mul3A : i32
        %multiple_of3A = tpu.assume_multiple %mul3A_260, 16 : i32
        %add3A_261 = arith.constant 0 : i32
        %add3A_262 = arith.addi %multiple_of3A, %add3A_261 : i32
        %get3A = arith.index_cast %add3A_262 : i32 to index
        %get3A_263 = tpu.vector_load %arg11[%get3A] {strides = array<i32>} : memref<2000xf32, #tpu.memory_space<vmem>>, vector<16xf32>,
        %lt3A = arith.constant 0.000000e+00 : f32
        %lt3A_264 = vector.broadcast %lt3A : f32 to vector<16xf32>
        %lt3A_265 = arith.cmpf olt, %get3A_263, %lt3A_264 : vector<16xf32>
        %add3A_266 = arith.constant 1.000000e+00 : f32
        %add3A_267 = vector.broadcast %add3A_266 : f32 to vector<16xf32>
        %add3A_268 = arith.addf %get3A_263, %add3A_267 : vector<16xf32>
        %convert_element_type3A_269 = arith.extui %lt3A_265 : vector<16xi1> to vector<16xi32>
        %broadcast_in_dim3A_270 = arith.constant true
        %broadcast_in_dim3A_271 = vector.broadcast %broadcast_in_dim3A_270 : i1 to vector<16xi1>
        %masked_cumsum3A_272 = tpu.scan <sum>, %convert_element_type3A_269 masked %broadcast_in_dim3A_271 : vector<16xi32>, vector<16xi1> -> vector<16xi32>
        %add3A_273 = arith.addi %scan3A_259, %masked_cumsum3A_272 : vector<16xi32>
        %sub3A_274 = arith.subi %add3A_273, %convert_element_type3A_269 : vector<16xi32>
        tpu.vector_store_idx %arg7[%sub3A_274], %add3A_268 masked %lt3A_265 : memref<20016xf32, #tpu.memory_space<vmem>>[vector<16xi32>], vector<16xf32>, vector<16xi1>
        %all_reduce_population_count3A = tpu.all_reduce %lt3A_265 {dim = 0 : i64, kind = #tpu.reduction_kind<sum>} : vector<16xi1> -> vector<16xi32>
        %add3A_275 = arith.addi %scan3A_259, %all_reduce_population_count3A : vector<16xi32>
        %add3A_276 = arith.constant 16 : i32
        %add3A_277 = arith.addi %multiple_of3A, %add3A_276 : i32
        %get3A_278 = arith.index_cast %add3A_277 : i32 to index
        %get3A_279 = tpu.vector_load %arg11[%get3A_278] {strides = array<i32>} : memref<2000xf32, #tpu.memory_space<vmem>>, vector<16xf32>,
        %lt3A_280 = arith.constant 0.000000e+00 : f32
        %lt3A_281 = vector.broadcast %lt3A_280 : f32 to vector<16xf32>
        %lt3A_282 = arith.cmpf olt, %get3A_279, %lt3A_281 : vector<16xf32>
        %add3A_283 = arith.constant 1.000000e+00 : f32
        %add3A_284 = vector.broadcast %add3A_283 : f32 to vector<16xf32>
        %add3A_285 = arith.addf %get3A_279, %add3A_284 : vector<16xf32>
        %convert_element_type3A_286 = arith.extui %lt3A_282 : vector<16xi1> to vector<16xi32>
        %broadcast_in_dim3A_287 = arith.constant true
        %broadcast_in_dim3A_288 = vector.broadcast %broadcast_in_dim3A_287 : i1 to vector<16xi1>
        %masked_cumsum3A_289 = tpu.scan <sum>, %convert_element_type3A_286 masked %broadcast_in_dim3A_288 : vector<16xi32>, vector<16xi1> -> vector<16xi32>
        %add3A_290 = arith.addi %add3A_275, %masked_cumsum3A_289 : vector<16xi32>
        %sub3A_291 = arith.subi %add3A_290, %convert_element_type3A_286 : vector<16xi32>
        tpu.vector_store_idx %arg7[%sub3A_291], %add3A_285 masked %lt3A_282 : memref<20016xf32, #tpu.memory_space<vmem>>[vector<16xi32>], vector<16xf32>, vector<16xi1>
        %all_reduce_population_count3A_292 = tpu.all_reduce %lt3A_282 {dim = 0 : i64, kind = #tpu.reduction_kind<sum>} : vector<16xi1> -> vector<16xi32>
        %add3A_293 = arith.addi %add3A_275, %all_reduce_population_count3A_292 : vector<16xi32>
        %add3A_294 = arith.constant 32 : i32
        %add3A_295 = arith.addi %multiple_of3A, %add3A_294 : i32
        %get3A_296 = arith.index_cast %add3A_295 : i32 to index
        %get3A_297 = tpu.vector_load %arg11[%get3A_296] {strides = array<i32>} : memref<2000xf32, #tpu.memory_space<vmem>>, vector<16xf32>,
        %lt3A_298 = arith.constant 0.000000e+00 : f32
        %lt3A_299 = vector.broadcast %lt3A_298 : f32 to vector<16xf32>
        %lt3A_300 = arith.cmpf olt, %get3A_297, %lt3A_299 : vector<16xf32>
        %add3A_301 = arith.constant 1.000000e+00 : f32
        %add3A_302 = vector.broadcast %add3A_301 : f32 to vector<16xf32>
        %add3A_303 = arith.addf %get3A_297, %add3A_302 : vector<16xf32>
        %convert_element_type3A_304 = arith.extui %lt3A_300 : vector<16xi1> to vector<16xi32>
        %broadcast_in_dim3A_305 = arith.constant true
        %broadcast_in_dim3A_306 = vector.broadcast %broadcast_in_dim3A_305 : i1 to vector<16xi1>
        %masked_cumsum3A_307 = tpu.scan <sum>, %convert_element_type3A_304 masked %broadcast_in_dim3A_306 : vector<16xi32>, vector<16xi1> -> vector<16xi32>
        %add3A_308 = arith.addi %add3A_293, %masked_cumsum3A_307 : vector<16xi32>
        %sub3A_309 = arith.subi %add3A_308, %convert_element_type3A_304 : vector<16xi32>
        tpu.vector_store_idx %arg7[%sub3A_309], %add3A_303 masked %lt3A_300 : memref<20016xf32, #tpu.memory_space<vmem>>[vector<16xi32>], vector<16xf32>, vector<16xi1>
        %all_reduce_population_count3A_310 = tpu.all_reduce %lt3A_300 {dim = 0 : i64, kind = #tpu.reduction_kind<sum>} : vector<16xi1> -> vector<16xi32>
        %add3A_311 = arith.addi %add3A_293, %all_reduce_population_count3A_310 : vector<16xi32>
        %add3A_312 = arith.constant 48 : i32
        %add3A_313 = arith.addi %multiple_of3A, %add3A_312 : i32
        %get3A_314 = arith.index_cast %add3A_313 : i32 to index
        %get3A_315 = tpu.vector_load %arg11[%get3A_314] {strides = array<i32>} : memref<2000xf32, #tpu.memory_space<vmem>>, vector<16xf32>,
        %lt3A_316 = arith.constant 0.000000e+00 : f32
        %lt3A_317 = vector.broadcast %lt3A_316 : f32 to vector<16xf32>
        %lt3A_318 = arith.cmpf olt, %get3A_315, %lt3A_317 : vector<16xf32>
        %add3A_319 = arith.constant 1.000000e+00 : f32
        %add3A_320 = vector.broadcast %add3A_319 : f32 to vector<16xf32>
        %add3A_321 = arith.addf %get3A_315, %add3A_320 : vector<16xf32>
        %convert_element_type3A_322 = arith.extui %lt3A_318 : vector<16xi1> to vector<16xi32>
        %broadcast_in_dim3A_323 = arith.constant true
        %broadcast_in_dim3A_324 = vector.broadcast %broadcast_in_dim3A_323 : i1 to vector<16xi1>
        %masked_cumsum3A_325 = tpu.scan <sum>, %convert_element_type3A_322 masked %broadcast_in_dim3A_324 : vector<16xi32>, vector<16xi1> -> vector<16xi32>
        %add3A_326 = arith.addi %add3A_311, %masked_cumsum3A_325 : vector<16xi32>
        %sub3A_327 = arith.subi %add3A_326, %convert_element_type3A_322 : vector<16xi32>
        tpu.vector_store_idx %arg7[%sub3A_327], %add3A_321 masked %lt3A_318 : memref<20016xf32, #tpu.memory_space<vmem>>[vector<16xi32>], vector<16xf32>, vector<16xi1>
        %all_reduce_population_count3A_328 = tpu.all_reduce %lt3A_318 {dim = 0 : i64, kind = #tpu.reduction_kind<sum>} : vector<16xi1> -> vector<16xi32>
        %add3A_329 = arith.addi %add3A_311, %all_reduce_population_count3A_328 : vector<16xi32>
        %add3A_330 = arith.constant 64 : i32
        %add3A_331 = arith.addi %multiple_of3A, %add3A_330 : i32
        %get3A_332 = arith.index_cast %add3A_331 : i32 to index
        %get3A_333 = tpu.vector_load %arg11[%get3A_332] {strides = array<i32>} : memref<2000xf32, #tpu.memory_space<vmem>>, vector<16xf32>,
        %lt3A_334 = arith.constant 0.000000e+00 : f32
        %lt3A_335 = vector.broadcast %lt3A_334 : f32 to vector<16xf32>
        %lt3A_336 = arith.cmpf olt, %get3A_333, %lt3A_335 : vector<16xf32>
        %add3A_337 = arith.constant 1.000000e+00 : f32
        %add3A_338 = vector.broadcast %add3A_337 : f32 to vector<16xf32>
        %add3A_339 = arith.addf %get3A_333, %add3A_338 : vector<16xf32>
        %convert_element_type3A_340 = arith.extui %lt3A_336 : vector<16xi1> to vector<16xi32>
        %broadcast_in_dim3A_341 = arith.constant true
        %broadcast_in_dim3A_342 = vector.broadcast %broadcast_in_dim3A_341 : i1 to vector<16xi1>
        %masked_cumsum3A_343 = tpu.scan <sum>, %convert_element_type3A_340 masked %broadcast_in_dim3A_342 : vector<16xi32>, vector<16xi1> -> vector<16xi32>
        %add3A_344 = arith.addi %add3A_329, %masked_cumsum3A_343 : vector<16xi32>
        %sub3A_345 = arith.subi %add3A_344, %convert_element_type3A_340 : vector<16xi32>
        tpu.vector_store_idx %arg7[%sub3A_345], %add3A_339 masked %lt3A_336 : memref<20016xf32, #tpu.memory_space<vmem>>[vector<16xi32>], vector<16xf32>, vector<16xi1>
        %all_reduce_population_count3A_346 = tpu.all_reduce %lt3A_336 {dim = 0 : i64, kind = #tpu.reduction_kind<sum>} : vector<16xi1> -> vector<16xi32>
        %add3A_347 = arith.addi %add3A_329, %all_reduce_population_count3A_346 : vector<16xi32>
        scf.yield %add3A_347 : vector<16xi32>
      }
      %scan3A_74 = arith.constant 25 : i32
      "tpu.region"() ({
        %run_scoped3A = tpu.sem_alloc : memref<!tpu.dma_semaphore, #tpu.memory_space<semaphore_mem>>
        %dma_start3A = arith.constant 0 : i32
        %dma_start3A_258 = tpu.memref_slice %arg3[%dma_start3A] : memref<20000xi32, #tpu.memory_space<hbm>> -> memref<2000xi32, #tpu.memory_space<hbm>>
        %dma_start3A_259 = arith.constant 0 : i32
        %dma_start3A_260 = tpu.memref_slice %arg3[%dma_start3A_259] : memref<20000xi32, #tpu.memory_space<hbm>> -> memref<2000xi32, #tpu.memory_space<hbm>>
        tpu.enqueue_dma source(%dma_start3A_260 : memref<2000xi32, #tpu.memory_space<hbm>>) target(%arg10 : memref<2000xi32, #tpu.memory_space<vmem>>) target_semaphore(%run_scoped3A : memref<!tpu.dma_semaphore, #tpu.memory_space<semaphore_mem>>)
        %dma_wait3A = arith.constant 0 : i32
        %dma_wait3A_261 = tpu.memref_slice %arg3[%dma_wait3A] : memref<20000xi32, #tpu.memory_space<hbm>> -> memref<2000xi32, #tpu.memory_space<hbm>>
        %dma_wait3A_262 = arith.constant 0 : i32
        %dma_wait3A_263 = tpu.memref_slice %arg3[%dma_wait3A_262] : memref<20000xi32, #tpu.memory_space<hbm>> -> memref<2000xi32, #tpu.memory_space<hbm>>
        tpu.wait_dma2 semaphore(%run_scoped3A : memref<!tpu.dma_semaphore, #tpu.memory_space<semaphore_mem>>) src(%dma_wait3A_263 : memref<2000xi32, #tpu.memory_space<hbm>>) dst(%arg10 : memref<2000xi32, #tpu.memory_space<vmem>>)
        tpu.yield
      }) : () -> ()
      %scan3A_75 = arith.constant 0 : i32
      %scan3A_76 = arith.constant 25 : i32
      %scan3A_77 = arith.addi %scan3A_75, %scan3A_76 : i32
      %scan3A_78 = arith.constant 1 : i32
      %scan3A_79 = scf.for %scan3A_258 = %scan3A_75 to %scan3A_77 step %scan3A_78 iter_args(%scan3A_259 = %broadcast_in_dim3A_4) -> (vector<16xi32>)  : i32 {
        %mul3A = arith.constant 80 : i32
        %mul3A_260 = arith.muli %scan3A_258, %mul3A : i32
        %multiple_of3A = tpu.assume_multiple %mul3A_260, 16 : i32
        %add3A_261 = arith.constant 0 : i32
        %add3A_262 = arith.addi %multiple_of3A, %add3A_261 : i32
        %get3A = arith.index_cast %add3A_262 : i32 to index
        %get3A_263 = tpu.vector_load %arg10[%get3A] {strides = array<i32>} : memref<2000xi32, #tpu.memory_space<vmem>>, vector<16xi32>,
        %lt3A = arith.cmpi slt, %get3A_263, %scan3A_73 : vector<16xi32>
        %convert_element_type3A_264 = arith.extui %lt3A : vector<16xi1> to vector<16xi32>
        %broadcast_in_dim3A_265 = arith.constant true
        %broadcast_in_dim3A_266 = vector.broadcast %broadcast_in_dim3A_265 : i1 to vector<16xi1>
        %masked_cumsum3A_267 = tpu.scan <sum>, %convert_element_type3A_264 masked %broadcast_in_dim3A_266 : vector<16xi32>, vector<16xi1> -> vector<16xi32>
        %add3A_268 = arith.addi %scan3A_259, %masked_cumsum3A_267 : vector<16xi32>
        %sub3A_269 = arith.subi %add3A_268, %convert_element_type3A_264 : vector<16xi32>
        tpu.vector_store_idx %arg8[%sub3A_269], %get3A_263 masked %lt3A : memref<20016xi32, #tpu.memory_space<vmem>>[vector<16xi32>], vector<16xi32>, vector<16xi1>
        %all_reduce_population_count3A = tpu.all_reduce %lt3A {dim = 0 : i64, kind = #tpu.reduction_kind<sum>} : vector<16xi1> -> vector<16xi32>
        %add3A_270 = arith.addi %scan3A_259, %all_reduce_population_count3A : vector<16xi32>
        %add3A_271 = arith.constant 16 : i32
        %add3A_272 = arith.addi %multiple_of3A, %add3A_271 : i32
        %get3A_273 = arith.index_cast %add3A_272 : i32 to index
        %get3A_274 = tpu.vector_load %arg10[%get3A_273] {strides = array<i32>} : memref<2000xi32, #tpu.memory_space<vmem>>, vector<16xi32>,
        %lt3A_275 = arith.cmpi slt, %get3A_274, %scan3A_73 : vector<16xi32>
        %convert_element_type3A_276 = arith.extui %lt3A_275 : vector<16xi1> to vector<16xi32>
        %broadcast_in_dim3A_277 = arith.constant true
        %broadcast_in_dim3A_278 = vector.broadcast %broadcast_in_dim3A_277 : i1 to vector<16xi1>
        %masked_cumsum3A_279 = tpu.scan <sum>, %convert_element_type3A_276 masked %broadcast_in_dim3A_278 : vector<16xi32>, vector<16xi1> -> vector<16xi32>
        %add3A_280 = arith.addi %add3A_270, %masked_cumsum3A_279 : vector<16xi32>
        %sub3A_281 = arith.subi %add3A_280, %convert_element_type3A_276 : vector<16xi32>
        tpu.vector_store_idx %arg8[%sub3A_281], %get3A_274 masked %lt3A_275 : memref<20016xi32, #tpu.memory_space<vmem>>[vector<16xi32>], vector<16xi32>, vector<16xi1>
        %all_reduce_population_count3A_282 = tpu.all_reduce %lt3A_275 {dim = 0 : i64, kind = #tpu.reduction_kind<sum>} : vector<16xi1> -> vector<16xi32>
        %add3A_283 = arith.addi %add3A_270, %all_reduce_population_count3A_282 : vector<16xi32>
        %add3A_284 = arith.constant 32 : i32
        %add3A_285 = arith.addi %multiple_of3A, %add3A_284 : i32
        %get3A_286 = arith.index_cast %add3A_285 : i32 to index
        %get3A_287 = tpu.vector_load %arg10[%get3A_286] {strides = array<i32>} : memref<2000xi32, #tpu.memory_space<vmem>>, vector<16xi32>,
        %lt3A_288 = arith.cmpi slt, %get3A_287, %scan3A_73 : vector<16xi32>
        %convert_element_type3A_289 = arith.extui %lt3A_288 : vector<16xi1> to vector<16xi32>
        %broadcast_in_dim3A_290 = arith.constant true
        %broadcast_in_dim3A_291 = vector.broadcast %broadcast_in_dim3A_290 : i1 to vector<16xi1>
        %masked_cumsum3A_292 = tpu.scan <sum>, %convert_element_type3A_289 masked %broadcast_in_dim3A_291 : vector<16xi32>, vector<16xi1> -> vector<16xi32>
        %add3A_293 = arith.addi %add3A_283, %masked_cumsum3A_292 : vector<16xi32>
        %sub3A_294 = arith.subi %add3A_293, %convert_element_type3A_289 : vector<16xi32>
        tpu.vector_store_idx %arg8[%sub3A_294], %get3A_287 masked %lt3A_288 : memref<20016xi32, #tpu.memory_space<vmem>>[vector<16xi32>], vector<16xi32>, vector<16xi1>
        %all_reduce_population_count3A_295 = tpu.all_reduce %lt3A_288 {dim = 0 : i64, kind = #tpu.reduction_kind<sum>} : vector<16xi1> -> vector<16xi32>
        %add3A_296 = arith.addi %add3A_283, %all_reduce_population_count3A_295 : vector<16xi32>
        %add3A_297 = arith.constant 48 : i32
        %add3A_298 = arith.addi %multiple_of3A, %add3A_297 : i32
        %get3A_299 = arith.index_cast %add3A_298 : i32 to index
        %get3A_300 = tpu.vector_load %arg10[%get3A_299] {strides = array<i32>} : memref<2000xi32, #tpu.memory_space<vmem>>, vector<16xi32>,
        %lt3A_301 = arith.cmpi slt, %get3A_300, %scan3A_73 : vector<16xi32>
        %convert_element_type3A_302 = arith.extui %lt3A_301 : vector<16xi1> to vector<16xi32>
        %broadcast_in_dim3A_303 = arith.constant true
        %broadcast_in_dim3A_304 = vector.broadcast %broadcast_in_dim3A_303 : i1 to vector<16xi1>
        %masked_cumsum3A_305 = tpu.scan <sum>, %convert_element_type3A_302 masked %broadcast_in_dim3A_304 : vector<16xi32>, vector<16xi1> -> vector<16xi32>
        %add3A_306 = arith.addi %add3A_296, %masked_cumsum3A_305 : vector<16xi32>
        %sub3A_307 = arith.subi %add3A_306, %convert_element_type3A_302 : vector<16xi32>
        tpu.vector_store_idx %arg8[%sub3A_307], %get3A_300 masked %lt3A_301 : memref<20016xi32, #tpu.memory_space<vmem>>[vector<16xi32>], vector<16xi32>, vector<16xi1>
        %all_reduce_population_count3A_308 = tpu.all_reduce %lt3A_301 {dim = 0 : i64, kind = #tpu.reduction_kind<sum>} : vector<16xi1> -> vector<16xi32>
        %add3A_309 = arith.addi %add3A_296, %all_reduce_population_count3A_308 : vector<16xi32>
        %add3A_310 = arith.constant 64 : i32
        %add3A_311 = arith.addi %multiple_of3A, %add3A_310 : i32
        %get3A_312 = arith.index_cast %add3A_311 : i32 to index
        %get3A_313 = tpu.vector_load %arg10[%get3A_312] {strides = array<i32>} : memref<2000xi32, #tpu.memory_space<vmem>>, vector<16xi32>,
        %lt3A_314 = arith.cmpi slt, %get3A_313, %scan3A_73 : vector<16xi32>
        %convert_element_type3A_315 = arith.extui %lt3A_314 : vector<16xi1> to vector<16xi32>
        %broadcast_in_dim3A_316 = arith.constant true
        %broadcast_in_dim3A_317 = vector.broadcast %broadcast_in_dim3A_316 : i1 to vector<16xi1>
        %masked_cumsum3A_318 = tpu.scan <sum>, %convert_element_type3A_315 masked %broadcast_in_dim3A_317 : vector<16xi32>, vector<16xi1> -> vector<16xi32>
        %add3A_319 = arith.addi %add3A_309, %masked_cumsum3A_318 : vector<16xi32>
        %sub3A_320 = arith.subi %add3A_319, %convert_element_type3A_315 : vector<16xi32>
        tpu.vector_store_idx %arg8[%sub3A_320], %get3A_313 masked %lt3A_314 : memref<20016xi32, #tpu.memory_space<vmem>>[vector<16xi32>], vector<16xi32>, vector<16xi1>
        %all_reduce_population_count3A_321 = tpu.all_reduce %lt3A_314 {dim = 0 : i64, kind = #tpu.reduction_kind<sum>} : vector<16xi1> -> vector<16xi32>
        %add3A_322 = arith.addi %add3A_309, %all_reduce_population_count3A_321 : vector<16xi32>
        scf.yield %add3A_322 : vector<16xi32>
      }
      %scan3A_80 = arith.constant 25 : i32
      "tpu.region"() ({
        %run_scoped3A = tpu.sem_alloc : memref<!tpu.dma_semaphore, #tpu.memory_space<semaphore_mem>>
        %dma_start3A = arith.constant 2000 : i32
        %dma_start3A_258 = tpu.memref_slice %arg3[%dma_start3A] : memref<20000xi32, #tpu.memory_space<hbm>> -> memref<2000xi32, #tpu.memory_space<hbm>>
        %dma_start3A_259 = arith.constant 2000 : i32
        %dma_start3A_260 = tpu.memref_slice %arg3[%dma_start3A_259] : memref<20000xi32, #tpu.memory_space<hbm>> -> memref<2000xi32, #tpu.memory_space<hbm>>
        tpu.enqueue_dma source(%dma_start3A_260 : memref<2000xi32, #tpu.memory_space<hbm>>) target(%arg10 : memref<2000xi32, #tpu.memory_space<vmem>>) target_semaphore(%run_scoped3A : memref<!tpu.dma_semaphore, #tpu.memory_space<semaphore_mem>>)
        %dma_wait3A = arith.constant 2000 : i32
        %dma_wait3A_261 = tpu.memref_slice %arg3[%dma_wait3A] : memref<20000xi32, #tpu.memory_space<hbm>> -> memref<2000xi32, #tpu.memory_space<hbm>>
        %dma_wait3A_262 = arith.constant 2000 : i32
        %dma_wait3A_263 = tpu.memref_slice %arg3[%dma_wait3A_262] : memref<20000xi32, #tpu.memory_space<hbm>> -> memref<2000xi32, #tpu.memory_space<hbm>>
        tpu.wait_dma2 semaphore(%run_scoped3A : memref<!tpu.dma_semaphore, #tpu.memory_space<semaphore_mem>>) src(%dma_wait3A_263 : memref<2000xi32, #tpu.memory_space<hbm>>) dst(%arg10 : memref<2000xi32, #tpu.memory_space<vmem>>)
        tpu.yield
      }) : () -> ()
      %scan3A_81 = arith.constant 0 : i32
      %scan3A_82 = arith.constant 25 : i32
      %scan3A_83 = arith.addi %scan3A_81, %scan3A_82 : i32
      %scan3A_84 = arith.constant 1 : i32
      %scan3A_85 = scf.for %scan3A_258 = %scan3A_81 to %scan3A_83 step %scan3A_84 iter_args(%scan3A_259 = %scan3A_79) -> (vector<16xi32>)  : i32 {
        %mul3A = arith.constant 80 : i32
        %mul3A_260 = arith.muli %scan3A_258, %mul3A : i32
        %multiple_of3A = tpu.assume_multiple %mul3A_260, 16 : i32
        %add3A_261 = arith.constant 0 : i32
        %add3A_262 = arith.addi %multiple_of3A, %add3A_261 : i32
        %get3A = arith.index_cast %add3A_262 : i32 to index
        %get3A_263 = tpu.vector_load %arg10[%get3A] {strides = array<i32>} : memref<2000xi32, #tpu.memory_space<vmem>>, vector<16xi32>,
        %lt3A = arith.cmpi slt, %get3A_263, %scan3A_73 : vector<16xi32>
        %convert_element_type3A_264 = arith.extui %lt3A : vector<16xi1> to vector<16xi32>
        %broadcast_in_dim3A_265 = arith.constant true
        %broadcast_in_dim3A_266 = vector.broadcast %broadcast_in_dim3A_265 : i1 to vector<16xi1>
        %masked_cumsum3A_267 = tpu.scan <sum>, %convert_element_type3A_264 masked %broadcast_in_dim3A_266 : vector<16xi32>, vector<16xi1> -> vector<16xi32>
        %add3A_268 = arith.addi %scan3A_259, %masked_cumsum3A_267 : vector<16xi32>
        %sub3A_269 = arith.subi %add3A_268, %convert_element_type3A_264 : vector<16xi32>
        tpu.vector_store_idx %arg8[%sub3A_269], %get3A_263 masked %lt3A : memref<20016xi32, #tpu.memory_space<vmem>>[vector<16xi32>], vector<16xi32>, vector<16xi1>
        %all_reduce_population_count3A = tpu.all_reduce %lt3A {dim = 0 : i64, kind = #tpu.reduction_kind<sum>} : vector<16xi1> -> vector<16xi32>
        %add3A_270 = arith.addi %scan3A_259, %all_reduce_population_count3A : vector<16xi32>
        %add3A_271 = arith.constant 16 : i32
        %add3A_272 = arith.addi %multiple_of3A, %add3A_271 : i32
        %get3A_273 = arith.index_cast %add3A_272 : i32 to index
        %get3A_274 = tpu.vector_load %arg10[%get3A_273] {strides = array<i32>} : memref<2000xi32, #tpu.memory_space<vmem>>, vector<16xi32>,
        %lt3A_275 = arith.cmpi slt, %get3A_274, %scan3A_73 : vector<16xi32>
        %convert_element_type3A_276 = arith.extui %lt3A_275 : vector<16xi1> to vector<16xi32>
        %broadcast_in_dim3A_277 = arith.constant true
        %broadcast_in_dim3A_278 = vector.broadcast %broadcast_in_dim3A_277 : i1 to vector<16xi1>
        %masked_cumsum3A_279 = tpu.scan <sum>, %convert_element_type3A_276 masked %broadcast_in_dim3A_278 : vector<16xi32>, vector<16xi1> -> vector<16xi32>
        %add3A_280 = arith.addi %add3A_270, %masked_cumsum3A_279 : vector<16xi32>
        %sub3A_281 = arith.subi %add3A_280, %convert_element_type3A_276 : vector<16xi32>
        tpu.vector_store_idx %arg8[%sub3A_281], %get3A_274 masked %lt3A_275 : memref<20016xi32, #tpu.memory_space<vmem>>[vector<16xi32>], vector<16xi32>, vector<16xi1>
        %all_reduce_population_count3A_282 = tpu.all_reduce %lt3A_275 {dim = 0 : i64, kind = #tpu.reduction_kind<sum>} : vector<16xi1> -> vector<16xi32>
        %add3A_283 = arith.addi %add3A_270, %all_reduce_population_count3A_282 : vector<16xi32>
        %add3A_284 = arith.constant 32 : i32
        %add3A_285 = arith.addi %multiple_of3A, %add3A_284 : i32
        %get3A_286 = arith.index_cast %add3A_285 : i32 to index
        %get3A_287 = tpu.vector_load %arg10[%get3A_286] {strides = array<i32>} : memref<2000xi32, #tpu.memory_space<vmem>>, vector<16xi32>,
        %lt3A_288 = arith.cmpi slt, %get3A_287, %scan3A_73 : vector<16xi32>
        %convert_element_type3A_289 = arith.extui %lt3A_288 : vector<16xi1> to vector<16xi32>
        %broadcast_in_dim3A_290 = arith.constant true
        %broadcast_in_dim3A_291 = vector.broadcast %broadcast_in_dim3A_290 : i1 to vector<16xi1>
        %masked_cumsum3A_292 = tpu.scan <sum>, %convert_element_type3A_289 masked %broadcast_in_dim3A_291 : vector<16xi32>, vector<16xi1> -> vector<16xi32>
        %add3A_293 = arith.addi %add3A_283, %masked_cumsum3A_292 : vector<16xi32>
        %sub3A_294 = arith.subi %add3A_293, %convert_element_type3A_289 : vector<16xi32>
        tpu.vector_store_idx %arg8[%sub3A_294], %get3A_287 masked %lt3A_288 : memref<20016xi32, #tpu.memory_space<vmem>>[vector<16xi32>], vector<16xi32>, vector<16xi1>
        %all_reduce_population_count3A_295 = tpu.all_reduce %lt3A_288 {dim = 0 : i64, kind = #tpu.reduction_kind<sum>} : vector<16xi1> -> vector<16xi32>
        %add3A_296 = arith.addi %add3A_283, %all_reduce_population_count3A_295 : vector<16xi32>
        %add3A_297 = arith.constant 48 : i32
        %add3A_298 = arith.addi %multiple_of3A, %add3A_297 : i32
        %get3A_299 = arith.index_cast %add3A_298 : i32 to index
        %get3A_300 = tpu.vector_load %arg10[%get3A_299] {strides = array<i32>} : memref<2000xi32, #tpu.memory_space<vmem>>, vector<16xi32>,
        %lt3A_301 = arith.cmpi slt, %get3A_300, %scan3A_73 : vector<16xi32>
        %convert_element_type3A_302 = arith.extui %lt3A_301 : vector<16xi1> to vector<16xi32>
        %broadcast_in_dim3A_303 = arith.constant true
        %broadcast_in_dim3A_304 = vector.broadcast %broadcast_in_dim3A_303 : i1 to vector<16xi1>
        %masked_cumsum3A_305 = tpu.scan <sum>, %convert_element_type3A_302 masked %broadcast_in_dim3A_304 : vector<16xi32>, vector<16xi1> -> vector<16xi32>
        %add3A_306 = arith.addi %add3A_296, %masked_cumsum3A_305 : vector<16xi32>
        %sub3A_307 = arith.subi %add3A_306, %convert_element_type3A_302 : vector<16xi32>
        tpu.vector_store_idx %arg8[%sub3A_307], %get3A_300 masked %lt3A_301 : memref<20016xi32, #tpu.memory_space<vmem>>[vector<16xi32>], vector<16xi32>, vector<16xi1>
        %all_reduce_population_count3A_308 = tpu.all_reduce %lt3A_301 {dim = 0 : i64, kind = #tpu.reduction_kind<sum>} : vector<16xi1> -> vector<16xi32>
        %add3A_309 = arith.addi %add3A_296, %all_reduce_population_count3A_308 : vector<16xi32>
        %add3A_310 = arith.constant 64 : i32
        %add3A_311 = arith.addi %multiple_of3A, %add3A_310 : i32
        %get3A_312 = arith.index_cast %add3A_311 : i32 to index
        %get3A_313 = tpu.vector_load %arg10[%get3A_312] {strides = array<i32>} : memref<2000xi32, #tpu.memory_space<vmem>>, vector<16xi32>,
        %lt3A_314 = arith.cmpi slt, %get3A_313, %scan3A_73 : vector<16xi32>
        %convert_element_type3A_315 = arith.extui %lt3A_314 : vector<16xi1> to vector<16xi32>
        %broadcast_in_dim3A_316 = arith.constant true
        %broadcast_in_dim3A_317 = vector.broadcast %broadcast_in_dim3A_316 : i1 to vector<16xi1>
        %masked_cumsum3A_318 = tpu.scan <sum>, %convert_element_type3A_315 masked %broadcast_in_dim3A_317 : vector<16xi32>, vector<16xi1> -> vector<16xi32>
        %add3A_319 = arith.addi %add3A_309, %masked_cumsum3A_318 : vector<16xi32>
        %sub3A_320 = arith.subi %add3A_319, %convert_element_type3A_315 : vector<16xi32>
        tpu.vector_store_idx %arg8[%sub3A_320], %get3A_313 masked %lt3A_314 : memref<20016xi32, #tpu.memory_space<vmem>>[vector<16xi32>], vector<16xi32>, vector<16xi1>
        %all_reduce_population_count3A_321 = tpu.all_reduce %lt3A_314 {dim = 0 : i64, kind = #tpu.reduction_kind<sum>} : vector<16xi1> -> vector<16xi32>
        %add3A_322 = arith.addi %add3A_309, %all_reduce_population_count3A_321 : vector<16xi32>
        scf.yield %add3A_322 : vector<16xi32>
      }
      %scan3A_86 = arith.constant 25 : i32
      "tpu.region"() ({
        %run_scoped3A = tpu.sem_alloc : memref<!tpu.dma_semaphore, #tpu.memory_space<semaphore_mem>>
        %dma_start3A = arith.constant 4000 : i32
        %dma_start3A_258 = tpu.memref_slice %arg3[%dma_start3A] : memref<20000xi32, #tpu.memory_space<hbm>> -> memref<2000xi32, #tpu.memory_space<hbm>>
        %dma_start3A_259 = arith.constant 4000 : i32
        %dma_start3A_260 = tpu.memref_slice %arg3[%dma_start3A_259] : memref<20000xi32, #tpu.memory_space<hbm>> -> memref<2000xi32, #tpu.memory_space<hbm>>
        tpu.enqueue_dma source(%dma_start3A_260 : memref<2000xi32, #tpu.memory_space<hbm>>) target(%arg10 : memref<2000xi32, #tpu.memory_space<vmem>>) target_semaphore(%run_scoped3A : memref<!tpu.dma_semaphore, #tpu.memory_space<semaphore_mem>>)
        %dma_wait3A = arith.constant 4000 : i32
        %dma_wait3A_261 = tpu.memref_slice %arg3[%dma_wait3A] : memref<20000xi32, #tpu.memory_space<hbm>> -> memref<2000xi32, #tpu.memory_space<hbm>>
        %dma_wait3A_262 = arith.constant 4000 : i32
        %dma_wait3A_263 = tpu.memref_slice %arg3[%dma_wait3A_262] : memref<20000xi32, #tpu.memory_space<hbm>> -> memref<2000xi32, #tpu.memory_space<hbm>>
        tpu.wait_dma2 semaphore(%run_scoped3A : memref<!tpu.dma_semaphore, #tpu.memory_space<semaphore_mem>>) src(%dma_wait3A_263 : memref<2000xi32, #tpu.memory_space<hbm>>) dst(%arg10 : memref<2000xi32, #tpu.memory_space<vmem>>)
        tpu.yield
      }) : () -> ()
      %scan3A_87 = arith.constant 0 : i32
      %scan3A_88 = arith.constant 25 : i32
      %scan3A_89 = arith.addi %scan3A_87, %scan3A_88 : i32
      %scan3A_90 = arith.constant 1 : i32
      %scan3A_91 = scf.for %scan3A_258 = %scan3A_87 to %scan3A_89 step %scan3A_90 iter_args(%scan3A_259 = %scan3A_85) -> (vector<16xi32>)  : i32 {
        %mul3A = arith.constant 80 : i32
        %mul3A_260 = arith.muli %scan3A_258, %mul3A : i32
        %multiple_of3A = tpu.assume_multiple %mul3A_260, 16 : i32
        %add3A_261 = arith.constant 0 : i32
        %add3A_262 = arith.addi %multiple_of3A, %add3A_261 : i32
        %get3A = arith.index_cast %add3A_262 : i32 to index
        %get3A_263 = tpu.vector_load %arg10[%get3A] {strides = array<i32>} : memref<2000xi32, #tpu.memory_space<vmem>>, vector<16xi32>,
        %lt3A = arith.cmpi slt, %get3A_263, %scan3A_73 : vector<16xi32>
        %convert_element_type3A_264 = arith.extui %lt3A : vector<16xi1> to vector<16xi32>
        %broadcast_in_dim3A_265 = arith.constant true
        %broadcast_in_dim3A_266 = vector.broadcast %broadcast_in_dim3A_265 : i1 to vector<16xi1>
        %masked_cumsum3A_267 = tpu.scan <sum>, %convert_element_type3A_264 masked %broadcast_in_dim3A_266 : vector<16xi32>, vector<16xi1> -> vector<16xi32>
        %add3A_268 = arith.addi %scan3A_259, %masked_cumsum3A_267 : vector<16xi32>
        %sub3A_269 = arith.subi %add3A_268, %convert_element_type3A_264 : vector<16xi32>
        tpu.vector_store_idx %arg8[%sub3A_269], %get3A_263 masked %lt3A : memref<20016xi32, #tpu.memory_space<vmem>>[vector<16xi32>], vector<16xi32>, vector<16xi1>
        %all_reduce_population_count3A = tpu.all_reduce %lt3A {dim = 0 : i64, kind = #tpu.reduction_kind<sum>} : vector<16xi1> -> vector<16xi32>
        %add3A_270 = arith.addi %scan3A_259, %all_reduce_population_count3A : vector<16xi32>
        %add3A_271 = arith.constant 16 : i32
        %add3A_272 = arith.addi %multiple_of3A, %add3A_271 : i32
        %get3A_273 = arith.index_cast %add3A_272 : i32 to index
        %get3A_274 = tpu.vector_load %arg10[%get3A_273] {strides = array<i32>} : memref<2000xi32, #tpu.memory_space<vmem>>, vector<16xi32>,
        %lt3A_275 = arith.cmpi slt, %get3A_274, %scan3A_73 : vector<16xi32>
        %convert_element_type3A_276 = arith.extui %lt3A_275 : vector<16xi1> to vector<16xi32>
        %broadcast_in_dim3A_277 = arith.constant true
        %broadcast_in_dim3A_278 = vector.broadcast %broadcast_in_dim3A_277 : i1 to vector<16xi1>
        %masked_cumsum3A_279 = tpu.scan <sum>, %convert_element_type3A_276 masked %broadcast_in_dim3A_278 : vector<16xi32>, vector<16xi1> -> vector<16xi32>
        %add3A_280 = arith.addi %add3A_270, %masked_cumsum3A_279 : vector<16xi32>
        %sub3A_281 = arith.subi %add3A_280, %convert_element_type3A_276 : vector<16xi32>
        tpu.vector_store_idx %arg8[%sub3A_281], %get3A_274 masked %lt3A_275 : memref<20016xi32, #tpu.memory_space<vmem>>[vector<16xi32>], vector<16xi32>, vector<16xi1>
        %all_reduce_population_count3A_282 = tpu.all_reduce %lt3A_275 {dim = 0 : i64, kind = #tpu.reduction_kind<sum>} : vector<16xi1> -> vector<16xi32>
        %add3A_283 = arith.addi %add3A_270, %all_reduce_population_count3A_282 : vector<16xi32>
        %add3A_284 = arith.constant 32 : i32
        %add3A_285 = arith.addi %multiple_of3A, %add3A_284 : i32
        %get3A_286 = arith.index_cast %add3A_285 : i32 to index
        %get3A_287 = tpu.vector_load %arg10[%get3A_286] {strides = array<i32>} : memref<2000xi32, #tpu.memory_space<vmem>>, vector<16xi32>,
        %lt3A_288 = arith.cmpi slt, %get3A_287, %scan3A_73 : vector<16xi32>
        %convert_element_type3A_289 = arith.extui %lt3A_288 : vector<16xi1> to vector<16xi32>
        %broadcast_in_dim3A_290 = arith.constant true
        %broadcast_in_dim3A_291 = vector.broadcast %broadcast_in_dim3A_290 : i1 to vector<16xi1>
        %masked_cumsum3A_292 = tpu.scan <sum>, %convert_element_type3A_289 masked %broadcast_in_dim3A_291 : vector<16xi32>, vector<16xi1> -> vector<16xi32>
        %add3A_293 = arith.addi %add3A_283, %masked_cumsum3A_292 : vector<16xi32>
        %sub3A_294 = arith.subi %add3A_293, %convert_element_type3A_289 : vector<16xi32>
        tpu.vector_store_idx %arg8[%sub3A_294], %get3A_287 masked %lt3A_288 : memref<20016xi32, #tpu.memory_space<vmem>>[vector<16xi32>], vector<16xi32>, vector<16xi1>
        %all_reduce_population_count3A_295 = tpu.all_reduce %lt3A_288 {dim = 0 : i64, kind = #tpu.reduction_kind<sum>} : vector<16xi1> -> vector<16xi32>
        %add3A_296 = arith.addi %add3A_283, %all_reduce_population_count3A_295 : vector<16xi32>
        %add3A_297 = arith.constant 48 : i32
        %add3A_298 = arith.addi %multiple_of3A, %add3A_297 : i32
        %get3A_299 = arith.index_cast %add3A_298 : i32 to index
        %get3A_300 = tpu.vector_load %arg10[%get3A_299] {strides = array<i32>} : memref<2000xi32, #tpu.memory_space<vmem>>, vector<16xi32>,
        %lt3A_301 = arith.cmpi slt, %get3A_300, %scan3A_73 : vector<16xi32>
        %convert_element_type3A_302 = arith.extui %lt3A_301 : vector<16xi1> to vector<16xi32>
        %broadcast_in_dim3A_303 = arith.constant true
        %broadcast_in_dim3A_304 = vector.broadcast %broadcast_in_dim3A_303 : i1 to vector<16xi1>
        %masked_cumsum3A_305 = tpu.scan <sum>, %convert_element_type3A_302 masked %broadcast_in_dim3A_304 : vector<16xi32>, vector<16xi1> -> vector<16xi32>
        %add3A_306 = arith.addi %add3A_296, %masked_cumsum3A_305 : vector<16xi32>
        %sub3A_307 = arith.subi %add3A_306, %convert_element_type3A_302 : vector<16xi32>
        tpu.vector_store_idx %arg8[%sub3A_307], %get3A_300 masked %lt3A_301 : memref<20016xi32, #tpu.memory_space<vmem>>[vector<16xi32>], vector<16xi32>, vector<16xi1>
        %all_reduce_population_count3A_308 = tpu.all_reduce %lt3A_301 {dim = 0 : i64, kind = #tpu.reduction_kind<sum>} : vector<16xi1> -> vector<16xi32>
        %add3A_309 = arith.addi %add3A_296, %all_reduce_population_count3A_308 : vector<16xi32>
        %add3A_310 = arith.constant 64 : i32
        %add3A_311 = arith.addi %multiple_of3A, %add3A_310 : i32
        %get3A_312 = arith.index_cast %add3A_311 : i32 to index
        %get3A_313 = tpu.vector_load %arg10[%get3A_312] {strides = array<i32>} : memref<2000xi32, #tpu.memory_space<vmem>>, vector<16xi32>,
        %lt3A_314 = arith.cmpi slt, %get3A_313, %scan3A_73 : vector<16xi32>
        %convert_element_type3A_315 = arith.extui %lt3A_314 : vector<16xi1> to vector<16xi32>
        %broadcast_in_dim3A_316 = arith.constant true
        %broadcast_in_dim3A_317 = vector.broadcast %broadcast_in_dim3A_316 : i1 to vector<16xi1>
        %masked_cumsum3A_318 = tpu.scan <sum>, %convert_element_type3A_315 masked %broadcast_in_dim3A_317 : vector<16xi32>, vector<16xi1> -> vector<16xi32>
        %add3A_319 = arith.addi %add3A_309, %masked_cumsum3A_318 : vector<16xi32>
        %sub3A_320 = arith.subi %add3A_319, %convert_element_type3A_315 : vector<16xi32>
        tpu.vector_store_idx %arg8[%sub3A_320], %get3A_313 masked %lt3A_314 : memref<20016xi32, #tpu.memory_space<vmem>>[vector<16xi32>], vector<16xi32>, vector<16xi1>
        %all_reduce_population_count3A_321 = tpu.all_reduce %lt3A_314 {dim = 0 : i64, kind = #tpu.reduction_kind<sum>} : vector<16xi1> -> vector<16xi32>
        %add3A_322 = arith.addi %add3A_309, %all_reduce_population_count3A_321 : vector<16xi32>
        scf.yield %add3A_322 : vector<16xi32>
      }
      %scan3A_92 = arith.constant 25 : i32
      "tpu.region"() ({
        %run_scoped3A = tpu.sem_alloc : memref<!tpu.dma_semaphore, #tpu.memory_space<semaphore_mem>>
        %dma_start3A = arith.constant 6000 : i32
        %dma_start3A_258 = tpu.memref_slice %arg3[%dma_start3A] : memref<20000xi32, #tpu.memory_space<hbm>> -> memref<2000xi32, #tpu.memory_space<hbm>>
        %dma_start3A_259 = arith.constant 6000 : i32
        %dma_start3A_260 = tpu.memref_slice %arg3[%dma_start3A_259] : memref<20000xi32, #tpu.memory_space<hbm>> -> memref<2000xi32, #tpu.memory_space<hbm>>
        tpu.enqueue_dma source(%dma_start3A_260 : memref<2000xi32, #tpu.memory_space<hbm>>) target(%arg10 : memref<2000xi32, #tpu.memory_space<vmem>>) target_semaphore(%run_scoped3A : memref<!tpu.dma_semaphore, #tpu.memory_space<semaphore_mem>>)
        %dma_wait3A = arith.constant 6000 : i32
        %dma_wait3A_261 = tpu.memref_slice %arg3[%dma_wait3A] : memref<20000xi32, #tpu.memory_space<hbm>> -> memref<2000xi32, #tpu.memory_space<hbm>>
        %dma_wait3A_262 = arith.constant 6000 : i32
        %dma_wait3A_263 = tpu.memref_slice %arg3[%dma_wait3A_262] : memref<20000xi32, #tpu.memory_space<hbm>> -> memref<2000xi32, #tpu.memory_space<hbm>>
        tpu.wait_dma2 semaphore(%run_scoped3A : memref<!tpu.dma_semaphore, #tpu.memory_space<semaphore_mem>>) src(%dma_wait3A_263 : memref<2000xi32, #tpu.memory_space<hbm>>) dst(%arg10 : memref<2000xi32, #tpu.memory_space<vmem>>)
        tpu.yield
      }) : () -> ()
      %scan3A_93 = arith.constant 0 : i32
      %scan3A_94 = arith.constant 25 : i32
      %scan3A_95 = arith.addi %scan3A_93, %scan3A_94 : i32
      %scan3A_96 = arith.constant 1 : i32
      %scan3A_97 = scf.for %scan3A_258 = %scan3A_93 to %scan3A_95 step %scan3A_96 iter_args(%scan3A_259 = %scan3A_91) -> (vector<16xi32>)  : i32 {
        %mul3A = arith.constant 80 : i32
        %mul3A_260 = arith.muli %scan3A_258, %mul3A : i32
        %multiple_of3A = tpu.assume_multiple %mul3A_260, 16 : i32
        %add3A_261 = arith.constant 0 : i32
        %add3A_262 = arith.addi %multiple_of3A, %add3A_261 : i32
        %get3A = arith.index_cast %add3A_262 : i32 to index
        %get3A_263 = tpu.vector_load %arg10[%get3A] {strides = array<i32>} : memref<2000xi32, #tpu.memory_space<vmem>>, vector<16xi32>,
        %lt3A = arith.cmpi slt, %get3A_263, %scan3A_73 : vector<16xi32>
        %convert_element_type3A_264 = arith.extui %lt3A : vector<16xi1> to vector<16xi32>
        %broadcast_in_dim3A_265 = arith.constant true
        %broadcast_in_dim3A_266 = vector.broadcast %broadcast_in_dim3A_265 : i1 to vector<16xi1>
        %masked_cumsum3A_267 = tpu.scan <sum>, %convert_element_type3A_264 masked %broadcast_in_dim3A_266 : vector<16xi32>, vector<16xi1> -> vector<16xi32>
        %add3A_268 = arith.addi %scan3A_259, %masked_cumsum3A_267 : vector<16xi32>
        %sub3A_269 = arith.subi %add3A_268, %convert_element_type3A_264 : vector<16xi32>
        tpu.vector_store_idx %arg8[%sub3A_269], %get3A_263 masked %lt3A : memref<20016xi32, #tpu.memory_space<vmem>>[vector<16xi32>], vector<16xi32>, vector<16xi1>
        %all_reduce_population_count3A = tpu.all_reduce %lt3A {dim = 0 : i64, kind = #tpu.reduction_kind<sum>} : vector<16xi1> -> vector<16xi32>
        %add3A_270 = arith.addi %scan3A_259, %all_reduce_population_count3A : vector<16xi32>
        %add3A_271 = arith.constant 16 : i32
        %add3A_272 = arith.addi %multiple_of3A, %add3A_271 : i32
        %get3A_273 = arith.index_cast %add3A_272 : i32 to index
        %get3A_274 = tpu.vector_load %arg10[%get3A_273] {strides = array<i32>} : memref<2000xi32, #tpu.memory_space<vmem>>, vector<16xi32>,
        %lt3A_275 = arith.cmpi slt, %get3A_274, %scan3A_73 : vector<16xi32>
        %convert_element_type3A_276 = arith.extui %lt3A_275 : vector<16xi1> to vector<16xi32>
        %broadcast_in_dim3A_277 = arith.constant true
        %broadcast_in_dim3A_278 = vector.broadcast %broadcast_in_dim3A_277 : i1 to vector<16xi1>
        %masked_cumsum3A_279 = tpu.scan <sum>, %convert_element_type3A_276 masked %broadcast_in_dim3A_278 : vector<16xi32>, vector<16xi1> -> vector<16xi32>
        %add3A_280 = arith.addi %add3A_270, %masked_cumsum3A_279 : vector<16xi32>
        %sub3A_281 = arith.subi %add3A_280, %convert_element_type3A_276 : vector<16xi32>
        tpu.vector_store_idx %arg8[%sub3A_281], %get3A_274 masked %lt3A_275 : memref<20016xi32, #tpu.memory_space<vmem>>[vector<16xi32>], vector<16xi32>, vector<16xi1>
        %all_reduce_population_count3A_282 = tpu.all_reduce %lt3A_275 {dim = 0 : i64, kind = #tpu.reduction_kind<sum>} : vector<16xi1> -> vector<16xi32>
        %add3A_283 = arith.addi %add3A_270, %all_reduce_population_count3A_282 : vector<16xi32>
        %add3A_284 = arith.constant 32 : i32
        %add3A_285 = arith.addi %multiple_of3A, %add3A_284 : i32
        %get3A_286 = arith.index_cast %add3A_285 : i32 to index
        %get3A_287 = tpu.vector_load %arg10[%get3A_286] {strides = array<i32>} : memref<2000xi32, #tpu.memory_space<vmem>>, vector<16xi32>,
        %lt3A_288 = arith.cmpi slt, %get3A_287, %scan3A_73 : vector<16xi32>
        %convert_element_type3A_289 = arith.extui %lt3A_288 : vector<16xi1> to vector<16xi32>
        %broadcast_in_dim3A_290 = arith.constant true
        %broadcast_in_dim3A_291 = vector.broadcast %broadcast_in_dim3A_290 : i1 to vector<16xi1>
        %masked_cumsum3A_292 = tpu.scan <sum>, %convert_element_type3A_289 masked %broadcast_in_dim3A_291 : vector<16xi32>, vector<16xi1> -> vector<16xi32>
        %add3A_293 = arith.addi %add3A_283, %masked_cumsum3A_292 : vector<16xi32>
        %sub3A_294 = arith.subi %add3A_293, %convert_element_type3A_289 : vector<16xi32>
        tpu.vector_store_idx %arg8[%sub3A_294], %get3A_287 masked %lt3A_288 : memref<20016xi32, #tpu.memory_space<vmem>>[vector<16xi32>], vector<16xi32>, vector<16xi1>
        %all_reduce_population_count3A_295 = tpu.all_reduce %lt3A_288 {dim = 0 : i64, kind = #tpu.reduction_kind<sum>} : vector<16xi1> -> vector<16xi32>
        %add3A_296 = arith.addi %add3A_283, %all_reduce_population_count3A_295 : vector<16xi32>
        %add3A_297 = arith.constant 48 : i32
        %add3A_298 = arith.addi %multiple_of3A, %add3A_297 : i32
        %get3A_299 = arith.index_cast %add3A_298 : i32 to index
        %get3A_300 = tpu.vector_load %arg10[%get3A_299] {strides = array<i32>} : memref<2000xi32, #tpu.memory_space<vmem>>, vector<16xi32>,
        %lt3A_301 = arith.cmpi slt, %get3A_300, %scan3A_73 : vector<16xi32>
        %convert_element_type3A_302 = arith.extui %lt3A_301 : vector<16xi1> to vector<16xi32>
        %broadcast_in_dim3A_303 = arith.constant true
        %broadcast_in_dim3A_304 = vector.broadcast %broadcast_in_dim3A_303 : i1 to vector<16xi1>
        %masked_cumsum3A_305 = tpu.scan <sum>, %convert_element_type3A_302 masked %broadcast_in_dim3A_304 : vector<16xi32>, vector<16xi1> -> vector<16xi32>
        %add3A_306 = arith.addi %add3A_296, %masked_cumsum3A_305 : vector<16xi32>
        %sub3A_307 = arith.subi %add3A_306, %convert_element_type3A_302 : vector<16xi32>
        tpu.vector_store_idx %arg8[%sub3A_307], %get3A_300 masked %lt3A_301 : memref<20016xi32, #tpu.memory_space<vmem>>[vector<16xi32>], vector<16xi32>, vector<16xi1>
        %all_reduce_population_count3A_308 = tpu.all_reduce %lt3A_301 {dim = 0 : i64, kind = #tpu.reduction_kind<sum>} : vector<16xi1> -> vector<16xi32>
        %add3A_309 = arith.addi %add3A_296, %all_reduce_population_count3A_308 : vector<16xi32>
        %add3A_310 = arith.constant 64 : i32
        %add3A_311 = arith.addi %multiple_of3A, %add3A_310 : i32
        %get3A_312 = arith.index_cast %add3A_311 : i32 to index
        %get3A_313 = tpu.vector_load %arg10[%get3A_312] {strides = array<i32>} : memref<2000xi32, #tpu.memory_space<vmem>>, vector<16xi32>,
        %lt3A_314 = arith.cmpi slt, %get3A_313, %scan3A_73 : vector<16xi32>
        %convert_element_type3A_315 = arith.extui %lt3A_314 : vector<16xi1> to vector<16xi32>
        %broadcast_in_dim3A_316 = arith.constant true
        %broadcast_in_dim3A_317 = vector.broadcast %broadcast_in_dim3A_316 : i1 to vector<16xi1>
        %masked_cumsum3A_318 = tpu.scan <sum>, %convert_element_type3A_315 masked %broadcast_in_dim3A_317 : vector<16xi32>, vector<16xi1> -> vector<16xi32>
        %add3A_319 = arith.addi %add3A_309, %masked_cumsum3A_318 : vector<16xi32>
        %sub3A_320 = arith.subi %add3A_319, %convert_element_type3A_315 : vector<16xi32>
        tpu.vector_store_idx %arg8[%sub3A_320], %get3A_313 masked %lt3A_314 : memref<20016xi32, #tpu.memory_space<vmem>>[vector<16xi32>], vector<16xi32>, vector<16xi1>
        %all_reduce_population_count3A_321 = tpu.all_reduce %lt3A_314 {dim = 0 : i64, kind = #tpu.reduction_kind<sum>} : vector<16xi1> -> vector<16xi32>
        %add3A_322 = arith.addi %add3A_309, %all_reduce_population_count3A_321 : vector<16xi32>
        scf.yield %add3A_322 : vector<16xi32>
      }
      %scan3A_98 = arith.constant 25 : i32
      "tpu.region"() ({
        %run_scoped3A = tpu.sem_alloc : memref<!tpu.dma_semaphore, #tpu.memory_space<semaphore_mem>>
        %dma_start3A = arith.constant 8000 : i32
        %dma_start3A_258 = tpu.memref_slice %arg3[%dma_start3A] : memref<20000xi32, #tpu.memory_space<hbm>> -> memref<2000xi32, #tpu.memory_space<hbm>>
        %dma_start3A_259 = arith.constant 8000 : i32
        %dma_start3A_260 = tpu.memref_slice %arg3[%dma_start3A_259] : memref<20000xi32, #tpu.memory_space<hbm>> -> memref<2000xi32, #tpu.memory_space<hbm>>
        tpu.enqueue_dma source(%dma_start3A_260 : memref<2000xi32, #tpu.memory_space<hbm>>) target(%arg10 : memref<2000xi32, #tpu.memory_space<vmem>>) target_semaphore(%run_scoped3A : memref<!tpu.dma_semaphore, #tpu.memory_space<semaphore_mem>>)
        %dma_wait3A = arith.constant 8000 : i32
        %dma_wait3A_261 = tpu.memref_slice %arg3[%dma_wait3A] : memref<20000xi32, #tpu.memory_space<hbm>> -> memref<2000xi32, #tpu.memory_space<hbm>>
        %dma_wait3A_262 = arith.constant 8000 : i32
        %dma_wait3A_263 = tpu.memref_slice %arg3[%dma_wait3A_262] : memref<20000xi32, #tpu.memory_space<hbm>> -> memref<2000xi32, #tpu.memory_space<hbm>>
        tpu.wait_dma2 semaphore(%run_scoped3A : memref<!tpu.dma_semaphore, #tpu.memory_space<semaphore_mem>>) src(%dma_wait3A_263 : memref<2000xi32, #tpu.memory_space<hbm>>) dst(%arg10 : memref<2000xi32, #tpu.memory_space<vmem>>)
        tpu.yield
      }) : () -> ()
      %scan3A_99 = arith.constant 0 : i32
      %scan3A_100 = arith.constant 25 : i32
      %scan3A_101 = arith.addi %scan3A_99, %scan3A_100 : i32
      %scan3A_102 = arith.constant 1 : i32
      %scan3A_103 = scf.for %scan3A_258 = %scan3A_99 to %scan3A_101 step %scan3A_102 iter_args(%scan3A_259 = %scan3A_97) -> (vector<16xi32>)  : i32 {
        %mul3A = arith.constant 80 : i32
        %mul3A_260 = arith.muli %scan3A_258, %mul3A : i32
        %multiple_of3A = tpu.assume_multiple %mul3A_260, 16 : i32
        %add3A_261 = arith.constant 0 : i32
        %add3A_262 = arith.addi %multiple_of3A, %add3A_261 : i32
        %get3A = arith.index_cast %add3A_262 : i32 to index
        %get3A_263 = tpu.vector_load %arg10[%get3A] {strides = array<i32>} : memref<2000xi32, #tpu.memory_space<vmem>>, vector<16xi32>,
        %lt3A = arith.cmpi slt, %get3A_263, %scan3A_73 : vector<16xi32>
        %convert_element_type3A_264 = arith.extui %lt3A : vector<16xi1> to vector<16xi32>
        %broadcast_in_dim3A_265 = arith.constant true
        %broadcast_in_dim3A_266 = vector.broadcast %broadcast_in_dim3A_265 : i1 to vector<16xi1>
        %masked_cumsum3A_267 = tpu.scan <sum>, %convert_element_type3A_264 masked %broadcast_in_dim3A_266 : vector<16xi32>, vector<16xi1> -> vector<16xi32>
        %add3A_268 = arith.addi %scan3A_259, %masked_cumsum3A_267 : vector<16xi32>
        %sub3A_269 = arith.subi %add3A_268, %convert_element_type3A_264 : vector<16xi32>
        tpu.vector_store_idx %arg8[%sub3A_269], %get3A_263 masked %lt3A : memref<20016xi32, #tpu.memory_space<vmem>>[vector<16xi32>], vector<16xi32>, vector<16xi1>
        %all_reduce_population_count3A = tpu.all_reduce %lt3A {dim = 0 : i64, kind = #tpu.reduction_kind<sum>} : vector<16xi1> -> vector<16xi32>
        %add3A_270 = arith.addi %scan3A_259, %all_reduce_population_count3A : vector<16xi32>
        %add3A_271 = arith.constant 16 : i32
        %add3A_272 = arith.addi %multiple_of3A, %add3A_271 : i32
        %get3A_273 = arith.index_cast %add3A_272 : i32 to index
        %get3A_274 = tpu.vector_load %arg10[%get3A_273] {strides = array<i32>} : memref<2000xi32, #tpu.memory_space<vmem>>, vector<16xi32>,
        %lt3A_275 = arith.cmpi slt, %get3A_274, %scan3A_73 : vector<16xi32>
        %convert_element_type3A_276 = arith.extui %lt3A_275 : vector<16xi1> to vector<16xi32>
        %broadcast_in_dim3A_277 = arith.constant true
        %broadcast_in_dim3A_278 = vector.broadcast %broadcast_in_dim3A_277 : i1 to vector<16xi1>
        %masked_cumsum3A_279 = tpu.scan <sum>, %convert_element_type3A_276 masked %broadcast_in_dim3A_278 : vector<16xi32>, vector<16xi1> -> vector<16xi32>
        %add3A_280 = arith.addi %add3A_270, %masked_cumsum3A_279 : vector<16xi32>
        %sub3A_281 = arith.subi %add3A_280, %convert_element_type3A_276 : vector<16xi32>
        tpu.vector_store_idx %arg8[%sub3A_281], %get3A_274 masked %lt3A_275 : memref<20016xi32, #tpu.memory_space<vmem>>[vector<16xi32>], vector<16xi32>, vector<16xi1>
        %all_reduce_population_count3A_282 = tpu.all_reduce %lt3A_275 {dim = 0 : i64, kind = #tpu.reduction_kind<sum>} : vector<16xi1> -> vector<16xi32>
        %add3A_283 = arith.addi %add3A_270, %all_reduce_population_count3A_282 : vector<16xi32>
        %add3A_284 = arith.constant 32 : i32
        %add3A_285 = arith.addi %multiple_of3A, %add3A_284 : i32
        %get3A_286 = arith.index_cast %add3A_285 : i32 to index
        %get3A_287 = tpu.vector_load %arg10[%get3A_286] {strides = array<i32>} : memref<2000xi32, #tpu.memory_space<vmem>>, vector<16xi32>,
        %lt3A_288 = arith.cmpi slt, %get3A_287, %scan3A_73 : vector<16xi32>
        %convert_element_type3A_289 = arith.extui %lt3A_288 : vector<16xi1> to vector<16xi32>
        %broadcast_in_dim3A_290 = arith.constant true
        %broadcast_in_dim3A_291 = vector.broadcast %broadcast_in_dim3A_290 : i1 to vector<16xi1>
        %masked_cumsum3A_292 = tpu.scan <sum>, %convert_element_type3A_289 masked %broadcast_in_dim3A_291 : vector<16xi32>, vector<16xi1> -> vector<16xi32>
        %add3A_293 = arith.addi %add3A_283, %masked_cumsum3A_292 : vector<16xi32>
        %sub3A_294 = arith.subi %add3A_293, %convert_element_type3A_289 : vector<16xi32>
        tpu.vector_store_idx %arg8[%sub3A_294], %get3A_287 masked %lt3A_288 : memref<20016xi32, #tpu.memory_space<vmem>>[vector<16xi32>], vector<16xi32>, vector<16xi1>
        %all_reduce_population_count3A_295 = tpu.all_reduce %lt3A_288 {dim = 0 : i64, kind = #tpu.reduction_kind<sum>} : vector<16xi1> -> vector<16xi32>
        %add3A_296 = arith.addi %add3A_283, %all_reduce_population_count3A_295 : vector<16xi32>
        %add3A_297 = arith.constant 48 : i32
        %add3A_298 = arith.addi %multiple_of3A, %add3A_297 : i32
        %get3A_299 = arith.index_cast %add3A_298 : i32 to index
        %get3A_300 = tpu.vector_load %arg10[%get3A_299] {strides = array<i32>} : memref<2000xi32, #tpu.memory_space<vmem>>, vector<16xi32>,
        %lt3A_301 = arith.cmpi slt, %get3A_300, %scan3A_73 : vector<16xi32>
        %convert_element_type3A_302 = arith.extui %lt3A_301 : vector<16xi1> to vector<16xi32>
        %broadcast_in_dim3A_303 = arith.constant true
        %broadcast_in_dim3A_304 = vector.broadcast %broadcast_in_dim3A_303 : i1 to vector<16xi1>
        %masked_cumsum3A_305 = tpu.scan <sum>, %convert_element_type3A_302 masked %broadcast_in_dim3A_304 : vector<16xi32>, vector<16xi1> -> vector<16xi32>
        %add3A_306 = arith.addi %add3A_296, %masked_cumsum3A_305 : vector<16xi32>
        %sub3A_307 = arith.subi %add3A_306, %convert_element_type3A_302 : vector<16xi32>
        tpu.vector_store_idx %arg8[%sub3A_307], %get3A_300 masked %lt3A_301 : memref<20016xi32, #tpu.memory_space<vmem>>[vector<16xi32>], vector<16xi32>, vector<16xi1>
        %all_reduce_population_count3A_308 = tpu.all_reduce %lt3A_301 {dim = 0 : i64, kind = #tpu.reduction_kind<sum>} : vector<16xi1> -> vector<16xi32>
        %add3A_309 = arith.addi %add3A_296, %all_reduce_population_count3A_308 : vector<16xi32>
        %add3A_310 = arith.constant 64 : i32
        %add3A_311 = arith.addi %multiple_of3A, %add3A_310 : i32
        %get3A_312 = arith.index_cast %add3A_311 : i32 to index
        %get3A_313 = tpu.vector_load %arg10[%get3A_312] {strides = array<i32>} : memref<2000xi32, #tpu.memory_space<vmem>>, vector<16xi32>,
        %lt3A_314 = arith.cmpi slt, %get3A_313, %scan3A_73 : vector<16xi32>
        %convert_element_type3A_315 = arith.extui %lt3A_314 : vector<16xi1> to vector<16xi32>
        %broadcast_in_dim3A_316 = arith.constant true
        %broadcast_in_dim3A_317 = vector.broadcast %broadcast_in_dim3A_316 : i1 to vector<16xi1>
        %masked_cumsum3A_318 = tpu.scan <sum>, %convert_element_type3A_315 masked %broadcast_in_dim3A_317 : vector<16xi32>, vector<16xi1> -> vector<16xi32>
        %add3A_319 = arith.addi %add3A_309, %masked_cumsum3A_318 : vector<16xi32>
        %sub3A_320 = arith.subi %add3A_319, %convert_element_type3A_315 : vector<16xi32>
        tpu.vector_store_idx %arg8[%sub3A_320], %get3A_313 masked %lt3A_314 : memref<20016xi32, #tpu.memory_space<vmem>>[vector<16xi32>], vector<16xi32>, vector<16xi1>
        %all_reduce_population_count3A_321 = tpu.all_reduce %lt3A_314 {dim = 0 : i64, kind = #tpu.reduction_kind<sum>} : vector<16xi1> -> vector<16xi32>
        %add3A_322 = arith.addi %add3A_309, %all_reduce_population_count3A_321 : vector<16xi32>
        scf.yield %add3A_322 : vector<16xi32>
      }
      %scan3A_104 = arith.constant 25 : i32
      "tpu.region"() ({
        %run_scoped3A = tpu.sem_alloc : memref<!tpu.dma_semaphore, #tpu.memory_space<semaphore_mem>>
        %dma_start3A = arith.constant 10000 : i32
        %dma_start3A_258 = tpu.memref_slice %arg3[%dma_start3A] : memref<20000xi32, #tpu.memory_space<hbm>> -> memref<2000xi32, #tpu.memory_space<hbm>>
        %dma_start3A_259 = arith.constant 10000 : i32
        %dma_start3A_260 = tpu.memref_slice %arg3[%dma_start3A_259] : memref<20000xi32, #tpu.memory_space<hbm>> -> memref<2000xi32, #tpu.memory_space<hbm>>
        tpu.enqueue_dma source(%dma_start3A_260 : memref<2000xi32, #tpu.memory_space<hbm>>) target(%arg10 : memref<2000xi32, #tpu.memory_space<vmem>>) target_semaphore(%run_scoped3A : memref<!tpu.dma_semaphore, #tpu.memory_space<semaphore_mem>>)
        %dma_wait3A = arith.constant 10000 : i32
        %dma_wait3A_261 = tpu.memref_slice %arg3[%dma_wait3A] : memref<20000xi32, #tpu.memory_space<hbm>> -> memref<2000xi32, #tpu.memory_space<hbm>>
        %dma_wait3A_262 = arith.constant 10000 : i32
        %dma_wait3A_263 = tpu.memref_slice %arg3[%dma_wait3A_262] : memref<20000xi32, #tpu.memory_space<hbm>> -> memref<2000xi32, #tpu.memory_space<hbm>>
        tpu.wait_dma2 semaphore(%run_scoped3A : memref<!tpu.dma_semaphore, #tpu.memory_space<semaphore_mem>>) src(%dma_wait3A_263 : memref<2000xi32, #tpu.memory_space<hbm>>) dst(%arg10 : memref<2000xi32, #tpu.memory_space<vmem>>)
        tpu.yield
      }) : () -> ()
      %scan3A_105 = arith.constant 0 : i32
      %scan3A_106 = arith.constant 25 : i32
      %scan3A_107 = arith.addi %scan3A_105, %scan3A_106 : i32
      %scan3A_108 = arith.constant 1 : i32
      %scan3A_109 = scf.for %scan3A_258 = %scan3A_105 to %scan3A_107 step %scan3A_108 iter_args(%scan3A_259 = %scan3A_103) -> (vector<16xi32>)  : i32 {
        %mul3A = arith.constant 80 : i32
        %mul3A_260 = arith.muli %scan3A_258, %mul3A : i32
        %multiple_of3A = tpu.assume_multiple %mul3A_260, 16 : i32
        %add3A_261 = arith.constant 0 : i32
        %add3A_262 = arith.addi %multiple_of3A, %add3A_261 : i32
        %get3A = arith.index_cast %add3A_262 : i32 to index
        %get3A_263 = tpu.vector_load %arg10[%get3A] {strides = array<i32>} : memref<2000xi32, #tpu.memory_space<vmem>>, vector<16xi32>,
        %lt3A = arith.cmpi slt, %get3A_263, %scan3A_73 : vector<16xi32>
        %convert_element_type3A_264 = arith.extui %lt3A : vector<16xi1> to vector<16xi32>
        %broadcast_in_dim3A_265 = arith.constant true
        %broadcast_in_dim3A_266 = vector.broadcast %broadcast_in_dim3A_265 : i1 to vector<16xi1>
        %masked_cumsum3A_267 = tpu.scan <sum>, %convert_element_type3A_264 masked %broadcast_in_dim3A_266 : vector<16xi32>, vector<16xi1> -> vector<16xi32>
        %add3A_268 = arith.addi %scan3A_259, %masked_cumsum3A_267 : vector<16xi32>
        %sub3A_269 = arith.subi %add3A_268, %convert_element_type3A_264 : vector<16xi32>
        tpu.vector_store_idx %arg8[%sub3A_269], %get3A_263 masked %lt3A : memref<20016xi32, #tpu.memory_space<vmem>>[vector<16xi32>], vector<16xi32>, vector<16xi1>
        %all_reduce_population_count3A = tpu.all_reduce %lt3A {dim = 0 : i64, kind = #tpu.reduction_kind<sum>} : vector<16xi1> -> vector<16xi32>
        %add3A_270 = arith.addi %scan3A_259, %all_reduce_population_count3A : vector<16xi32>
        %add3A_271 = arith.constant 16 : i32
        %add3A_272 = arith.addi %multiple_of3A, %add3A_271 : i32
        %get3A_273 = arith.index_cast %add3A_272 : i32 to index
        %get3A_274 = tpu.vector_load %arg10[%get3A_273] {strides = array<i32>} : memref<2000xi32, #tpu.memory_space<vmem>>, vector<16xi32>,
        %lt3A_275 = arith.cmpi slt, %get3A_274, %scan3A_73 : vector<16xi32>
        %convert_element_type3A_276 = arith.extui %lt3A_275 : vector<16xi1> to vector<16xi32>
        %broadcast_in_dim3A_277 = arith.constant true
        %broadcast_in_dim3A_278 = vector.broadcast %broadcast_in_dim3A_277 : i1 to vector<16xi1>
        %masked_cumsum3A_279 = tpu.scan <sum>, %convert_element_type3A_276 masked %broadcast_in_dim3A_278 : vector<16xi32>, vector<16xi1> -> vector<16xi32>
        %add3A_280 = arith.addi %add3A_270, %masked_cumsum3A_279 : vector<16xi32>
        %sub3A_281 = arith.subi %add3A_280, %convert_element_type3A_276 : vector<16xi32>
        tpu.vector_store_idx %arg8[%sub3A_281], %get3A_274 masked %lt3A_275 : memref<20016xi32, #tpu.memory_space<vmem>>[vector<16xi32>], vector<16xi32>, vector<16xi1>
        %all_reduce_population_count3A_282 = tpu.all_reduce %lt3A_275 {dim = 0 : i64, kind = #tpu.reduction_kind<sum>} : vector<16xi1> -> vector<16xi32>
        %add3A_283 = arith.addi %add3A_270, %all_reduce_population_count3A_282 : vector<16xi32>
        %add3A_284 = arith.constant 32 : i32
        %add3A_285 = arith.addi %multiple_of3A, %add3A_284 : i32
        %get3A_286 = arith.index_cast %add3A_285 : i32 to index
        %get3A_287 = tpu.vector_load %arg10[%get3A_286] {strides = array<i32>} : memref<2000xi32, #tpu.memory_space<vmem>>, vector<16xi32>,
        %lt3A_288 = arith.cmpi slt, %get3A_287, %scan3A_73 : vector<16xi32>
        %convert_element_type3A_289 = arith.extui %lt3A_288 : vector<16xi1> to vector<16xi32>
        %broadcast_in_dim3A_290 = arith.constant true
        %broadcast_in_dim3A_291 = vector.broadcast %broadcast_in_dim3A_290 : i1 to vector<16xi1>
        %masked_cumsum3A_292 = tpu.scan <sum>, %convert_element_type3A_289 masked %broadcast_in_dim3A_291 : vector<16xi32>, vector<16xi1> -> vector<16xi32>
        %add3A_293 = arith.addi %add3A_283, %masked_cumsum3A_292 : vector<16xi32>
        %sub3A_294 = arith.subi %add3A_293, %convert_element_type3A_289 : vector<16xi32>
        tpu.vector_store_idx %arg8[%sub3A_294], %get3A_287 masked %lt3A_288 : memref<20016xi32, #tpu.memory_space<vmem>>[vector<16xi32>], vector<16xi32>, vector<16xi1>
        %all_reduce_population_count3A_295 = tpu.all_reduce %lt3A_288 {dim = 0 : i64, kind = #tpu.reduction_kind<sum>} : vector<16xi1> -> vector<16xi32>
        %add3A_296 = arith.addi %add3A_283, %all_reduce_population_count3A_295 : vector<16xi32>
        %add3A_297 = arith.constant 48 : i32
        %add3A_298 = arith.addi %multiple_of3A, %add3A_297 : i32
        %get3A_299 = arith.index_cast %add3A_298 : i32 to index
        %get3A_300 = tpu.vector_load %arg10[%get3A_299] {strides = array<i32>} : memref<2000xi32, #tpu.memory_space<vmem>>, vector<16xi32>,
        %lt3A_301 = arith.cmpi slt, %get3A_300, %scan3A_73 : vector<16xi32>
        %convert_element_type3A_302 = arith.extui %lt3A_301 : vector<16xi1> to vector<16xi32>
        %broadcast_in_dim3A_303 = arith.constant true
        %broadcast_in_dim3A_304 = vector.broadcast %broadcast_in_dim3A_303 : i1 to vector<16xi1>
        %masked_cumsum3A_305 = tpu.scan <sum>, %convert_element_type3A_302 masked %broadcast_in_dim3A_304 : vector<16xi32>, vector<16xi1> -> vector<16xi32>
        %add3A_306 = arith.addi %add3A_296, %masked_cumsum3A_305 : vector<16xi32>
        %sub3A_307 = arith.subi %add3A_306, %convert_element_type3A_302 : vector<16xi32>
        tpu.vector_store_idx %arg8[%sub3A_307], %get3A_300 masked %lt3A_301 : memref<20016xi32, #tpu.memory_space<vmem>>[vector<16xi32>], vector<16xi32>, vector<16xi1>
        %all_reduce_population_count3A_308 = tpu.all_reduce %lt3A_301 {dim = 0 : i64, kind = #tpu.reduction_kind<sum>} : vector<16xi1> -> vector<16xi32>
        %add3A_309 = arith.addi %add3A_296, %all_reduce_population_count3A_308 : vector<16xi32>
        %add3A_310 = arith.constant 64 : i32
        %add3A_311 = arith.addi %multiple_of3A, %add3A_310 : i32
        %get3A_312 = arith.index_cast %add3A_311 : i32 to index
        %get3A_313 = tpu.vector_load %arg10[%get3A_312] {strides = array<i32>} : memref<2000xi32, #tpu.memory_space<vmem>>, vector<16xi32>,
        %lt3A_314 = arith.cmpi slt, %get3A_313, %scan3A_73 : vector<16xi32>
        %convert_element_type3A_315 = arith.extui %lt3A_314 : vector<16xi1> to vector<16xi32>
        %broadcast_in_dim3A_316 = arith.constant true
        %broadcast_in_dim3A_317 = vector.broadcast %broadcast_in_dim3A_316 : i1 to vector<16xi1>
        %masked_cumsum3A_318 = tpu.scan <sum>, %convert_element_type3A_315 masked %broadcast_in_dim3A_317 : vector<16xi32>, vector<16xi1> -> vector<16xi32>
        %add3A_319 = arith.addi %add3A_309, %masked_cumsum3A_318 : vector<16xi32>
        %sub3A_320 = arith.subi %add3A_319, %convert_element_type3A_315 : vector<16xi32>
        tpu.vector_store_idx %arg8[%sub3A_320], %get3A_313 masked %lt3A_314 : memref<20016xi32, #tpu.memory_space<vmem>>[vector<16xi32>], vector<16xi32>, vector<16xi1>
        %all_reduce_population_count3A_321 = tpu.all_reduce %lt3A_314 {dim = 0 : i64, kind = #tpu.reduction_kind<sum>} : vector<16xi1> -> vector<16xi32>
        %add3A_322 = arith.addi %add3A_309, %all_reduce_population_count3A_321 : vector<16xi32>
        scf.yield %add3A_322 : vector<16xi32>
      }
      %scan3A_110 = arith.constant 25 : i32
      "tpu.region"() ({
        %run_scoped3A = tpu.sem_alloc : memref<!tpu.dma_semaphore, #tpu.memory_space<semaphore_mem>>
        %dma_start3A = arith.constant 12000 : i32
        %dma_start3A_258 = tpu.memref_slice %arg3[%dma_start3A] : memref<20000xi32, #tpu.memory_space<hbm>> -> memref<2000xi32, #tpu.memory_space<hbm>>
        %dma_start3A_259 = arith.constant 12000 : i32
        %dma_start3A_260 = tpu.memref_slice %arg3[%dma_start3A_259] : memref<20000xi32, #tpu.memory_space<hbm>> -> memref<2000xi32, #tpu.memory_space<hbm>>
        tpu.enqueue_dma source(%dma_start3A_260 : memref<2000xi32, #tpu.memory_space<hbm>>) target(%arg10 : memref<2000xi32, #tpu.memory_space<vmem>>) target_semaphore(%run_scoped3A : memref<!tpu.dma_semaphore, #tpu.memory_space<semaphore_mem>>)
        %dma_wait3A = arith.constant 12000 : i32
        %dma_wait3A_261 = tpu.memref_slice %arg3[%dma_wait3A] : memref<20000xi32, #tpu.memory_space<hbm>> -> memref<2000xi32, #tpu.memory_space<hbm>>
        %dma_wait3A_262 = arith.constant 12000 : i32
        %dma_wait3A_263 = tpu.memref_slice %arg3[%dma_wait3A_262] : memref<20000xi32, #tpu.memory_space<hbm>> -> memref<2000xi32, #tpu.memory_space<hbm>>
        tpu.wait_dma2 semaphore(%run_scoped3A : memref<!tpu.dma_semaphore, #tpu.memory_space<semaphore_mem>>) src(%dma_wait3A_263 : memref<2000xi32, #tpu.memory_space<hbm>>) dst(%arg10 : memref<2000xi32, #tpu.memory_space<vmem>>)
        tpu.yield
      }) : () -> ()
      %scan3A_111 = arith.constant 0 : i32
      %scan3A_112 = arith.constant 25 : i32
      %scan3A_113 = arith.addi %scan3A_111, %scan3A_112 : i32
      %scan3A_114 = arith.constant 1 : i32
      %scan3A_115 = scf.for %scan3A_258 = %scan3A_111 to %scan3A_113 step %scan3A_114 iter_args(%scan3A_259 = %scan3A_109) -> (vector<16xi32>)  : i32 {
        %mul3A = arith.constant 80 : i32
        %mul3A_260 = arith.muli %scan3A_258, %mul3A : i32
        %multiple_of3A = tpu.assume_multiple %mul3A_260, 16 : i32
        %add3A_261 = arith.constant 0 : i32
        %add3A_262 = arith.addi %multiple_of3A, %add3A_261 : i32
        %get3A = arith.index_cast %add3A_262 : i32 to index
        %get3A_263 = tpu.vector_load %arg10[%get3A] {strides = array<i32>} : memref<2000xi32, #tpu.memory_space<vmem>>, vector<16xi32>,
        %lt3A = arith.cmpi slt, %get3A_263, %scan3A_73 : vector<16xi32>
        %convert_element_type3A_264 = arith.extui %lt3A : vector<16xi1> to vector<16xi32>
        %broadcast_in_dim3A_265 = arith.constant true
        %broadcast_in_dim3A_266 = vector.broadcast %broadcast_in_dim3A_265 : i1 to vector<16xi1>
        %masked_cumsum3A_267 = tpu.scan <sum>, %convert_element_type3A_264 masked %broadcast_in_dim3A_266 : vector<16xi32>, vector<16xi1> -> vector<16xi32>
        %add3A_268 = arith.addi %scan3A_259, %masked_cumsum3A_267 : vector<16xi32>
        %sub3A_269 = arith.subi %add3A_268, %convert_element_type3A_264 : vector<16xi32>
        tpu.vector_store_idx %arg8[%sub3A_269], %get3A_263 masked %lt3A : memref<20016xi32, #tpu.memory_space<vmem>>[vector<16xi32>], vector<16xi32>, vector<16xi1>
        %all_reduce_population_count3A = tpu.all_reduce %lt3A {dim = 0 : i64, kind = #tpu.reduction_kind<sum>} : vector<16xi1> -> vector<16xi32>
        %add3A_270 = arith.addi %scan3A_259, %all_reduce_population_count3A : vector<16xi32>
        %add3A_271 = arith.constant 16 : i32
        %add3A_272 = arith.addi %multiple_of3A, %add3A_271 : i32
        %get3A_273 = arith.index_cast %add3A_272 : i32 to index
        %get3A_274 = tpu.vector_load %arg10[%get3A_273] {strides = array<i32>} : memref<2000xi32, #tpu.memory_space<vmem>>, vector<16xi32>,
        %lt3A_275 = arith.cmpi slt, %get3A_274, %scan3A_73 : vector<16xi32>
        %convert_element_type3A_276 = arith.extui %lt3A_275 : vector<16xi1> to vector<16xi32>
        %broadcast_in_dim3A_277 = arith.constant true
        %broadcast_in_dim3A_278 = vector.broadcast %broadcast_in_dim3A_277 : i1 to vector<16xi1>
        %masked_cumsum3A_279 = tpu.scan <sum>, %convert_element_type3A_276 masked %broadcast_in_dim3A_278 : vector<16xi32>, vector<16xi1> -> vector<16xi32>
        %add3A_280 = arith.addi %add3A_270, %masked_cumsum3A_279 : vector<16xi32>
        %sub3A_281 = arith.subi %add3A_280, %convert_element_type3A_276 : vector<16xi32>
        tpu.vector_store_idx %arg8[%sub3A_281], %get3A_274 masked %lt3A_275 : memref<20016xi32, #tpu.memory_space<vmem>>[vector<16xi32>], vector<16xi32>, vector<16xi1>
        %all_reduce_population_count3A_282 = tpu.all_reduce %lt3A_275 {dim = 0 : i64, kind = #tpu.reduction_kind<sum>} : vector<16xi1> -> vector<16xi32>
        %add3A_283 = arith.addi %add3A_270, %all_reduce_population_count3A_282 : vector<16xi32>
        %add3A_284 = arith.constant 32 : i32
        %add3A_285 = arith.addi %multiple_of3A, %add3A_284 : i32
        %get3A_286 = arith.index_cast %add3A_285 : i32 to index
        %get3A_287 = tpu.vector_load %arg10[%get3A_286] {strides = array<i32>} : memref<2000xi32, #tpu.memory_space<vmem>>, vector<16xi32>,
        %lt3A_288 = arith.cmpi slt, %get3A_287, %scan3A_73 : vector<16xi32>
        %convert_element_type3A_289 = arith.extui %lt3A_288 : vector<16xi1> to vector<16xi32>
        %broadcast_in_dim3A_290 = arith.constant true
        %broadcast_in_dim3A_291 = vector.broadcast %broadcast_in_dim3A_290 : i1 to vector<16xi1>
        %masked_cumsum3A_292 = tpu.scan <sum>, %convert_element_type3A_289 masked %broadcast_in_dim3A_291 : vector<16xi32>, vector<16xi1> -> vector<16xi32>
        %add3A_293 = arith.addi %add3A_283, %masked_cumsum3A_292 : vector<16xi32>
        %sub3A_294 = arith.subi %add3A_293, %convert_element_type3A_289 : vector<16xi32>
        tpu.vector_store_idx %arg8[%sub3A_294], %get3A_287 masked %lt3A_288 : memref<20016xi32, #tpu.memory_space<vmem>>[vector<16xi32>], vector<16xi32>, vector<16xi1>
        %all_reduce_population_count3A_295 = tpu.all_reduce %lt3A_288 {dim = 0 : i64, kind = #tpu.reduction_kind<sum>} : vector<16xi1> -> vector<16xi32>
        %add3A_296 = arith.addi %add3A_283, %all_reduce_population_count3A_295 : vector<16xi32>
        %add3A_297 = arith.constant 48 : i32
        %add3A_298 = arith.addi %multiple_of3A, %add3A_297 : i32
        %get3A_299 = arith.index_cast %add3A_298 : i32 to index
        %get3A_300 = tpu.vector_load %arg10[%get3A_299] {strides = array<i32>} : memref<2000xi32, #tpu.memory_space<vmem>>, vector<16xi32>,
        %lt3A_301 = arith.cmpi slt, %get3A_300, %scan3A_73 : vector<16xi32>
        %convert_element_type3A_302 = arith.extui %lt3A_301 : vector<16xi1> to vector<16xi32>
        %broadcast_in_dim3A_303 = arith.constant true
        %broadcast_in_dim3A_304 = vector.broadcast %broadcast_in_dim3A_303 : i1 to vector<16xi1>
        %masked_cumsum3A_305 = tpu.scan <sum>, %convert_element_type3A_302 masked %broadcast_in_dim3A_304 : vector<16xi32>, vector<16xi1> -> vector<16xi32>
        %add3A_306 = arith.addi %add3A_296, %masked_cumsum3A_305 : vector<16xi32>
        %sub3A_307 = arith.subi %add3A_306, %convert_element_type3A_302 : vector<16xi32>
        tpu.vector_store_idx %arg8[%sub3A_307], %get3A_300 masked %lt3A_301 : memref<20016xi32, #tpu.memory_space<vmem>>[vector<16xi32>], vector<16xi32>, vector<16xi1>
        %all_reduce_population_count3A_308 = tpu.all_reduce %lt3A_301 {dim = 0 : i64, kind = #tpu.reduction_kind<sum>} : vector<16xi1> -> vector<16xi32>
        %add3A_309 = arith.addi %add3A_296, %all_reduce_population_count3A_308 : vector<16xi32>
        %add3A_310 = arith.constant 64 : i32
        %add3A_311 = arith.addi %multiple_of3A, %add3A_310 : i32
        %get3A_312 = arith.index_cast %add3A_311 : i32 to index
        %get3A_313 = tpu.vector_load %arg10[%get3A_312] {strides = array<i32>} : memref<2000xi32, #tpu.memory_space<vmem>>, vector<16xi32>,
        %lt3A_314 = arith.cmpi slt, %get3A_313, %scan3A_73 : vector<16xi32>
        %convert_element_type3A_315 = arith.extui %lt3A_314 : vector<16xi1> to vector<16xi32>
        %broadcast_in_dim3A_316 = arith.constant true
        %broadcast_in_dim3A_317 = vector.broadcast %broadcast_in_dim3A_316 : i1 to vector<16xi1>
        %masked_cumsum3A_318 = tpu.scan <sum>, %convert_element_type3A_315 masked %broadcast_in_dim3A_317 : vector<16xi32>, vector<16xi1> -> vector<16xi32>
        %add3A_319 = arith.addi %add3A_309, %masked_cumsum3A_318 : vector<16xi32>
        %sub3A_320 = arith.subi %add3A_319, %convert_element_type3A_315 : vector<16xi32>
        tpu.vector_store_idx %arg8[%sub3A_320], %get3A_313 masked %lt3A_314 : memref<20016xi32, #tpu.memory_space<vmem>>[vector<16xi32>], vector<16xi32>, vector<16xi1>
        %all_reduce_population_count3A_321 = tpu.all_reduce %lt3A_314 {dim = 0 : i64, kind = #tpu.reduction_kind<sum>} : vector<16xi1> -> vector<16xi32>
        %add3A_322 = arith.addi %add3A_309, %all_reduce_population_count3A_321 : vector<16xi32>
        scf.yield %add3A_322 : vector<16xi32>
      }
      %scan3A_116 = arith.constant 25 : i32
      "tpu.region"() ({
        %run_scoped3A = tpu.sem_alloc : memref<!tpu.dma_semaphore, #tpu.memory_space<semaphore_mem>>
        %dma_start3A = arith.constant 14000 : i32
        %dma_start3A_258 = tpu.memref_slice %arg3[%dma_start3A] : memref<20000xi32, #tpu.memory_space<hbm>> -> memref<2000xi32, #tpu.memory_space<hbm>>
        %dma_start3A_259 = arith.constant 14000 : i32
        %dma_start3A_260 = tpu.memref_slice %arg3[%dma_start3A_259] : memref<20000xi32, #tpu.memory_space<hbm>> -> memref<2000xi32, #tpu.memory_space<hbm>>
        tpu.enqueue_dma source(%dma_start3A_260 : memref<2000xi32, #tpu.memory_space<hbm>>) target(%arg10 : memref<2000xi32, #tpu.memory_space<vmem>>) target_semaphore(%run_scoped3A : memref<!tpu.dma_semaphore, #tpu.memory_space<semaphore_mem>>)
        %dma_wait3A = arith.constant 14000 : i32
        %dma_wait3A_261 = tpu.memref_slice %arg3[%dma_wait3A] : memref<20000xi32, #tpu.memory_space<hbm>> -> memref<2000xi32, #tpu.memory_space<hbm>>
        %dma_wait3A_262 = arith.constant 14000 : i32
        %dma_wait3A_263 = tpu.memref_slice %arg3[%dma_wait3A_262] : memref<20000xi32, #tpu.memory_space<hbm>> -> memref<2000xi32, #tpu.memory_space<hbm>>
        tpu.wait_dma2 semaphore(%run_scoped3A : memref<!tpu.dma_semaphore, #tpu.memory_space<semaphore_mem>>) src(%dma_wait3A_263 : memref<2000xi32, #tpu.memory_space<hbm>>) dst(%arg10 : memref<2000xi32, #tpu.memory_space<vmem>>)
        tpu.yield
      }) : () -> ()
      %scan3A_117 = arith.constant 0 : i32
      %scan3A_118 = arith.constant 25 : i32
      %scan3A_119 = arith.addi %scan3A_117, %scan3A_118 : i32
      %scan3A_120 = arith.constant 1 : i32
      %scan3A_121 = scf.for %scan3A_258 = %scan3A_117 to %scan3A_119 step %scan3A_120 iter_args(%scan3A_259 = %scan3A_115) -> (vector<16xi32>)  : i32 {
        %mul3A = arith.constant 80 : i32
        %mul3A_260 = arith.muli %scan3A_258, %mul3A : i32
        %multiple_of3A = tpu.assume_multiple %mul3A_260, 16 : i32
        %add3A_261 = arith.constant 0 : i32
        %add3A_262 = arith.addi %multiple_of3A, %add3A_261 : i32
        %get3A = arith.index_cast %add3A_262 : i32 to index
        %get3A_263 = tpu.vector_load %arg10[%get3A] {strides = array<i32>} : memref<2000xi32, #tpu.memory_space<vmem>>, vector<16xi32>,
        %lt3A = arith.cmpi slt, %get3A_263, %scan3A_73 : vector<16xi32>
        %convert_element_type3A_264 = arith.extui %lt3A : vector<16xi1> to vector<16xi32>
        %broadcast_in_dim3A_265 = arith.constant true
        %broadcast_in_dim3A_266 = vector.broadcast %broadcast_in_dim3A_265 : i1 to vector<16xi1>
        %masked_cumsum3A_267 = tpu.scan <sum>, %convert_element_type3A_264 masked %broadcast_in_dim3A_266 : vector<16xi32>, vector<16xi1> -> vector<16xi32>
        %add3A_268 = arith.addi %scan3A_259, %masked_cumsum3A_267 : vector<16xi32>
        %sub3A_269 = arith.subi %add3A_268, %convert_element_type3A_264 : vector<16xi32>
        tpu.vector_store_idx %arg8[%sub3A_269], %get3A_263 masked %lt3A : memref<20016xi32, #tpu.memory_space<vmem>>[vector<16xi32>], vector<16xi32>, vector<16xi1>
        %all_reduce_population_count3A = tpu.all_reduce %lt3A {dim = 0 : i64, kind = #tpu.reduction_kind<sum>} : vector<16xi1> -> vector<16xi32>
        %add3A_270 = arith.addi %scan3A_259, %all_reduce_population_count3A : vector<16xi32>
        %add3A_271 = arith.constant 16 : i32
        %add3A_272 = arith.addi %multiple_of3A, %add3A_271 : i32
        %get3A_273 = arith.index_cast %add3A_272 : i32 to index
        %get3A_274 = tpu.vector_load %arg10[%get3A_273] {strides = array<i32>} : memref<2000xi32, #tpu.memory_space<vmem>>, vector<16xi32>,
        %lt3A_275 = arith.cmpi slt, %get3A_274, %scan3A_73 : vector<16xi32>
        %convert_element_type3A_276 = arith.extui %lt3A_275 : vector<16xi1> to vector<16xi32>
        %broadcast_in_dim3A_277 = arith.constant true
        %broadcast_in_dim3A_278 = vector.broadcast %broadcast_in_dim3A_277 : i1 to vector<16xi1>
        %masked_cumsum3A_279 = tpu.scan <sum>, %convert_element_type3A_276 masked %broadcast_in_dim3A_278 : vector<16xi32>, vector<16xi1> -> vector<16xi32>
        %add3A_280 = arith.addi %add3A_270, %masked_cumsum3A_279 : vector<16xi32>
        %sub3A_281 = arith.subi %add3A_280, %convert_element_type3A_276 : vector<16xi32>
        tpu.vector_store_idx %arg8[%sub3A_281], %get3A_274 masked %lt3A_275 : memref<20016xi32, #tpu.memory_space<vmem>>[vector<16xi32>], vector<16xi32>, vector<16xi1>
        %all_reduce_population_count3A_282 = tpu.all_reduce %lt3A_275 {dim = 0 : i64, kind = #tpu.reduction_kind<sum>} : vector<16xi1> -> vector<16xi32>
        %add3A_283 = arith.addi %add3A_270, %all_reduce_population_count3A_282 : vector<16xi32>
        %add3A_284 = arith.constant 32 : i32
        %add3A_285 = arith.addi %multiple_of3A, %add3A_284 : i32
        %get3A_286 = arith.index_cast %add3A_285 : i32 to index
        %get3A_287 = tpu.vector_load %arg10[%get3A_286] {strides = array<i32>} : memref<2000xi32, #tpu.memory_space<vmem>>, vector<16xi32>,
        %lt3A_288 = arith.cmpi slt, %get3A_287, %scan3A_73 : vector<16xi32>
        %convert_element_type3A_289 = arith.extui %lt3A_288 : vector<16xi1> to vector<16xi32>
        %broadcast_in_dim3A_290 = arith.constant true
        %broadcast_in_dim3A_291 = vector.broadcast %broadcast_in_dim3A_290 : i1 to vector<16xi1>
        %masked_cumsum3A_292 = tpu.scan <sum>, %convert_element_type3A_289 masked %broadcast_in_dim3A_291 : vector<16xi32>, vector<16xi1> -> vector<16xi32>
        %add3A_293 = arith.addi %add3A_283, %masked_cumsum3A_292 : vector<16xi32>
        %sub3A_294 = arith.subi %add3A_293, %convert_element_type3A_289 : vector<16xi32>
        tpu.vector_store_idx %arg8[%sub3A_294], %get3A_287 masked %lt3A_288 : memref<20016xi32, #tpu.memory_space<vmem>>[vector<16xi32>], vector<16xi32>, vector<16xi1>
        %all_reduce_population_count3A_295 = tpu.all_reduce %lt3A_288 {dim = 0 : i64, kind = #tpu.reduction_kind<sum>} : vector<16xi1> -> vector<16xi32>
        %add3A_296 = arith.addi %add3A_283, %all_reduce_population_count3A_295 : vector<16xi32>
        %add3A_297 = arith.constant 48 : i32
        %add3A_298 = arith.addi %multiple_of3A, %add3A_297 : i32
        %get3A_299 = arith.index_cast %add3A_298 : i32 to index
        %get3A_300 = tpu.vector_load %arg10[%get3A_299] {strides = array<i32>} : memref<2000xi32, #tpu.memory_space<vmem>>, vector<16xi32>,
        %lt3A_301 = arith.cmpi slt, %get3A_300, %scan3A_73 : vector<16xi32>
        %convert_element_type3A_302 = arith.extui %lt3A_301 : vector<16xi1> to vector<16xi32>
        %broadcast_in_dim3A_303 = arith.constant true
        %broadcast_in_dim3A_304 = vector.broadcast %broadcast_in_dim3A_303 : i1 to vector<16xi1>
        %masked_cumsum3A_305 = tpu.scan <sum>, %convert_element_type3A_302 masked %broadcast_in_dim3A_304 : vector<16xi32>, vector<16xi1> -> vector<16xi32>
        %add3A_306 = arith.addi %add3A_296, %masked_cumsum3A_305 : vector<16xi32>
        %sub3A_307 = arith.subi %add3A_306, %convert_element_type3A_302 : vector<16xi32>
        tpu.vector_store_idx %arg8[%sub3A_307], %get3A_300 masked %lt3A_301 : memref<20016xi32, #tpu.memory_space<vmem>>[vector<16xi32>], vector<16xi32>, vector<16xi1>
        %all_reduce_population_count3A_308 = tpu.all_reduce %lt3A_301 {dim = 0 : i64, kind = #tpu.reduction_kind<sum>} : vector<16xi1> -> vector<16xi32>
        %add3A_309 = arith.addi %add3A_296, %all_reduce_population_count3A_308 : vector<16xi32>
        %add3A_310 = arith.constant 64 : i32
        %add3A_311 = arith.addi %multiple_of3A, %add3A_310 : i32
        %get3A_312 = arith.index_cast %add3A_311 : i32 to index
        %get3A_313 = tpu.vector_load %arg10[%get3A_312] {strides = array<i32>} : memref<2000xi32, #tpu.memory_space<vmem>>, vector<16xi32>,
        %lt3A_314 = arith.cmpi slt, %get3A_313, %scan3A_73 : vector<16xi32>
        %convert_element_type3A_315 = arith.extui %lt3A_314 : vector<16xi1> to vector<16xi32>
        %broadcast_in_dim3A_316 = arith.constant true
        %broadcast_in_dim3A_317 = vector.broadcast %broadcast_in_dim3A_316 : i1 to vector<16xi1>
        %masked_cumsum3A_318 = tpu.scan <sum>, %convert_element_type3A_315 masked %broadcast_in_dim3A_317 : vector<16xi32>, vector<16xi1> -> vector<16xi32>
        %add3A_319 = arith.addi %add3A_309, %masked_cumsum3A_318 : vector<16xi32>
        %sub3A_320 = arith.subi %add3A_319, %convert_element_type3A_315 : vector<16xi32>
        tpu.vector_store_idx %arg8[%sub3A_320], %get3A_313 masked %lt3A_314 : memref<20016xi32, #tpu.memory_space<vmem>>[vector<16xi32>], vector<16xi32>, vector<16xi1>
        %all_reduce_population_count3A_321 = tpu.all_reduce %lt3A_314 {dim = 0 : i64, kind = #tpu.reduction_kind<sum>} : vector<16xi1> -> vector<16xi32>
        %add3A_322 = arith.addi %add3A_309, %all_reduce_population_count3A_321 : vector<16xi32>
        scf.yield %add3A_322 : vector<16xi32>
      }
      %scan3A_122 = arith.constant 25 : i32
      "tpu.region"() ({
        %run_scoped3A = tpu.sem_alloc : memref<!tpu.dma_semaphore, #tpu.memory_space<semaphore_mem>>
        %dma_start3A = arith.constant 16000 : i32
        %dma_start3A_258 = tpu.memref_slice %arg3[%dma_start3A] : memref<20000xi32, #tpu.memory_space<hbm>> -> memref<2000xi32, #tpu.memory_space<hbm>>
        %dma_start3A_259 = arith.constant 16000 : i32
        %dma_start3A_260 = tpu.memref_slice %arg3[%dma_start3A_259] : memref<20000xi32, #tpu.memory_space<hbm>> -> memref<2000xi32, #tpu.memory_space<hbm>>
        tpu.enqueue_dma source(%dma_start3A_260 : memref<2000xi32, #tpu.memory_space<hbm>>) target(%arg10 : memref<2000xi32, #tpu.memory_space<vmem>>) target_semaphore(%run_scoped3A : memref<!tpu.dma_semaphore, #tpu.memory_space<semaphore_mem>>)
        %dma_wait3A = arith.constant 16000 : i32
        %dma_wait3A_261 = tpu.memref_slice %arg3[%dma_wait3A] : memref<20000xi32, #tpu.memory_space<hbm>> -> memref<2000xi32, #tpu.memory_space<hbm>>
        %dma_wait3A_262 = arith.constant 16000 : i32
        %dma_wait3A_263 = tpu.memref_slice %arg3[%dma_wait3A_262] : memref<20000xi32, #tpu.memory_space<hbm>> -> memref<2000xi32, #tpu.memory_space<hbm>>
        tpu.wait_dma2 semaphore(%run_scoped3A : memref<!tpu.dma_semaphore, #tpu.memory_space<semaphore_mem>>) src(%dma_wait3A_263 : memref<2000xi32, #tpu.memory_space<hbm>>) dst(%arg10 : memref<2000xi32, #tpu.memory_space<vmem>>)
        tpu.yield
      }) : () -> ()
      %scan3A_123 = arith.constant 0 : i32
      %scan3A_124 = arith.constant 25 : i32
      %scan3A_125 = arith.addi %scan3A_123, %scan3A_124 : i32
      %scan3A_126 = arith.constant 1 : i32
      %scan3A_127 = scf.for %scan3A_258 = %scan3A_123 to %scan3A_125 step %scan3A_126 iter_args(%scan3A_259 = %scan3A_121) -> (vector<16xi32>)  : i32 {
        %mul3A = arith.constant 80 : i32
        %mul3A_260 = arith.muli %scan3A_258, %mul3A : i32
        %multiple_of3A = tpu.assume_multiple %mul3A_260, 16 : i32
        %add3A_261 = arith.constant 0 : i32
        %add3A_262 = arith.addi %multiple_of3A, %add3A_261 : i32
        %get3A = arith.index_cast %add3A_262 : i32 to index
        %get3A_263 = tpu.vector_load %arg10[%get3A] {strides = array<i32>} : memref<2000xi32, #tpu.memory_space<vmem>>, vector<16xi32>,
        %lt3A = arith.cmpi slt, %get3A_263, %scan3A_73 : vector<16xi32>
        %convert_element_type3A_264 = arith.extui %lt3A : vector<16xi1> to vector<16xi32>
        %broadcast_in_dim3A_265 = arith.constant true
        %broadcast_in_dim3A_266 = vector.broadcast %broadcast_in_dim3A_265 : i1 to vector<16xi1>
        %masked_cumsum3A_267 = tpu.scan <sum>, %convert_element_type3A_264 masked %broadcast_in_dim3A_266 : vector<16xi32>, vector<16xi1> -> vector<16xi32>
        %add3A_268 = arith.addi %scan3A_259, %masked_cumsum3A_267 : vector<16xi32>
        %sub3A_269 = arith.subi %add3A_268, %convert_element_type3A_264 : vector<16xi32>
        tpu.vector_store_idx %arg8[%sub3A_269], %get3A_263 masked %lt3A : memref<20016xi32, #tpu.memory_space<vmem>>[vector<16xi32>], vector<16xi32>, vector<16xi1>
        %all_reduce_population_count3A = tpu.all_reduce %lt3A {dim = 0 : i64, kind = #tpu.reduction_kind<sum>} : vector<16xi1> -> vector<16xi32>
        %add3A_270 = arith.addi %scan3A_259, %all_reduce_population_count3A : vector<16xi32>
        %add3A_271 = arith.constant 16 : i32
        %add3A_272 = arith.addi %multiple_of3A, %add3A_271 : i32
        %get3A_273 = arith.index_cast %add3A_272 : i32 to index
        %get3A_274 = tpu.vector_load %arg10[%get3A_273] {strides = array<i32>} : memref<2000xi32, #tpu.memory_space<vmem>>, vector<16xi32>,
        %lt3A_275 = arith.cmpi slt, %get3A_274, %scan3A_73 : vector<16xi32>
        %convert_element_type3A_276 = arith.extui %lt3A_275 : vector<16xi1> to vector<16xi32>
        %broadcast_in_dim3A_277 = arith.constant true
        %broadcast_in_dim3A_278 = vector.broadcast %broadcast_in_dim3A_277 : i1 to vector<16xi1>
        %masked_cumsum3A_279 = tpu.scan <sum>, %convert_element_type3A_276 masked %broadcast_in_dim3A_278 : vector<16xi32>, vector<16xi1> -> vector<16xi32>
        %add3A_280 = arith.addi %add3A_270, %masked_cumsum3A_279 : vector<16xi32>
        %sub3A_281 = arith.subi %add3A_280, %convert_element_type3A_276 : vector<16xi32>
        tpu.vector_store_idx %arg8[%sub3A_281], %get3A_274 masked %lt3A_275 : memref<20016xi32, #tpu.memory_space<vmem>>[vector<16xi32>], vector<16xi32>, vector<16xi1>
        %all_reduce_population_count3A_282 = tpu.all_reduce %lt3A_275 {dim = 0 : i64, kind = #tpu.reduction_kind<sum>} : vector<16xi1> -> vector<16xi32>
        %add3A_283 = arith.addi %add3A_270, %all_reduce_population_count3A_282 : vector<16xi32>
        %add3A_284 = arith.constant 32 : i32
        %add3A_285 = arith.addi %multiple_of3A, %add3A_284 : i32
        %get3A_286 = arith.index_cast %add3A_285 : i32 to index
        %get3A_287 = tpu.vector_load %arg10[%get3A_286] {strides = array<i32>} : memref<2000xi32, #tpu.memory_space<vmem>>, vector<16xi32>,
        %lt3A_288 = arith.cmpi slt, %get3A_287, %scan3A_73 : vector<16xi32>
        %convert_element_type3A_289 = arith.extui %lt3A_288 : vector<16xi1> to vector<16xi32>
        %broadcast_in_dim3A_290 = arith.constant true
        %broadcast_in_dim3A_291 = vector.broadcast %broadcast_in_dim3A_290 : i1 to vector<16xi1>
        %masked_cumsum3A_292 = tpu.scan <sum>, %convert_element_type3A_289 masked %broadcast_in_dim3A_291 : vector<16xi32>, vector<16xi1> -> vector<16xi32>
        %add3A_293 = arith.addi %add3A_283, %masked_cumsum3A_292 : vector<16xi32>
        %sub3A_294 = arith.subi %add3A_293, %convert_element_type3A_289 : vector<16xi32>
        tpu.vector_store_idx %arg8[%sub3A_294], %get3A_287 masked %lt3A_288 : memref<20016xi32, #tpu.memory_space<vmem>>[vector<16xi32>], vector<16xi32>, vector<16xi1>
        %all_reduce_population_count3A_295 = tpu.all_reduce %lt3A_288 {dim = 0 : i64, kind = #tpu.reduction_kind<sum>} : vector<16xi1> -> vector<16xi32>
        %add3A_296 = arith.addi %add3A_283, %all_reduce_population_count3A_295 : vector<16xi32>
        %add3A_297 = arith.constant 48 : i32
        %add3A_298 = arith.addi %multiple_of3A, %add3A_297 : i32
        %get3A_299 = arith.index_cast %add3A_298 : i32 to index
        %get3A_300 = tpu.vector_load %arg10[%get3A_299] {strides = array<i32>} : memref<2000xi32, #tpu.memory_space<vmem>>, vector<16xi32>,
        %lt3A_301 = arith.cmpi slt, %get3A_300, %scan3A_73 : vector<16xi32>
        %convert_element_type3A_302 = arith.extui %lt3A_301 : vector<16xi1> to vector<16xi32>
        %broadcast_in_dim3A_303 = arith.constant true
        %broadcast_in_dim3A_304 = vector.broadcast %broadcast_in_dim3A_303 : i1 to vector<16xi1>
        %masked_cumsum3A_305 = tpu.scan <sum>, %convert_element_type3A_302 masked %broadcast_in_dim3A_304 : vector<16xi32>, vector<16xi1> -> vector<16xi32>
        %add3A_306 = arith.addi %add3A_296, %masked_cumsum3A_305 : vector<16xi32>
        %sub3A_307 = arith.subi %add3A_306, %convert_element_type3A_302 : vector<16xi32>
        tpu.vector_store_idx %arg8[%sub3A_307], %get3A_300 masked %lt3A_301 : memref<20016xi32, #tpu.memory_space<vmem>>[vector<16xi32>], vector<16xi32>, vector<16xi1>
        %all_reduce_population_count3A_308 = tpu.all_reduce %lt3A_301 {dim = 0 : i64, kind = #tpu.reduction_kind<sum>} : vector<16xi1> -> vector<16xi32>
        %add3A_309 = arith.addi %add3A_296, %all_reduce_population_count3A_308 : vector<16xi32>
        %add3A_310 = arith.constant 64 : i32
        %add3A_311 = arith.addi %multiple_of3A, %add3A_310 : i32
        %get3A_312 = arith.index_cast %add3A_311 : i32 to index
        %get3A_313 = tpu.vector_load %arg10[%get3A_312] {strides = array<i32>} : memref<2000xi32, #tpu.memory_space<vmem>>, vector<16xi32>,
        %lt3A_314 = arith.cmpi slt, %get3A_313, %scan3A_73 : vector<16xi32>
        %convert_element_type3A_315 = arith.extui %lt3A_314 : vector<16xi1> to vector<16xi32>
        %broadcast_in_dim3A_316 = arith.constant true
        %broadcast_in_dim3A_317 = vector.broadcast %broadcast_in_dim3A_316 : i1 to vector<16xi1>
        %masked_cumsum3A_318 = tpu.scan <sum>, %convert_element_type3A_315 masked %broadcast_in_dim3A_317 : vector<16xi32>, vector<16xi1> -> vector<16xi32>
        %add3A_319 = arith.addi %add3A_309, %masked_cumsum3A_318 : vector<16xi32>
        %sub3A_320 = arith.subi %add3A_319, %convert_element_type3A_315 : vector<16xi32>
        tpu.vector_store_idx %arg8[%sub3A_320], %get3A_313 masked %lt3A_314 : memref<20016xi32, #tpu.memory_space<vmem>>[vector<16xi32>], vector<16xi32>, vector<16xi1>
        %all_reduce_population_count3A_321 = tpu.all_reduce %lt3A_314 {dim = 0 : i64, kind = #tpu.reduction_kind<sum>} : vector<16xi1> -> vector<16xi32>
        %add3A_322 = arith.addi %add3A_309, %all_reduce_population_count3A_321 : vector<16xi32>
        scf.yield %add3A_322 : vector<16xi32>
      }
      %scan3A_128 = arith.constant 25 : i32
      "tpu.region"() ({
        %run_scoped3A = tpu.sem_alloc : memref<!tpu.dma_semaphore, #tpu.memory_space<semaphore_mem>>
        %dma_start3A = arith.constant 18000 : i32
        %dma_start3A_258 = tpu.memref_slice %arg3[%dma_start3A] : memref<20000xi32, #tpu.memory_space<hbm>> -> memref<2000xi32, #tpu.memory_space<hbm>>
        %dma_start3A_259 = arith.constant 18000 : i32
        %dma_start3A_260 = tpu.memref_slice %arg3[%dma_start3A_259] : memref<20000xi32, #tpu.memory_space<hbm>> -> memref<2000xi32, #tpu.memory_space<hbm>>
        tpu.enqueue_dma source(%dma_start3A_260 : memref<2000xi32, #tpu.memory_space<hbm>>) target(%arg10 : memref<2000xi32, #tpu.memory_space<vmem>>) target_semaphore(%run_scoped3A : memref<!tpu.dma_semaphore, #tpu.memory_space<semaphore_mem>>)
        %dma_wait3A = arith.constant 18000 : i32
        %dma_wait3A_261 = tpu.memref_slice %arg3[%dma_wait3A] : memref<20000xi32, #tpu.memory_space<hbm>> -> memref<2000xi32, #tpu.memory_space<hbm>>
        %dma_wait3A_262 = arith.constant 18000 : i32
        %dma_wait3A_263 = tpu.memref_slice %arg3[%dma_wait3A_262] : memref<20000xi32, #tpu.memory_space<hbm>> -> memref<2000xi32, #tpu.memory_space<hbm>>
        tpu.wait_dma2 semaphore(%run_scoped3A : memref<!tpu.dma_semaphore, #tpu.memory_space<semaphore_mem>>) src(%dma_wait3A_263 : memref<2000xi32, #tpu.memory_space<hbm>>) dst(%arg10 : memref<2000xi32, #tpu.memory_space<vmem>>)
        tpu.yield
      }) : () -> ()
      %scan3A_129 = arith.constant 0 : i32
      %scan3A_130 = arith.constant 25 : i32
      %scan3A_131 = arith.addi %scan3A_129, %scan3A_130 : i32
      %scan3A_132 = arith.constant 1 : i32
      %scan3A_133 = scf.for %scan3A_258 = %scan3A_129 to %scan3A_131 step %scan3A_132 iter_args(%scan3A_259 = %scan3A_127) -> (vector<16xi32>)  : i32 {
        %mul3A = arith.constant 80 : i32
        %mul3A_260 = arith.muli %scan3A_258, %mul3A : i32
        %multiple_of3A = tpu.assume_multiple %mul3A_260, 16 : i32
        %add3A_261 = arith.constant 0 : i32
        %add3A_262 = arith.addi %multiple_of3A, %add3A_261 : i32
        %get3A = arith.index_cast %add3A_262 : i32 to index
        %get3A_263 = tpu.vector_load %arg10[%get3A] {strides = array<i32>} : memref<2000xi32, #tpu.memory_space<vmem>>, vector<16xi32>,
        %lt3A = arith.cmpi slt, %get3A_263, %scan3A_73 : vector<16xi32>
        %convert_element_type3A_264 = arith.extui %lt3A : vector<16xi1> to vector<16xi32>
        %broadcast_in_dim3A_265 = arith.constant true
        %broadcast_in_dim3A_266 = vector.broadcast %broadcast_in_dim3A_265 : i1 to vector<16xi1>
        %masked_cumsum3A_267 = tpu.scan <sum>, %convert_element_type3A_264 masked %broadcast_in_dim3A_266 : vector<16xi32>, vector<16xi1> -> vector<16xi32>
        %add3A_268 = arith.addi %scan3A_259, %masked_cumsum3A_267 : vector<16xi32>
        %sub3A_269 = arith.subi %add3A_268, %convert_element_type3A_264 : vector<16xi32>
        tpu.vector_store_idx %arg8[%sub3A_269], %get3A_263 masked %lt3A : memref<20016xi32, #tpu.memory_space<vmem>>[vector<16xi32>], vector<16xi32>, vector<16xi1>
        %all_reduce_population_count3A = tpu.all_reduce %lt3A {dim = 0 : i64, kind = #tpu.reduction_kind<sum>} : vector<16xi1> -> vector<16xi32>
        %add3A_270 = arith.addi %scan3A_259, %all_reduce_population_count3A : vector<16xi32>
        %add3A_271 = arith.constant 16 : i32
        %add3A_272 = arith.addi %multiple_of3A, %add3A_271 : i32
        %get3A_273 = arith.index_cast %add3A_272 : i32 to index
        %get3A_274 = tpu.vector_load %arg10[%get3A_273] {strides = array<i32>} : memref<2000xi32, #tpu.memory_space<vmem>>, vector<16xi32>,
        %lt3A_275 = arith.cmpi slt, %get3A_274, %scan3A_73 : vector<16xi32>
        %convert_element_type3A_276 = arith.extui %lt3A_275 : vector<16xi1> to vector<16xi32>
        %broadcast_in_dim3A_277 = arith.constant true
        %broadcast_in_dim3A_278 = vector.broadcast %broadcast_in_dim3A_277 : i1 to vector<16xi1>
        %masked_cumsum3A_279 = tpu.scan <sum>, %convert_element_type3A_276 masked %broadcast_in_dim3A_278 : vector<16xi32>, vector<16xi1> -> vector<16xi32>
        %add3A_280 = arith.addi %add3A_270, %masked_cumsum3A_279 : vector<16xi32>
        %sub3A_281 = arith.subi %add3A_280, %convert_element_type3A_276 : vector<16xi32>
        tpu.vector_store_idx %arg8[%sub3A_281], %get3A_274 masked %lt3A_275 : memref<20016xi32, #tpu.memory_space<vmem>>[vector<16xi32>], vector<16xi32>, vector<16xi1>
        %all_reduce_population_count3A_282 = tpu.all_reduce %lt3A_275 {dim = 0 : i64, kind = #tpu.reduction_kind<sum>} : vector<16xi1> -> vector<16xi32>
        %add3A_283 = arith.addi %add3A_270, %all_reduce_population_count3A_282 : vector<16xi32>
        %add3A_284 = arith.constant 32 : i32
        %add3A_285 = arith.addi %multiple_of3A, %add3A_284 : i32
        %get3A_286 = arith.index_cast %add3A_285 : i32 to index
        %get3A_287 = tpu.vector_load %arg10[%get3A_286] {strides = array<i32>} : memref<2000xi32, #tpu.memory_space<vmem>>, vector<16xi32>,
        %lt3A_288 = arith.cmpi slt, %get3A_287, %scan3A_73 : vector<16xi32>
        %convert_element_type3A_289 = arith.extui %lt3A_288 : vector<16xi1> to vector<16xi32>
        %broadcast_in_dim3A_290 = arith.constant true
        %broadcast_in_dim3A_291 = vector.broadcast %broadcast_in_dim3A_290 : i1 to vector<16xi1>
        %masked_cumsum3A_292 = tpu.scan <sum>, %convert_element_type3A_289 masked %broadcast_in_dim3A_291 : vector<16xi32>, vector<16xi1> -> vector<16xi32>
        %add3A_293 = arith.addi %add3A_283, %masked_cumsum3A_292 : vector<16xi32>
        %sub3A_294 = arith.subi %add3A_293, %convert_element_type3A_289 : vector<16xi32>
        tpu.vector_store_idx %arg8[%sub3A_294], %get3A_287 masked %lt3A_288 : memref<20016xi32, #tpu.memory_space<vmem>>[vector<16xi32>], vector<16xi32>, vector<16xi1>
        %all_reduce_population_count3A_295 = tpu.all_reduce %lt3A_288 {dim = 0 : i64, kind = #tpu.reduction_kind<sum>} : vector<16xi1> -> vector<16xi32>
        %add3A_296 = arith.addi %add3A_283, %all_reduce_population_count3A_295 : vector<16xi32>
        %add3A_297 = arith.constant 48 : i32
        %add3A_298 = arith.addi %multiple_of3A, %add3A_297 : i32
        %get3A_299 = arith.index_cast %add3A_298 : i32 to index
        %get3A_300 = tpu.vector_load %arg10[%get3A_299] {strides = array<i32>} : memref<2000xi32, #tpu.memory_space<vmem>>, vector<16xi32>,
        %lt3A_301 = arith.cmpi slt, %get3A_300, %scan3A_73 : vector<16xi32>
        %convert_element_type3A_302 = arith.extui %lt3A_301 : vector<16xi1> to vector<16xi32>
        %broadcast_in_dim3A_303 = arith.constant true
        %broadcast_in_dim3A_304 = vector.broadcast %broadcast_in_dim3A_303 : i1 to vector<16xi1>
        %masked_cumsum3A_305 = tpu.scan <sum>, %convert_element_type3A_302 masked %broadcast_in_dim3A_304 : vector<16xi32>, vector<16xi1> -> vector<16xi32>
        %add3A_306 = arith.addi %add3A_296, %masked_cumsum3A_305 : vector<16xi32>
        %sub3A_307 = arith.subi %add3A_306, %convert_element_type3A_302 : vector<16xi32>
        tpu.vector_store_idx %arg8[%sub3A_307], %get3A_300 masked %lt3A_301 : memref<20016xi32, #tpu.memory_space<vmem>>[vector<16xi32>], vector<16xi32>, vector<16xi1>
        %all_reduce_population_count3A_308 = tpu.all_reduce %lt3A_301 {dim = 0 : i64, kind = #tpu.reduction_kind<sum>} : vector<16xi1> -> vector<16xi32>
        %add3A_309 = arith.addi %add3A_296, %all_reduce_population_count3A_308 : vector<16xi32>
        %add3A_310 = arith.constant 64 : i32
        %add3A_311 = arith.addi %multiple_of3A, %add3A_310 : i32
        %get3A_312 = arith.index_cast %add3A_311 : i32 to index
        %get3A_313 = tpu.vector_load %arg10[%get3A_312] {strides = array<i32>} : memref<2000xi32, #tpu.memory_space<vmem>>, vector<16xi32>,
        %lt3A_314 = arith.cmpi slt, %get3A_313, %scan3A_73 : vector<16xi32>
        %convert_element_type3A_315 = arith.extui %lt3A_314 : vector<16xi1> to vector<16xi32>
        %broadcast_in_dim3A_316 = arith.constant true
        %broadcast_in_dim3A_317 = vector.broadcast %broadcast_in_dim3A_316 : i1 to vector<16xi1>
        %masked_cumsum3A_318 = tpu.scan <sum>, %convert_element_type3A_315 masked %broadcast_in_dim3A_317 : vector<16xi32>, vector<16xi1> -> vector<16xi32>
        %add3A_319 = arith.addi %add3A_309, %masked_cumsum3A_318 : vector<16xi32>
        %sub3A_320 = arith.subi %add3A_319, %convert_element_type3A_315 : vector<16xi32>
        tpu.vector_store_idx %arg8[%sub3A_320], %get3A_313 masked %lt3A_314 : memref<20016xi32, #tpu.memory_space<vmem>>[vector<16xi32>], vector<16xi32>, vector<16xi1>
        %all_reduce_population_count3A_321 = tpu.all_reduce %lt3A_314 {dim = 0 : i64, kind = #tpu.reduction_kind<sum>} : vector<16xi1> -> vector<16xi32>
        %add3A_322 = arith.addi %add3A_309, %all_reduce_population_count3A_321 : vector<16xi32>
        scf.yield %add3A_322 : vector<16xi32>
      }
      %scan3A_134 = arith.constant 25 : i32
      "tpu.region"() ({
        %run_scoped3A = tpu.sem_alloc : memref<!tpu.dma_semaphore, #tpu.memory_space<semaphore_mem>>
        %dma_start3A = arith.constant 0 : i32
        %dma_start3A_258 = tpu.memref_slice %arg4[%dma_start3A] : memref<20000xi32, #tpu.memory_space<hbm>> -> memref<2000xi32, #tpu.memory_space<hbm>>
        %dma_start3A_259 = arith.constant 0 : i32
        %dma_start3A_260 = tpu.memref_slice %arg4[%dma_start3A_259] : memref<20000xi32, #tpu.memory_space<hbm>> -> memref<2000xi32, #tpu.memory_space<hbm>>
        tpu.enqueue_dma source(%dma_start3A_260 : memref<2000xi32, #tpu.memory_space<hbm>>) target(%arg10 : memref<2000xi32, #tpu.memory_space<vmem>>) target_semaphore(%run_scoped3A : memref<!tpu.dma_semaphore, #tpu.memory_space<semaphore_mem>>)
        %dma_wait3A = arith.constant 0 : i32
        %dma_wait3A_261 = tpu.memref_slice %arg4[%dma_wait3A] : memref<20000xi32, #tpu.memory_space<hbm>> -> memref<2000xi32, #tpu.memory_space<hbm>>
        %dma_wait3A_262 = arith.constant 0 : i32
        %dma_wait3A_263 = tpu.memref_slice %arg4[%dma_wait3A_262] : memref<20000xi32, #tpu.memory_space<hbm>> -> memref<2000xi32, #tpu.memory_space<hbm>>
        tpu.wait_dma2 semaphore(%run_scoped3A : memref<!tpu.dma_semaphore, #tpu.memory_space<semaphore_mem>>) src(%dma_wait3A_263 : memref<2000xi32, #tpu.memory_space<hbm>>) dst(%arg10 : memref<2000xi32, #tpu.memory_space<vmem>>)
        tpu.yield
      }) : () -> ()
      %scan3A_135 = arith.constant 0 : i32
      %scan3A_136 = arith.constant 25 : i32
      %scan3A_137 = arith.addi %scan3A_135, %scan3A_136 : i32
      %scan3A_138 = arith.constant 1 : i32
      %scan3A_139 = scf.for %scan3A_258 = %scan3A_135 to %scan3A_137 step %scan3A_138 iter_args(%scan3A_259 = %broadcast_in_dim3A_4) -> (vector<16xi32>)  : i32 {
        %mul3A = arith.constant 80 : i32
        %mul3A_260 = arith.muli %scan3A_258, %mul3A : i32
        %multiple_of3A = tpu.assume_multiple %mul3A_260, 16 : i32
        %add3A_261 = arith.constant 0 : i32
        %add3A_262 = arith.addi %multiple_of3A, %add3A_261 : i32
        %get3A = arith.index_cast %add3A_262 : i32 to index
        %get3A_263 = tpu.vector_load %arg10[%get3A] {strides = array<i32>} : memref<2000xi32, #tpu.memory_space<vmem>>, vector<16xi32>,
        %lt3A = arith.cmpi slt, %get3A_263, %scan3A_73 : vector<16xi32>
        %convert_element_type3A_264 = arith.extui %lt3A : vector<16xi1> to vector<16xi32>
        %broadcast_in_dim3A_265 = arith.constant true
        %broadcast_in_dim3A_266 = vector.broadcast %broadcast_in_dim3A_265 : i1 to vector<16xi1>
        %masked_cumsum3A_267 = tpu.scan <sum>, %convert_element_type3A_264 masked %broadcast_in_dim3A_266 : vector<16xi32>, vector<16xi1> -> vector<16xi32>
        %add3A_268 = arith.addi %scan3A_259, %masked_cumsum3A_267 : vector<16xi32>
        %sub3A_269 = arith.subi %add3A_268, %convert_element_type3A_264 : vector<16xi32>
        tpu.vector_store_idx %arg9[%sub3A_269], %get3A_263 masked %lt3A : memref<20016xi32, #tpu.memory_space<vmem>>[vector<16xi32>], vector<16xi32>, vector<16xi1>
        %all_reduce_population_count3A = tpu.all_reduce %lt3A {dim = 0 : i64, kind = #tpu.reduction_kind<sum>} : vector<16xi1> -> vector<16xi32>
        %add3A_270 = arith.addi %scan3A_259, %all_reduce_population_count3A : vector<16xi32>
        %add3A_271 = arith.constant 16 : i32
        %add3A_272 = arith.addi %multiple_of3A, %add3A_271 : i32
        %get3A_273 = arith.index_cast %add3A_272 : i32 to index
        %get3A_274 = tpu.vector_load %arg10[%get3A_273] {strides = array<i32>} : memref<2000xi32, #tpu.memory_space<vmem>>, vector<16xi32>,
        %lt3A_275 = arith.cmpi slt, %get3A_274, %scan3A_73 : vector<16xi32>
        %convert_element_type3A_276 = arith.extui %lt3A_275 : vector<16xi1> to vector<16xi32>
        %broadcast_in_dim3A_277 = arith.constant true
        %broadcast_in_dim3A_278 = vector.broadcast %broadcast_in_dim3A_277 : i1 to vector<16xi1>
        %masked_cumsum3A_279 = tpu.scan <sum>, %convert_element_type3A_276 masked %broadcast_in_dim3A_278 : vector<16xi32>, vector<16xi1> -> vector<16xi32>
        %add3A_280 = arith.addi %add3A_270, %masked_cumsum3A_279 : vector<16xi32>
        %sub3A_281 = arith.subi %add3A_280, %convert_element_type3A_276 : vector<16xi32>
        tpu.vector_store_idx %arg9[%sub3A_281], %get3A_274 masked %lt3A_275 : memref<20016xi32, #tpu.memory_space<vmem>>[vector<16xi32>], vector<16xi32>, vector<16xi1>
        %all_reduce_population_count3A_282 = tpu.all_reduce %lt3A_275 {dim = 0 : i64, kind = #tpu.reduction_kind<sum>} : vector<16xi1> -> vector<16xi32>
        %add3A_283 = arith.addi %add3A_270, %all_reduce_population_count3A_282 : vector<16xi32>
        %add3A_284 = arith.constant 32 : i32
        %add3A_285 = arith.addi %multiple_of3A, %add3A_284 : i32
        %get3A_286 = arith.index_cast %add3A_285 : i32 to index
        %get3A_287 = tpu.vector_load %arg10[%get3A_286] {strides = array<i32>} : memref<2000xi32, #tpu.memory_space<vmem>>, vector<16xi32>,
        %lt3A_288 = arith.cmpi slt, %get3A_287, %scan3A_73 : vector<16xi32>
        %convert_element_type3A_289 = arith.extui %lt3A_288 : vector<16xi1> to vector<16xi32>
        %broadcast_in_dim3A_290 = arith.constant true
        %broadcast_in_dim3A_291 = vector.broadcast %broadcast_in_dim3A_290 : i1 to vector<16xi1>
        %masked_cumsum3A_292 = tpu.scan <sum>, %convert_element_type3A_289 masked %broadcast_in_dim3A_291 : vector<16xi32>, vector<16xi1> -> vector<16xi32>
        %add3A_293 = arith.addi %add3A_283, %masked_cumsum3A_292 : vector<16xi32>
        %sub3A_294 = arith.subi %add3A_293, %convert_element_type3A_289 : vector<16xi32>
        tpu.vector_store_idx %arg9[%sub3A_294], %get3A_287 masked %lt3A_288 : memref<20016xi32, #tpu.memory_space<vmem>>[vector<16xi32>], vector<16xi32>, vector<16xi1>
        %all_reduce_population_count3A_295 = tpu.all_reduce %lt3A_288 {dim = 0 : i64, kind = #tpu.reduction_kind<sum>} : vector<16xi1> -> vector<16xi32>
        %add3A_296 = arith.addi %add3A_283, %all_reduce_population_count3A_295 : vector<16xi32>
        %add3A_297 = arith.constant 48 : i32
        %add3A_298 = arith.addi %multiple_of3A, %add3A_297 : i32
        %get3A_299 = arith.index_cast %add3A_298 : i32 to index
        %get3A_300 = tpu.vector_load %arg10[%get3A_299] {strides = array<i32>} : memref<2000xi32, #tpu.memory_space<vmem>>, vector<16xi32>,
        %lt3A_301 = arith.cmpi slt, %get3A_300, %scan3A_73 : vector<16xi32>
        %convert_element_type3A_302 = arith.extui %lt3A_301 : vector<16xi1> to vector<16xi32>
        %broadcast_in_dim3A_303 = arith.constant true
        %broadcast_in_dim3A_304 = vector.broadcast %broadcast_in_dim3A_303 : i1 to vector<16xi1>
        %masked_cumsum3A_305 = tpu.scan <sum>, %convert_element_type3A_302 masked %broadcast_in_dim3A_304 : vector<16xi32>, vector<16xi1> -> vector<16xi32>
        %add3A_306 = arith.addi %add3A_296, %masked_cumsum3A_305 : vector<16xi32>
        %sub3A_307 = arith.subi %add3A_306, %convert_element_type3A_302 : vector<16xi32>
        tpu.vector_store_idx %arg9[%sub3A_307], %get3A_300 masked %lt3A_301 : memref<20016xi32, #tpu.memory_space<vmem>>[vector<16xi32>], vector<16xi32>, vector<16xi1>
        %all_reduce_population_count3A_308 = tpu.all_reduce %lt3A_301 {dim = 0 : i64, kind = #tpu.reduction_kind<sum>} : vector<16xi1> -> vector<16xi32>
        %add3A_309 = arith.addi %add3A_296, %all_reduce_population_count3A_308 : vector<16xi32>
        %add3A_310 = arith.constant 64 : i32
        %add3A_311 = arith.addi %multiple_of3A, %add3A_310 : i32
        %get3A_312 = arith.index_cast %add3A_311 : i32 to index
        %get3A_313 = tpu.vector_load %arg10[%get3A_312] {strides = array<i32>} : memref<2000xi32, #tpu.memory_space<vmem>>, vector<16xi32>,
        %lt3A_314 = arith.cmpi slt, %get3A_313, %scan3A_73 : vector<16xi32>
        %convert_element_type3A_315 = arith.extui %lt3A_314 : vector<16xi1> to vector<16xi32>
        %broadcast_in_dim3A_316 = arith.constant true
        %broadcast_in_dim3A_317 = vector.broadcast %broadcast_in_dim3A_316 : i1 to vector<16xi1>
        %masked_cumsum3A_318 = tpu.scan <sum>, %convert_element_type3A_315 masked %broadcast_in_dim3A_317 : vector<16xi32>, vector<16xi1> -> vector<16xi32>
        %add3A_319 = arith.addi %add3A_309, %masked_cumsum3A_318 : vector<16xi32>
        %sub3A_320 = arith.subi %add3A_319, %convert_element_type3A_315 : vector<16xi32>
        tpu.vector_store_idx %arg9[%sub3A_320], %get3A_313 masked %lt3A_314 : memref<20016xi32, #tpu.memory_space<vmem>>[vector<16xi32>], vector<16xi32>, vector<16xi1>
        %all_reduce_population_count3A_321 = tpu.all_reduce %lt3A_314 {dim = 0 : i64, kind = #tpu.reduction_kind<sum>} : vector<16xi1> -> vector<16xi32>
        %add3A_322 = arith.addi %add3A_309, %all_reduce_population_count3A_321 : vector<16xi32>
        scf.yield %add3A_322 : vector<16xi32>
      }
      %scan3A_140 = arith.constant 25 : i32
      "tpu.region"() ({
        %run_scoped3A = tpu.sem_alloc : memref<!tpu.dma_semaphore, #tpu.memory_space<semaphore_mem>>
        %dma_start3A = arith.constant 2000 : i32
        %dma_start3A_258 = tpu.memref_slice %arg4[%dma_start3A] : memref<20000xi32, #tpu.memory_space<hbm>> -> memref<2000xi32, #tpu.memory_space<hbm>>
        %dma_start3A_259 = arith.constant 2000 : i32
        %dma_start3A_260 = tpu.memref_slice %arg4[%dma_start3A_259] : memref<20000xi32, #tpu.memory_space<hbm>> -> memref<2000xi32, #tpu.memory_space<hbm>>
        tpu.enqueue_dma source(%dma_start3A_260 : memref<2000xi32, #tpu.memory_space<hbm>>) target(%arg10 : memref<2000xi32, #tpu.memory_space<vmem>>) target_semaphore(%run_scoped3A : memref<!tpu.dma_semaphore, #tpu.memory_space<semaphore_mem>>)
        %dma_wait3A = arith.constant 2000 : i32
        %dma_wait3A_261 = tpu.memref_slice %arg4[%dma_wait3A] : memref<20000xi32, #tpu.memory_space<hbm>> -> memref<2000xi32, #tpu.memory_space<hbm>>
        %dma_wait3A_262 = arith.constant 2000 : i32
        %dma_wait3A_263 = tpu.memref_slice %arg4[%dma_wait3A_262] : memref<20000xi32, #tpu.memory_space<hbm>> -> memref<2000xi32, #tpu.memory_space<hbm>>
        tpu.wait_dma2 semaphore(%run_scoped3A : memref<!tpu.dma_semaphore, #tpu.memory_space<semaphore_mem>>) src(%dma_wait3A_263 : memref<2000xi32, #tpu.memory_space<hbm>>) dst(%arg10 : memref<2000xi32, #tpu.memory_space<vmem>>)
        tpu.yield
      }) : () -> ()
      %scan3A_141 = arith.constant 0 : i32
      %scan3A_142 = arith.constant 25 : i32
      %scan3A_143 = arith.addi %scan3A_141, %scan3A_142 : i32
      %scan3A_144 = arith.constant 1 : i32
      %scan3A_145 = scf.for %scan3A_258 = %scan3A_141 to %scan3A_143 step %scan3A_144 iter_args(%scan3A_259 = %scan3A_139) -> (vector<16xi32>)  : i32 {
        %mul3A = arith.constant 80 : i32
        %mul3A_260 = arith.muli %scan3A_258, %mul3A : i32
        %multiple_of3A = tpu.assume_multiple %mul3A_260, 16 : i32
        %add3A_261 = arith.constant 0 : i32
        %add3A_262 = arith.addi %multiple_of3A, %add3A_261 : i32
        %get3A = arith.index_cast %add3A_262 : i32 to index
        %get3A_263 = tpu.vector_load %arg10[%get3A] {strides = array<i32>} : memref<2000xi32, #tpu.memory_space<vmem>>, vector<16xi32>,
        %lt3A = arith.cmpi slt, %get3A_263, %scan3A_73 : vector<16xi32>
        %convert_element_type3A_264 = arith.extui %lt3A : vector<16xi1> to vector<16xi32>
        %broadcast_in_dim3A_265 = arith.constant true
        %broadcast_in_dim3A_266 = vector.broadcast %broadcast_in_dim3A_265 : i1 to vector<16xi1>
        %masked_cumsum3A_267 = tpu.scan <sum>, %convert_element_type3A_264 masked %broadcast_in_dim3A_266 : vector<16xi32>, vector<16xi1> -> vector<16xi32>
        %add3A_268 = arith.addi %scan3A_259, %masked_cumsum3A_267 : vector<16xi32>
        %sub3A_269 = arith.subi %add3A_268, %convert_element_type3A_264 : vector<16xi32>
        tpu.vector_store_idx %arg9[%sub3A_269], %get3A_263 masked %lt3A : memref<20016xi32, #tpu.memory_space<vmem>>[vector<16xi32>], vector<16xi32>, vector<16xi1>
        %all_reduce_population_count3A = tpu.all_reduce %lt3A {dim = 0 : i64, kind = #tpu.reduction_kind<sum>} : vector<16xi1> -> vector<16xi32>
        %add3A_270 = arith.addi %scan3A_259, %all_reduce_population_count3A : vector<16xi32>
        %add3A_271 = arith.constant 16 : i32
        %add3A_272 = arith.addi %multiple_of3A, %add3A_271 : i32
        %get3A_273 = arith.index_cast %add3A_272 : i32 to index
        %get3A_274 = tpu.vector_load %arg10[%get3A_273] {strides = array<i32>} : memref<2000xi32, #tpu.memory_space<vmem>>, vector<16xi32>,
        %lt3A_275 = arith.cmpi slt, %get3A_274, %scan3A_73 : vector<16xi32>
        %convert_element_type3A_276 = arith.extui %lt3A_275 : vector<16xi1> to vector<16xi32>
        %broadcast_in_dim3A_277 = arith.constant true
        %broadcast_in_dim3A_278 = vector.broadcast %broadcast_in_dim3A_277 : i1 to vector<16xi1>
        %masked_cumsum3A_279 = tpu.scan <sum>, %convert_element_type3A_276 masked %broadcast_in_dim3A_278 : vector<16xi32>, vector<16xi1> -> vector<16xi32>
        %add3A_280 = arith.addi %add3A_270, %masked_cumsum3A_279 : vector<16xi32>
        %sub3A_281 = arith.subi %add3A_280, %convert_element_type3A_276 : vector<16xi32>
        tpu.vector_store_idx %arg9[%sub3A_281], %get3A_274 masked %lt3A_275 : memref<20016xi32, #tpu.memory_space<vmem>>[vector<16xi32>], vector<16xi32>, vector<16xi1>
        %all_reduce_population_count3A_282 = tpu.all_reduce %lt3A_275 {dim = 0 : i64, kind = #tpu.reduction_kind<sum>} : vector<16xi1> -> vector<16xi32>
        %add3A_283 = arith.addi %add3A_270, %all_reduce_population_count3A_282 : vector<16xi32>
        %add3A_284 = arith.constant 32 : i32
        %add3A_285 = arith.addi %multiple_of3A, %add3A_284 : i32
        %get3A_286 = arith.index_cast %add3A_285 : i32 to index
        %get3A_287 = tpu.vector_load %arg10[%get3A_286] {strides = array<i32>} : memref<2000xi32, #tpu.memory_space<vmem>>, vector<16xi32>,
        %lt3A_288 = arith.cmpi slt, %get3A_287, %scan3A_73 : vector<16xi32>
        %convert_element_type3A_289 = arith.extui %lt3A_288 : vector<16xi1> to vector<16xi32>
        %broadcast_in_dim3A_290 = arith.constant true
        %broadcast_in_dim3A_291 = vector.broadcast %broadcast_in_dim3A_290 : i1 to vector<16xi1>
        %masked_cumsum3A_292 = tpu.scan <sum>, %convert_element_type3A_289 masked %broadcast_in_dim3A_291 : vector<16xi32>, vector<16xi1> -> vector<16xi32>
        %add3A_293 = arith.addi %add3A_283, %masked_cumsum3A_292 : vector<16xi32>
        %sub3A_294 = arith.subi %add3A_293, %convert_element_type3A_289 : vector<16xi32>
        tpu.vector_store_idx %arg9[%sub3A_294], %get3A_287 masked %lt3A_288 : memref<20016xi32, #tpu.memory_space<vmem>>[vector<16xi32>], vector<16xi32>, vector<16xi1>
        %all_reduce_population_count3A_295 = tpu.all_reduce %lt3A_288 {dim = 0 : i64, kind = #tpu.reduction_kind<sum>} : vector<16xi1> -> vector<16xi32>
        %add3A_296 = arith.addi %add3A_283, %all_reduce_population_count3A_295 : vector<16xi32>
        %add3A_297 = arith.constant 48 : i32
        %add3A_298 = arith.addi %multiple_of3A, %add3A_297 : i32
        %get3A_299 = arith.index_cast %add3A_298 : i32 to index
        %get3A_300 = tpu.vector_load %arg10[%get3A_299] {strides = array<i32>} : memref<2000xi32, #tpu.memory_space<vmem>>, vector<16xi32>,
        %lt3A_301 = arith.cmpi slt, %get3A_300, %scan3A_73 : vector<16xi32>
        %convert_element_type3A_302 = arith.extui %lt3A_301 : vector<16xi1> to vector<16xi32>
        %broadcast_in_dim3A_303 = arith.constant true
        %broadcast_in_dim3A_304 = vector.broadcast %broadcast_in_dim3A_303 : i1 to vector<16xi1>
        %masked_cumsum3A_305 = tpu.scan <sum>, %convert_element_type3A_302 masked %broadcast_in_dim3A_304 : vector<16xi32>, vector<16xi1> -> vector<16xi32>
        %add3A_306 = arith.addi %add3A_296, %masked_cumsum3A_305 : vector<16xi32>
        %sub3A_307 = arith.subi %add3A_306, %convert_element_type3A_302 : vector<16xi32>
        tpu.vector_store_idx %arg9[%sub3A_307], %get3A_300 masked %lt3A_301 : memref<20016xi32, #tpu.memory_space<vmem>>[vector<16xi32>], vector<16xi32>, vector<16xi1>
        %all_reduce_population_count3A_308 = tpu.all_reduce %lt3A_301 {dim = 0 : i64, kind = #tpu.reduction_kind<sum>} : vector<16xi1> -> vector<16xi32>
        %add3A_309 = arith.addi %add3A_296, %all_reduce_population_count3A_308 : vector<16xi32>
        %add3A_310 = arith.constant 64 : i32
        %add3A_311 = arith.addi %multiple_of3A, %add3A_310 : i32
        %get3A_312 = arith.index_cast %add3A_311 : i32 to index
        %get3A_313 = tpu.vector_load %arg10[%get3A_312] {strides = array<i32>} : memref<2000xi32, #tpu.memory_space<vmem>>, vector<16xi32>,
        %lt3A_314 = arith.cmpi slt, %get3A_313, %scan3A_73 : vector<16xi32>
        %convert_element_type3A_315 = arith.extui %lt3A_314 : vector<16xi1> to vector<16xi32>
        %broadcast_in_dim3A_316 = arith.constant true
        %broadcast_in_dim3A_317 = vector.broadcast %broadcast_in_dim3A_316 : i1 to vector<16xi1>
        %masked_cumsum3A_318 = tpu.scan <sum>, %convert_element_type3A_315 masked %broadcast_in_dim3A_317 : vector<16xi32>, vector<16xi1> -> vector<16xi32>
        %add3A_319 = arith.addi %add3A_309, %masked_cumsum3A_318 : vector<16xi32>
        %sub3A_320 = arith.subi %add3A_319, %convert_element_type3A_315 : vector<16xi32>
        tpu.vector_store_idx %arg9[%sub3A_320], %get3A_313 masked %lt3A_314 : memref<20016xi32, #tpu.memory_space<vmem>>[vector<16xi32>], vector<16xi32>, vector<16xi1>
        %all_reduce_population_count3A_321 = tpu.all_reduce %lt3A_314 {dim = 0 : i64, kind = #tpu.reduction_kind<sum>} : vector<16xi1> -> vector<16xi32>
        %add3A_322 = arith.addi %add3A_309, %all_reduce_population_count3A_321 : vector<16xi32>
        scf.yield %add3A_322 : vector<16xi32>
      }
      %scan3A_146 = arith.constant 25 : i32
      "tpu.region"() ({
        %run_scoped3A = tpu.sem_alloc : memref<!tpu.dma_semaphore, #tpu.memory_space<semaphore_mem>>
        %dma_start3A = arith.constant 4000 : i32
        %dma_start3A_258 = tpu.memref_slice %arg4[%dma_start3A] : memref<20000xi32, #tpu.memory_space<hbm>> -> memref<2000xi32, #tpu.memory_space<hbm>>
        %dma_start3A_259 = arith.constant 4000 : i32
        %dma_start3A_260 = tpu.memref_slice %arg4[%dma_start3A_259] : memref<20000xi32, #tpu.memory_space<hbm>> -> memref<2000xi32, #tpu.memory_space<hbm>>
        tpu.enqueue_dma source(%dma_start3A_260 : memref<2000xi32, #tpu.memory_space<hbm>>) target(%arg10 : memref<2000xi32, #tpu.memory_space<vmem>>) target_semaphore(%run_scoped3A : memref<!tpu.dma_semaphore, #tpu.memory_space<semaphore_mem>>)
        %dma_wait3A = arith.constant 4000 : i32
        %dma_wait3A_261 = tpu.memref_slice %arg4[%dma_wait3A] : memref<20000xi32, #tpu.memory_space<hbm>> -> memref<2000xi32, #tpu.memory_space<hbm>>
        %dma_wait3A_262 = arith.constant 4000 : i32
        %dma_wait3A_263 = tpu.memref_slice %arg4[%dma_wait3A_262] : memref<20000xi32, #tpu.memory_space<hbm>> -> memref<2000xi32, #tpu.memory_space<hbm>>
        tpu.wait_dma2 semaphore(%run_scoped3A : memref<!tpu.dma_semaphore, #tpu.memory_space<semaphore_mem>>) src(%dma_wait3A_263 : memref<2000xi32, #tpu.memory_space<hbm>>) dst(%arg10 : memref<2000xi32, #tpu.memory_space<vmem>>)
        tpu.yield
      }) : () -> ()
      %scan3A_147 = arith.constant 0 : i32
      %scan3A_148 = arith.constant 25 : i32
      %scan3A_149 = arith.addi %scan3A_147, %scan3A_148 : i32
      %scan3A_150 = arith.constant 1 : i32
      %scan3A_151 = scf.for %scan3A_258 = %scan3A_147 to %scan3A_149 step %scan3A_150 iter_args(%scan3A_259 = %scan3A_145) -> (vector<16xi32>)  : i32 {
        %mul3A = arith.constant 80 : i32
        %mul3A_260 = arith.muli %scan3A_258, %mul3A : i32
        %multiple_of3A = tpu.assume_multiple %mul3A_260, 16 : i32
        %add3A_261 = arith.constant 0 : i32
        %add3A_262 = arith.addi %multiple_of3A, %add3A_261 : i32
        %get3A = arith.index_cast %add3A_262 : i32 to index
        %get3A_263 = tpu.vector_load %arg10[%get3A] {strides = array<i32>} : memref<2000xi32, #tpu.memory_space<vmem>>, vector<16xi32>,
        %lt3A = arith.cmpi slt, %get3A_263, %scan3A_73 : vector<16xi32>
        %convert_element_type3A_264 = arith.extui %lt3A : vector<16xi1> to vector<16xi32>
        %broadcast_in_dim3A_265 = arith.constant true
        %broadcast_in_dim3A_266 = vector.broadcast %broadcast_in_dim3A_265 : i1 to vector<16xi1>
        %masked_cumsum3A_267 = tpu.scan <sum>, %convert_element_type3A_264 masked %broadcast_in_dim3A_266 : vector<16xi32>, vector<16xi1> -> vector<16xi32>
        %add3A_268 = arith.addi %scan3A_259, %masked_cumsum3A_267 : vector<16xi32>
        %sub3A_269 = arith.subi %add3A_268, %convert_element_type3A_264 : vector<16xi32>
        tpu.vector_store_idx %arg9[%sub3A_269], %get3A_263 masked %lt3A : memref<20016xi32, #tpu.memory_space<vmem>>[vector<16xi32>], vector<16xi32>, vector<16xi1>
        %all_reduce_population_count3A = tpu.all_reduce %lt3A {dim = 0 : i64, kind = #tpu.reduction_kind<sum>} : vector<16xi1> -> vector<16xi32>
        %add3A_270 = arith.addi %scan3A_259, %all_reduce_population_count3A : vector<16xi32>
        %add3A_271 = arith.constant 16 : i32
        %add3A_272 = arith.addi %multiple_of3A, %add3A_271 : i32
        %get3A_273 = arith.index_cast %add3A_272 : i32 to index
        %get3A_274 = tpu.vector_load %arg10[%get3A_273] {strides = array<i32>} : memref<2000xi32, #tpu.memory_space<vmem>>, vector<16xi32>,
        %lt3A_275 = arith.cmpi slt, %get3A_274, %scan3A_73 : vector<16xi32>
        %convert_element_type3A_276 = arith.extui %lt3A_275 : vector<16xi1> to vector<16xi32>
        %broadcast_in_dim3A_277 = arith.constant true
        %broadcast_in_dim3A_278 = vector.broadcast %broadcast_in_dim3A_277 : i1 to vector<16xi1>
        %masked_cumsum3A_279 = tpu.scan <sum>, %convert_element_type3A_276 masked %broadcast_in_dim3A_278 : vector<16xi32>, vector<16xi1> -> vector<16xi32>
        %add3A_280 = arith.addi %add3A_270, %masked_cumsum3A_279 : vector<16xi32>
        %sub3A_281 = arith.subi %add3A_280, %convert_element_type3A_276 : vector<16xi32>
        tpu.vector_store_idx %arg9[%sub3A_281], %get3A_274 masked %lt3A_275 : memref<20016xi32, #tpu.memory_space<vmem>>[vector<16xi32>], vector<16xi32>, vector<16xi1>
        %all_reduce_population_count3A_282 = tpu.all_reduce %lt3A_275 {dim = 0 : i64, kind = #tpu.reduction_kind<sum>} : vector<16xi1> -> vector<16xi32>
        %add3A_283 = arith.addi %add3A_270, %all_reduce_population_count3A_282 : vector<16xi32>
        %add3A_284 = arith.constant 32 : i32
        %add3A_285 = arith.addi %multiple_of3A, %add3A_284 : i32
        %get3A_286 = arith.index_cast %add3A_285 : i32 to index
        %get3A_287 = tpu.vector_load %arg10[%get3A_286] {strides = array<i32>} : memref<2000xi32, #tpu.memory_space<vmem>>, vector<16xi32>,
        %lt3A_288 = arith.cmpi slt, %get3A_287, %scan3A_73 : vector<16xi32>
        %convert_element_type3A_289 = arith.extui %lt3A_288 : vector<16xi1> to vector<16xi32>
        %broadcast_in_dim3A_290 = arith.constant true
        %broadcast_in_dim3A_291 = vector.broadcast %broadcast_in_dim3A_290 : i1 to vector<16xi1>
        %masked_cumsum3A_292 = tpu.scan <sum>, %convert_element_type3A_289 masked %broadcast_in_dim3A_291 : vector<16xi32>, vector<16xi1> -> vector<16xi32>
        %add3A_293 = arith.addi %add3A_283, %masked_cumsum3A_292 : vector<16xi32>
        %sub3A_294 = arith.subi %add3A_293, %convert_element_type3A_289 : vector<16xi32>
        tpu.vector_store_idx %arg9[%sub3A_294], %get3A_287 masked %lt3A_288 : memref<20016xi32, #tpu.memory_space<vmem>>[vector<16xi32>], vector<16xi32>, vector<16xi1>
        %all_reduce_population_count3A_295 = tpu.all_reduce %lt3A_288 {dim = 0 : i64, kind = #tpu.reduction_kind<sum>} : vector<16xi1> -> vector<16xi32>
        %add3A_296 = arith.addi %add3A_283, %all_reduce_population_count3A_295 : vector<16xi32>
        %add3A_297 = arith.constant 48 : i32
        %add3A_298 = arith.addi %multiple_of3A, %add3A_297 : i32
        %get3A_299 = arith.index_cast %add3A_298 : i32 to index
        %get3A_300 = tpu.vector_load %arg10[%get3A_299] {strides = array<i32>} : memref<2000xi32, #tpu.memory_space<vmem>>, vector<16xi32>,
        %lt3A_301 = arith.cmpi slt, %get3A_300, %scan3A_73 : vector<16xi32>
        %convert_element_type3A_302 = arith.extui %lt3A_301 : vector<16xi1> to vector<16xi32>
        %broadcast_in_dim3A_303 = arith.constant true
        %broadcast_in_dim3A_304 = vector.broadcast %broadcast_in_dim3A_303 : i1 to vector<16xi1>
        %masked_cumsum3A_305 = tpu.scan <sum>, %convert_element_type3A_302 masked %broadcast_in_dim3A_304 : vector<16xi32>, vector<16xi1> -> vector<16xi32>
        %add3A_306 = arith.addi %add3A_296, %masked_cumsum3A_305 : vector<16xi32>
        %sub3A_307 = arith.subi %add3A_306, %convert_element_type3A_302 : vector<16xi32>
        tpu.vector_store_idx %arg9[%sub3A_307], %get3A_300 masked %lt3A_301 : memref<20016xi32, #tpu.memory_space<vmem>>[vector<16xi32>], vector<16xi32>, vector<16xi1>
        %all_reduce_population_count3A_308 = tpu.all_reduce %lt3A_301 {dim = 0 : i64, kind = #tpu.reduction_kind<sum>} : vector<16xi1> -> vector<16xi32>
        %add3A_309 = arith.addi %add3A_296, %all_reduce_population_count3A_308 : vector<16xi32>
        %add3A_310 = arith.constant 64 : i32
        %add3A_311 = arith.addi %multiple_of3A, %add3A_310 : i32
        %get3A_312 = arith.index_cast %add3A_311 : i32 to index
        %get3A_313 = tpu.vector_load %arg10[%get3A_312] {strides = array<i32>} : memref<2000xi32, #tpu.memory_space<vmem>>, vector<16xi32>,
        %lt3A_314 = arith.cmpi slt, %get3A_313, %scan3A_73 : vector<16xi32>
        %convert_element_type3A_315 = arith.extui %lt3A_314 : vector<16xi1> to vector<16xi32>
        %broadcast_in_dim3A_316 = arith.constant true
        %broadcast_in_dim3A_317 = vector.broadcast %broadcast_in_dim3A_316 : i1 to vector<16xi1>
        %masked_cumsum3A_318 = tpu.scan <sum>, %convert_element_type3A_315 masked %broadcast_in_dim3A_317 : vector<16xi32>, vector<16xi1> -> vector<16xi32>
        %add3A_319 = arith.addi %add3A_309, %masked_cumsum3A_318 : vector<16xi32>
        %sub3A_320 = arith.subi %add3A_319, %convert_element_type3A_315 : vector<16xi32>
        tpu.vector_store_idx %arg9[%sub3A_320], %get3A_313 masked %lt3A_314 : memref<20016xi32, #tpu.memory_space<vmem>>[vector<16xi32>], vector<16xi32>, vector<16xi1>
        %all_reduce_population_count3A_321 = tpu.all_reduce %lt3A_314 {dim = 0 : i64, kind = #tpu.reduction_kind<sum>} : vector<16xi1> -> vector<16xi32>
        %add3A_322 = arith.addi %add3A_309, %all_reduce_population_count3A_321 : vector<16xi32>
        scf.yield %add3A_322 : vector<16xi32>
      }
      %scan3A_152 = arith.constant 25 : i32
      "tpu.region"() ({
        %run_scoped3A = tpu.sem_alloc : memref<!tpu.dma_semaphore, #tpu.memory_space<semaphore_mem>>
        %dma_start3A = arith.constant 6000 : i32
        %dma_start3A_258 = tpu.memref_slice %arg4[%dma_start3A] : memref<20000xi32, #tpu.memory_space<hbm>> -> memref<2000xi32, #tpu.memory_space<hbm>>
        %dma_start3A_259 = arith.constant 6000 : i32
        %dma_start3A_260 = tpu.memref_slice %arg4[%dma_start3A_259] : memref<20000xi32, #tpu.memory_space<hbm>> -> memref<2000xi32, #tpu.memory_space<hbm>>
        tpu.enqueue_dma source(%dma_start3A_260 : memref<2000xi32, #tpu.memory_space<hbm>>) target(%arg10 : memref<2000xi32, #tpu.memory_space<vmem>>) target_semaphore(%run_scoped3A : memref<!tpu.dma_semaphore, #tpu.memory_space<semaphore_mem>>)
        %dma_wait3A = arith.constant 6000 : i32
        %dma_wait3A_261 = tpu.memref_slice %arg4[%dma_wait3A] : memref<20000xi32, #tpu.memory_space<hbm>> -> memref<2000xi32, #tpu.memory_space<hbm>>
        %dma_wait3A_262 = arith.constant 6000 : i32
        %dma_wait3A_263 = tpu.memref_slice %arg4[%dma_wait3A_262] : memref<20000xi32, #tpu.memory_space<hbm>> -> memref<2000xi32, #tpu.memory_space<hbm>>
        tpu.wait_dma2 semaphore(%run_scoped3A : memref<!tpu.dma_semaphore, #tpu.memory_space<semaphore_mem>>) src(%dma_wait3A_263 : memref<2000xi32, #tpu.memory_space<hbm>>) dst(%arg10 : memref<2000xi32, #tpu.memory_space<vmem>>)
        tpu.yield
      }) : () -> ()
      %scan3A_153 = arith.constant 0 : i32
      %scan3A_154 = arith.constant 25 : i32
      %scan3A_155 = arith.addi %scan3A_153, %scan3A_154 : i32
      %scan3A_156 = arith.constant 1 : i32
      %scan3A_157 = scf.for %scan3A_258 = %scan3A_153 to %scan3A_155 step %scan3A_156 iter_args(%scan3A_259 = %scan3A_151) -> (vector<16xi32>)  : i32 {
        %mul3A = arith.constant 80 : i32
        %mul3A_260 = arith.muli %scan3A_258, %mul3A : i32
        %multiple_of3A = tpu.assume_multiple %mul3A_260, 16 : i32
        %add3A_261 = arith.constant 0 : i32
        %add3A_262 = arith.addi %multiple_of3A, %add3A_261 : i32
        %get3A = arith.index_cast %add3A_262 : i32 to index
        %get3A_263 = tpu.vector_load %arg10[%get3A] {strides = array<i32>} : memref<2000xi32, #tpu.memory_space<vmem>>, vector<16xi32>,
        %lt3A = arith.cmpi slt, %get3A_263, %scan3A_73 : vector<16xi32>
        %convert_element_type3A_264 = arith.extui %lt3A : vector<16xi1> to vector<16xi32>
        %broadcast_in_dim3A_265 = arith.constant true
        %broadcast_in_dim3A_266 = vector.broadcast %broadcast_in_dim3A_265 : i1 to vector<16xi1>
        %masked_cumsum3A_267 = tpu.scan <sum>, %convert_element_type3A_264 masked %broadcast_in_dim3A_266 : vector<16xi32>, vector<16xi1> -> vector<16xi32>
        %add3A_268 = arith.addi %scan3A_259, %masked_cumsum3A_267 : vector<16xi32>
        %sub3A_269 = arith.subi %add3A_268, %convert_element_type3A_264 : vector<16xi32>
        tpu.vector_store_idx %arg9[%sub3A_269], %get3A_263 masked %lt3A : memref<20016xi32, #tpu.memory_space<vmem>>[vector<16xi32>], vector<16xi32>, vector<16xi1>
        %all_reduce_population_count3A = tpu.all_reduce %lt3A {dim = 0 : i64, kind = #tpu.reduction_kind<sum>} : vector<16xi1> -> vector<16xi32>
        %add3A_270 = arith.addi %scan3A_259, %all_reduce_population_count3A : vector<16xi32>
        %add3A_271 = arith.constant 16 : i32
        %add3A_272 = arith.addi %multiple_of3A, %add3A_271 : i32
        %get3A_273 = arith.index_cast %add3A_272 : i32 to index
        %get3A_274 = tpu.vector_load %arg10[%get3A_273] {strides = array<i32>} : memref<2000xi32, #tpu.memory_space<vmem>>, vector<16xi32>,
        %lt3A_275 = arith.cmpi slt, %get3A_274, %scan3A_73 : vector<16xi32>
        %convert_element_type3A_276 = arith.extui %lt3A_275 : vector<16xi1> to vector<16xi32>
        %broadcast_in_dim3A_277 = arith.constant true
        %broadcast_in_dim3A_278 = vector.broadcast %broadcast_in_dim3A_277 : i1 to vector<16xi1>
        %masked_cumsum3A_279 = tpu.scan <sum>, %convert_element_type3A_276 masked %broadcast_in_dim3A_278 : vector<16xi32>, vector<16xi1> -> vector<16xi32>
        %add3A_280 = arith.addi %add3A_270, %masked_cumsum3A_279 : vector<16xi32>
        %sub3A_281 = arith.subi %add3A_280, %convert_element_type3A_276 : vector<16xi32>
        tpu.vector_store_idx %arg9[%sub3A_281], %get3A_274 masked %lt3A_275 : memref<20016xi32, #tpu.memory_space<vmem>>[vector<16xi32>], vector<16xi32>, vector<16xi1>
        %all_reduce_population_count3A_282 = tpu.all_reduce %lt3A_275 {dim = 0 : i64, kind = #tpu.reduction_kind<sum>} : vector<16xi1> -> vector<16xi32>
        %add3A_283 = arith.addi %add3A_270, %all_reduce_population_count3A_282 : vector<16xi32>
        %add3A_284 = arith.constant 32 : i32
        %add3A_285 = arith.addi %multiple_of3A, %add3A_284 : i32
        %get3A_286 = arith.index_cast %add3A_285 : i32 to index
        %get3A_287 = tpu.vector_load %arg10[%get3A_286] {strides = array<i32>} : memref<2000xi32, #tpu.memory_space<vmem>>, vector<16xi32>,
        %lt3A_288 = arith.cmpi slt, %get3A_287, %scan3A_73 : vector<16xi32>
        %convert_element_type3A_289 = arith.extui %lt3A_288 : vector<16xi1> to vector<16xi32>
        %broadcast_in_dim3A_290 = arith.constant true
        %broadcast_in_dim3A_291 = vector.broadcast %broadcast_in_dim3A_290 : i1 to vector<16xi1>
        %masked_cumsum3A_292 = tpu.scan <sum>, %convert_element_type3A_289 masked %broadcast_in_dim3A_291 : vector<16xi32>, vector<16xi1> -> vector<16xi32>
        %add3A_293 = arith.addi %add3A_283, %masked_cumsum3A_292 : vector<16xi32>
        %sub3A_294 = arith.subi %add3A_293, %convert_element_type3A_289 : vector<16xi32>
        tpu.vector_store_idx %arg9[%sub3A_294], %get3A_287 masked %lt3A_288 : memref<20016xi32, #tpu.memory_space<vmem>>[vector<16xi32>], vector<16xi32>, vector<16xi1>
        %all_reduce_population_count3A_295 = tpu.all_reduce %lt3A_288 {dim = 0 : i64, kind = #tpu.reduction_kind<sum>} : vector<16xi1> -> vector<16xi32>
        %add3A_296 = arith.addi %add3A_283, %all_reduce_population_count3A_295 : vector<16xi32>
        %add3A_297 = arith.constant 48 : i32
        %add3A_298 = arith.addi %multiple_of3A, %add3A_297 : i32
        %get3A_299 = arith.index_cast %add3A_298 : i32 to index
        %get3A_300 = tpu.vector_load %arg10[%get3A_299] {strides = array<i32>} : memref<2000xi32, #tpu.memory_space<vmem>>, vector<16xi32>,
        %lt3A_301 = arith.cmpi slt, %get3A_300, %scan3A_73 : vector<16xi32>
        %convert_element_type3A_302 = arith.extui %lt3A_301 : vector<16xi1> to vector<16xi32>
        %broadcast_in_dim3A_303 = arith.constant true
        %broadcast_in_dim3A_304 = vector.broadcast %broadcast_in_dim3A_303 : i1 to vector<16xi1>
        %masked_cumsum3A_305 = tpu.scan <sum>, %convert_element_type3A_302 masked %broadcast_in_dim3A_304 : vector<16xi32>, vector<16xi1> -> vector<16xi32>
        %add3A_306 = arith.addi %add3A_296, %masked_cumsum3A_305 : vector<16xi32>
        %sub3A_307 = arith.subi %add3A_306, %convert_element_type3A_302 : vector<16xi32>
        tpu.vector_store_idx %arg9[%sub3A_307], %get3A_300 masked %lt3A_301 : memref<20016xi32, #tpu.memory_space<vmem>>[vector<16xi32>], vector<16xi32>, vector<16xi1>
        %all_reduce_population_count3A_308 = tpu.all_reduce %lt3A_301 {dim = 0 : i64, kind = #tpu.reduction_kind<sum>} : vector<16xi1> -> vector<16xi32>
        %add3A_309 = arith.addi %add3A_296, %all_reduce_population_count3A_308 : vector<16xi32>
        %add3A_310 = arith.constant 64 : i32
        %add3A_311 = arith.addi %multiple_of3A, %add3A_310 : i32
        %get3A_312 = arith.index_cast %add3A_311 : i32 to index
        %get3A_313 = tpu.vector_load %arg10[%get3A_312] {strides = array<i32>} : memref<2000xi32, #tpu.memory_space<vmem>>, vector<16xi32>,
        %lt3A_314 = arith.cmpi slt, %get3A_313, %scan3A_73 : vector<16xi32>
        %convert_element_type3A_315 = arith.extui %lt3A_314 : vector<16xi1> to vector<16xi32>
        %broadcast_in_dim3A_316 = arith.constant true
        %broadcast_in_dim3A_317 = vector.broadcast %broadcast_in_dim3A_316 : i1 to vector<16xi1>
        %masked_cumsum3A_318 = tpu.scan <sum>, %convert_element_type3A_315 masked %broadcast_in_dim3A_317 : vector<16xi32>, vector<16xi1> -> vector<16xi32>
        %add3A_319 = arith.addi %add3A_309, %masked_cumsum3A_318 : vector<16xi32>
        %sub3A_320 = arith.subi %add3A_319, %convert_element_type3A_315 : vector<16xi32>
        tpu.vector_store_idx %arg9[%sub3A_320], %get3A_313 masked %lt3A_314 : memref<20016xi32, #tpu.memory_space<vmem>>[vector<16xi32>], vector<16xi32>, vector<16xi1>
        %all_reduce_population_count3A_321 = tpu.all_reduce %lt3A_314 {dim = 0 : i64, kind = #tpu.reduction_kind<sum>} : vector<16xi1> -> vector<16xi32>
        %add3A_322 = arith.addi %add3A_309, %all_reduce_population_count3A_321 : vector<16xi32>
        scf.yield %add3A_322 : vector<16xi32>
      }
      %scan3A_158 = arith.constant 25 : i32
      "tpu.region"() ({
        %run_scoped3A = tpu.sem_alloc : memref<!tpu.dma_semaphore, #tpu.memory_space<semaphore_mem>>
        %dma_start3A = arith.constant 8000 : i32
        %dma_start3A_258 = tpu.memref_slice %arg4[%dma_start3A] : memref<20000xi32, #tpu.memory_space<hbm>> -> memref<2000xi32, #tpu.memory_space<hbm>>
        %dma_start3A_259 = arith.constant 8000 : i32
        %dma_start3A_260 = tpu.memref_slice %arg4[%dma_start3A_259] : memref<20000xi32, #tpu.memory_space<hbm>> -> memref<2000xi32, #tpu.memory_space<hbm>>
        tpu.enqueue_dma source(%dma_start3A_260 : memref<2000xi32, #tpu.memory_space<hbm>>) target(%arg10 : memref<2000xi32, #tpu.memory_space<vmem>>) target_semaphore(%run_scoped3A : memref<!tpu.dma_semaphore, #tpu.memory_space<semaphore_mem>>)
        %dma_wait3A = arith.constant 8000 : i32
        %dma_wait3A_261 = tpu.memref_slice %arg4[%dma_wait3A] : memref<20000xi32, #tpu.memory_space<hbm>> -> memref<2000xi32, #tpu.memory_space<hbm>>
        %dma_wait3A_262 = arith.constant 8000 : i32
        %dma_wait3A_263 = tpu.memref_slice %arg4[%dma_wait3A_262] : memref<20000xi32, #tpu.memory_space<hbm>> -> memref<2000xi32, #tpu.memory_space<hbm>>
        tpu.wait_dma2 semaphore(%run_scoped3A : memref<!tpu.dma_semaphore, #tpu.memory_space<semaphore_mem>>) src(%dma_wait3A_263 : memref<2000xi32, #tpu.memory_space<hbm>>) dst(%arg10 : memref<2000xi32, #tpu.memory_space<vmem>>)
        tpu.yield
      }) : () -> ()
      %scan3A_159 = arith.constant 0 : i32
      %scan3A_160 = arith.constant 25 : i32
      %scan3A_161 = arith.addi %scan3A_159, %scan3A_160 : i32
      %scan3A_162 = arith.constant 1 : i32
      %scan3A_163 = scf.for %scan3A_258 = %scan3A_159 to %scan3A_161 step %scan3A_162 iter_args(%scan3A_259 = %scan3A_157) -> (vector<16xi32>)  : i32 {
        %mul3A = arith.constant 80 : i32
        %mul3A_260 = arith.muli %scan3A_258, %mul3A : i32
        %multiple_of3A = tpu.assume_multiple %mul3A_260, 16 : i32
        %add3A_261 = arith.constant 0 : i32
        %add3A_262 = arith.addi %multiple_of3A, %add3A_261 : i32
        %get3A = arith.index_cast %add3A_262 : i32 to index
        %get3A_263 = tpu.vector_load %arg10[%get3A] {strides = array<i32>} : memref<2000xi32, #tpu.memory_space<vmem>>, vector<16xi32>,
        %lt3A = arith.cmpi slt, %get3A_263, %scan3A_73 : vector<16xi32>
        %convert_element_type3A_264 = arith.extui %lt3A : vector<16xi1> to vector<16xi32>
        %broadcast_in_dim3A_265 = arith.constant true
        %broadcast_in_dim3A_266 = vector.broadcast %broadcast_in_dim3A_265 : i1 to vector<16xi1>
        %masked_cumsum3A_267 = tpu.scan <sum>, %convert_element_type3A_264 masked %broadcast_in_dim3A_266 : vector<16xi32>, vector<16xi1> -> vector<16xi32>
        %add3A_268 = arith.addi %scan3A_259, %masked_cumsum3A_267 : vector<16xi32>
        %sub3A_269 = arith.subi %add3A_268, %convert_element_type3A_264 : vector<16xi32>
        tpu.vector_store_idx %arg9[%sub3A_269], %get3A_263 masked %lt3A : memref<20016xi32, #tpu.memory_space<vmem>>[vector<16xi32>], vector<16xi32>, vector<16xi1>
        %all_reduce_population_count3A = tpu.all_reduce %lt3A {dim = 0 : i64, kind = #tpu.reduction_kind<sum>} : vector<16xi1> -> vector<16xi32>
        %add3A_270 = arith.addi %scan3A_259, %all_reduce_population_count3A : vector<16xi32>
        %add3A_271 = arith.constant 16 : i32
        %add3A_272 = arith.addi %multiple_of3A, %add3A_271 : i32
        %get3A_273 = arith.index_cast %add3A_272 : i32 to index
        %get3A_274 = tpu.vector_load %arg10[%get3A_273] {strides = array<i32>} : memref<2000xi32, #tpu.memory_space<vmem>>, vector<16xi32>,
        %lt3A_275 = arith.cmpi slt, %get3A_274, %scan3A_73 : vector<16xi32>
        %convert_element_type3A_276 = arith.extui %lt3A_275 : vector<16xi1> to vector<16xi32>
        %broadcast_in_dim3A_277 = arith.constant true
        %broadcast_in_dim3A_278 = vector.broadcast %broadcast_in_dim3A_277 : i1 to vector<16xi1>
        %masked_cumsum3A_279 = tpu.scan <sum>, %convert_element_type3A_276 masked %broadcast_in_dim3A_278 : vector<16xi32>, vector<16xi1> -> vector<16xi32>
        %add3A_280 = arith.addi %add3A_270, %masked_cumsum3A_279 : vector<16xi32>
        %sub3A_281 = arith.subi %add3A_280, %convert_element_type3A_276 : vector<16xi32>
        tpu.vector_store_idx %arg9[%sub3A_281], %get3A_274 masked %lt3A_275 : memref<20016xi32, #tpu.memory_space<vmem>>[vector<16xi32>], vector<16xi32>, vector<16xi1>
        %all_reduce_population_count3A_282 = tpu.all_reduce %lt3A_275 {dim = 0 : i64, kind = #tpu.reduction_kind<sum>} : vector<16xi1> -> vector<16xi32>
        %add3A_283 = arith.addi %add3A_270, %all_reduce_population_count3A_282 : vector<16xi32>
        %add3A_284 = arith.constant 32 : i32
        %add3A_285 = arith.addi %multiple_of3A, %add3A_284 : i32
        %get3A_286 = arith.index_cast %add3A_285 : i32 to index
        %get3A_287 = tpu.vector_load %arg10[%get3A_286] {strides = array<i32>} : memref<2000xi32, #tpu.memory_space<vmem>>, vector<16xi32>,
        %lt3A_288 = arith.cmpi slt, %get3A_287, %scan3A_73 : vector<16xi32>
        %convert_element_type3A_289 = arith.extui %lt3A_288 : vector<16xi1> to vector<16xi32>
        %broadcast_in_dim3A_290 = arith.constant true
        %broadcast_in_dim3A_291 = vector.broadcast %broadcast_in_dim3A_290 : i1 to vector<16xi1>
        %masked_cumsum3A_292 = tpu.scan <sum>, %convert_element_type3A_289 masked %broadcast_in_dim3A_291 : vector<16xi32>, vector<16xi1> -> vector<16xi32>
        %add3A_293 = arith.addi %add3A_283, %masked_cumsum3A_292 : vector<16xi32>
        %sub3A_294 = arith.subi %add3A_293, %convert_element_type3A_289 : vector<16xi32>
        tpu.vector_store_idx %arg9[%sub3A_294], %get3A_287 masked %lt3A_288 : memref<20016xi32, #tpu.memory_space<vmem>>[vector<16xi32>], vector<16xi32>, vector<16xi1>
        %all_reduce_population_count3A_295 = tpu.all_reduce %lt3A_288 {dim = 0 : i64, kind = #tpu.reduction_kind<sum>} : vector<16xi1> -> vector<16xi32>
        %add3A_296 = arith.addi %add3A_283, %all_reduce_population_count3A_295 : vector<16xi32>
        %add3A_297 = arith.constant 48 : i32
        %add3A_298 = arith.addi %multiple_of3A, %add3A_297 : i32
        %get3A_299 = arith.index_cast %add3A_298 : i32 to index
        %get3A_300 = tpu.vector_load %arg10[%get3A_299] {strides = array<i32>} : memref<2000xi32, #tpu.memory_space<vmem>>, vector<16xi32>,
        %lt3A_301 = arith.cmpi slt, %get3A_300, %scan3A_73 : vector<16xi32>
        %convert_element_type3A_302 = arith.extui %lt3A_301 : vector<16xi1> to vector<16xi32>
        %broadcast_in_dim3A_303 = arith.constant true
        %broadcast_in_dim3A_304 = vector.broadcast %broadcast_in_dim3A_303 : i1 to vector<16xi1>
        %masked_cumsum3A_305 = tpu.scan <sum>, %convert_element_type3A_302 masked %broadcast_in_dim3A_304 : vector<16xi32>, vector<16xi1> -> vector<16xi32>
        %add3A_306 = arith.addi %add3A_296, %masked_cumsum3A_305 : vector<16xi32>
        %sub3A_307 = arith.subi %add3A_306, %convert_element_type3A_302 : vector<16xi32>
        tpu.vector_store_idx %arg9[%sub3A_307], %get3A_300 masked %lt3A_301 : memref<20016xi32, #tpu.memory_space<vmem>>[vector<16xi32>], vector<16xi32>, vector<16xi1>
        %all_reduce_population_count3A_308 = tpu.all_reduce %lt3A_301 {dim = 0 : i64, kind = #tpu.reduction_kind<sum>} : vector<16xi1> -> vector<16xi32>
        %add3A_309 = arith.addi %add3A_296, %all_reduce_population_count3A_308 : vector<16xi32>
        %add3A_310 = arith.constant 64 : i32
        %add3A_311 = arith.addi %multiple_of3A, %add3A_310 : i32
        %get3A_312 = arith.index_cast %add3A_311 : i32 to index
        %get3A_313 = tpu.vector_load %arg10[%get3A_312] {strides = array<i32>} : memref<2000xi32, #tpu.memory_space<vmem>>, vector<16xi32>,
        %lt3A_314 = arith.cmpi slt, %get3A_313, %scan3A_73 : vector<16xi32>
        %convert_element_type3A_315 = arith.extui %lt3A_314 : vector<16xi1> to vector<16xi32>
        %broadcast_in_dim3A_316 = arith.constant true
        %broadcast_in_dim3A_317 = vector.broadcast %broadcast_in_dim3A_316 : i1 to vector<16xi1>
        %masked_cumsum3A_318 = tpu.scan <sum>, %convert_element_type3A_315 masked %broadcast_in_dim3A_317 : vector<16xi32>, vector<16xi1> -> vector<16xi32>
        %add3A_319 = arith.addi %add3A_309, %masked_cumsum3A_318 : vector<16xi32>
        %sub3A_320 = arith.subi %add3A_319, %convert_element_type3A_315 : vector<16xi32>
        tpu.vector_store_idx %arg9[%sub3A_320], %get3A_313 masked %lt3A_314 : memref<20016xi32, #tpu.memory_space<vmem>>[vector<16xi32>], vector<16xi32>, vector<16xi1>
        %all_reduce_population_count3A_321 = tpu.all_reduce %lt3A_314 {dim = 0 : i64, kind = #tpu.reduction_kind<sum>} : vector<16xi1> -> vector<16xi32>
        %add3A_322 = arith.addi %add3A_309, %all_reduce_population_count3A_321 : vector<16xi32>
        scf.yield %add3A_322 : vector<16xi32>
      }
      %scan3A_164 = arith.constant 25 : i32
      "tpu.region"() ({
        %run_scoped3A = tpu.sem_alloc : memref<!tpu.dma_semaphore, #tpu.memory_space<semaphore_mem>>
        %dma_start3A = arith.constant 10000 : i32
        %dma_start3A_258 = tpu.memref_slice %arg4[%dma_start3A] : memref<20000xi32, #tpu.memory_space<hbm>> -> memref<2000xi32, #tpu.memory_space<hbm>>
        %dma_start3A_259 = arith.constant 10000 : i32
        %dma_start3A_260 = tpu.memref_slice %arg4[%dma_start3A_259] : memref<20000xi32, #tpu.memory_space<hbm>> -> memref<2000xi32, #tpu.memory_space<hbm>>
        tpu.enqueue_dma source(%dma_start3A_260 : memref<2000xi32, #tpu.memory_space<hbm>>) target(%arg10 : memref<2000xi32, #tpu.memory_space<vmem>>) target_semaphore(%run_scoped3A : memref<!tpu.dma_semaphore, #tpu.memory_space<semaphore_mem>>)
        %dma_wait3A = arith.constant 10000 : i32
        %dma_wait3A_261 = tpu.memref_slice %arg4[%dma_wait3A] : memref<20000xi32, #tpu.memory_space<hbm>> -> memref<2000xi32, #tpu.memory_space<hbm>>
        %dma_wait3A_262 = arith.constant 10000 : i32
        %dma_wait3A_263 = tpu.memref_slice %arg4[%dma_wait3A_262] : memref<20000xi32, #tpu.memory_space<hbm>> -> memref<2000xi32, #tpu.memory_space<hbm>>
        tpu.wait_dma2 semaphore(%run_scoped3A : memref<!tpu.dma_semaphore, #tpu.memory_space<semaphore_mem>>) src(%dma_wait3A_263 : memref<2000xi32, #tpu.memory_space<hbm>>) dst(%arg10 : memref<2000xi32, #tpu.memory_space<vmem>>)
        tpu.yield
      }) : () -> ()
      %scan3A_165 = arith.constant 0 : i32
      %scan3A_166 = arith.constant 25 : i32
      %scan3A_167 = arith.addi %scan3A_165, %scan3A_166 : i32
      %scan3A_168 = arith.constant 1 : i32
      %scan3A_169 = scf.for %scan3A_258 = %scan3A_165 to %scan3A_167 step %scan3A_168 iter_args(%scan3A_259 = %scan3A_163) -> (vector<16xi32>)  : i32 {
        %mul3A = arith.constant 80 : i32
        %mul3A_260 = arith.muli %scan3A_258, %mul3A : i32
        %multiple_of3A = tpu.assume_multiple %mul3A_260, 16 : i32
        %add3A_261 = arith.constant 0 : i32
        %add3A_262 = arith.addi %multiple_of3A, %add3A_261 : i32
        %get3A = arith.index_cast %add3A_262 : i32 to index
        %get3A_263 = tpu.vector_load %arg10[%get3A] {strides = array<i32>} : memref<2000xi32, #tpu.memory_space<vmem>>, vector<16xi32>,
        %lt3A = arith.cmpi slt, %get3A_263, %scan3A_73 : vector<16xi32>
        %convert_element_type3A_264 = arith.extui %lt3A : vector<16xi1> to vector<16xi32>
        %broadcast_in_dim3A_265 = arith.constant true
        %broadcast_in_dim3A_266 = vector.broadcast %broadcast_in_dim3A_265 : i1 to vector<16xi1>
        %masked_cumsum3A_267 = tpu.scan <sum>, %convert_element_type3A_264 masked %broadcast_in_dim3A_266 : vector<16xi32>, vector<16xi1> -> vector<16xi32>
        %add3A_268 = arith.addi %scan3A_259, %masked_cumsum3A_267 : vector<16xi32>
        %sub3A_269 = arith.subi %add3A_268, %convert_element_type3A_264 : vector<16xi32>
        tpu.vector_store_idx %arg9[%sub3A_269], %get3A_263 masked %lt3A : memref<20016xi32, #tpu.memory_space<vmem>>[vector<16xi32>], vector<16xi32>, vector<16xi1>
        %all_reduce_population_count3A = tpu.all_reduce %lt3A {dim = 0 : i64, kind = #tpu.reduction_kind<sum>} : vector<16xi1> -> vector<16xi32>
        %add3A_270 = arith.addi %scan3A_259, %all_reduce_population_count3A : vector<16xi32>
        %add3A_271 = arith.constant 16 : i32
        %add3A_272 = arith.addi %multiple_of3A, %add3A_271 : i32
        %get3A_273 = arith.index_cast %add3A_272 : i32 to index
        %get3A_274 = tpu.vector_load %arg10[%get3A_273] {strides = array<i32>} : memref<2000xi32, #tpu.memory_space<vmem>>, vector<16xi32>,
        %lt3A_275 = arith.cmpi slt, %get3A_274, %scan3A_73 : vector<16xi32>
        %convert_element_type3A_276 = arith.extui %lt3A_275 : vector<16xi1> to vector<16xi32>
        %broadcast_in_dim3A_277 = arith.constant true
        %broadcast_in_dim3A_278 = vector.broadcast %broadcast_in_dim3A_277 : i1 to vector<16xi1>
        %masked_cumsum3A_279 = tpu.scan <sum>, %convert_element_type3A_276 masked %broadcast_in_dim3A_278 : vector<16xi32>, vector<16xi1> -> vector<16xi32>
        %add3A_280 = arith.addi %add3A_270, %masked_cumsum3A_279 : vector<16xi32>
        %sub3A_281 = arith.subi %add3A_280, %convert_element_type3A_276 : vector<16xi32>
        tpu.vector_store_idx %arg9[%sub3A_281], %get3A_274 masked %lt3A_275 : memref<20016xi32, #tpu.memory_space<vmem>>[vector<16xi32>], vector<16xi32>, vector<16xi1>
        %all_reduce_population_count3A_282 = tpu.all_reduce %lt3A_275 {dim = 0 : i64, kind = #tpu.reduction_kind<sum>} : vector<16xi1> -> vector<16xi32>
        %add3A_283 = arith.addi %add3A_270, %all_reduce_population_count3A_282 : vector<16xi32>
        %add3A_284 = arith.constant 32 : i32
        %add3A_285 = arith.addi %multiple_of3A, %add3A_284 : i32
        %get3A_286 = arith.index_cast %add3A_285 : i32 to index
        %get3A_287 = tpu.vector_load %arg10[%get3A_286] {strides = array<i32>} : memref<2000xi32, #tpu.memory_space<vmem>>, vector<16xi32>,
        %lt3A_288 = arith.cmpi slt, %get3A_287, %scan3A_73 : vector<16xi32>
        %convert_element_type3A_289 = arith.extui %lt3A_288 : vector<16xi1> to vector<16xi32>
        %broadcast_in_dim3A_290 = arith.constant true
        %broadcast_in_dim3A_291 = vector.broadcast %broadcast_in_dim3A_290 : i1 to vector<16xi1>
        %masked_cumsum3A_292 = tpu.scan <sum>, %convert_element_type3A_289 masked %broadcast_in_dim3A_291 : vector<16xi32>, vector<16xi1> -> vector<16xi32>
        %add3A_293 = arith.addi %add3A_283, %masked_cumsum3A_292 : vector<16xi32>
        %sub3A_294 = arith.subi %add3A_293, %convert_element_type3A_289 : vector<16xi32>
        tpu.vector_store_idx %arg9[%sub3A_294], %get3A_287 masked %lt3A_288 : memref<20016xi32, #tpu.memory_space<vmem>>[vector<16xi32>], vector<16xi32>, vector<16xi1>
        %all_reduce_population_count3A_295 = tpu.all_reduce %lt3A_288 {dim = 0 : i64, kind = #tpu.reduction_kind<sum>} : vector<16xi1> -> vector<16xi32>
        %add3A_296 = arith.addi %add3A_283, %all_reduce_population_count3A_295 : vector<16xi32>
        %add3A_297 = arith.constant 48 : i32
        %add3A_298 = arith.addi %multiple_of3A, %add3A_297 : i32
        %get3A_299 = arith.index_cast %add3A_298 : i32 to index
        %get3A_300 = tpu.vector_load %arg10[%get3A_299] {strides = array<i32>} : memref<2000xi32, #tpu.memory_space<vmem>>, vector<16xi32>,
        %lt3A_301 = arith.cmpi slt, %get3A_300, %scan3A_73 : vector<16xi32>
        %convert_element_type3A_302 = arith.extui %lt3A_301 : vector<16xi1> to vector<16xi32>
        %broadcast_in_dim3A_303 = arith.constant true
        %broadcast_in_dim3A_304 = vector.broadcast %broadcast_in_dim3A_303 : i1 to vector<16xi1>
        %masked_cumsum3A_305 = tpu.scan <sum>, %convert_element_type3A_302 masked %broadcast_in_dim3A_304 : vector<16xi32>, vector<16xi1> -> vector<16xi32>
        %add3A_306 = arith.addi %add3A_296, %masked_cumsum3A_305 : vector<16xi32>
        %sub3A_307 = arith.subi %add3A_306, %convert_element_type3A_302 : vector<16xi32>
        tpu.vector_store_idx %arg9[%sub3A_307], %get3A_300 masked %lt3A_301 : memref<20016xi32, #tpu.memory_space<vmem>>[vector<16xi32>], vector<16xi32>, vector<16xi1>
        %all_reduce_population_count3A_308 = tpu.all_reduce %lt3A_301 {dim = 0 : i64, kind = #tpu.reduction_kind<sum>} : vector<16xi1> -> vector<16xi32>
        %add3A_309 = arith.addi %add3A_296, %all_reduce_population_count3A_308 : vector<16xi32>
        %add3A_310 = arith.constant 64 : i32
        %add3A_311 = arith.addi %multiple_of3A, %add3A_310 : i32
        %get3A_312 = arith.index_cast %add3A_311 : i32 to index
        %get3A_313 = tpu.vector_load %arg10[%get3A_312] {strides = array<i32>} : memref<2000xi32, #tpu.memory_space<vmem>>, vector<16xi32>,
        %lt3A_314 = arith.cmpi slt, %get3A_313, %scan3A_73 : vector<16xi32>
        %convert_element_type3A_315 = arith.extui %lt3A_314 : vector<16xi1> to vector<16xi32>
        %broadcast_in_dim3A_316 = arith.constant true
        %broadcast_in_dim3A_317 = vector.broadcast %broadcast_in_dim3A_316 : i1 to vector<16xi1>
        %masked_cumsum3A_318 = tpu.scan <sum>, %convert_element_type3A_315 masked %broadcast_in_dim3A_317 : vector<16xi32>, vector<16xi1> -> vector<16xi32>
        %add3A_319 = arith.addi %add3A_309, %masked_cumsum3A_318 : vector<16xi32>
        %sub3A_320 = arith.subi %add3A_319, %convert_element_type3A_315 : vector<16xi32>
        tpu.vector_store_idx %arg9[%sub3A_320], %get3A_313 masked %lt3A_314 : memref<20016xi32, #tpu.memory_space<vmem>>[vector<16xi32>], vector<16xi32>, vector<16xi1>
        %all_reduce_population_count3A_321 = tpu.all_reduce %lt3A_314 {dim = 0 : i64, kind = #tpu.reduction_kind<sum>} : vector<16xi1> -> vector<16xi32>
        %add3A_322 = arith.addi %add3A_309, %all_reduce_population_count3A_321 : vector<16xi32>
        scf.yield %add3A_322 : vector<16xi32>
      }
      %scan3A_170 = arith.constant 25 : i32
      "tpu.region"() ({
        %run_scoped3A = tpu.sem_alloc : memref<!tpu.dma_semaphore, #tpu.memory_space<semaphore_mem>>
        %dma_start3A = arith.constant 12000 : i32
        %dma_start3A_258 = tpu.memref_slice %arg4[%dma_start3A] : memref<20000xi32, #tpu.memory_space<hbm>> -> memref<2000xi32, #tpu.memory_space<hbm>>
        %dma_start3A_259 = arith.constant 12000 : i32
        %dma_start3A_260 = tpu.memref_slice %arg4[%dma_start3A_259] : memref<20000xi32, #tpu.memory_space<hbm>> -> memref<2000xi32, #tpu.memory_space<hbm>>
        tpu.enqueue_dma source(%dma_start3A_260 : memref<2000xi32, #tpu.memory_space<hbm>>) target(%arg10 : memref<2000xi32, #tpu.memory_space<vmem>>) target_semaphore(%run_scoped3A : memref<!tpu.dma_semaphore, #tpu.memory_space<semaphore_mem>>)
        %dma_wait3A = arith.constant 12000 : i32
        %dma_wait3A_261 = tpu.memref_slice %arg4[%dma_wait3A] : memref<20000xi32, #tpu.memory_space<hbm>> -> memref<2000xi32, #tpu.memory_space<hbm>>
        %dma_wait3A_262 = arith.constant 12000 : i32
        %dma_wait3A_263 = tpu.memref_slice %arg4[%dma_wait3A_262] : memref<20000xi32, #tpu.memory_space<hbm>> -> memref<2000xi32, #tpu.memory_space<hbm>>
        tpu.wait_dma2 semaphore(%run_scoped3A : memref<!tpu.dma_semaphore, #tpu.memory_space<semaphore_mem>>) src(%dma_wait3A_263 : memref<2000xi32, #tpu.memory_space<hbm>>) dst(%arg10 : memref<2000xi32, #tpu.memory_space<vmem>>)
        tpu.yield
      }) : () -> ()
      %scan3A_171 = arith.constant 0 : i32
      %scan3A_172 = arith.constant 25 : i32
      %scan3A_173 = arith.addi %scan3A_171, %scan3A_172 : i32
      %scan3A_174 = arith.constant 1 : i32
      %scan3A_175 = scf.for %scan3A_258 = %scan3A_171 to %scan3A_173 step %scan3A_174 iter_args(%scan3A_259 = %scan3A_169) -> (vector<16xi32>)  : i32 {
        %mul3A = arith.constant 80 : i32
        %mul3A_260 = arith.muli %scan3A_258, %mul3A : i32
        %multiple_of3A = tpu.assume_multiple %mul3A_260, 16 : i32
        %add3A_261 = arith.constant 0 : i32
        %add3A_262 = arith.addi %multiple_of3A, %add3A_261 : i32
        %get3A = arith.index_cast %add3A_262 : i32 to index
        %get3A_263 = tpu.vector_load %arg10[%get3A] {strides = array<i32>} : memref<2000xi32, #tpu.memory_space<vmem>>, vector<16xi32>,
        %lt3A = arith.cmpi slt, %get3A_263, %scan3A_73 : vector<16xi32>
        %convert_element_type3A_264 = arith.extui %lt3A : vector<16xi1> to vector<16xi32>
        %broadcast_in_dim3A_265 = arith.constant true
        %broadcast_in_dim3A_266 = vector.broadcast %broadcast_in_dim3A_265 : i1 to vector<16xi1>
        %masked_cumsum3A_267 = tpu.scan <sum>, %convert_element_type3A_264 masked %broadcast_in_dim3A_266 : vector<16xi32>, vector<16xi1> -> vector<16xi32>
        %add3A_268 = arith.addi %scan3A_259, %masked_cumsum3A_267 : vector<16xi32>
        %sub3A_269 = arith.subi %add3A_268, %convert_element_type3A_264 : vector<16xi32>
        tpu.vector_store_idx %arg9[%sub3A_269], %get3A_263 masked %lt3A : memref<20016xi32, #tpu.memory_space<vmem>>[vector<16xi32>], vector<16xi32>, vector<16xi1>
        %all_reduce_population_count3A = tpu.all_reduce %lt3A {dim = 0 : i64, kind = #tpu.reduction_kind<sum>} : vector<16xi1> -> vector<16xi32>
        %add3A_270 = arith.addi %scan3A_259, %all_reduce_population_count3A : vector<16xi32>
        %add3A_271 = arith.constant 16 : i32
        %add3A_272 = arith.addi %multiple_of3A, %add3A_271 : i32
        %get3A_273 = arith.index_cast %add3A_272 : i32 to index
        %get3A_274 = tpu.vector_load %arg10[%get3A_273] {strides = array<i32>} : memref<2000xi32, #tpu.memory_space<vmem>>, vector<16xi32>,
        %lt3A_275 = arith.cmpi slt, %get3A_274, %scan3A_73 : vector<16xi32>
        %convert_element_type3A_276 = arith.extui %lt3A_275 : vector<16xi1> to vector<16xi32>
        %broadcast_in_dim3A_277 = arith.constant true
        %broadcast_in_dim3A_278 = vector.broadcast %broadcast_in_dim3A_277 : i1 to vector<16xi1>
        %masked_cumsum3A_279 = tpu.scan <sum>, %convert_element_type3A_276 masked %broadcast_in_dim3A_278 : vector<16xi32>, vector<16xi1> -> vector<16xi32>
        %add3A_280 = arith.addi %add3A_270, %masked_cumsum3A_279 : vector<16xi32>
        %sub3A_281 = arith.subi %add3A_280, %convert_element_type3A_276 : vector<16xi32>
        tpu.vector_store_idx %arg9[%sub3A_281], %get3A_274 masked %lt3A_275 : memref<20016xi32, #tpu.memory_space<vmem>>[vector<16xi32>], vector<16xi32>, vector<16xi1>
        %all_reduce_population_count3A_282 = tpu.all_reduce %lt3A_275 {dim = 0 : i64, kind = #tpu.reduction_kind<sum>} : vector<16xi1> -> vector<16xi32>
        %add3A_283 = arith.addi %add3A_270, %all_reduce_population_count3A_282 : vector<16xi32>
        %add3A_284 = arith.constant 32 : i32
        %add3A_285 = arith.addi %multiple_of3A, %add3A_284 : i32
        %get3A_286 = arith.index_cast %add3A_285 : i32 to index
        %get3A_287 = tpu.vector_load %arg10[%get3A_286] {strides = array<i32>} : memref<2000xi32, #tpu.memory_space<vmem>>, vector<16xi32>,
        %lt3A_288 = arith.cmpi slt, %get3A_287, %scan3A_73 : vector<16xi32>
        %convert_element_type3A_289 = arith.extui %lt3A_288 : vector<16xi1> to vector<16xi32>
        %broadcast_in_dim3A_290 = arith.constant true
        %broadcast_in_dim3A_291 = vector.broadcast %broadcast_in_dim3A_290 : i1 to vector<16xi1>
        %masked_cumsum3A_292 = tpu.scan <sum>, %convert_element_type3A_289 masked %broadcast_in_dim3A_291 : vector<16xi32>, vector<16xi1> -> vector<16xi32>
        %add3A_293 = arith.addi %add3A_283, %masked_cumsum3A_292 : vector<16xi32>
        %sub3A_294 = arith.subi %add3A_293, %convert_element_type3A_289 : vector<16xi32>
        tpu.vector_store_idx %arg9[%sub3A_294], %get3A_287 masked %lt3A_288 : memref<20016xi32, #tpu.memory_space<vmem>>[vector<16xi32>], vector<16xi32>, vector<16xi1>
        %all_reduce_population_count3A_295 = tpu.all_reduce %lt3A_288 {dim = 0 : i64, kind = #tpu.reduction_kind<sum>} : vector<16xi1> -> vector<16xi32>
        %add3A_296 = arith.addi %add3A_283, %all_reduce_population_count3A_295 : vector<16xi32>
        %add3A_297 = arith.constant 48 : i32
        %add3A_298 = arith.addi %multiple_of3A, %add3A_297 : i32
        %get3A_299 = arith.index_cast %add3A_298 : i32 to index
        %get3A_300 = tpu.vector_load %arg10[%get3A_299] {strides = array<i32>} : memref<2000xi32, #tpu.memory_space<vmem>>, vector<16xi32>,
        %lt3A_301 = arith.cmpi slt, %get3A_300, %scan3A_73 : vector<16xi32>
        %convert_element_type3A_302 = arith.extui %lt3A_301 : vector<16xi1> to vector<16xi32>
        %broadcast_in_dim3A_303 = arith.constant true
        %broadcast_in_dim3A_304 = vector.broadcast %broadcast_in_dim3A_303 : i1 to vector<16xi1>
        %masked_cumsum3A_305 = tpu.scan <sum>, %convert_element_type3A_302 masked %broadcast_in_dim3A_304 : vector<16xi32>, vector<16xi1> -> vector<16xi32>
        %add3A_306 = arith.addi %add3A_296, %masked_cumsum3A_305 : vector<16xi32>
        %sub3A_307 = arith.subi %add3A_306, %convert_element_type3A_302 : vector<16xi32>
        tpu.vector_store_idx %arg9[%sub3A_307], %get3A_300 masked %lt3A_301 : memref<20016xi32, #tpu.memory_space<vmem>>[vector<16xi32>], vector<16xi32>, vector<16xi1>
        %all_reduce_population_count3A_308 = tpu.all_reduce %lt3A_301 {dim = 0 : i64, kind = #tpu.reduction_kind<sum>} : vector<16xi1> -> vector<16xi32>
        %add3A_309 = arith.addi %add3A_296, %all_reduce_population_count3A_308 : vector<16xi32>
        %add3A_310 = arith.constant 64 : i32
        %add3A_311 = arith.addi %multiple_of3A, %add3A_310 : i32
        %get3A_312 = arith.index_cast %add3A_311 : i32 to index
        %get3A_313 = tpu.vector_load %arg10[%get3A_312] {strides = array<i32>} : memref<2000xi32, #tpu.memory_space<vmem>>, vector<16xi32>,
        %lt3A_314 = arith.cmpi slt, %get3A_313, %scan3A_73 : vector<16xi32>
        %convert_element_type3A_315 = arith.extui %lt3A_314 : vector<16xi1> to vector<16xi32>
        %broadcast_in_dim3A_316 = arith.constant true
        %broadcast_in_dim3A_317 = vector.broadcast %broadcast_in_dim3A_316 : i1 to vector<16xi1>
        %masked_cumsum3A_318 = tpu.scan <sum>, %convert_element_type3A_315 masked %broadcast_in_dim3A_317 : vector<16xi32>, vector<16xi1> -> vector<16xi32>
        %add3A_319 = arith.addi %add3A_309, %masked_cumsum3A_318 : vector<16xi32>
        %sub3A_320 = arith.subi %add3A_319, %convert_element_type3A_315 : vector<16xi32>
        tpu.vector_store_idx %arg9[%sub3A_320], %get3A_313 masked %lt3A_314 : memref<20016xi32, #tpu.memory_space<vmem>>[vector<16xi32>], vector<16xi32>, vector<16xi1>
        %all_reduce_population_count3A_321 = tpu.all_reduce %lt3A_314 {dim = 0 : i64, kind = #tpu.reduction_kind<sum>} : vector<16xi1> -> vector<16xi32>
        %add3A_322 = arith.addi %add3A_309, %all_reduce_population_count3A_321 : vector<16xi32>
        scf.yield %add3A_322 : vector<16xi32>
      }
      %scan3A_176 = arith.constant 25 : i32
      "tpu.region"() ({
        %run_scoped3A = tpu.sem_alloc : memref<!tpu.dma_semaphore, #tpu.memory_space<semaphore_mem>>
        %dma_start3A = arith.constant 14000 : i32
        %dma_start3A_258 = tpu.memref_slice %arg4[%dma_start3A] : memref<20000xi32, #tpu.memory_space<hbm>> -> memref<2000xi32, #tpu.memory_space<hbm>>
        %dma_start3A_259 = arith.constant 14000 : i32
        %dma_start3A_260 = tpu.memref_slice %arg4[%dma_start3A_259] : memref<20000xi32, #tpu.memory_space<hbm>> -> memref<2000xi32, #tpu.memory_space<hbm>>
        tpu.enqueue_dma source(%dma_start3A_260 : memref<2000xi32, #tpu.memory_space<hbm>>) target(%arg10 : memref<2000xi32, #tpu.memory_space<vmem>>) target_semaphore(%run_scoped3A : memref<!tpu.dma_semaphore, #tpu.memory_space<semaphore_mem>>)
        %dma_wait3A = arith.constant 14000 : i32
        %dma_wait3A_261 = tpu.memref_slice %arg4[%dma_wait3A] : memref<20000xi32, #tpu.memory_space<hbm>> -> memref<2000xi32, #tpu.memory_space<hbm>>
        %dma_wait3A_262 = arith.constant 14000 : i32
        %dma_wait3A_263 = tpu.memref_slice %arg4[%dma_wait3A_262] : memref<20000xi32, #tpu.memory_space<hbm>> -> memref<2000xi32, #tpu.memory_space<hbm>>
        tpu.wait_dma2 semaphore(%run_scoped3A : memref<!tpu.dma_semaphore, #tpu.memory_space<semaphore_mem>>) src(%dma_wait3A_263 : memref<2000xi32, #tpu.memory_space<hbm>>) dst(%arg10 : memref<2000xi32, #tpu.memory_space<vmem>>)
        tpu.yield
      }) : () -> ()
      %scan3A_177 = arith.constant 0 : i32
      %scan3A_178 = arith.constant 25 : i32
      %scan3A_179 = arith.addi %scan3A_177, %scan3A_178 : i32
      %scan3A_180 = arith.constant 1 : i32
      %scan3A_181 = scf.for %scan3A_258 = %scan3A_177 to %scan3A_179 step %scan3A_180 iter_args(%scan3A_259 = %scan3A_175) -> (vector<16xi32>)  : i32 {
        %mul3A = arith.constant 80 : i32
        %mul3A_260 = arith.muli %scan3A_258, %mul3A : i32
        %multiple_of3A = tpu.assume_multiple %mul3A_260, 16 : i32
        %add3A_261 = arith.constant 0 : i32
        %add3A_262 = arith.addi %multiple_of3A, %add3A_261 : i32
        %get3A = arith.index_cast %add3A_262 : i32 to index
        %get3A_263 = tpu.vector_load %arg10[%get3A] {strides = array<i32>} : memref<2000xi32, #tpu.memory_space<vmem>>, vector<16xi32>,
        %lt3A = arith.cmpi slt, %get3A_263, %scan3A_73 : vector<16xi32>
        %convert_element_type3A_264 = arith.extui %lt3A : vector<16xi1> to vector<16xi32>
        %broadcast_in_dim3A_265 = arith.constant true
        %broadcast_in_dim3A_266 = vector.broadcast %broadcast_in_dim3A_265 : i1 to vector<16xi1>
        %masked_cumsum3A_267 = tpu.scan <sum>, %convert_element_type3A_264 masked %broadcast_in_dim3A_266 : vector<16xi32>, vector<16xi1> -> vector<16xi32>
        %add3A_268 = arith.addi %scan3A_259, %masked_cumsum3A_267 : vector<16xi32>
        %sub3A_269 = arith.subi %add3A_268, %convert_element_type3A_264 : vector<16xi32>
        tpu.vector_store_idx %arg9[%sub3A_269], %get3A_263 masked %lt3A : memref<20016xi32, #tpu.memory_space<vmem>>[vector<16xi32>], vector<16xi32>, vector<16xi1>
        %all_reduce_population_count3A = tpu.all_reduce %lt3A {dim = 0 : i64, kind = #tpu.reduction_kind<sum>} : vector<16xi1> -> vector<16xi32>
        %add3A_270 = arith.addi %scan3A_259, %all_reduce_population_count3A : vector<16xi32>
        %add3A_271 = arith.constant 16 : i32
        %add3A_272 = arith.addi %multiple_of3A, %add3A_271 : i32
        %get3A_273 = arith.index_cast %add3A_272 : i32 to index
        %get3A_274 = tpu.vector_load %arg10[%get3A_273] {strides = array<i32>} : memref<2000xi32, #tpu.memory_space<vmem>>, vector<16xi32>,
        %lt3A_275 = arith.cmpi slt, %get3A_274, %scan3A_73 : vector<16xi32>
        %convert_element_type3A_276 = arith.extui %lt3A_275 : vector<16xi1> to vector<16xi32>
        %broadcast_in_dim3A_277 = arith.constant true
        %broadcast_in_dim3A_278 = vector.broadcast %broadcast_in_dim3A_277 : i1 to vector<16xi1>
        %masked_cumsum3A_279 = tpu.scan <sum>, %convert_element_type3A_276 masked %broadcast_in_dim3A_278 : vector<16xi32>, vector<16xi1> -> vector<16xi32>
        %add3A_280 = arith.addi %add3A_270, %masked_cumsum3A_279 : vector<16xi32>
        %sub3A_281 = arith.subi %add3A_280, %convert_element_type3A_276 : vector<16xi32>
        tpu.vector_store_idx %arg9[%sub3A_281], %get3A_274 masked %lt3A_275 : memref<20016xi32, #tpu.memory_space<vmem>>[vector<16xi32>], vector<16xi32>, vector<16xi1>
        %all_reduce_population_count3A_282 = tpu.all_reduce %lt3A_275 {dim = 0 : i64, kind = #tpu.reduction_kind<sum>} : vector<16xi1> -> vector<16xi32>
        %add3A_283 = arith.addi %add3A_270, %all_reduce_population_count3A_282 : vector<16xi32>
        %add3A_284 = arith.constant 32 : i32
        %add3A_285 = arith.addi %multiple_of3A, %add3A_284 : i32
        %get3A_286 = arith.index_cast %add3A_285 : i32 to index
        %get3A_287 = tpu.vector_load %arg10[%get3A_286] {strides = array<i32>} : memref<2000xi32, #tpu.memory_space<vmem>>, vector<16xi32>,
        %lt3A_288 = arith.cmpi slt, %get3A_287, %scan3A_73 : vector<16xi32>
        %convert_element_type3A_289 = arith.extui %lt3A_288 : vector<16xi1> to vector<16xi32>
        %broadcast_in_dim3A_290 = arith.constant true
        %broadcast_in_dim3A_291 = vector.broadcast %broadcast_in_dim3A_290 : i1 to vector<16xi1>
        %masked_cumsum3A_292 = tpu.scan <sum>, %convert_element_type3A_289 masked %broadcast_in_dim3A_291 : vector<16xi32>, vector<16xi1> -> vector<16xi32>
        %add3A_293 = arith.addi %add3A_283, %masked_cumsum3A_292 : vector<16xi32>
        %sub3A_294 = arith.subi %add3A_293, %convert_element_type3A_289 : vector<16xi32>
        tpu.vector_store_idx %arg9[%sub3A_294], %get3A_287 masked %lt3A_288 : memref<20016xi32, #tpu.memory_space<vmem>>[vector<16xi32>], vector<16xi32>, vector<16xi1>
        %all_reduce_population_count3A_295 = tpu.all_reduce %lt3A_288 {dim = 0 : i64, kind = #tpu.reduction_kind<sum>} : vector<16xi1> -> vector<16xi32>
        %add3A_296 = arith.addi %add3A_283, %all_reduce_population_count3A_295 : vector<16xi32>
        %add3A_297 = arith.constant 48 : i32
        %add3A_298 = arith.addi %multiple_of3A, %add3A_297 : i32
        %get3A_299 = arith.index_cast %add3A_298 : i32 to index
        %get3A_300 = tpu.vector_load %arg10[%get3A_299] {strides = array<i32>} : memref<2000xi32, #tpu.memory_space<vmem>>, vector<16xi32>,
        %lt3A_301 = arith.cmpi slt, %get3A_300, %scan3A_73 : vector<16xi32>
        %convert_element_type3A_302 = arith.extui %lt3A_301 : vector<16xi1> to vector<16xi32>
        %broadcast_in_dim3A_303 = arith.constant true
        %broadcast_in_dim3A_304 = vector.broadcast %broadcast_in_dim3A_303 : i1 to vector<16xi1>
        %masked_cumsum3A_305 = tpu.scan <sum>, %convert_element_type3A_302 masked %broadcast_in_dim3A_304 : vector<16xi32>, vector<16xi1> -> vector<16xi32>
        %add3A_306 = arith.addi %add3A_296, %masked_cumsum3A_305 : vector<16xi32>
        %sub3A_307 = arith.subi %add3A_306, %convert_element_type3A_302 : vector<16xi32>
        tpu.vector_store_idx %arg9[%sub3A_307], %get3A_300 masked %lt3A_301 : memref<20016xi32, #tpu.memory_space<vmem>>[vector<16xi32>], vector<16xi32>, vector<16xi1>
        %all_reduce_population_count3A_308 = tpu.all_reduce %lt3A_301 {dim = 0 : i64, kind = #tpu.reduction_kind<sum>} : vector<16xi1> -> vector<16xi32>
        %add3A_309 = arith.addi %add3A_296, %all_reduce_population_count3A_308 : vector<16xi32>
        %add3A_310 = arith.constant 64 : i32
        %add3A_311 = arith.addi %multiple_of3A, %add3A_310 : i32
        %get3A_312 = arith.index_cast %add3A_311 : i32 to index
        %get3A_313 = tpu.vector_load %arg10[%get3A_312] {strides = array<i32>} : memref<2000xi32, #tpu.memory_space<vmem>>, vector<16xi32>,
        %lt3A_314 = arith.cmpi slt, %get3A_313, %scan3A_73 : vector<16xi32>
        %convert_element_type3A_315 = arith.extui %lt3A_314 : vector<16xi1> to vector<16xi32>
        %broadcast_in_dim3A_316 = arith.constant true
        %broadcast_in_dim3A_317 = vector.broadcast %broadcast_in_dim3A_316 : i1 to vector<16xi1>
        %masked_cumsum3A_318 = tpu.scan <sum>, %convert_element_type3A_315 masked %broadcast_in_dim3A_317 : vector<16xi32>, vector<16xi1> -> vector<16xi32>
        %add3A_319 = arith.addi %add3A_309, %masked_cumsum3A_318 : vector<16xi32>
        %sub3A_320 = arith.subi %add3A_319, %convert_element_type3A_315 : vector<16xi32>
        tpu.vector_store_idx %arg9[%sub3A_320], %get3A_313 masked %lt3A_314 : memref<20016xi32, #tpu.memory_space<vmem>>[vector<16xi32>], vector<16xi32>, vector<16xi1>
        %all_reduce_population_count3A_321 = tpu.all_reduce %lt3A_314 {dim = 0 : i64, kind = #tpu.reduction_kind<sum>} : vector<16xi1> -> vector<16xi32>
        %add3A_322 = arith.addi %add3A_309, %all_reduce_population_count3A_321 : vector<16xi32>
        scf.yield %add3A_322 : vector<16xi32>
      }
      %scan3A_182 = arith.constant 25 : i32
      "tpu.region"() ({
        %run_scoped3A = tpu.sem_alloc : memref<!tpu.dma_semaphore, #tpu.memory_space<semaphore_mem>>
        %dma_start3A = arith.constant 16000 : i32
        %dma_start3A_258 = tpu.memref_slice %arg4[%dma_start3A] : memref<20000xi32, #tpu.memory_space<hbm>> -> memref<2000xi32, #tpu.memory_space<hbm>>
        %dma_start3A_259 = arith.constant 16000 : i32
        %dma_start3A_260 = tpu.memref_slice %arg4[%dma_start3A_259] : memref<20000xi32, #tpu.memory_space<hbm>> -> memref<2000xi32, #tpu.memory_space<hbm>>
        tpu.enqueue_dma source(%dma_start3A_260 : memref<2000xi32, #tpu.memory_space<hbm>>) target(%arg10 : memref<2000xi32, #tpu.memory_space<vmem>>) target_semaphore(%run_scoped3A : memref<!tpu.dma_semaphore, #tpu.memory_space<semaphore_mem>>)
        %dma_wait3A = arith.constant 16000 : i32
        %dma_wait3A_261 = tpu.memref_slice %arg4[%dma_wait3A] : memref<20000xi32, #tpu.memory_space<hbm>> -> memref<2000xi32, #tpu.memory_space<hbm>>
        %dma_wait3A_262 = arith.constant 16000 : i32
        %dma_wait3A_263 = tpu.memref_slice %arg4[%dma_wait3A_262] : memref<20000xi32, #tpu.memory_space<hbm>> -> memref<2000xi32, #tpu.memory_space<hbm>>
        tpu.wait_dma2 semaphore(%run_scoped3A : memref<!tpu.dma_semaphore, #tpu.memory_space<semaphore_mem>>) src(%dma_wait3A_263 : memref<2000xi32, #tpu.memory_space<hbm>>) dst(%arg10 : memref<2000xi32, #tpu.memory_space<vmem>>)
        tpu.yield
      }) : () -> ()
      %scan3A_183 = arith.constant 0 : i32
      %scan3A_184 = arith.constant 25 : i32
      %scan3A_185 = arith.addi %scan3A_183, %scan3A_184 : i32
      %scan3A_186 = arith.constant 1 : i32
      %scan3A_187 = scf.for %scan3A_258 = %scan3A_183 to %scan3A_185 step %scan3A_186 iter_args(%scan3A_259 = %scan3A_181) -> (vector<16xi32>)  : i32 {
        %mul3A = arith.constant 80 : i32
        %mul3A_260 = arith.muli %scan3A_258, %mul3A : i32
        %multiple_of3A = tpu.assume_multiple %mul3A_260, 16 : i32
        %add3A_261 = arith.constant 0 : i32
        %add3A_262 = arith.addi %multiple_of3A, %add3A_261 : i32
        %get3A = arith.index_cast %add3A_262 : i32 to index
        %get3A_263 = tpu.vector_load %arg10[%get3A] {strides = array<i32>} : memref<2000xi32, #tpu.memory_space<vmem>>, vector<16xi32>,
        %lt3A = arith.cmpi slt, %get3A_263, %scan3A_73 : vector<16xi32>
        %convert_element_type3A_264 = arith.extui %lt3A : vector<16xi1> to vector<16xi32>
        %broadcast_in_dim3A_265 = arith.constant true
        %broadcast_in_dim3A_266 = vector.broadcast %broadcast_in_dim3A_265 : i1 to vector<16xi1>
        %masked_cumsum3A_267 = tpu.scan <sum>, %convert_element_type3A_264 masked %broadcast_in_dim3A_266 : vector<16xi32>, vector<16xi1> -> vector<16xi32>
        %add3A_268 = arith.addi %scan3A_259, %masked_cumsum3A_267 : vector<16xi32>
        %sub3A_269 = arith.subi %add3A_268, %convert_element_type3A_264 : vector<16xi32>
        tpu.vector_store_idx %arg9[%sub3A_269], %get3A_263 masked %lt3A : memref<20016xi32, #tpu.memory_space<vmem>>[vector<16xi32>], vector<16xi32>, vector<16xi1>
        %all_reduce_population_count3A = tpu.all_reduce %lt3A {dim = 0 : i64, kind = #tpu.reduction_kind<sum>} : vector<16xi1> -> vector<16xi32>
        %add3A_270 = arith.addi %scan3A_259, %all_reduce_population_count3A : vector<16xi32>
        %add3A_271 = arith.constant 16 : i32
        %add3A_272 = arith.addi %multiple_of3A, %add3A_271 : i32
        %get3A_273 = arith.index_cast %add3A_272 : i32 to index
        %get3A_274 = tpu.vector_load %arg10[%get3A_273] {strides = array<i32>} : memref<2000xi32, #tpu.memory_space<vmem>>, vector<16xi32>,
        %lt3A_275 = arith.cmpi slt, %get3A_274, %scan3A_73 : vector<16xi32>
        %convert_element_type3A_276 = arith.extui %lt3A_275 : vector<16xi1> to vector<16xi32>
        %broadcast_in_dim3A_277 = arith.constant true
        %broadcast_in_dim3A_278 = vector.broadcast %broadcast_in_dim3A_277 : i1 to vector<16xi1>
        %masked_cumsum3A_279 = tpu.scan <sum>, %convert_element_type3A_276 masked %broadcast_in_dim3A_278 : vector<16xi32>, vector<16xi1> -> vector<16xi32>
        %add3A_280 = arith.addi %add3A_270, %masked_cumsum3A_279 : vector<16xi32>
        %sub3A_281 = arith.subi %add3A_280, %convert_element_type3A_276 : vector<16xi32>
        tpu.vector_store_idx %arg9[%sub3A_281], %get3A_274 masked %lt3A_275 : memref<20016xi32, #tpu.memory_space<vmem>>[vector<16xi32>], vector<16xi32>, vector<16xi1>
        %all_reduce_population_count3A_282 = tpu.all_reduce %lt3A_275 {dim = 0 : i64, kind = #tpu.reduction_kind<sum>} : vector<16xi1> -> vector<16xi32>
        %add3A_283 = arith.addi %add3A_270, %all_reduce_population_count3A_282 : vector<16xi32>
        %add3A_284 = arith.constant 32 : i32
        %add3A_285 = arith.addi %multiple_of3A, %add3A_284 : i32
        %get3A_286 = arith.index_cast %add3A_285 : i32 to index
        %get3A_287 = tpu.vector_load %arg10[%get3A_286] {strides = array<i32>} : memref<2000xi32, #tpu.memory_space<vmem>>, vector<16xi32>,
        %lt3A_288 = arith.cmpi slt, %get3A_287, %scan3A_73 : vector<16xi32>
        %convert_element_type3A_289 = arith.extui %lt3A_288 : vector<16xi1> to vector<16xi32>
        %broadcast_in_dim3A_290 = arith.constant true
        %broadcast_in_dim3A_291 = vector.broadcast %broadcast_in_dim3A_290 : i1 to vector<16xi1>
        %masked_cumsum3A_292 = tpu.scan <sum>, %convert_element_type3A_289 masked %broadcast_in_dim3A_291 : vector<16xi32>, vector<16xi1> -> vector<16xi32>
        %add3A_293 = arith.addi %add3A_283, %masked_cumsum3A_292 : vector<16xi32>
        %sub3A_294 = arith.subi %add3A_293, %convert_element_type3A_289 : vector<16xi32>
        tpu.vector_store_idx %arg9[%sub3A_294], %get3A_287 masked %lt3A_288 : memref<20016xi32, #tpu.memory_space<vmem>>[vector<16xi32>], vector<16xi32>, vector<16xi1>
        %all_reduce_population_count3A_295 = tpu.all_reduce %lt3A_288 {dim = 0 : i64, kind = #tpu.reduction_kind<sum>} : vector<16xi1> -> vector<16xi32>
        %add3A_296 = arith.addi %add3A_283, %all_reduce_population_count3A_295 : vector<16xi32>
        %add3A_297 = arith.constant 48 : i32
        %add3A_298 = arith.addi %multiple_of3A, %add3A_297 : i32
        %get3A_299 = arith.index_cast %add3A_298 : i32 to index
        %get3A_300 = tpu.vector_load %arg10[%get3A_299] {strides = array<i32>} : memref<2000xi32, #tpu.memory_space<vmem>>, vector<16xi32>,
        %lt3A_301 = arith.cmpi slt, %get3A_300, %scan3A_73 : vector<16xi32>
        %convert_element_type3A_302 = arith.extui %lt3A_301 : vector<16xi1> to vector<16xi32>
        %broadcast_in_dim3A_303 = arith.constant true
        %broadcast_in_dim3A_304 = vector.broadcast %broadcast_in_dim3A_303 : i1 to vector<16xi1>
        %masked_cumsum3A_305 = tpu.scan <sum>, %convert_element_type3A_302 masked %broadcast_in_dim3A_304 : vector<16xi32>, vector<16xi1> -> vector<16xi32>
        %add3A_306 = arith.addi %add3A_296, %masked_cumsum3A_305 : vector<16xi32>
        %sub3A_307 = arith.subi %add3A_306, %convert_element_type3A_302 : vector<16xi32>
        tpu.vector_store_idx %arg9[%sub3A_307], %get3A_300 masked %lt3A_301 : memref<20016xi32, #tpu.memory_space<vmem>>[vector<16xi32>], vector<16xi32>, vector<16xi1>
        %all_reduce_population_count3A_308 = tpu.all_reduce %lt3A_301 {dim = 0 : i64, kind = #tpu.reduction_kind<sum>} : vector<16xi1> -> vector<16xi32>
        %add3A_309 = arith.addi %add3A_296, %all_reduce_population_count3A_308 : vector<16xi32>
        %add3A_310 = arith.constant 64 : i32
        %add3A_311 = arith.addi %multiple_of3A, %add3A_310 : i32
        %get3A_312 = arith.index_cast %add3A_311 : i32 to index
        %get3A_313 = tpu.vector_load %arg10[%get3A_312] {strides = array<i32>} : memref<2000xi32, #tpu.memory_space<vmem>>, vector<16xi32>,
        %lt3A_314 = arith.cmpi slt, %get3A_313, %scan3A_73 : vector<16xi32>
        %convert_element_type3A_315 = arith.extui %lt3A_314 : vector<16xi1> to vector<16xi32>
        %broadcast_in_dim3A_316 = arith.constant true
        %broadcast_in_dim3A_317 = vector.broadcast %broadcast_in_dim3A_316 : i1 to vector<16xi1>
        %masked_cumsum3A_318 = tpu.scan <sum>, %convert_element_type3A_315 masked %broadcast_in_dim3A_317 : vector<16xi32>, vector<16xi1> -> vector<16xi32>
        %add3A_319 = arith.addi %add3A_309, %masked_cumsum3A_318 : vector<16xi32>
        %sub3A_320 = arith.subi %add3A_319, %convert_element_type3A_315 : vector<16xi32>
        tpu.vector_store_idx %arg9[%sub3A_320], %get3A_313 masked %lt3A_314 : memref<20016xi32, #tpu.memory_space<vmem>>[vector<16xi32>], vector<16xi32>, vector<16xi1>
        %all_reduce_population_count3A_321 = tpu.all_reduce %lt3A_314 {dim = 0 : i64, kind = #tpu.reduction_kind<sum>} : vector<16xi1> -> vector<16xi32>
        %add3A_322 = arith.addi %add3A_309, %all_reduce_population_count3A_321 : vector<16xi32>
        scf.yield %add3A_322 : vector<16xi32>
      }
      %scan3A_188 = arith.constant 25 : i32
      "tpu.region"() ({
        %run_scoped3A = tpu.sem_alloc : memref<!tpu.dma_semaphore, #tpu.memory_space<semaphore_mem>>
        %dma_start3A = arith.constant 18000 : i32
        %dma_start3A_258 = tpu.memref_slice %arg4[%dma_start3A] : memref<20000xi32, #tpu.memory_space<hbm>> -> memref<2000xi32, #tpu.memory_space<hbm>>
        %dma_start3A_259 = arith.constant 18000 : i32
        %dma_start3A_260 = tpu.memref_slice %arg4[%dma_start3A_259] : memref<20000xi32, #tpu.memory_space<hbm>> -> memref<2000xi32, #tpu.memory_space<hbm>>
        tpu.enqueue_dma source(%dma_start3A_260 : memref<2000xi32, #tpu.memory_space<hbm>>) target(%arg10 : memref<2000xi32, #tpu.memory_space<vmem>>) target_semaphore(%run_scoped3A : memref<!tpu.dma_semaphore, #tpu.memory_space<semaphore_mem>>)
        %dma_wait3A = arith.constant 18000 : i32
        %dma_wait3A_261 = tpu.memref_slice %arg4[%dma_wait3A] : memref<20000xi32, #tpu.memory_space<hbm>> -> memref<2000xi32, #tpu.memory_space<hbm>>
        %dma_wait3A_262 = arith.constant 18000 : i32
        %dma_wait3A_263 = tpu.memref_slice %arg4[%dma_wait3A_262] : memref<20000xi32, #tpu.memory_space<hbm>> -> memref<2000xi32, #tpu.memory_space<hbm>>
        tpu.wait_dma2 semaphore(%run_scoped3A : memref<!tpu.dma_semaphore, #tpu.memory_space<semaphore_mem>>) src(%dma_wait3A_263 : memref<2000xi32, #tpu.memory_space<hbm>>) dst(%arg10 : memref<2000xi32, #tpu.memory_space<vmem>>)
        tpu.yield
      }) : () -> ()
      %scan3A_189 = arith.constant 0 : i32
      %scan3A_190 = arith.constant 25 : i32
      %scan3A_191 = arith.addi %scan3A_189, %scan3A_190 : i32
      %scan3A_192 = arith.constant 1 : i32
      %scan3A_193 = scf.for %scan3A_258 = %scan3A_189 to %scan3A_191 step %scan3A_192 iter_args(%scan3A_259 = %scan3A_187) -> (vector<16xi32>)  : i32 {
        %mul3A = arith.constant 80 : i32
        %mul3A_260 = arith.muli %scan3A_258, %mul3A : i32
        %multiple_of3A = tpu.assume_multiple %mul3A_260, 16 : i32
        %add3A_261 = arith.constant 0 : i32
        %add3A_262 = arith.addi %multiple_of3A, %add3A_261 : i32
        %get3A = arith.index_cast %add3A_262 : i32 to index
        %get3A_263 = tpu.vector_load %arg10[%get3A] {strides = array<i32>} : memref<2000xi32, #tpu.memory_space<vmem>>, vector<16xi32>,
        %lt3A = arith.cmpi slt, %get3A_263, %scan3A_73 : vector<16xi32>
        %convert_element_type3A_264 = arith.extui %lt3A : vector<16xi1> to vector<16xi32>
        %broadcast_in_dim3A_265 = arith.constant true
        %broadcast_in_dim3A_266 = vector.broadcast %broadcast_in_dim3A_265 : i1 to vector<16xi1>
        %masked_cumsum3A_267 = tpu.scan <sum>, %convert_element_type3A_264 masked %broadcast_in_dim3A_266 : vector<16xi32>, vector<16xi1> -> vector<16xi32>
        %add3A_268 = arith.addi %scan3A_259, %masked_cumsum3A_267 : vector<16xi32>
        %sub3A_269 = arith.subi %add3A_268, %convert_element_type3A_264 : vector<16xi32>
        tpu.vector_store_idx %arg9[%sub3A_269], %get3A_263 masked %lt3A : memref<20016xi32, #tpu.memory_space<vmem>>[vector<16xi32>], vector<16xi32>, vector<16xi1>
        %all_reduce_population_count3A = tpu.all_reduce %lt3A {dim = 0 : i64, kind = #tpu.reduction_kind<sum>} : vector<16xi1> -> vector<16xi32>
        %add3A_270 = arith.addi %scan3A_259, %all_reduce_population_count3A : vector<16xi32>
        %add3A_271 = arith.constant 16 : i32
        %add3A_272 = arith.addi %multiple_of3A, %add3A_271 : i32
        %get3A_273 = arith.index_cast %add3A_272 : i32 to index
        %get3A_274 = tpu.vector_load %arg10[%get3A_273] {strides = array<i32>} : memref<2000xi32, #tpu.memory_space<vmem>>, vector<16xi32>,
        %lt3A_275 = arith.cmpi slt, %get3A_274, %scan3A_73 : vector<16xi32>
        %convert_element_type3A_276 = arith.extui %lt3A_275 : vector<16xi1> to vector<16xi32>
        %broadcast_in_dim3A_277 = arith.constant true
        %broadcast_in_dim3A_278 = vector.broadcast %broadcast_in_dim3A_277 : i1 to vector<16xi1>
        %masked_cumsum3A_279 = tpu.scan <sum>, %convert_element_type3A_276 masked %broadcast_in_dim3A_278 : vector<16xi32>, vector<16xi1> -> vector<16xi32>
        %add3A_280 = arith.addi %add3A_270, %masked_cumsum3A_279 : vector<16xi32>
        %sub3A_281 = arith.subi %add3A_280, %convert_element_type3A_276 : vector<16xi32>
        tpu.vector_store_idx %arg9[%sub3A_281], %get3A_274 masked %lt3A_275 : memref<20016xi32, #tpu.memory_space<vmem>>[vector<16xi32>], vector<16xi32>, vector<16xi1>
        %all_reduce_population_count3A_282 = tpu.all_reduce %lt3A_275 {dim = 0 : i64, kind = #tpu.reduction_kind<sum>} : vector<16xi1> -> vector<16xi32>
        %add3A_283 = arith.addi %add3A_270, %all_reduce_population_count3A_282 : vector<16xi32>
        %add3A_284 = arith.constant 32 : i32
        %add3A_285 = arith.addi %multiple_of3A, %add3A_284 : i32
        %get3A_286 = arith.index_cast %add3A_285 : i32 to index
        %get3A_287 = tpu.vector_load %arg10[%get3A_286] {strides = array<i32>} : memref<2000xi32, #tpu.memory_space<vmem>>, vector<16xi32>,
        %lt3A_288 = arith.cmpi slt, %get3A_287, %scan3A_73 : vector<16xi32>
        %convert_element_type3A_289 = arith.extui %lt3A_288 : vector<16xi1> to vector<16xi32>
        %broadcast_in_dim3A_290 = arith.constant true
        %broadcast_in_dim3A_291 = vector.broadcast %broadcast_in_dim3A_290 : i1 to vector<16xi1>
        %masked_cumsum3A_292 = tpu.scan <sum>, %convert_element_type3A_289 masked %broadcast_in_dim3A_291 : vector<16xi32>, vector<16xi1> -> vector<16xi32>
        %add3A_293 = arith.addi %add3A_283, %masked_cumsum3A_292 : vector<16xi32>
        %sub3A_294 = arith.subi %add3A_293, %convert_element_type3A_289 : vector<16xi32>
        tpu.vector_store_idx %arg9[%sub3A_294], %get3A_287 masked %lt3A_288 : memref<20016xi32, #tpu.memory_space<vmem>>[vector<16xi32>], vector<16xi32>, vector<16xi1>
        %all_reduce_population_count3A_295 = tpu.all_reduce %lt3A_288 {dim = 0 : i64, kind = #tpu.reduction_kind<sum>} : vector<16xi1> -> vector<16xi32>
        %add3A_296 = arith.addi %add3A_283, %all_reduce_population_count3A_295 : vector<16xi32>
        %add3A_297 = arith.constant 48 : i32
        %add3A_298 = arith.addi %multiple_of3A, %add3A_297 : i32
        %get3A_299 = arith.index_cast %add3A_298 : i32 to index
        %get3A_300 = tpu.vector_load %arg10[%get3A_299] {strides = array<i32>} : memref<2000xi32, #tpu.memory_space<vmem>>, vector<16xi32>,
        %lt3A_301 = arith.cmpi slt, %get3A_300, %scan3A_73 : vector<16xi32>
        %convert_element_type3A_302 = arith.extui %lt3A_301 : vector<16xi1> to vector<16xi32>
        %broadcast_in_dim3A_303 = arith.constant true
        %broadcast_in_dim3A_304 = vector.broadcast %broadcast_in_dim3A_303 : i1 to vector<16xi1>
        %masked_cumsum3A_305 = tpu.scan <sum>, %convert_element_type3A_302 masked %broadcast_in_dim3A_304 : vector<16xi32>, vector<16xi1> -> vector<16xi32>
        %add3A_306 = arith.addi %add3A_296, %masked_cumsum3A_305 : vector<16xi32>
        %sub3A_307 = arith.subi %add3A_306, %convert_element_type3A_302 : vector<16xi32>
        tpu.vector_store_idx %arg9[%sub3A_307], %get3A_300 masked %lt3A_301 : memref<20016xi32, #tpu.memory_space<vmem>>[vector<16xi32>], vector<16xi32>, vector<16xi1>
        %all_reduce_population_count3A_308 = tpu.all_reduce %lt3A_301 {dim = 0 : i64, kind = #tpu.reduction_kind<sum>} : vector<16xi1> -> vector<16xi32>
        %add3A_309 = arith.addi %add3A_296, %all_reduce_population_count3A_308 : vector<16xi32>
        %add3A_310 = arith.constant 64 : i32
        %add3A_311 = arith.addi %multiple_of3A, %add3A_310 : i32
        %get3A_312 = arith.index_cast %add3A_311 : i32 to index
        %get3A_313 = tpu.vector_load %arg10[%get3A_312] {strides = array<i32>} : memref<2000xi32, #tpu.memory_space<vmem>>, vector<16xi32>,
        %lt3A_314 = arith.cmpi slt, %get3A_313, %scan3A_73 : vector<16xi32>
        %convert_element_type3A_315 = arith.extui %lt3A_314 : vector<16xi1> to vector<16xi32>
        %broadcast_in_dim3A_316 = arith.constant true
        %broadcast_in_dim3A_317 = vector.broadcast %broadcast_in_dim3A_316 : i1 to vector<16xi1>
        %masked_cumsum3A_318 = tpu.scan <sum>, %convert_element_type3A_315 masked %broadcast_in_dim3A_317 : vector<16xi32>, vector<16xi1> -> vector<16xi32>
        %add3A_319 = arith.addi %add3A_309, %masked_cumsum3A_318 : vector<16xi32>
        %sub3A_320 = arith.subi %add3A_319, %convert_element_type3A_315 : vector<16xi32>
        tpu.vector_store_idx %arg9[%sub3A_320], %get3A_313 masked %lt3A_314 : memref<20016xi32, #tpu.memory_space<vmem>>[vector<16xi32>], vector<16xi32>, vector<16xi1>
        %all_reduce_population_count3A_321 = tpu.all_reduce %lt3A_314 {dim = 0 : i64, kind = #tpu.reduction_kind<sum>} : vector<16xi1> -> vector<16xi32>
        %add3A_322 = arith.addi %add3A_309, %all_reduce_population_count3A_321 : vector<16xi32>
        scf.yield %add3A_322 : vector<16xi32>
      }
      %scan3A_194 = arith.constant 25 : i32
      %min3A = arith.minsi %convert_element_type3A_15, %scan3A_73 : vector<16xi32>
      %reduce_max3A = arith.constant true
      %reduce_max3A_195 = vector.broadcast %reduce_max3A : i1 to vector<16xi1>
      %reduce_max3A_196 = arith.constant -2147483648 : i32
      %reduce_max3A_197 = vector.broadcast %reduce_max3A_196 : i32 to vector<16xi32>
      %reduce_max3A_198 = arith.xori %min3A, %reduce_max3A_197 : vector<16xi32>
      %reduce_max3A_199 = tpu.scan <max>, %reduce_max3A_198 masked %reduce_max3A_195 : vector<16xi32>, vector<16xi1> -> vector<16xi32>
      %reduce_max3A_200 = arith.xori %reduce_max3A_199, %reduce_max3A_197 : vector<16xi32>
      %reduce_max3A_201 = vector.extract %reduce_max3A_200[15] : i32 from vector<16xi32>
      %add3A_202 = arith.constant 15 : i32
      %add3A_203 = arith.addi %reduce_max3A_201, %add3A_202 : i32
      %jit3A = arith.constant 16 : i32
      %div3A = arith.divsi %add3A_203, %jit3A : i32
      %sign3A = arith.constant 0 : i32
      %sign3A_204 = arith.cmpi sgt, %add3A_203, %sign3A : i32
      %sign3A_205 = arith.extui %sign3A_204 : i1 to i32
      %sign3A_206 = arith.constant 0 : i32
      %sign3A_207 = arith.cmpi slt, %add3A_203, %sign3A_206 : i32
      %sign3A_208 = arith.extui %sign3A_207 : i1 to i32
      %sign3A_209 = arith.subi %sign3A_205, %sign3A_208 : i32
      %sign3A_210 = arith.constant 0 : i32
      %sign3A_211 = arith.cmpi sgt, %jit3A, %sign3A_210 : i32
      %sign3A_212 = arith.extui %sign3A_211 : i1 to i32
      %sign3A_213 = arith.constant 0 : i32
      %sign3A_214 = arith.cmpi slt, %jit3A, %sign3A_213 : i32
      %sign3A_215 = arith.extui %sign3A_214 : i1 to i32
      %sign3A_216 = arith.subi %sign3A_212, %sign3A_215 : i32
      %ne3A = arith.cmpi ne, %sign3A_209, %sign3A_216 : i32
      %rem3A = arith.remsi %add3A_203, %jit3A : i32
      %ne3A_217 = arith.constant 0 : i32
      %ne3A_218 = arith.cmpi ne, %rem3A, %ne3A_217 : i32
      %and3A_219 = arith.andi %ne3A, %ne3A_218 : i1
      %sub3A = arith.constant 1 : i32
      %sub3A_220 = arith.subi %div3A, %sub3A : i32
      %select_n3A = arith.select %and3A_219, %sub3A_220, %div3A : i32
      %broadcast_in_dim3A_221 = arith.constant 0.000000e+00 : f32
      %broadcast_in_dim3A_222 = vector.broadcast %broadcast_in_dim3A_221 : f32 to vector<16xf32>
      %while3A = arith.constant 0 : i32
      %while3A_223 = arith.subi %select_n3A, %while3A : i32
      %while3A_224 = arith.addi %while3A, %while3A_223 : i32
      %while3A_225 = arith.constant 1 : i32
      %while3A_226 = arith.divsi %while3A_223, %while3A_225 : i32
      %while3A_227 = arith.muli %while3A_226, %while3A_225 : i32
      %while3A_228 = arith.addi %while3A, %while3A_227 : i32
      %while3A_229 = arith.constant 1 : i32
      %while3A_230 = scf.for %while3A_258 = %while3A to %while3A_228 step %while3A_229 iter_args(%while3A_259 = %broadcast_in_dim3A_222) -> (vector<16xf32>)  : i32 {
        %mul3A = arith.constant 16 : i32
        %mul3A_260 = arith.muli %while3A_258, %mul3A : i32
        %multiple_of3A = tpu.assume_multiple %mul3A_260, 16 : i32
        %add3A_261 = vector.broadcast %multiple_of3A : i32 to vector<16xi32>
        %add3A_262 = arith.addi %add3A_261, %iota3A : vector<16xi32>
        %lt3A = arith.cmpi slt, %add3A_262, %min3A : vector<16xi32>
        %get3A = arith.index_cast %multiple_of3A : i32 to index
        %get3A_263 = tpu.vector_load %arg9[%get3A] {strides = array<i32>} : memref<20016xi32, #tpu.memory_space<vmem>>, vector<16xi32>,
        %gather3A_264 = tpu.vector_load_idx %arg8[%get3A_263] masked %lt3A : memref<20016xi32, #tpu.memory_space<vmem>>[vector<16xi32>], vector<16xi32>, vector<16xi1>
        %gather3A_265 = tpu.vector_load_idx %arg7[%gather3A_264] masked %lt3A : memref<20016xf32, #tpu.memory_space<vmem>>[vector<16xi32>], vector<16xf32>, vector<16xi1>
        %broadcast_in_dim3A_266 = arith.constant 0.000000e+00 : f32
        %broadcast_in_dim3A_267 = vector.broadcast %broadcast_in_dim3A_266 : f32 to vector<16xf32>
        %select_n3A_268 = arith.select %lt3A, %gather3A_265, %broadcast_in_dim3A_267 : vector<16xi1>, vector<16xf32>
        %add3A_269 = arith.addf %while3A_259, %select_n3A_268 : vector<16xf32>
        scf.yield %add3A_269 : vector<16xf32>
      }
      %while3A_231 = arith.constant 1 : i32
      %while3A_232 = scf.for %while3A_258 = %while3A_228 to %while3A_224 step %while3A_231 iter_args(%while3A_259 = %while3A_230) -> (vector<16xf32>)  : i32 {
        %mul3A = arith.constant 16 : i32
        %mul3A_260 = arith.muli %while3A_258, %mul3A : i32
        %multiple_of3A = tpu.assume_multiple %mul3A_260, 16 : i32
        %add3A_261 = vector.broadcast %multiple_of3A : i32 to vector<16xi32>
        %add3A_262 = arith.addi %add3A_261, %iota3A : vector<16xi32>
        %lt3A = arith.cmpi slt, %add3A_262, %min3A : vector<16xi32>
        %get3A = arith.index_cast %multiple_of3A : i32 to index
        %get3A_263 = tpu.vector_load %arg9[%get3A] {strides = array<i32>} : memref<20016xi32, #tpu.memory_space<vmem>>, vector<16xi32>,
        %gather3A_264 = tpu.vector_load_idx %arg8[%get3A_263] masked %lt3A : memref<20016xi32, #tpu.memory_space<vmem>>[vector<16xi32>], vector<16xi32>, vector<16xi1>
        %gather3A_265 = tpu.vector_load_idx %arg7[%gather3A_264] masked %lt3A : memref<20016xf32, #tpu.memory_space<vmem>>[vector<16xi32>], vector<16xf32>, vector<16xi1>
        %broadcast_in_dim3A_266 = arith.constant 0.000000e+00 : f32
        %broadcast_in_dim3A_267 = vector.broadcast %broadcast_in_dim3A_266 : f32 to vector<16xf32>
        %select_n3A_268 = arith.select %lt3A, %gather3A_265, %broadcast_in_dim3A_267 : vector<16xi1>, vector<16xf32>
        %add3A_269 = arith.addf %while3A_259, %select_n3A_268 : vector<16xf32>
        scf.yield %add3A_269 : vector<16xf32>
      }
      %broadcast_in_dim3A_233 = arith.constant true
      %broadcast_in_dim3A_234 = vector.broadcast %broadcast_in_dim3A_233 : i1 to vector<16xi1>
      %masked_cumsum3A = tpu.scan <sum>, %while3A_232 masked %broadcast_in_dim3A_234 : vector<16xf32>, vector<16xi1> -> vector<16xf32>
      %swap3A = arith.constant 0 : index
      %swap3A_235 = tpu.vector_load %arg13[%swap3A] {strides = array<i32>} : memref<16xf32, #tpu.memory_space<vmem>>, vector<16xf32>,
      tpu.vector_store %arg13[%swap3A], %masked_cumsum3A {strides = array<i32>} : memref<16xf32, #tpu.memory_space<vmem>>, vector<16xf32>,
      %add3A_236 = arith.constant 15 : i32
      %add3A_237 = vector.broadcast %add3A_236 : i32 to vector<16xi32>
      %add3A_238 = arith.addi %broadcast_in_dim3A_4, %add3A_237 : vector<16xi32>
      %gather3A_239 = tpu.vector_load_idx %arg13[%add3A_238] : memref<16xf32, #tpu.memory_space<vmem>>[vector<16xi32>], vector<16xf32>,
      %add3A_240 = arith.addi %convert_element_type3A_15, %min3A : vector<16xi32>
      %convert_element_type3A_241 = arith.sitofp %add3A_240 : vector<16xi32> to vector<16xf32>
      %add3A_242 = arith.addf %gather3A_10, %gather3A_239 : vector<16xf32>
      %neg3A = arith.constant 0.000000e+00 : f32
      %neg3A_243 = vector.broadcast %neg3A : f32 to vector<16xf32>
      %neg3A_244 = arith.subf %neg3A_243, %add3A_242 : vector<16xf32>
      %div3A_245 = arith.divf %neg3A_244, %convert_element_type3A_241 : vector<16xf32>
      %eq3A_246 = arith.constant 0 : i32
      %eq3A_247 = vector.broadcast %eq3A_246 : i32 to vector<16xi32>
      %eq3A_248 = arith.cmpi eq, %iota3A, %eq3A_247 : vector<16xi32>
      %eq3A_249 = arith.constant 1 : i32
      %eq3A_250 = vector.broadcast %eq3A_249 : i32 to vector<16xi32>
      %eq3A_251 = arith.cmpi eq, %iota3A, %eq3A_250 : vector<16xi32>
      %broadcast_in_dim3A_252 = arith.constant 0.000000e+00 : f32
      %broadcast_in_dim3A_253 = vector.broadcast %broadcast_in_dim3A_252 : f32 to vector<16xf32>
      %select_n3A_254 = arith.select %eq3A_251, %gather3A_14, %broadcast_in_dim3A_253 : vector<16xi1>, vector<16xf32>
      %select_n3A_255 = arith.select %eq3A_248, %div3A_245, %select_n3A_254 : vector<16xi1>, vector<16xf32>
      %swap3A_256 = arith.constant 0 : index
      %swap3A_257 = tpu.vector_load %arg13[%swap3A_256] {strides = array<i32>} : memref<16xf32, #tpu.memory_space<vmem>>, vector<16xf32>,
      tpu.vector_store %arg13[%swap3A_256], %select_n3A_255 {strides = array<i32>} : memref<16xf32, #tpu.memory_space<vmem>>, vector<16xf32>,
      "tpu.region"() ({
        %run_scoped3A = tpu.sem_alloc : memref<!tpu.dma_semaphore, #tpu.memory_space<semaphore_mem>>
        tpu.enqueue_dma source(%arg13 : memref<16xf32, #tpu.memory_space<vmem>>) target(%arg6 : memref<16xf32, #tpu.memory_space<hbm>>) target_semaphore(%run_scoped3A : memref<!tpu.dma_semaphore, #tpu.memory_space<semaphore_mem>>)
        tpu.wait_dma2 semaphore(%run_scoped3A : memref<!tpu.dma_semaphore, #tpu.memory_space<semaphore_mem>>) src(%arg13 : memref<16xf32, #tpu.memory_space<vmem>>) dst(%arg6 : memref<16xf32, #tpu.memory_space<hbm>>)
        tpu.yield
      }) : () -> ()
    } else {
    }
    return
  }
}

module attributes {stable_mosaic.version = 14 : i64} {
  func.func @_tc_body(%arg0: i32, %arg1: i32, %arg2: memref<2000x14xf32, #tpu.memory_space<vmem>>, %arg3: memref<4x128xf32, #tpu.memory_space<vmem>>, %arg4: memref<1x128xf32, #tpu.memory_space<vmem>>, %arg5: memref<2000x1xf32, #tpu.memory_space<vmem>>, %arg6: memref<1x128xf32, #tpu.memory_space<vmem>>, %arg7: memref<20000x8xf32, #tpu.memory_space<vmem>>, %arg8: memref<1x128xf32, #tpu.memory_space<vmem>>, %arg9: memref<1x128xf32, #tpu.memory_space<vmem>>, %arg10: memref<1x128xf32, #tpu.memory_space<vmem>>) attributes {dimension_semantics = [#tpu.dimension_semantics<arbitrary>, #tpu.dimension_semantics<arbitrary>], iteration_bounds = array<i64: 2, 10>, scalar_prefetch = 0 : i64, scratch_operands = 4 : i64, tpu.core_type = #tpu.core_type<tc>, window_params = [{transform_indices = @transform_0, window_bounds = array<i64: 2000, 14>}, {pipeline_mode = #tpu.pipeline_mode<synchronous>, transform_indices = @transform_1, window_bounds = array<i64: 4, 128>}, {pipeline_mode = #tpu.pipeline_mode<synchronous>, transform_indices = @transform_2, window_bounds = array<i64: 1, 128>}, {transform_indices = @transform_3, window_bounds = array<i64: 2000, 1>}, {pipeline_mode = #tpu.pipeline_mode<synchronous>, transform_indices = @transform_4, window_bounds = array<i64: 1, 128>}]} {
    %mul3A = arith.constant 2000 : i32
    %mul3A_0 = arith.muli %arg1, %mul3A : i32
    %eq3A = arith.constant 0 : i32
    %eq3A_1 = arith.cmpi eq, %arg0, %eq3A : i32
    %convert_element_type3A = arith.extui %eq3A_1 : i1 to i32
    %cond3A = arith.constant 0 : i32
    %cond3A_2 = arith.cmpi ne, %convert_element_type3A, %cond3A : i32
    scf.if %cond3A_2 {
      %get3A = arith.constant 0 : index
      %get3A_8 = arith.constant 4 : index
      %get3A_9 = vector.load %arg2[%get3A, %get3A_8] : memref<2000x14xf32, #tpu.memory_space<vmem>>, vector<2000x1xf32>
      %get3A_10 = arith.constant 0 : index
      %get3A_11 = arith.constant 5 : index
      %get3A_12 = vector.load %arg2[%get3A_10, %get3A_11] : memref<2000x14xf32, #tpu.memory_space<vmem>>, vector<2000x1xf32>
      %gt3A = arith.cmpf ogt, %get3A_12, %get3A_9 : vector<2000x1xf32>
      %get3A_13 = arith.constant 0 : index
      %get3A_14 = arith.constant 10 : index
      %get3A_15 = vector.load %arg2[%get3A_13, %get3A_14] : memref<2000x14xf32, #tpu.memory_space<vmem>>, vector<2000x1xf32>
      %get3A_16 = arith.constant 0 : index
      %get3A_17 = arith.constant 6 : index
      %get3A_18 = vector.load %arg2[%get3A_16, %get3A_17] : memref<2000x14xf32, #tpu.memory_space<vmem>>, vector<2000x1xf32>
      %select_n3A = arith.select %gt3A, %get3A_15, %get3A_18 : vector<2000x1xi1>, vector<2000x1xf32>
      %get3A_19 = arith.constant 0 : index
      %get3A_20 = arith.constant 0 : index
      %get3A_21 = vector.load %arg2[%get3A_19, %get3A_20] : memref<2000x14xf32, #tpu.memory_space<vmem>>, vector<2000x1xf32>
      %add3A = arith.addf %get3A_21, %select_n3A : vector<2000x1xf32>
      %swap3A = arith.index_cast %mul3A_0 : i32 to index
      %swap3A_22 = arith.constant 0 : index
      %swap3A_23 = vector.load %arg7[%swap3A, %swap3A_22] : memref<20000x8xf32, #tpu.memory_space<vmem>>, vector<2000x1xf32>
      tpu.vector_store %arg7[%swap3A, %swap3A_22], %add3A {strides = array<i32>} : memref<20000x8xf32, #tpu.memory_space<vmem>>, vector<2000x1xf32>,
      %get3A_24 = arith.constant 0 : index
      %get3A_25 = arith.constant 11 : index
      %get3A_26 = vector.load %arg2[%get3A_24, %get3A_25] : memref<2000x14xf32, #tpu.memory_space<vmem>>, vector<2000x1xf32>
      %get3A_27 = arith.constant 0 : index
      %get3A_28 = arith.constant 7 : index
      %get3A_29 = vector.load %arg2[%get3A_27, %get3A_28] : memref<2000x14xf32, #tpu.memory_space<vmem>>, vector<2000x1xf32>
      %select_n3A_30 = arith.select %gt3A, %get3A_26, %get3A_29 : vector<2000x1xi1>, vector<2000x1xf32>
      %get3A_31 = arith.constant 0 : index
      %get3A_32 = arith.constant 1 : index
      %get3A_33 = vector.load %arg2[%get3A_31, %get3A_32] : memref<2000x14xf32, #tpu.memory_space<vmem>>, vector<2000x1xf32>
      %add3A_34 = arith.addf %get3A_33, %select_n3A_30 : vector<2000x1xf32>
      %swap3A_35 = arith.index_cast %mul3A_0 : i32 to index
      %swap3A_36 = arith.constant 1 : index
      %swap3A_37 = vector.load %arg7[%swap3A_35, %swap3A_36] : memref<20000x8xf32, #tpu.memory_space<vmem>>, vector<2000x1xf32>
      tpu.vector_store %arg7[%swap3A_35, %swap3A_36], %add3A_34 {strides = array<i32>} : memref<20000x8xf32, #tpu.memory_space<vmem>>, vector<2000x1xf32>,
      %get3A_38 = arith.constant 0 : index
      %get3A_39 = arith.constant 12 : index
      %get3A_40 = vector.load %arg2[%get3A_38, %get3A_39] : memref<2000x14xf32, #tpu.memory_space<vmem>>, vector<2000x1xf32>
      %get3A_41 = arith.constant 0 : index
      %get3A_42 = arith.constant 8 : index
      %get3A_43 = vector.load %arg2[%get3A_41, %get3A_42] : memref<2000x14xf32, #tpu.memory_space<vmem>>, vector<2000x1xf32>
      %select_n3A_44 = arith.select %gt3A, %get3A_40, %get3A_43 : vector<2000x1xi1>, vector<2000x1xf32>
      %get3A_45 = arith.constant 0 : index
      %get3A_46 = arith.constant 2 : index
      %get3A_47 = vector.load %arg2[%get3A_45, %get3A_46] : memref<2000x14xf32, #tpu.memory_space<vmem>>, vector<2000x1xf32>
      %add3A_48 = arith.addf %get3A_47, %select_n3A_44 : vector<2000x1xf32>
      %swap3A_49 = arith.index_cast %mul3A_0 : i32 to index
      %swap3A_50 = arith.constant 2 : index
      %swap3A_51 = vector.load %arg7[%swap3A_49, %swap3A_50] : memref<20000x8xf32, #tpu.memory_space<vmem>>, vector<2000x1xf32>
      tpu.vector_store %arg7[%swap3A_49, %swap3A_50], %add3A_48 {strides = array<i32>} : memref<20000x8xf32, #tpu.memory_space<vmem>>, vector<2000x1xf32>,
      %get3A_52 = arith.constant 0 : index
      %get3A_53 = arith.constant 13 : index
      %get3A_54 = vector.load %arg2[%get3A_52, %get3A_53] : memref<2000x14xf32, #tpu.memory_space<vmem>>, vector<2000x1xf32>
      %get3A_55 = arith.constant 0 : index
      %get3A_56 = arith.constant 9 : index
      %get3A_57 = vector.load %arg2[%get3A_55, %get3A_56] : memref<2000x14xf32, #tpu.memory_space<vmem>>, vector<2000x1xf32>
      %select_n3A_58 = arith.select %gt3A, %get3A_54, %get3A_57 : vector<2000x1xi1>, vector<2000x1xf32>
      %get3A_59 = arith.constant 0 : index
      %get3A_60 = arith.constant 3 : index
      %get3A_61 = vector.load %arg2[%get3A_59, %get3A_60] : memref<2000x14xf32, #tpu.memory_space<vmem>>, vector<2000x1xf32>
      %add3A_62 = arith.addf %get3A_61, %select_n3A_58 : vector<2000x1xf32>
      %swap3A_63 = arith.index_cast %mul3A_0 : i32 to index
      %swap3A_64 = arith.constant 3 : index
      %swap3A_65 = vector.load %arg7[%swap3A_63, %swap3A_64] : memref<20000x8xf32, #tpu.memory_space<vmem>>, vector<2000x1xf32>
      tpu.vector_store %arg7[%swap3A_63, %swap3A_64], %add3A_62 {strides = array<i32>} : memref<20000x8xf32, #tpu.memory_space<vmem>>, vector<2000x1xf32>,
      %get3A_66 = arith.constant 0 : index
      %get3A_67 = arith.constant 0 : index
      %get3A_68 = vector.load %arg3[%get3A_66, %get3A_67] : memref<4x128xf32, #tpu.memory_space<vmem>>, vector<1x128xf32>
      %get3A_69 = arith.constant 1 : index
      %get3A_70 = arith.constant 0 : index
      %get3A_71 = vector.load %arg3[%get3A_69, %get3A_70] : memref<4x128xf32, #tpu.memory_space<vmem>>, vector<1x128xf32>
      %get3A_72 = arith.constant 2 : index
      %get3A_73 = arith.constant 0 : index
      %get3A_74 = vector.load %arg3[%get3A_72, %get3A_73] : memref<4x128xf32, #tpu.memory_space<vmem>>, vector<1x128xf32>
      %get3A_75 = arith.constant 3 : index
      %get3A_76 = arith.constant 0 : index
      %get3A_77 = vector.load %arg3[%get3A_75, %get3A_76] : memref<4x128xf32, #tpu.memory_space<vmem>>, vector<1x128xf32>
      %sub3A = arith.subf %add3A_48, %add3A : vector<2000x1xf32>
      %sub3A_78 = arith.subf %add3A_62, %add3A_34 : vector<2000x1xf32>
      %mul3A_79 = arith.mulf %sub3A, %sub3A_78 : vector<2000x1xf32>
      %sub3A_80 = arith.subf %get3A_74, %get3A_68 : vector<1x128xf32>
      %sub3A_81 = arith.subf %get3A_77, %get3A_71 : vector<1x128xf32>
      %mul3A_82 = arith.mulf %sub3A_80, %sub3A_81 : vector<1x128xf32>
      %max3A = vector.broadcast %add3A : vector<2000x1xf32> to vector<2000x128xf32>
      %max3A_83 = vector.broadcast %get3A_68 : vector<1x128xf32> to vector<2000x128xf32>
      %max3A_84 = arith.maximumf %max3A, %max3A_83 : vector<2000x128xf32>
      %max3A_85 = vector.broadcast %add3A_34 : vector<2000x1xf32> to vector<2000x128xf32>
      %max3A_86 = vector.broadcast %get3A_71 : vector<1x128xf32> to vector<2000x128xf32>
      %max3A_87 = arith.maximumf %max3A_85, %max3A_86 : vector<2000x128xf32>
      %min3A = vector.broadcast %add3A_48 : vector<2000x1xf32> to vector<2000x128xf32>
      %min3A_88 = vector.broadcast %get3A_74 : vector<1x128xf32> to vector<2000x128xf32>
      %min3A_89 = arith.minimumf %min3A, %min3A_88 : vector<2000x128xf32>
      %min3A_90 = vector.broadcast %add3A_62 : vector<2000x1xf32> to vector<2000x128xf32>
      %min3A_91 = vector.broadcast %get3A_77 : vector<1x128xf32> to vector<2000x128xf32>
      %min3A_92 = arith.minimumf %min3A_90, %min3A_91 : vector<2000x128xf32>
      %sub3A_93 = arith.subf %min3A_89, %max3A_84 : vector<2000x128xf32>
      %jit3A = arith.constant 0.000000e+00 : f32
      %max3A_94 = vector.broadcast %jit3A : f32 to vector<2000x128xf32>
      %max3A_95 = arith.maximumf %max3A_94, %sub3A_93 : vector<2000x128xf32>
      %sub3A_96 = arith.subf %min3A_92, %max3A_87 : vector<2000x128xf32>
      %jit3A_97 = arith.constant 0.000000e+00 : f32
      %max3A_98 = vector.broadcast %jit3A_97 : f32 to vector<2000x128xf32>
      %max3A_99 = arith.maximumf %max3A_98, %sub3A_96 : vector<2000x128xf32>
      %mul3A_100 = arith.mulf %max3A_95, %max3A_99 : vector<2000x128xf32>
      %add3A_101 = vector.broadcast %mul3A_79 : vector<2000x1xf32> to vector<2000x128xf32>
      %add3A_102 = vector.broadcast %mul3A_82 : vector<1x128xf32> to vector<2000x128xf32>
      %add3A_103 = arith.addf %add3A_101, %add3A_102 : vector<2000x128xf32>
      %sub3A_104 = arith.subf %add3A_103, %mul3A_100 : vector<2000x128xf32>
      %max3A_105 = arith.constant 9.99999971E-10 : f32
      %max3A_106 = vector.broadcast %max3A_105 : f32 to vector<2000x128xf32>
      %max3A_107 = arith.maximumf %sub3A_104, %max3A_106 : vector<2000x128xf32>
      %div3A = arith.divf %mul3A_100, %max3A_107 : vector<2000x128xf32>
      %reduce_max3A = arith.constant dense<0xFF800000> : vector<2000xf32>
      %reduce_max3A_108 = vector.multi_reduction <maximumf>, %div3A, %reduce_max3A [1] : vector<2000x128xf32> to vector<2000xf32>
      %broadcast_in_dim3A = vector.shape_cast %reduce_max3A_108 : vector<2000xf32> to vector<2000x1xf32>
      %iota3A = tpu.iota {dimensions = array<i32: 1>} : vector<2000x128xi32>
      %convert_element_type3A_109 = arith.sitofp %iota3A : vector<2000x128xi32> to vector<2000x128xf32>
      %eq3A_110 = vector.broadcast %broadcast_in_dim3A : vector<2000x1xf32> to vector<2000x128xf32>
      %eq3A_111 = arith.cmpf oeq, %div3A, %eq3A_110 : vector<2000x128xf32>
      %jit3A_112 = arith.constant 1.280000e+02 : f32
      %broadcast_in_dim3A_113 = vector.broadcast %jit3A_112 : f32 to vector<2000x128xf32>
      %select_n3A_114 = arith.select %eq3A_111, %convert_element_type3A_109, %broadcast_in_dim3A_113 : vector<2000x128xi1>, vector<2000x128xf32>
      %reduce_min3A = arith.constant dense<0x7F800000> : vector<2000xf32>
      %reduce_min3A_115 = vector.multi_reduction <minimumf>, %select_n3A_114, %reduce_min3A [1] : vector<2000x128xf32> to vector<2000xf32>
      %broadcast_in_dim3A_116 = vector.shape_cast %reduce_min3A_115 : vector<2000xf32> to vector<2000x1xf32>
      %swap3A_117 = arith.index_cast %mul3A_0 : i32 to index
      %swap3A_118 = arith.constant 5 : index
      %swap3A_119 = vector.load %arg7[%swap3A_117, %swap3A_118] : memref<20000x8xf32, #tpu.memory_space<vmem>>, vector<2000x1xf32>
      tpu.vector_store %arg7[%swap3A_117, %swap3A_118], %broadcast_in_dim3A_116 {strides = array<i32>} : memref<20000x8xf32, #tpu.memory_space<vmem>>, vector<2000x1xf32>,
      %swap3A_120 = arith.index_cast %mul3A_0 : i32 to index
      %swap3A_121 = arith.constant 4 : index
      %swap3A_122 = vector.load %arg7[%swap3A_120, %swap3A_121] : memref<20000x8xf32, #tpu.memory_space<vmem>>, vector<2000x1xf32>
      tpu.vector_store %arg7[%swap3A_120, %swap3A_121], %broadcast_in_dim3A {strides = array<i32>} : memref<20000x8xf32, #tpu.memory_space<vmem>>, vector<2000x1xf32>,
      %max3A_123 = arith.maximumf %get3A_9, %get3A_12 : vector<2000x1xf32>
      %sub3A_124 = arith.subf %get3A_9, %max3A_123 : vector<2000x1xf32>
      %exp3A = math.exp %sub3A_124 : vector<2000x1xf32>
      %sub3A_125 = arith.subf %get3A_12, %max3A_123 : vector<2000x1xf32>
      %exp3A_126 = math.exp %sub3A_125 : vector<2000x1xf32>
      %add3A_127 = arith.addf %exp3A, %exp3A_126 : vector<2000x1xf32>
      %log3A = math.log %add3A_127 : vector<2000x1xf32>
      %sub3A_128 = arith.subf %get3A_9, %max3A_123 : vector<2000x1xf32>
      %sub3A_129 = arith.subf %sub3A_128, %log3A : vector<2000x1xf32>
      %swap3A_130 = arith.index_cast %mul3A_0 : i32 to index
      %swap3A_131 = arith.constant 6 : index
      %swap3A_132 = vector.load %arg7[%swap3A_130, %swap3A_131] : memref<20000x8xf32, #tpu.memory_space<vmem>>, vector<2000x1xf32>
      tpu.vector_store %arg7[%swap3A_130, %swap3A_131], %sub3A_129 {strides = array<i32>} : memref<20000x8xf32, #tpu.memory_space<vmem>>, vector<2000x1xf32>,
      %sub3A_133 = arith.subf %get3A_12, %max3A_123 : vector<2000x1xf32>
      %sub3A_134 = arith.subf %sub3A_133, %log3A : vector<2000x1xf32>
      %swap3A_135 = arith.index_cast %mul3A_0 : i32 to index
      %swap3A_136 = arith.constant 7 : index
      %swap3A_137 = vector.load %arg7[%swap3A_135, %swap3A_136] : memref<20000x8xf32, #tpu.memory_space<vmem>>, vector<2000x1xf32>
      tpu.vector_store %arg7[%swap3A_135, %swap3A_136], %sub3A_134 {strides = array<i32>} : memref<20000x8xf32, #tpu.memory_space<vmem>>, vector<2000x1xf32>,
      %reduce_max3A_138 = arith.constant dense<0xFF800000> : vector<128xf32>
      %reduce_max3A_139 = vector.multi_reduction <maximumf>, %div3A, %reduce_max3A_138 [0] : vector<2000x128xf32> to vector<128xf32>
      %broadcast_in_dim3A_140 = vector.shape_cast %reduce_max3A_139 : vector<128xf32> to vector<1x128xf32>
      %convert_element_type3A_141 = arith.sitofp %arg1 : i32 to f32
      %mul3A_142 = arith.constant 1.000000e+00 : f32
      %mul3A_143 = arith.mulf %mul3A_142, %convert_element_type3A_141 : f32
      %mul3A_144 = arith.constant 2.000000e+03 : f32
      %mul3A_145 = arith.mulf %mul3A_143, %mul3A_144 : f32
      %iota3A_146 = tpu.iota {dimensions = array<i32: 0>} : vector<2000x128xi32>
      %convert_element_type3A_147 = arith.sitofp %iota3A_146 : vector<2000x128xi32> to vector<2000x128xf32>
      %add3A_148 = vector.broadcast %mul3A_145 : f32 to vector<2000x128xf32>
      %add3A_149 = arith.addf %add3A_148, %convert_element_type3A_147 : vector<2000x128xf32>
      %eq3A_150 = vector.broadcast %broadcast_in_dim3A_140 : vector<1x128xf32> to vector<2000x128xf32>
      %eq3A_151 = arith.cmpf oeq, %div3A, %eq3A_150 : vector<2000x128xf32>
      %jit3A_152 = arith.constant 1.000000e+09 : f32
      %broadcast_in_dim3A_153 = vector.broadcast %jit3A_152 : f32 to vector<2000x128xf32>
      %select_n3A_154 = arith.select %eq3A_151, %add3A_149, %broadcast_in_dim3A_153 : vector<2000x128xi1>, vector<2000x128xf32>
      %reduce_min3A_155 = arith.constant dense<0x7F800000> : vector<128xf32>
      %reduce_min3A_156 = vector.multi_reduction <minimumf>, %select_n3A_154, %reduce_min3A_155 [0] : vector<2000x128xf32> to vector<128xf32>
      %broadcast_in_dim3A_157 = vector.shape_cast %reduce_min3A_156 : vector<128xf32> to vector<1x128xf32>
      %eq3A_158 = arith.constant 0 : i32
      %eq3A_159 = arith.cmpi eq, %arg1, %eq3A_158 : i32
      %convert_element_type3A_160 = arith.extui %eq3A_159 : i1 to i32
      %cond3A_161 = arith.constant 0 : i32
      %cond3A_162 = arith.cmpi ne, %convert_element_type3A_160, %cond3A_161 : i32
      scf.if %cond3A_162 {
        %broadcast_in_dim3A_178 = arith.constant -1.000000e+00 : f32
        %broadcast_in_dim3A_179 = vector.broadcast %broadcast_in_dim3A_178 : f32 to vector<1x128xf32>
        %swap3A_180 = arith.constant 0 : index
        %swap3A_181 = arith.constant 0 : index
        %swap3A_182 = vector.load %arg8[%swap3A_180, %swap3A_181] : memref<1x128xf32, #tpu.memory_space<vmem>>, vector<1x128xf32>
        tpu.vector_store %arg8[%swap3A_180, %swap3A_181], %broadcast_in_dim3A_179 {strides = array<i32>} : memref<1x128xf32, #tpu.memory_space<vmem>>, vector<1x128xf32>,
        %broadcast_in_dim3A_183 = arith.constant 0.000000e+00 : f32
        %broadcast_in_dim3A_184 = vector.broadcast %broadcast_in_dim3A_183 : f32 to vector<1x128xf32>
        %swap3A_185 = arith.constant 0 : index
        %swap3A_186 = arith.constant 0 : index
        %swap3A_187 = vector.load %arg9[%swap3A_185, %swap3A_186] : memref<1x128xf32, #tpu.memory_space<vmem>>, vector<1x128xf32>
        tpu.vector_store %arg9[%swap3A_185, %swap3A_186], %broadcast_in_dim3A_184 {strides = array<i32>} : memref<1x128xf32, #tpu.memory_space<vmem>>, vector<1x128xf32>,
      } else {
      }
      %get3A_163 = arith.constant 0 : index
      %get3A_164 = arith.constant 0 : index
      %get3A_165 = vector.load %arg8[%get3A_163, %get3A_164] : memref<1x128xf32, #tpu.memory_space<vmem>>, vector<1x128xf32>
      %get3A_166 = arith.constant 0 : index
      %get3A_167 = arith.constant 0 : index
      %get3A_168 = vector.load %arg9[%get3A_166, %get3A_167] : memref<1x128xf32, #tpu.memory_space<vmem>>, vector<1x128xf32>
      %gt3A_169 = arith.cmpf ogt, %broadcast_in_dim3A_140, %get3A_165 : vector<1x128xf32>
      %select_n3A_170 = arith.select %gt3A_169, %broadcast_in_dim3A_157, %get3A_168 : vector<1x128xi1>, vector<1x128xf32>
      %swap3A_171 = arith.constant 0 : index
      %swap3A_172 = arith.constant 0 : index
      %swap3A_173 = vector.load %arg9[%swap3A_171, %swap3A_172] : memref<1x128xf32, #tpu.memory_space<vmem>>, vector<1x128xf32>
      tpu.vector_store %arg9[%swap3A_171, %swap3A_172], %select_n3A_170 {strides = array<i32>} : memref<1x128xf32, #tpu.memory_space<vmem>>, vector<1x128xf32>,
      %max3A_174 = arith.maximumf %broadcast_in_dim3A_140, %get3A_165 : vector<1x128xf32>
      %swap3A_175 = arith.constant 0 : index
      %swap3A_176 = arith.constant 0 : index
      %swap3A_177 = vector.load %arg8[%swap3A_175, %swap3A_176] : memref<1x128xf32, #tpu.memory_space<vmem>>, vector<1x128xf32>
      tpu.vector_store %arg8[%swap3A_175, %swap3A_176], %max3A_174 {strides = array<i32>} : memref<1x128xf32, #tpu.memory_space<vmem>>, vector<1x128xf32>,
    } else {
    }
    %eq3A_3 = arith.constant 1 : i32
    %eq3A_4 = arith.cmpi eq, %arg0, %eq3A_3 : i32
    %convert_element_type3A_5 = arith.extui %eq3A_4 : i1 to i32
    %cond3A_6 = arith.constant 0 : i32
    %cond3A_7 = arith.cmpi ne, %convert_element_type3A_5, %cond3A_6 : i32
    scf.if %cond3A_7 {
      %convert_element_type3A_8 = arith.sitofp %arg1 : i32 to f32
      %mul3A_9 = arith.constant 1.000000e+00 : f32
      %mul3A_10 = arith.mulf %mul3A_9, %convert_element_type3A_8 : f32
      %mul3A_11 = arith.constant 2.000000e+03 : f32
      %mul3A_12 = arith.mulf %mul3A_10, %mul3A_11 : f32
      %iota3A = tpu.iota {dimensions = array<i32: 0>} : vector<2000x128xi32>
      %convert_element_type3A_13 = arith.sitofp %iota3A : vector<2000x128xi32> to vector<2000x128xf32>
      %add3A = vector.broadcast %mul3A_12 : f32 to vector<2000x128xf32>
      %add3A_14 = arith.addf %add3A, %convert_element_type3A_13 : vector<2000x128xf32>
      %iota3A_15 = tpu.iota {dimensions = array<i32: 1>} : vector<2000x128xi32>
      %convert_element_type3A_16 = arith.sitofp %iota3A_15 : vector<2000x128xi32> to vector<2000x128xf32>
      %get3A = arith.constant 0 : index
      %get3A_17 = arith.constant 0 : index
      %get3A_18 = vector.load %arg9[%get3A, %get3A_17] : memref<1x128xf32, #tpu.memory_space<vmem>>, vector<1x128xf32>
      %eq3A_19 = vector.broadcast %get3A_18 : vector<1x128xf32> to vector<2000x128xf32>
      %eq3A_20 = arith.cmpf oeq, %eq3A_19, %add3A_14 : vector<2000x128xf32>
      %jit3A = arith.constant -1.000000e+00 : f32
      %broadcast_in_dim3A = vector.broadcast %jit3A : f32 to vector<2000x128xf32>
      %select_n3A = arith.select %eq3A_20, %convert_element_type3A_16, %broadcast_in_dim3A : vector<2000x128xi1>, vector<2000x128xf32>
      %reduce_max3A = arith.constant dense<0xFF800000> : vector<2000xf32>
      %reduce_max3A_21 = vector.multi_reduction <maximumf>, %select_n3A, %reduce_max3A [1] : vector<2000x128xf32> to vector<2000xf32>
      %broadcast_in_dim3A_22 = vector.shape_cast %reduce_max3A_21 : vector<2000xf32> to vector<2000x1xf32>
      %ge3A = arith.constant 0.000000e+00 : f32
      %ge3A_23 = vector.broadcast %ge3A : f32 to vector<2000x1xf32>
      %ge3A_24 = arith.cmpf oge, %broadcast_in_dim3A_22, %ge3A_23 : vector<2000x1xf32>
      %get3A_25 = arith.index_cast %mul3A_0 : i32 to index
      %get3A_26 = arith.constant 0 : index
      %get3A_27 = vector.load %arg7[%get3A_25, %get3A_26] : memref<20000x8xf32, #tpu.memory_space<vmem>>, vector<2000x8xf32>
      %slice3A = vector.extract_strided_slice %get3A_27 {offsets = [0, 4], sizes = [2000, 1], strides = [1, 1]} : vector<2000x8xf32> to vector<2000x1xf32>
      %slice3A_28 = vector.extract_strided_slice %get3A_27 {offsets = [0, 5], sizes = [2000, 1], strides = [1, 1]} : vector<2000x8xf32> to vector<2000x1xf32>
      %select_n3A_29 = arith.select %ge3A_24, %broadcast_in_dim3A_22, %slice3A_28 : vector<2000x1xi1>, vector<2000x1xf32>
      %lt3A = arith.constant 1.000000e-01 : f32
      %lt3A_30 = vector.broadcast %lt3A : f32 to vector<2000x1xf32>
      %lt3A_31 = arith.cmpf olt, %slice3A, %lt3A_30 : vector<2000x1xf32>
      %ge3A_32 = arith.constant 1.000000e-01 : f32
      %ge3A_33 = vector.broadcast %ge3A_32 : f32 to vector<2000x1xf32>
      %ge3A_34 = arith.cmpf oge, %slice3A, %ge3A_33 : vector<2000x1xf32>
      %ge3A_35 = arith.constant 4.000000e-01 : f32
      %ge3A_36 = vector.broadcast %ge3A_35 : f32 to vector<2000x1xf32>
      %ge3A_37 = arith.cmpf oge, %slice3A, %ge3A_36 : vector<2000x1xf32>
      %or3A = arith.ori %ge3A_37, %ge3A_24 : vector<2000x1xi1>
      %and3A = arith.andi %ge3A_34, %or3A : vector<2000x1xi1>
      %convert_element_type3A_38 = arith.extui %and3A : vector<2000x1xi1> to vector<2000x1xi32>
      %convert_element_type3A_39 = arith.sitofp %convert_element_type3A_38 : vector<2000x1xi32> to vector<2000x1xf32>
      %eq3A_40 = vector.broadcast %select_n3A_29 : vector<2000x1xf32> to vector<2000x128xf32>
      %eq3A_41 = arith.cmpf oeq, %convert_element_type3A_16, %eq3A_40 : vector<2000x128xf32>
      %get3A_42 = arith.constant 0 : index
      %get3A_43 = arith.constant 0 : index
      %get3A_44 = vector.load %arg4[%get3A_42, %get3A_43] : memref<1x128xf32, #tpu.memory_space<vmem>>, vector<1x128xf32>
      %jit3A_45 = arith.constant 0.000000e+00 : f32
      %broadcast_in_dim3A_46 = vector.shape_cast %get3A_44 : vector<1x128xf32> to vector<1x128xf32>
      %broadcast_in_dim3A_47 = vector.broadcast %broadcast_in_dim3A_46 : vector<1x128xf32> to vector<2000x128xf32>
      %broadcast_in_dim3A_48 = vector.broadcast %jit3A_45 : f32 to vector<2000x128xf32>
      %select_n3A_49 = arith.select %eq3A_41, %broadcast_in_dim3A_47, %broadcast_in_dim3A_48 : vector<2000x128xi1>, vector<2000x128xf32>
      %reduce_sum3A = arith.constant dense<0.000000e+00> : vector<2000xf32>
      %reduce_sum3A_50 = vector.multi_reduction <add>, %select_n3A_49, %reduce_sum3A [1] : vector<2000x128xf32> to vector<2000xf32>
      %broadcast_in_dim3A_51 = vector.shape_cast %reduce_sum3A_50 : vector<2000xf32> to vector<2000x1xf32>
      %slice3A_52 = vector.extract_strided_slice %get3A_27 {offsets = [0, 7], sizes = [2000, 1], strides = [1, 1]} : vector<2000x8xf32> to vector<2000x1xf32>
      %lt3A_53 = arith.constant 5.000000e-01 : f32
      %lt3A_54 = vector.broadcast %lt3A_53 : f32 to vector<2000x1xf32>
      %lt3A_55 = arith.cmpf olt, %broadcast_in_dim3A_51, %lt3A_54 : vector<2000x1xf32>
      %slice3A_56 = vector.extract_strided_slice %get3A_27 {offsets = [0, 6], sizes = [2000, 1], strides = [1, 1]} : vector<2000x8xf32> to vector<2000x1xf32>
      %select_n3A_57 = arith.select %lt3A_55, %slice3A_56, %slice3A_52 : vector<2000x1xi1>, vector<2000x1xf32>
      %broadcast_in_dim3A_58 = arith.constant 0.000000e+00 : f32
      %broadcast_in_dim3A_59 = vector.broadcast %broadcast_in_dim3A_58 : f32 to vector<2000x1xf32>
      %get3A_60 = arith.constant 0 : index
      %get3A_61 = arith.constant 0 : index
      %get3A_62 = vector.load %arg3[%get3A_60, %get3A_61] : memref<4x128xf32, #tpu.memory_space<vmem>>, vector<1x128xf32>
      %jit3A_63 = arith.constant 0.000000e+00 : f32
      %broadcast_in_dim3A_64 = vector.shape_cast %get3A_62 : vector<1x128xf32> to vector<1x128xf32>
      %broadcast_in_dim3A_65 = vector.broadcast %broadcast_in_dim3A_64 : vector<1x128xf32> to vector<2000x128xf32>
      %broadcast_in_dim3A_66 = vector.broadcast %jit3A_63 : f32 to vector<2000x128xf32>
      %select_n3A_67 = arith.select %eq3A_41, %broadcast_in_dim3A_65, %broadcast_in_dim3A_66 : vector<2000x128xi1>, vector<2000x128xf32>
      %reduce_sum3A_68 = arith.constant dense<0.000000e+00> : vector<2000xf32>
      %reduce_sum3A_69 = vector.multi_reduction <add>, %select_n3A_67, %reduce_sum3A_68 [1] : vector<2000x128xf32> to vector<2000xf32>
      %broadcast_in_dim3A_70 = vector.shape_cast %reduce_sum3A_69 : vector<2000xf32> to vector<2000x1xf32>
      %slice3A_71 = vector.extract_strided_slice %get3A_27 {offsets = [0, 0], sizes = [2000, 1], strides = [1, 1]} : vector<2000x8xf32> to vector<2000x1xf32>
      %sub3A = arith.subf %slice3A_71, %broadcast_in_dim3A_70 : vector<2000x1xf32>
      %abs3A = math.absf %sub3A : vector<2000x1xf32>
      %lt3A_72 = arith.constant 0.00999999977 : f32
      %lt3A_73 = vector.broadcast %lt3A_72 : f32 to vector<2000x1xf32>
      %lt3A_74 = arith.cmpf olt, %abs3A, %lt3A_73 : vector<2000x1xf32>
      %mul3A_75 = arith.constant 5.000000e-01 : f32
      %mul3A_76 = vector.broadcast %mul3A_75 : f32 to vector<2000x1xf32>
      %mul3A_77 = arith.mulf %mul3A_76, %sub3A : vector<2000x1xf32>
      %mul3A_78 = arith.mulf %mul3A_77, %sub3A : vector<2000x1xf32>
      %div3A = arith.constant 0.00999999977 : f32
      %div3A_79 = vector.broadcast %div3A : f32 to vector<2000x1xf32>
      %div3A_80 = arith.divf %mul3A_78, %div3A_79 : vector<2000x1xf32>
      %sub3A_81 = arith.constant 5.000000e-03 : f32
      %sub3A_82 = vector.broadcast %sub3A_81 : f32 to vector<2000x1xf32>
      %sub3A_83 = arith.subf %abs3A, %sub3A_82 : vector<2000x1xf32>
      %select_n3A_84 = arith.select %lt3A_74, %div3A_80, %sub3A_83 : vector<2000x1xi1>, vector<2000x1xf32>
      %add3A_85 = arith.addf %broadcast_in_dim3A_59, %select_n3A_84 : vector<2000x1xf32>
      %get3A_86 = arith.constant 1 : index
      %get3A_87 = arith.constant 0 : index
      %get3A_88 = vector.load %arg3[%get3A_86, %get3A_87] : memref<4x128xf32, #tpu.memory_space<vmem>>, vector<1x128xf32>
      %jit3A_89 = arith.constant 0.000000e+00 : f32
      %broadcast_in_dim3A_90 = vector.shape_cast %get3A_88 : vector<1x128xf32> to vector<1x128xf32>
      %broadcast_in_dim3A_91 = vector.broadcast %broadcast_in_dim3A_90 : vector<1x128xf32> to vector<2000x128xf32>
      %broadcast_in_dim3A_92 = vector.broadcast %jit3A_89 : f32 to vector<2000x128xf32>
      %select_n3A_93 = arith.select %eq3A_41, %broadcast_in_dim3A_91, %broadcast_in_dim3A_92 : vector<2000x128xi1>, vector<2000x128xf32>
      %reduce_sum3A_94 = arith.constant dense<0.000000e+00> : vector<2000xf32>
      %reduce_sum3A_95 = vector.multi_reduction <add>, %select_n3A_93, %reduce_sum3A_94 [1] : vector<2000x128xf32> to vector<2000xf32>
      %broadcast_in_dim3A_96 = vector.shape_cast %reduce_sum3A_95 : vector<2000xf32> to vector<2000x1xf32>
      %slice3A_97 = vector.extract_strided_slice %get3A_27 {offsets = [0, 1], sizes = [2000, 1], strides = [1, 1]} : vector<2000x8xf32> to vector<2000x1xf32>
      %sub3A_98 = arith.subf %slice3A_97, %broadcast_in_dim3A_96 : vector<2000x1xf32>
      %abs3A_99 = math.absf %sub3A_98 : vector<2000x1xf32>
      %lt3A_100 = arith.constant 0.00999999977 : f32
      %lt3A_101 = vector.broadcast %lt3A_100 : f32 to vector<2000x1xf32>
      %lt3A_102 = arith.cmpf olt, %abs3A_99, %lt3A_101 : vector<2000x1xf32>
      %mul3A_103 = arith.constant 5.000000e-01 : f32
      %mul3A_104 = vector.broadcast %mul3A_103 : f32 to vector<2000x1xf32>
      %mul3A_105 = arith.mulf %mul3A_104, %sub3A_98 : vector<2000x1xf32>
      %mul3A_106 = arith.mulf %mul3A_105, %sub3A_98 : vector<2000x1xf32>
      %div3A_107 = arith.constant 0.00999999977 : f32
      %div3A_108 = vector.broadcast %div3A_107 : f32 to vector<2000x1xf32>
      %div3A_109 = arith.divf %mul3A_106, %div3A_108 : vector<2000x1xf32>
      %sub3A_110 = arith.constant 5.000000e-03 : f32
      %sub3A_111 = vector.broadcast %sub3A_110 : f32 to vector<2000x1xf32>
      %sub3A_112 = arith.subf %abs3A_99, %sub3A_111 : vector<2000x1xf32>
      %select_n3A_113 = arith.select %lt3A_102, %div3A_109, %sub3A_112 : vector<2000x1xi1>, vector<2000x1xf32>
      %add3A_114 = arith.addf %add3A_85, %select_n3A_113 : vector<2000x1xf32>
      %get3A_115 = arith.constant 2 : index
      %get3A_116 = arith.constant 0 : index
      %get3A_117 = vector.load %arg3[%get3A_115, %get3A_116] : memref<4x128xf32, #tpu.memory_space<vmem>>, vector<1x128xf32>
      %jit3A_118 = arith.constant 0.000000e+00 : f32
      %broadcast_in_dim3A_119 = vector.shape_cast %get3A_117 : vector<1x128xf32> to vector<1x128xf32>
      %broadcast_in_dim3A_120 = vector.broadcast %broadcast_in_dim3A_119 : vector<1x128xf32> to vector<2000x128xf32>
      %broadcast_in_dim3A_121 = vector.broadcast %jit3A_118 : f32 to vector<2000x128xf32>
      %select_n3A_122 = arith.select %eq3A_41, %broadcast_in_dim3A_120, %broadcast_in_dim3A_121 : vector<2000x128xi1>, vector<2000x128xf32>
      %reduce_sum3A_123 = arith.constant dense<0.000000e+00> : vector<2000xf32>
      %reduce_sum3A_124 = vector.multi_reduction <add>, %select_n3A_122, %reduce_sum3A_123 [1] : vector<2000x128xf32> to vector<2000xf32>
      %broadcast_in_dim3A_125 = vector.shape_cast %reduce_sum3A_124 : vector<2000xf32> to vector<2000x1xf32>
      %slice3A_126 = vector.extract_strided_slice %get3A_27 {offsets = [0, 2], sizes = [2000, 1], strides = [1, 1]} : vector<2000x8xf32> to vector<2000x1xf32>
      %sub3A_127 = arith.subf %slice3A_126, %broadcast_in_dim3A_125 : vector<2000x1xf32>
      %abs3A_128 = math.absf %sub3A_127 : vector<2000x1xf32>
      %lt3A_129 = arith.constant 0.00999999977 : f32
      %lt3A_130 = vector.broadcast %lt3A_129 : f32 to vector<2000x1xf32>
      %lt3A_131 = arith.cmpf olt, %abs3A_128, %lt3A_130 : vector<2000x1xf32>
      %mul3A_132 = arith.constant 5.000000e-01 : f32
      %mul3A_133 = vector.broadcast %mul3A_132 : f32 to vector<2000x1xf32>
      %mul3A_134 = arith.mulf %mul3A_133, %sub3A_127 : vector<2000x1xf32>
      %mul3A_135 = arith.mulf %mul3A_134, %sub3A_127 : vector<2000x1xf32>
      %div3A_136 = arith.constant 0.00999999977 : f32
      %div3A_137 = vector.broadcast %div3A_136 : f32 to vector<2000x1xf32>
      %div3A_138 = arith.divf %mul3A_135, %div3A_137 : vector<2000x1xf32>
      %sub3A_139 = arith.constant 5.000000e-03 : f32
      %sub3A_140 = vector.broadcast %sub3A_139 : f32 to vector<2000x1xf32>
      %sub3A_141 = arith.subf %abs3A_128, %sub3A_140 : vector<2000x1xf32>
      %select_n3A_142 = arith.select %lt3A_131, %div3A_138, %sub3A_141 : vector<2000x1xi1>, vector<2000x1xf32>
      %add3A_143 = arith.addf %add3A_114, %select_n3A_142 : vector<2000x1xf32>
      %get3A_144 = arith.constant 3 : index
      %get3A_145 = arith.constant 0 : index
      %get3A_146 = vector.load %arg3[%get3A_144, %get3A_145] : memref<4x128xf32, #tpu.memory_space<vmem>>, vector<1x128xf32>
      %jit3A_147 = arith.constant 0.000000e+00 : f32
      %broadcast_in_dim3A_148 = vector.shape_cast %get3A_146 : vector<1x128xf32> to vector<1x128xf32>
      %broadcast_in_dim3A_149 = vector.broadcast %broadcast_in_dim3A_148 : vector<1x128xf32> to vector<2000x128xf32>
      %broadcast_in_dim3A_150 = vector.broadcast %jit3A_147 : f32 to vector<2000x128xf32>
      %select_n3A_151 = arith.select %eq3A_41, %broadcast_in_dim3A_149, %broadcast_in_dim3A_150 : vector<2000x128xi1>, vector<2000x128xf32>
      %reduce_sum3A_152 = arith.constant dense<0.000000e+00> : vector<2000xf32>
      %reduce_sum3A_153 = vector.multi_reduction <add>, %select_n3A_151, %reduce_sum3A_152 [1] : vector<2000x128xf32> to vector<2000xf32>
      %broadcast_in_dim3A_154 = vector.shape_cast %reduce_sum3A_153 : vector<2000xf32> to vector<2000x1xf32>
      %slice3A_155 = vector.extract_strided_slice %get3A_27 {offsets = [0, 3], sizes = [2000, 1], strides = [1, 1]} : vector<2000x8xf32> to vector<2000x1xf32>
      %sub3A_156 = arith.subf %slice3A_155, %broadcast_in_dim3A_154 : vector<2000x1xf32>
      %abs3A_157 = math.absf %sub3A_156 : vector<2000x1xf32>
      %lt3A_158 = arith.constant 0.00999999977 : f32
      %lt3A_159 = vector.broadcast %lt3A_158 : f32 to vector<2000x1xf32>
      %lt3A_160 = arith.cmpf olt, %abs3A_157, %lt3A_159 : vector<2000x1xf32>
      %mul3A_161 = arith.constant 5.000000e-01 : f32
      %mul3A_162 = vector.broadcast %mul3A_161 : f32 to vector<2000x1xf32>
      %mul3A_163 = arith.mulf %mul3A_162, %sub3A_156 : vector<2000x1xf32>
      %mul3A_164 = arith.mulf %mul3A_163, %sub3A_156 : vector<2000x1xf32>
      %div3A_165 = arith.constant 0.00999999977 : f32
      %div3A_166 = vector.broadcast %div3A_165 : f32 to vector<2000x1xf32>
      %div3A_167 = arith.divf %mul3A_164, %div3A_166 : vector<2000x1xf32>
      %sub3A_168 = arith.constant 5.000000e-03 : f32
      %sub3A_169 = vector.broadcast %sub3A_168 : f32 to vector<2000x1xf32>
      %sub3A_170 = arith.subf %abs3A_157, %sub3A_169 : vector<2000x1xf32>
      %select_n3A_171 = arith.select %lt3A_160, %div3A_167, %sub3A_170 : vector<2000x1xi1>, vector<2000x1xf32>
      %add3A_172 = arith.addf %add3A_143, %select_n3A_171 : vector<2000x1xf32>
      %sub3A_173 = arith.constant 1.000000e+00 : f32
      %sub3A_174 = vector.broadcast %sub3A_173 : f32 to vector<2000x1xf32>
      %sub3A_175 = arith.subf %slice3A_52, %sub3A_174 : vector<2000x1xf32>
      %jit3A_176 = arith.constant 1.000000e+00 : f32
      %broadcast_in_dim3A_177 = vector.broadcast %jit3A_176 : f32 to vector<2000x1xf32>
      %select_n3A_178 = arith.select %lt3A_31, %sub3A_175, %broadcast_in_dim3A_177 : vector<2000x1xi1>, vector<2000x1xf32>
      %swap3A = arith.constant 0 : index
      %swap3A_179 = arith.constant 0 : index
      %swap3A_180 = vector.load %arg5[%swap3A, %swap3A_179] : memref<2000x1xf32, #tpu.memory_space<vmem>>, vector<2000x1xf32>
      tpu.vector_store %arg5[%swap3A, %swap3A_179], %select_n3A_178 {strides = array<i32>} : memref<2000x1xf32, #tpu.memory_space<vmem>>, vector<2000x1xf32>,
      %iota3A_181 = tpu.iota {dimensions = array<i32: 1>} : vector<1x128xi32>
      %eq3A_182 = arith.constant 1 : i32
      %eq3A_183 = vector.broadcast %eq3A_182 : i32 to vector<1x128xi32>
      %eq3A_184 = arith.cmpi eq, %iota3A_181, %eq3A_183 : vector<1x128xi32>
      %reduce_sum3A_185 = vector.shape_cast %convert_element_type3A_39 : vector<2000x1xf32> to vector<1x2000x1xf32>
      %reduce_sum3A_186 = arith.constant dense<0.000000e+00> : vector<1xf32>
      %reduce_sum3A_187 = vector.multi_reduction <add>, %reduce_sum3A_185, %reduce_sum3A_186 [1, 2] : vector<1x2000x1xf32> to vector<1xf32>
      %reduce_sum3A_188 = vector.shape_cast %reduce_sum3A_187 : vector<1xf32> to vector<1x1x1xf32>
      %reduce_sum3A_189 = vector.extract %reduce_sum3A_188[0, 0, 0] : f32 from vector<1x1x1xf32>
      %jit3A_190 = arith.constant 0.000000e+00 : f32
      %broadcast_in_dim3A_191 = vector.broadcast %reduce_sum3A_189 : f32 to vector<1x128xf32>
      %broadcast_in_dim3A_192 = vector.broadcast %jit3A_190 : f32 to vector<1x128xf32>
      %select_n3A_193 = arith.select %eq3A_184, %broadcast_in_dim3A_191, %broadcast_in_dim3A_192 : vector<1x128xi1>, vector<1x128xf32>
      %eq3A_194 = arith.constant 2 : i32
      %eq3A_195 = vector.broadcast %eq3A_194 : i32 to vector<1x128xi32>
      %eq3A_196 = arith.cmpi eq, %iota3A_181, %eq3A_195 : vector<1x128xi32>
      %mul3A_197 = arith.mulf %select_n3A_57, %convert_element_type3A_39 : vector<2000x1xf32>
      %reduce_sum3A_198 = vector.shape_cast %mul3A_197 : vector<2000x1xf32> to vector<1x2000x1xf32>
      %reduce_sum3A_199 = arith.constant dense<0.000000e+00> : vector<1xf32>
      %reduce_sum3A_200 = vector.multi_reduction <add>, %reduce_sum3A_198, %reduce_sum3A_199 [1, 2] : vector<1x2000x1xf32> to vector<1xf32>
      %reduce_sum3A_201 = vector.shape_cast %reduce_sum3A_200 : vector<1xf32> to vector<1x1x1xf32>
      %reduce_sum3A_202 = vector.extract %reduce_sum3A_201[0, 0, 0] : f32 from vector<1x1x1xf32>
      %jit3A_203 = arith.constant 0.000000e+00 : f32
      %broadcast_in_dim3A_204 = vector.broadcast %reduce_sum3A_202 : f32 to vector<1x128xf32>
      %broadcast_in_dim3A_205 = vector.broadcast %jit3A_203 : f32 to vector<1x128xf32>
      %select_n3A_206 = arith.select %eq3A_196, %broadcast_in_dim3A_204, %broadcast_in_dim3A_205 : vector<1x128xi1>, vector<1x128xf32>
      %add3A_207 = arith.addf %select_n3A_193, %select_n3A_206 : vector<1x128xf32>
      %eq3A_208 = arith.constant 3 : i32
      %eq3A_209 = vector.broadcast %eq3A_208 : i32 to vector<1x128xi32>
      %eq3A_210 = arith.cmpi eq, %iota3A_181, %eq3A_209 : vector<1x128xi32>
      %mul3A_211 = arith.mulf %add3A_172, %convert_element_type3A_39 : vector<2000x1xf32>
      %reduce_sum3A_212 = vector.shape_cast %mul3A_211 : vector<2000x1xf32> to vector<1x2000x1xf32>
      %reduce_sum3A_213 = arith.constant dense<0.000000e+00> : vector<1xf32>
      %reduce_sum3A_214 = vector.multi_reduction <add>, %reduce_sum3A_212, %reduce_sum3A_213 [1, 2] : vector<1x2000x1xf32> to vector<1xf32>
      %reduce_sum3A_215 = vector.shape_cast %reduce_sum3A_214 : vector<1xf32> to vector<1x1x1xf32>
      %reduce_sum3A_216 = vector.extract %reduce_sum3A_215[0, 0, 0] : f32 from vector<1x1x1xf32>
      %jit3A_217 = arith.constant 0.000000e+00 : f32
      %broadcast_in_dim3A_218 = vector.broadcast %reduce_sum3A_216 : f32 to vector<1x128xf32>
      %broadcast_in_dim3A_219 = vector.broadcast %jit3A_217 : f32 to vector<1x128xf32>
      %select_n3A_220 = arith.select %eq3A_210, %broadcast_in_dim3A_218, %broadcast_in_dim3A_219 : vector<1x128xi1>, vector<1x128xf32>
      %add3A_221 = arith.addf %add3A_207, %select_n3A_220 : vector<1x128xf32>
      %eq3A_222 = arith.constant 0 : i32
      %eq3A_223 = arith.cmpi eq, %arg1, %eq3A_222 : i32
      %convert_element_type3A_224 = arith.extui %eq3A_223 : i1 to i32
      %cond3A_225 = arith.constant 0 : i32
      %cond3A_226 = arith.cmpi ne, %convert_element_type3A_224, %cond3A_225 : i32
      scf.if %cond3A_226 {
        %broadcast_in_dim3A_239 = arith.constant 0.000000e+00 : f32
        %broadcast_in_dim3A_240 = vector.broadcast %broadcast_in_dim3A_239 : f32 to vector<1x128xf32>
        %swap3A_241 = arith.constant 0 : index
        %swap3A_242 = arith.constant 0 : index
        %swap3A_243 = vector.load %arg10[%swap3A_241, %swap3A_242] : memref<1x128xf32, #tpu.memory_space<vmem>>, vector<1x128xf32>
        tpu.vector_store %arg10[%swap3A_241, %swap3A_242], %broadcast_in_dim3A_240 {strides = array<i32>} : memref<1x128xf32, #tpu.memory_space<vmem>>, vector<1x128xf32>,
      } else {
      }
      %get3A_227 = arith.constant 0 : index
      %get3A_228 = arith.constant 0 : index
      %get3A_229 = vector.load %arg10[%get3A_227, %get3A_228] : memref<1x128xf32, #tpu.memory_space<vmem>>, vector<1x128xf32>
      %add3A_230 = arith.addf %get3A_229, %add3A_221 : vector<1x128xf32>
      %swap3A_231 = arith.constant 0 : index
      %swap3A_232 = arith.constant 0 : index
      %swap3A_233 = vector.load %arg10[%swap3A_231, %swap3A_232] : memref<1x128xf32, #tpu.memory_space<vmem>>, vector<1x128xf32>
      tpu.vector_store %arg10[%swap3A_231, %swap3A_232], %add3A_230 {strides = array<i32>} : memref<1x128xf32, #tpu.memory_space<vmem>>, vector<1x128xf32>,
      %eq3A_234 = arith.constant 9 : i32
      %eq3A_235 = arith.cmpi eq, %arg1, %eq3A_234 : i32
      %convert_element_type3A_236 = arith.extui %eq3A_235 : i1 to i32
      %cond3A_237 = arith.constant 0 : i32
      %cond3A_238 = arith.cmpi ne, %convert_element_type3A_236, %cond3A_237 : i32
      scf.if %cond3A_238 {
        %get3A_239 = arith.constant 0 : index
        %get3A_240 = arith.constant 0 : index
        %get3A_241 = vector.load %arg10[%get3A_239, %get3A_240] : memref<1x128xf32, #tpu.memory_space<vmem>>, vector<1x128xf32>
        %swap3A_242 = arith.constant 0 : index
        %swap3A_243 = arith.constant 0 : index
        %swap3A_244 = vector.load %arg6[%swap3A_242, %swap3A_243] : memref<1x128xf32, #tpu.memory_space<vmem>>, vector<1x128xf32>
        tpu.vector_store %arg6[%swap3A_242, %swap3A_243], %get3A_241 {strides = array<i32>} : memref<1x128xf32, #tpu.memory_space<vmem>>, vector<1x128xf32>,
      } else {
      }
    } else {
    }
    return
  }
  func.func @transform_0(%arg0: i32, %arg1: i32) -> (i32, i32) {
    %sub3A = arith.constant 1 : i32
    %sub3A_0 = arith.subi %sub3A, %arg0 : i32
    %mul3A = arith.muli %arg1, %sub3A_0 : i32
    %c0_i32 = arith.constant 0 : i32
    %c0_i32_1 = arith.constant 0 : i32
    return %mul3A, %c0_i32 : i32, i32
  }
  func.func @transform_1(%arg0: i32, %arg1: i32) -> (i32, i32) {
    %c0_i32 = arith.constant 0 : i32
    %c0_i32_0 = arith.constant 0 : i32
    %c0_i32_1 = arith.constant 0 : i32
    return %c0_i32, %c0_i32_0 : i32, i32
  }
  func.func @transform_2(%arg0: i32, %arg1: i32) -> (i32, i32) {
    %c0_i32 = arith.constant 0 : i32
    %c0_i32_0 = arith.constant 0 : i32
    %c0_i32_1 = arith.constant 0 : i32
    return %c0_i32, %c0_i32_0 : i32, i32
  }
  func.func @transform_3(%arg0: i32, %arg1: i32) -> (i32, i32) {
    %mul3A = arith.muli %arg1, %arg0 : i32
    %c0_i32 = arith.constant 0 : i32
    %c0_i32_0 = arith.constant 0 : i32
    return %mul3A, %c0_i32 : i32, i32
  }
  func.func @transform_4(%arg0: i32, %arg1: i32) -> (i32, i32) {
    %c0_i32 = arith.constant 0 : i32
    %c0_i32_0 = arith.constant 0 : i32
    %c0_i32_1 = arith.constant 0 : i32
    return %c0_i32, %c0_i32_0 : i32, i32
  }
}

</mosaic_0001>

<sc_bundles>
// kernel: kernel.4.cloned.1.call-start
scs
__scs_entry_jumppad:
0x0: {  	(pc) =	sbr.rel $0x88, $3  }
0x1: {  	(tag) =	ssettag $0x0;
	lr =	simm.s32 $0x1  }
0x2: {  	[smem:$0x3F9C] =	sst lr;
	_ =	strace $0xD0000000  }
0x3: {  	_ = 	snop  }
0x4: {  	_ = 	snop  }
0x5: {  	_ = 	snop  }
0x6: {  	_ = 	snop  }
0x7: {  	_ = 	snop  }
__scs_overlays_trampoline_lowered:
0x8: {  	[smem:$0x3FAB] =	sst s0  }
0x9: {  	[smem:$0x3FAC] =	sst s1  }
0xa: {  	[smem:$0x3FAD] =	sst s2  }
0xb: {  	[smem:$0x3FAE] =	sst s3  }
0xc: {  	[smem:$0x3FAF] =	sst s4  }
0xd: {  	[smem:$0x3FB0] =	sst s5  }
0xe: {  	[smem:$0x3FB1] =	sst s6  }
0xf: {  	[smem:$0x3FB2] =	sst s7  }
0x10: {  	[smem:$0x3FB3] =	sst s8  }
0x11: {  	[smem:$0x3FB4] =	sst s9;
	s0 =	simm.s32 @!p0 $0x0  }
0x12: {  	s1 =	sld [smem:$0x3F9A];
	s0 =	simm.s32 @p0 $0x1  }
0x13: {  	[smem:$0x3FB5] =	sst s0;
	s0 =	simm.s32 @!p1 $0x0  }
0x14: {  	s2 =	sld [smem:$0x3F99];
	s0 =	simm.s32 @p1 $0x1  }
0x15: {  	[smem:$0x3FB6] =	sst s0;
	s0 =	simm.s32 @!p2 $0x0  }
0x16: {  	s3 =	sld [smem:$0x3FDB];
	s0 =	simm.s32 @p2 $0x1  }
0x17: {  	s4 =	simm.s32 $0x1BF5;
	[smem:$0x3FB8] =	sst s0  }
0x18: {  	s0 =	sld [smem:$0x3F9B];
	_ =	swait.ge [sflag:s4], $0x0  }
0x19: {  	s7 =	sld [smem:$0x3F9C]  }
0x1a: {  	s8 =	sadd.s32 $0xFFFFE003, lr  }
0x1b: {  	s9 =	sadd.s32 $0xFFFFFEF7, lr;
	s5 =	simm.s32 $0xFFFFFFFF;
	p2 =	slt.u32 s8, $0xFFFFF086  }
0x1c: {  	p1 =	slt.u32 s9, $0xF7A;
	s5 =	simm.s32 @!p2 $0x0  }
0x1d: {  	s5 =	simm.s32 @p1 $0x1;
	p0 =	seq.s32 s7, s2  }
0x1e: {  	s7 =	smul.u32 @!p0 $0xF7A, s2;
	p2 =	seq.s32 @!p0 s5, $0x0  }
0x1f: {  	s9 =	smul.u32 $0xF7A, s1;
	s8 =	simm.s32 @!p0 $0x1BF5;
	p2 =	por !p2, p0  }
0x20: {  	[sflag:s8] =	ssyncset.s32 @!p0 $0xFFFFF086;
	s6 =	sadd.s32 @!p0 s3, s7;
	s7 =	simm.s32 @!p0 $0x108  }
0x21: {  	s3 =	sadd.s32 s3, s9;
	s6 =	sadd.s32 @!p0 $0x88, s6;
	s7 =	simm.s32 @p2 $0x1082  }
0x22: {  	[simem:s7], [sflag:s8] =	dma.local @!p0 [hbm:s6], $0xF7A  }
0x23: {  	s9 =	sor.u32 $0xD0000000, s2;
	s6 =	simm.s32 $0x108;
	_ =	swait.ge @!p0 [sflag:s8], $0x0  }
0x24: {  	s3 =	sadd.s32 $0x88, s3;
	s6 =	simm.s32 @!p1 $0x1082;
	[sflag:s4] =	ssyncset.s32 $0xFFFFF086  }
0x25: {  	[simem:s6], [sflag:s4] =	dma.local [hbm:s3], $0xF7A  }
0x26: {  	[smem:$0x3F9C] =	sst s1;
	(tag) =	ssettag s2;
	_ =	strace s9  }
0x27: {  	s1 =	sld [smem:$0x3FAC]  }
0x28: {  	s2 =	sld [smem:$0x3FAD]  }
0x29: {  	s4 =	sld [smem:$0x3FAF]  }
0x2a: {  	p0 =	seq.s32 s5, $0x0;
	s5 =	sld [smem:$0x3FB0]  }
0x2b: {  	s6 =	sld [smem:$0x3FB1]  }
0x2c: {  	s7 =	sld [smem:$0x3FB2]  }
0x2d: {  	s3 =	simm.s32 $0x108;
	s8 =	sld [smem:$0x3FB3]  }
0x2e: {  	s3 =	simm.s32 @!p0 $0x1082;
	s9 =	sld [smem:$0x3FB4]  }
0x2f: {  	lr =	sadd.s32 s0, s3;
	s0 =	sld [smem:$0x3FAB]  }
0x30: {  	s3 =	sld [smem:$0x3FAE]  }
0x31: {  	[smem:$0x3FB7] =	sst s10  }
0x32: {  	s10 =	sld [smem:$0x3FB5];
	_ =	sdelay $0x3  }
0x33: {  	p0 =	seq.s32 s10, $0x1;
	s10 =	sld [smem:$0x3FB7];
	_ =	sdelay $0x3  }
0x34: {  	[smem:$0x3FB7] =	sst s10  }
0x35: {  	s10 =	sld [smem:$0x3FB6];
	_ =	sdelay $0x3  }
0x36: {  	p1 =	seq.s32 s10, $0x1;
	s10 =	sld [smem:$0x3FB7];
	_ =	sdelay $0x3  }
0x37: {  	[smem:$0x3FB7] =	sst s10  }
0x38: {  	s10 =	sld [smem:$0x3FB8]  }
0x39: {  	_ = 	snop;
	(pc) =	sbr.ind lr, $3  }
0x3a: {  	_ = 	snop  }
0x3b: {  	_ = 	snop  }
0x3c: {  	p2 =	seq.s32 s10, $0x1;
	s10 =	sld [smem:$0x3FB7]  }
0x3d: {  	_ =	shalt  }
0x3e: {  	_ =	shalt  }
0x3f: {  	_ =	shalt  }
0x40: {  	_ =	shalt  }
0x41: {  	_ =	shalt  }
0x42: {  	_ =	shalt  }
0x43: {  	_ =	shalt  }
0x44: {  	_ =	shalt  }
0x45: {  	_ =	shalt  }
0x46: {  	_ =	shalt  }
0x47: {  	_ =	shalt  }
0x48: {  	_ =	shalt  }
0x49: {  	_ =	shalt  }
0x4a: {  	_ =	shalt  }
0x4b: {  	_ =	shalt  }
0x4c: {  	_ =	shalt  }
0x4d: {  	_ =	shalt  }
0x4e: {  	_ =	shalt  }
0x4f: {  	_ =	shalt  }
0x50: {  	_ =	shalt  }
0x51: {  	_ =	shalt  }
0x52: {  	_ =	shalt  }
0x53: {  	_ =	shalt  }
0x54: {  	_ =	shalt  }
0x55: {  	_ =	shalt  }
0x56: {  	_ =	shalt  }
0x57: {  	_ =	shalt  }
0x58: {  	_ =	shalt  }
0x59: {  	_ =	shalt  }
0x5a: {  	_ =	shalt  }
0x5b: {  	_ =	shalt  }
0x5c: {  	_ =	shalt  }
0x5d: {  	_ =	shalt  }
0x5e: {  	_ =	shalt  }
0x5f: {  	_ =	shalt  }
0x60: {  	_ =	shalt  }
0x61: {  	_ =	shalt  }
0x62: {  	_ =	shalt  }
0x63: {  	_ =	shalt  }
0x64: {  	_ =	shalt  }
0x65: {  	_ =	shalt  }
0x66: {  	_ =	shalt  }
0x67: {  	_ =	shalt  }
0x68: {  	_ =	shalt  }
0x69: {  	_ =	shalt  }
0x6a: {  	_ =	shalt  }
0x6b: {  	_ =	shalt  }
0x6c: {  	_ =	shalt  }
0x6d: {  	_ =	shalt  }
0x6e: {  	_ =	shalt  }
0x6f: {  	_ =	shalt  }
0x70: {  	_ =	shalt  }
0x71: {  	_ =	shalt  }
0x72: {  	_ =	shalt  }
0x73: {  	_ =	shalt  }
0x74: {  	_ =	shalt  }
0x75: {  	_ =	shalt  }
0x76: {  	_ =	shalt  }
0x77: {  	_ =	shalt  }
0x78: {  	_ =	shalt  }
0x79: {  	_ =	shalt  }
0x7a: {  	_ =	shalt  }
0x7b: {  	_ =	shalt  }
0x7c: {  	_ =	shalt  }
0x7d: {  	_ =	shalt  }
0x7e: {  	_ =	shalt  }
0x7f: {  	_ =	shalt  }
0x80: {  	_ =	shalt  }
0x81: {  	_ =	shalt  }
0x82: {  	_ =	shalt  }
0x83: {  	_ =	shalt  }
0x84: {  	_ =	shalt  }
0x85: {  	_ =	shalt  }
0x86: {  	_ =	shalt  }
0x87: {  	_ =	shalt  }
.Lfunc_end0:
.L_simem_size_0:
called_computation_lowered:
.L_overlay_start_0:
0x88: {  	s2 =	sld [smem:$0x3FD9]  }
0x89: {  	s3 =	sld [smem:$0x3FFE];
	_ =	sdelay $0x1  }
0x8a: {  	s1 =	srdreg.scid  }
0x8b: {  	s0 =	sand.u32 $0x1, s1  }
0x8c: {  	s14 =	sshll.u32 s0, $0xA;
	s2 =	sadd.s32 s3, s2  }
0x8d: {  	s2 =	sadd.s32 s2, s14  }
0x8e: {  	[smem:$0x3FC3] =	sst s2  }
0x8f: {  	_ = 	snop  }
0x90: {  	s2 =	sld [smem:$0x3FD0];
	_ =	sdelay $0x2  }
0x91: {  	s15 =	simm.s32 $0xA;
	s4 =	simm.s32 $0x10  }
0x92: {  	[smem:s4], [sflag:s15] =	dma.local [hbm:s2], $0x1  }
0x93: {  	_ =	swait.eq [sflag:s15], $0x1  }
0x94: {  	[sflag:s15] =	ssyncset.done $0x0  }
0x95: {  	[sflag:s15] =	ssyncadd.s32 $0xFFFFFFFF  }
0x96: {  	s16 =	sld [smem:$0x10];
	(tm) =	ssettm $0x1  }
0x97: {  	s17 =	sld [smem:$0x3FFB];
	_ =	sdelay $0x3  }
0x98: {  	_ =	strace s17  }
0x99: {  	s3 =	sld [smem:$0x3FFC];
	_ =	sdelay $0x3  }
0x9a: {  	_ =	strace s3  }
0x9b: {  	s3 =	sld [smem:$0x3FFD];
	_ =	sdelay $0x3  }
0x9c: {  	_ =	strace s3  }
0x9d: {  	_ =	strace $0x8FFFFFFF  }
0x9e: {  	s18 =	sld [smem:$0x3FDB];
	_ =	sdelay $0x1  }
0x9f: {  	s19 =	simm.s32 $_scs_section_size  }
0xa0: {  	s5 =	simm.s32 $_size__tile_overlayer_lowered;
	s6 =	simm.s32 $_tile_overlayer_lowered  }
0xa1: {  	s22 =	simm.s32 $0x1BFF;
	s21 =	sshll.u32 s6, $0x1;
	s3 =	sadd.s32 s19, s18  }
0xa2: {  	s7 =	simm.s32 $0x0;
	s20 =	sshll.u32 s5, $0x1;
	s5 =	sadd.s32 s21, s3  }
0xa3: {  	[timem:s7], [sflag:s22] =	dma.local [hbm:s5], s20  }
0xa4: {  	_ =	swait.ge [sflag:s22], s20  }
0xa5: {  	s4 =	ssub.s32 $0x0, s20;
	[sflag:s22] =	ssyncset.done $0x0  }
0xa6: {  	[sflag:s22] =	ssyncadd.s32 s4;
	_ =	sdelay $0x1  }
0xa7: {  	s23 =	simm.s32 $0x1B8B  }
0xa8: {  	_ =	swait.ge [sflag:s23], $0x1  }
0xa9: {  	[sflag:s23] =	ssyncset.done $0x0  }
0xaa: {  	s25 =	simm.s32 $0x1B8E;
	s24 =	sld [smem:$0x3FFE];
	[sflag:s23] =	ssyncadd.s32 $0xFFFFFFFF  }
0xab: {  	s26 =	simm.s32 $execute0_lowered;
	[smem:$0x3FD2] =	sst s25  }
0xac: {  	s5 =	sshll.u32 s26, $0x1;
	_ =	strace $0x80000046;
	[dreg:$0x1] =	wrdreg $0xFFFFFFFF  }
0xad: {  	s28 =	simm.s32 $_size_execute0_lowered;
	s3 =	sadd.s32 s3, s5;
	[dreg:$0x0] =	wrdreg $0x0  }
0xae: {  	s5 =	sshll.u32 s28, $0x1;
	[dreg:$0x2] =	wrdreg s3  }
0xaf: {  	[dreg:$0x3] =	wrdreg s5  }
0xb0: {  	[dreg:$0x4] =	wrdreg $0xC0  }
0xb1: {  	_ =	task [dreg:s7], $0x5FFFF  }
0xb2: {  	[dreg:$0x1] =	wrdreg $0xFFFFFFFF  }
0xb3: {  	[dreg:$0x0] =	wrdreg $0x60  }
0xb4: {  	[dreg:$0x2] =	wrdreg s24  }
0xb5: {  	[dreg:$0x3] =	wrdreg s16  }
0xb6: {  	[dreg:$0x4] =	wrdreg $0x9  }
0xb7: {  	_ =	task.clear_ibuf [dreg:s7], $0x5FFFF;
	_ =	strace $0x90000046  }
0xb8: {  	s29 =	simm.s32 $0x9;
	_ =	strace $0x80000048  }
0xb9: {  	_ =	swait.ge [sflag:s29], $0x1  }
0xba: {  	[sflag:s29] =	ssyncadd.s32 $0xFFFFFFFF  }
0xbb: {  	_ =	strace $0x90000048  }
0xbc: {  	_ =	sfence  }
0xbd: {  	s30 =	sld [smem:$0x0];
	_ =	sdelay $0x2  }
0xbe: {  	s31 =	sshll.u32 s1, $0xD;
	s1 =	sshrl.u32 s1, $0x2  }
0xbf: {  	s3 =	sand.u32 $0x4000, s31;
	s1 =	sadd.s32 s1, s30  }
0xc0: {  	s0 =	sor.u32 s3, s0;
	s1 =	sshll.u32 s1, $0x11  }
0xc1: {  	s0 =	sor.u32 s1, s0  }
0xc2: {  	s0 =	sadd.s32 $0x8F2B, s0  }
0xc3: {  	[sflag:s0] =	ssyncadd.remote.s32 $0x1  }
0xc4: {  	_ =	sfence.sel $0xFFFF  }
0xc5: {  	[dreg:$0x0] =	wrdreg $0xFFFFFFFF;
	(pc) =	sbr.abs _section_cstart, $3  }
0xc6: {  	[dreg:$0x1] =	wrdreg $0xFFFFFFFF  }
0xc7: {  	_ =	task.clear_ibuf [dreg:s7], $0x2FFFF;
	_ =	strace $0x9FFFFFFF  }
0xc8: {  	(tm) =	ssettm $0x7FFFFFFF  }
0xc9: {  	_ =	shalt  }
tec
execute0_lowered:
.L_overlay_start_1:
0x0: {  	(tag) =	ssettag $0x1  }
0x1: {  	s0 =	srdreg.scid  }
0x2: {  	s1 =	stileid.u32;
	s0 =	sand.u32 $0x1, s0  }
0x3: {  	s1 =	sor.u32 s1, s0  }
0x4: {  	p0 =	sne.s32 s1, $0x0  }
.Ltmp0:
0x5: {  	_ = 	snop;
	(pc) =	sbr.rel @!p0 .LBB2_1-.Ltmp0, $4  }
0x6: {  	_ = 	snop  }
0x7: {  	s3 =	simm.s32 $0x0  }
0x8: {  	[smem:$0x7FF] =	sst s3  }
0x9: {  	s5 =	rddreg [dreg:$0x0];
	_ =	strace $0x80000047  }
.LBB2_72:
0xa: {  	_ =	sfence.sel $0x180000  }
0xb: {  	[bflag:$0x0] =	sbarrier.arrive $0xFFFF  }
0xc: {  	_ =	strace $0x90000047  }
0xd: {  	s0 =	stileid.u32;
	[bflag:$0x2] =	sbarrier.arrive $0xFFFF  }
0xe: {  	p0 =	sne.s32 s0, $0x0;
	s0 =	rddreg [dreg:$0x2]  }
0xf: {  	s0 =	sadd.s32 @!p0 $0x100000, s0  }
0x10: {  	[sflag:s0] =	ssyncadd.tile.s32 @!p0 $0x1;
	_ =	shalt  }
.LBB2_1:
0x11: {  	s1 =	sadd.s32 $0xC00, s5;
	s16 =	sadd.s32 $0x2000, s5;
	s0 =	ssub.s32 $0x2, s0  }
0x12: {  	s17 =	sadd.s32 $0x1600, s5;
	s18 =	sadd.s32 $0x2A00, s5;
	s20 =	sadd.s32 $0xCFA, s5  }
0x13: {  	s21 =	sadd.s32 $0xDF4, s5;
	s22 =	sadd.s32 $0xEEE, s5;
	[dreg:$0x3] =	wrdreg s1  }
0x14: {  	s23 =	sadd.s32 $0xFE8, s5;
	s24 =	sadd.s32 $0x10E2, s5;
	[dreg:$0x4] =	wrdreg s16  }
0x15: {  	s25 =	sadd.s32 $0x11DC, s5;
	s26 =	sadd.s32 $0x12D6, s5;
	[dreg:$0x5] =	wrdreg s17  }
0x16: {  	s28 =	sadd.s32 $0x16FA, s5;
	s29 =	sadd.s32 $0x17F4, s5;
	[dreg:$0x6] =	wrdreg s18  }
0x17: {  	s30 =	sadd.s32 $0x18EE, s5;
	s31 =	sadd.s32 $0x19E8, s5;
	[dreg:$0x8] =	wrdreg s20  }
0x18: {  	s2 =	sadd.s32 $0x1CD6, s5;
	s4 =	sadd.s32 $0x1DD0, s5;
	[dreg:$0x9] =	wrdreg s21  }
0x19: {  	s6 =	simm.s32 $0xFB80;
	s7 =	simm.s32 $0x1;
	[dreg:$0xa] =	wrdreg s22  }
0x1a: {  	s8 =	simm.s32 $0xF380;
	s9 =	simm.s32 $0xEB80;
	[dreg:$0xb] =	wrdreg s23  }
0x1b: {  	s10 =	simm.s32 $0x4E80;
	s11 =	simm.s32 $0x9D00;
	[dreg:$0xc] =	wrdreg s24  }
0x1c: {  	s13 =	simm.s32 $0x0;
	s19 =	sshrl.u32 s0, $0x1;
	[dreg:$0xd] =	wrdreg s25  }
0x1d: {  	[dreg:$0xe] =	wrdreg s26;
	s16 =	sadd.s32 $0x13D0, s5;
	s17 =	sadd.s32 $0x14CA, s5  }
.Ltmp1:
0x1e: {  	s18 =	sadd.s32 $0x20FA, s5;
	s20 =	sadd.s32 $0x22EE, s5;
	(pc) =	sbr.rel .LBB2_2-.Ltmp1, $4  }
0x1f: {  	s21 =	sadd.s32 $0x23E8, s5;
	s22 =	sadd.s32 $0x24E2, s5;
	s23 =	sadd.s32 $0x25DC, s5  }
0x20: {  	v0 =	vimm.s32 $0x1;
	s24 =	sadd.s32 $0x26D6, s5;
	s25 =	sadd.s32 $0x27D0, s5;
	s26 =	sadd.s32 $0x28CA, s5  }
0x21: {  	v1 =	vimm.s32 $0x2;
	v2 =	vimm.s32 $0x3;
	v3 =	vimm.s32 $0x0;
	s1 =	sadd.s32 $0x1BDC, s5;
	s0 =	ssub.s32 s0, s19;
	s19 =	sadd.s32 $0x21F4, s5  }
0x22: {  	v4 =	vlaneseq.u32;
	v5 =	vimm.s32 $0xF;
	vm0 =	vcmask $0x3F08;
	[dreg:$0x7] =	wrdreg s0;
	s0 =	sadd.s32 $0x1AE2, s5;
	s5 =	sadd.s32 $0x1ECA, s5  }
.LBB2_64:
0x23: {  	v14 =	vimm.f32 $0.0e+00  }
.LBB2_70:
0x24: {  	v15 =	vor.u32 s14, v4  }
0x25: {  	vm4 =	vlt.s32 v15, v9;
	_ =	sdelay $0x5  }
0x26: {  	v11 =	vld.idx.msk [tilespmem:v11+s10+$0x0], vm4;
	_ =	sdelay $0x1  }
0x27: {  	vm4 =	vmmov vm4;
	_ =	sdelay $0x1  }
0x28: {  	v12 =	vld.idx.msk @p0 [tilespmem:v12+s3+$0x0], vm2;
	_ =	sdelay $0x2  }
0x29: {  	v13 =	vnsel @p1 vm3, $0x0, v13  }
0x2a: {  	vm1 =	vmmov @p0 vm1;
	v13 =	vadd.f32 @p1 v13, v14;
	v11 =	vld.idx.msk [tilespmem:v11+s3+$0x0], vm4  }
0x2b: {  	vm1 =	vmmov @p0 vm1;
	v12 =	vpsel p0, v12, v0  }
0x2c: {  	v13 =	vpsel p1, v13, v10;
	v12 =	vnsel @p0 vm1, $0x0, v12  }
0x2d: {  	v12 =	vadd.f32 @p0 v12, v13  }
0x2e: {  	vm1 =	vmmov vm4  }
0x2f: {  	v10 =	vpsel p0, v12, v10;
	v11 =	vnsel vm1, $0x0, v11  }
0x30: {  	v10 =	vadd.f32 v11, v10  }
.LBB2_71:
0x31: {  	_ = 	snop  }
0x32: {  	(xrf2) =	vadd.scan.msk.f32 $0xffff, v10;
	_ =	sdelay $0x7  }
0x33: {  	v8 =	vadd.s32 v8, v9  }
0x34: {  	v8 =	vcvt.s32.f32 v8  }
0x35: {  	v61, _, _ =	vpop (xrf2)  }
0x36: {  	s14 =	simm.s32 $0xFC00;
	(erf) = vrcp.f32 v8;
	[tilespmem:$0xFC00] =	vst v61  }
0x37: {  	v62 =	vld.idx.msk [tilespmem:v5+s14+$0x0], $0xffff;
	_ =	sdelay $0x4  }
0x38: {  	v7 =	vadd.f32 v62, v7;
	_ =	sdelay $0x1  }
0x39: {  	v7 =	vsub.f32 $0.0e+00, v7  }
0x3a: {  	v63 =	vpop (erf)  }
0x3b: {  	v7 =	vmul.f32 v7, v63  }
0x3c: {  	v6 =	vsel vm0, $0x0, v6;
	vm1 =	vmmov $0x1  }
0x3d: {  	v6 =	vsel vm1, v7, v6  }
0x3e: {  	s12 =	rddreg [dreg:$0x6];
	[tilespmem:$0xFC00] =	vst v6  }
0x3f: {  	[hbm4b:s12+s3] =	stream.linear.scatter [tilespmem:s14], [sflag:$0x1], $0x80, $0x38;
	[tilespmem:$0xFC80] =	vst v63  }
0x40: {  	_ =	swait.ge [sflag:s7], $0x80  }
0x41: {  	s13 =	sadd.s32 $0x1, s13;
	s15 =	rddreg [dreg:$0x7]  }
0x42: {  	p0 =	sne.s32 s13, s15  }
.Ltmp2:
0x43: {  	_ = 	snop;
	(pc) =	sbr.rel @!p0 .LBB2_72-.Ltmp2, $3  }
0x44: {  	_ =	sdelay $0x1  }
0x45: {  	[sflag:s7] =	ssyncset.done $0x0  }
0x46: {  	[sflag:s7] =	ssyncadd.s32 $0xFFFFFF80  }
.LBB2_2:
0x47: {  	s14 =	simm.s32 $0x0;
	s12 =	rddreg [dreg:$0x1]  }
0x48: {  	[tilespmem:s6], [sflag:$0x1] =	stream.linear.gather [hbm4b:s12+s14], $0x10, $0x38;
	[tilespmem:$0xFC80] =	vst v63  }
0x49: {  	_ =	swait.ge [sflag:s7], $0x10  }
0x4a: {  	[sflag:s7] =	ssyncset.done $0x0  }
0x4b: {  	[sflag:s7] =	ssyncadd.s32 $0xFFFFFFF0  }
0x4c: {  	v8 =	vld.idx.msk [tilespmem:v0+s6+$0x0], $0xffff  }
0x4d: {  	s15 =	rddreg [dreg:$0x3];
	v7 =	vld.idx.msk [tilespmem:v1+s6+$0x0], $0xffff  }
0x4e: {  	v6 =	vld.idx.msk [tilespmem:v2+s6+$0x0], $0xffff;
	[tilespmem:s8], [sflag:$0x1] =	stream.linear.gather [hbm4b:s15+s14], $0x7D0, $0x38  }
0x4f: {  	_ =	swait.ge [sflag:s7], $0x7D0  }
0x50: {  	[sflag:s7] =	ssyncset.done $0x0  }
0x51: {  	v9 =	vimm.s32 $0x0;
	[sflag:s7] =	ssyncadd.s32 $0xFFFFF830  }
.LBB2_3:
0x52: {  	s12 =	sshra.s32 s14, $0x2  }
0x53: {  	v10 =	vld [tilespmem:s12+$0xF380];
	_ =	sdelay $0x4  }
0x54: {  	vm1 =	vlt.f32 v10, $0.0e+00  }
0x55: {  	v11 =	vsel vm1, $0x1, v3  }
0x56: {  	(xrf0) =	vadd.scan.msk.s32 $0xffff, v11;
	_ =	sdelay $0x4  }
0x57: {  	v11 =	vsel vm1, $0xFFFFFFFF, v3  }
0x58: {  	v11 =	vadd.s32 v11, v9;
	v12, _, _ =	vpop (xrf0)  }
0x59: {  	v11 =	vadd.s32 v12, v11;
	_ =	sdelay $0x2  }
0x5a: {  	v10 =	vadd.f32 $1.000000000e+00, v10;
	_ =	sdelay $0x1  }
0x5b: {  	[tilespmem:v11+s3+$0x0] =	vst.idx.msk vm1, v10  }
0x5c: {  	v10 =	vld [tilespmem:s12+$0xF390];
	_ =	sdelay $0x4  }
0x5d: {  	vm2 =	vlt.f32 v10, $0.0e+00  }
0x5e: {  	v11 =	vsel vm2, $0x1, v3  }
0x5f: {  	(xrf0) =	vadd.scan.msk.s32 $0xffff, v11;
	_ =	sdelay $0x2  }
0x60: {  	v11 =	vmpcnt.ones.xlane vm1;
	_ =	sdelay $0x1  }
0x61: {  	v9 =	vadd.s32 v9, v11;
	v11 =	vsel vm2, $0xFFFFFFFF, v3  }
0x62: {  	v11 =	vadd.s32 v11, v9;
	v59, _, _ =	vpop (xrf0)  }
0x63: {  	v11 =	vadd.s32 v59, v11;
	_ =	sdelay $0x2  }
0x64: {  	v10 =	vadd.f32 $1.000000000e+00, v10;
	_ =	sdelay $0x1  }
0x65: {  	[tilespmem:v11+s3+$0x0] =	vst.idx.msk vm2, v10  }
0x66: {  	v10 =	vld [tilespmem:s12+$0xF3A0];
	_ =	sdelay $0x4  }
0x67: {  	vm1 =	vlt.f32 v10, $0.0e+00  }
0x68: {  	v11 =	vsel vm1, $0x1, v3  }
0x69: {  	(xrf0) =	vadd.scan.msk.s32 $0xffff, v11;
	_ =	sdelay $0x2  }
0x6a: {  	v11 =	vmpcnt.ones.xlane vm2;
	_ =	sdelay $0x1  }
0x6b: {  	v9 =	vadd.s32 v9, v11;
	v11 =	vsel vm1, $0xFFFFFFFF, v3  }
0x6c: {  	v11 =	vadd.s32 v11, v9;
	v60, _, _ =	vpop (xrf0)  }
0x6d: {  	v11 =	vadd.s32 v60, v11;
	_ =	sdelay $0x2  }
0x6e: {  	v10 =	vadd.f32 $1.000000000e+00, v10;
	_ =	sdelay $0x1  }
0x6f: {  	[tilespmem:v11+s3+$0x0] =	vst.idx.msk vm1, v10  }
0x70: {  	v10 =	vld [tilespmem:s12+$0xF3B0];
	_ =	sdelay $0x4  }
0x71: {  	vm2 =	vlt.f32 v10, $0.0e+00  }
0x72: {  	v11 =	vsel vm2, $0x1, v3  }
0x73: {  	(xrf0) =	vadd.scan.msk.s32 $0xffff, v11;
	_ =	sdelay $0x2  }
0x74: {  	v11 =	vmpcnt.ones.xlane vm1;
	_ =	sdelay $0x1  }
0x75: {  	v9 =	vadd.s32 v9, v11;
	v11 =	vsel vm2, $0xFFFFFFFF, v3  }
0x76: {  	v11 =	vadd.s32 v11, v9;
	v61, _, _ =	vpop (xrf0)  }
0x77: {  	v11 =	vadd.s32 v61, v11;
	_ =	sdelay $0x2  }
0x78: {  	v10 =	vadd.f32 $1.000000000e+00, v10;
	_ =	sdelay $0x1  }
0x79: {  	[tilespmem:v11+s3+$0x0] =	vst.idx.msk vm2, v10  }
0x7a: {  	v10 =	vld [tilespmem:s12+$0xF3C0];
	_ =	sdelay $0x4  }
0x7b: {  	vm1 =	vlt.f32 v10, $0.0e+00  }
0x7c: {  	v11 =	vsel vm1, $0x1, v3  }
0x7d: {  	(xrf0) =	vadd.scan.msk.s32 $0xffff, v11;
	_ =	sdelay $0x2  }
0x7e: {  	v11 =	vmpcnt.ones.xlane vm2;
	_ =	sdelay $0x1  }
0x7f: {  	v9 =	vadd.s32 v9, v11;
	v11 =	vsel vm1, $0xFFFFFFFF, v3  }
0x80: {  	v11 =	vadd.s32 v11, v9;
	v62, _, _ =	vpop (xrf0)  }
0x81: {  	p0 =	sne.s32 s14, $0x1E00;
	v11 =	vadd.s32 v62, v11  }
.Ltmp3:
0x82: {  	_ = 	snop;
	(pc) =	sbr.rel @p0 .LBB2_3-.Ltmp3, $3  }
0x83: {  	_ = 	snop  }
0x84: {  	v10 =	vadd.f32 $1.000000000e+00, v10;
	v63 =	vmpcnt.ones.xlane vm1;
	_ =	sdelay $0x1  }
0x85: {  	s14 =	sadd.s32 $0x140, s14;
	v9 =	vadd.s32 v9, v63;
	[tilespmem:v11+s3+$0x0] =	vst.idx.msk vm1, v10  }
0x86: {  	s14 =	simm.s32 $0x0;
	s12 =	rddreg [dreg:$0x8]  }
0x87: {  	[tilespmem:s8], [sflag:$0x1] =	stream.linear.gather [hbm4b:s12+s14], $0x7D0, $0x38;
	[tilespmem:$0xFC80] =	vst v63  }
0x88: {  	_ =	swait.ge [sflag:s7], $0x7D0  }
0x89: {  	[sflag:s7] =	ssyncset.done $0x0  }
0x8a: {  	[sflag:s7] =	ssyncadd.s32 $0xFFFFF830  }
.LBB2_5:
0x8b: {  	s12 =	sshra.s32 s14, $0x2  }
0x8c: {  	v10 =	vld [tilespmem:s12+$0xF380];
	_ =	sdelay $0x4  }
0x8d: {  	vm1 =	vlt.f32 v10, $0.0e+00  }
0x8e: {  	v11 =	vsel vm1, $0x1, v3  }
0x8f: {  	(xrf0) =	vadd.scan.msk.s32 $0xffff, v11;
	_ =	sdelay $0x4  }
0x90: {  	v11 =	vsel vm1, $0xFFFFFFFF, v3  }
0x91: {  	v11 =	vadd.s32 v11, v9;
	v12, _, _ =	vpop (xrf0)  }
0x92: {  	v11 =	vadd.s32 v12, v11;
	_ =	sdelay $0x2  }
0x93: {  	v10 =	vadd.f32 $1.000000000e+00, v10;
	_ =	sdelay $0x1  }
0x94: {  	[tilespmem:v11+s3+$0x0] =	vst.idx.msk vm1, v10  }
0x95: {  	v10 =	vld [tilespmem:s12+$0xF390];
	_ =	sdelay $0x4  }
0x96: {  	vm2 =	vlt.f32 v10, $0.0e+00  }
0x97: {  	v11 =	vsel vm2, $0x1, v3  }
0x98: {  	(xrf0) =	vadd.scan.msk.s32 $0xffff, v11;
	_ =	sdelay $0x2  }
0x99: {  	v11 =	vmpcnt.ones.xlane vm1;
	_ =	sdelay $0x1  }
0x9a: {  	v9 =	vadd.s32 v9, v11;
	v11 =	vsel vm2, $0xFFFFFFFF, v3  }
0x9b: {  	v11 =	vadd.s32 v11, v9;
	v59, _, _ =	vpop (xrf0)  }
0x9c: {  	v11 =	vadd.s32 v59, v11;
	_ =	sdelay $0x2  }
0x9d: {  	v10 =	vadd.f32 $1.000000000e+00, v10;
	_ =	sdelay $0x1  }
0x9e: {  	[tilespmem:v11+s3+$0x0] =	vst.idx.msk vm2, v10  }
0x9f: {  	v10 =	vld [tilespmem:s12+$0xF3A0];
	_ =	sdelay $0x4  }
0xa0: {  	vm1 =	vlt.f32 v10, $0.0e+00  }
0xa1: {  	v11 =	vsel vm1, $0x1, v3  }
0xa2: {  	(xrf0) =	vadd.scan.msk.s32 $0xffff, v11;
	_ =	sdelay $0x2  }
0xa3: {  	v11 =	vmpcnt.ones.xlane vm2;
	_ =	sdelay $0x1  }
0xa4: {  	v9 =	vadd.s32 v9, v11;
	v11 =	vsel vm1, $0xFFFFFFFF, v3  }
0xa5: {  	v11 =	vadd.s32 v11, v9;
	v60, _, _ =	vpop (xrf0)  }
0xa6: {  	v11 =	vadd.s32 v60, v11;
	_ =	sdelay $0x2  }
0xa7: {  	v10 =	vadd.f32 $1.000000000e+00, v10;
	_ =	sdelay $0x1  }
0xa8: {  	[tilespmem:v11+s3+$0x0] =	vst.idx.msk vm1, v10  }
0xa9: {  	v10 =	vld [tilespmem:s12+$0xF3B0];
	_ =	sdelay $0x4  }
0xaa: {  	vm2 =	vlt.f32 v10, $0.0e+00  }
0xab: {  	v11 =	vsel vm2, $0x1, v3  }
0xac: {  	(xrf0) =	vadd.scan.msk.s32 $0xffff, v11;
	_ =	sdelay $0x2  }
0xad: {  	v11 =	vmpcnt.ones.xlane vm1;
	_ =	sdelay $0x1  }
0xae: {  	v9 =	vadd.s32 v9, v11;
	v11 =	vsel vm2, $0xFFFFFFFF, v3  }
0xaf: {  	v11 =	vadd.s32 v11, v9;
	v61, _, _ =	vpop (xrf0)  }
0xb0: {  	v11 =	vadd.s32 v61, v11;
	_ =	sdelay $0x2  }
0xb1: {  	v10 =	vadd.f32 $1.000000000e+00, v10;
	_ =	sdelay $0x1  }
0xb2: {  	[tilespmem:v11+s3+$0x0] =	vst.idx.msk vm2, v10  }
0xb3: {  	v10 =	vld [tilespmem:s12+$0xF3C0];
	_ =	sdelay $0x4  }
0xb4: {  	vm1 =	vlt.f32 v10, $0.0e+00  }
0xb5: {  	v11 =	vsel vm1, $0x1, v3  }
0xb6: {  	(xrf0) =	vadd.scan.msk.s32 $0xffff, v11;
	_ =	sdelay $0x2  }
0xb7: {  	v11 =	vmpcnt.ones.xlane vm2;
	_ =	sdelay $0x1  }
0xb8: {  	v9 =	vadd.s32 v9, v11;
	v11 =	vsel vm1, $0xFFFFFFFF, v3  }
0xb9: {  	v11 =	vadd.s32 v11, v9;
	v62, _, _ =	vpop (xrf0)  }
0xba: {  	p0 =	sne.s32 s14, $0x1E00;
	v11 =	vadd.s32 v62, v11  }
.Ltmp4:
0xbb: {  	_ = 	snop;
	(pc) =	sbr.rel @p0 .LBB2_5-.Ltmp4, $3  }
0xbc: {  	_ = 	snop  }
0xbd: {  	v10 =	vadd.f32 $1.000000000e+00, v10;
	v63 =	vmpcnt.ones.xlane vm1;
	_ =	sdelay $0x1  }
0xbe: {  	s14 =	sadd.s32 $0x140, s14;
	v9 =	vadd.s32 v9, v63;
	[tilespmem:v11+s3+$0x0] =	vst.idx.msk vm1, v10  }
0xbf: {  	s14 =	simm.s32 $0x0;
	s12 =	rddreg [dreg:$0x9]  }
0xc0: {  	[tilespmem:s8], [sflag:$0x1] =	stream.linear.gather [hbm4b:s12+s14], $0x7D0, $0x38;
	[tilespmem:$0xFC80] =	vst v63  }
0xc1: {  	_ =	swait.ge [sflag:s7], $0x7D0  }
0xc2: {  	[sflag:s7] =	ssyncset.done $0x0  }
0xc3: {  	[sflag:s7] =	ssyncadd.s32 $0xFFFFF830  }
.LBB2_7:
0xc4: {  	s12 =	sshra.s32 s14, $0x2  }
0xc5: {  	v10 =	vld [tilespmem:s12+$0xF380];
	_ =	sdelay $0x4  }
0xc6: {  	vm1 =	vlt.f32 v10, $0.0e+00  }
0xc7: {  	v11 =	vsel vm1, $0x1, v3  }
0xc8: {  	(xrf0) =	vadd.scan.msk.s32 $0xffff, v11;
	_ =	sdelay $0x4  }
0xc9: {  	v11 =	vsel vm1, $0xFFFFFFFF, v3  }
0xca: {  	v11 =	vadd.s32 v11, v9;
	v12, _, _ =	vpop (xrf0)  }
0xcb: {  	v11 =	vadd.s32 v12, v11;
	_ =	sdelay $0x2  }
0xcc: {  	v10 =	vadd.f32 $1.000000000e+00, v10;
	_ =	sdelay $0x1  }
0xcd: {  	[tilespmem:v11+s3+$0x0] =	vst.idx.msk vm1, v10  }
0xce: {  	v10 =	vld [tilespmem:s12+$0xF390];
	_ =	sdelay $0x4  }
0xcf: {  	vm2 =	vlt.f32 v10, $0.0e+00  }
0xd0: {  	v11 =	vsel vm2, $0x1, v3  }
0xd1: {  	(xrf0) =	vadd.scan.msk.s32 $0xffff, v11;
	_ =	sdelay $0x2  }
0xd2: {  	v11 =	vmpcnt.ones.xlane vm1;
	_ =	sdelay $0x1  }
0xd3: {  	v9 =	vadd.s32 v9, v11;
	v11 =	vsel vm2, $0xFFFFFFFF, v3  }
0xd4: {  	v11 =	vadd.s32 v11, v9;
	v59, _, _ =	vpop (xrf0)  }
0xd5: {  	v11 =	vadd.s32 v59, v11;
	_ =	sdelay $0x2  }
0xd6: {  	v10 =	vadd.f32 $1.000000000e+00, v10;
	_ =	sdelay $0x1  }
0xd7: {  	[tilespmem:v11+s3+$0x0] =	vst.idx.msk vm2, v10  }
0xd8: {  	v10 =	vld [tilespmem:s12+$0xF3A0];
	_ =	sdelay $0x4  }
0xd9: {  	vm1 =	vlt.f32 v10, $0.0e+00  }
0xda: {  	v11 =	vsel vm1, $0x1, v3  }
0xdb: {  	(xrf0) =	vadd.scan.msk.s32 $0xffff, v11;
	_ =	sdelay $0x2  }
0xdc: {  	v11 =	vmpcnt.ones.xlane vm2;
	_ =	sdelay $0x1  }
0xdd: {  	v9 =	vadd.s32 v9, v11;
	v11 =	vsel vm1, $0xFFFFFFFF, v3  }
0xde: {  	v11 =	vadd.s32 v11, v9;
	v60, _, _ =	vpop (xrf0)  }
0xdf: {  	v11 =	vadd.s32 v60, v11;
	_ =	sdelay $0x2  }
0xe0: {  	v10 =	vadd.f32 $1.000000000e+00, v10;
	_ =	sdelay $0x1  }
0xe1: {  	[tilespmem:v11+s3+$0x0] =	vst.idx.msk vm1, v10  }
0xe2: {  	v10 =	vld [tilespmem:s12+$0xF3B0];
	_ =	sdelay $0x4  }
0xe3: {  	vm2 =	vlt.f32 v10, $0.0e+00  }
0xe4: {  	v11 =	vsel vm2, $0x1, v3  }
0xe5: {  	(xrf0) =	vadd.scan.msk.s32 $0xffff, v11;
	_ =	sdelay $0x2  }
0xe6: {  	v11 =	vmpcnt.ones.xlane vm1;
	_ =	sdelay $0x1  }
0xe7: {  	v9 =	vadd.s32 v9, v11;
	v11 =	vsel vm2, $0xFFFFFFFF, v3  }
0xe8: {  	v11 =	vadd.s32 v11, v9;
	v61, _, _ =	vpop (xrf0)  }
0xe9: {  	v11 =	vadd.s32 v61, v11;
	_ =	sdelay $0x2  }
0xea: {  	v10 =	vadd.f32 $1.000000000e+00, v10;
	_ =	sdelay $0x1  }
0xeb: {  	[tilespmem:v11+s3+$0x0] =	vst.idx.msk vm2, v10  }
0xec: {  	v10 =	vld [tilespmem:s12+$0xF3C0];
	_ =	sdelay $0x4  }
0xed: {  	vm1 =	vlt.f32 v10, $0.0e+00  }
0xee: {  	v11 =	vsel vm1, $0x1, v3  }
0xef: {  	(xrf0) =	vadd.scan.msk.s32 $0xffff, v11;
	_ =	sdelay $0x2  }
0xf0: {  	v11 =	vmpcnt.ones.xlane vm2;
	_ =	sdelay $0x1  }
0xf1: {  	v9 =	vadd.s32 v9, v11;
	v11 =	vsel vm1, $0xFFFFFFFF, v3  }
0xf2: {  	v11 =	vadd.s32 v11, v9;
	v62, _, _ =	vpop (xrf0)  }
0xf3: {  	p0 =	sne.s32 s14, $0x1E00;
	v11 =	vadd.s32 v62, v11  }
.Ltmp5:
0xf4: {  	_ = 	snop;
	(pc) =	sbr.rel @p0 .LBB2_7-.Ltmp5, $3  }
0xf5: {  	_ = 	snop  }
0xf6: {  	v10 =	vadd.f32 $1.000000000e+00, v10;
	v63 =	vmpcnt.ones.xlane vm1;
	_ =	sdelay $0x1  }
0xf7: {  	s14 =	sadd.s32 $0x140, s14;
	v9 =	vadd.s32 v9, v63;
	[tilespmem:v11+s3+$0x0] =	vst.idx.msk vm1, v10  }
0xf8: {  	s14 =	simm.s32 $0x0;
	s12 =	rddreg [dreg:$0xa]  }
0xf9: {  	[tilespmem:s8], [sflag:$0x1] =	stream.linear.gather [hbm4b:s12+s14], $0x7D0, $0x38;
	[tilespmem:$0xFC80] =	vst v63  }
0xfa: {  	_ =	swait.ge [sflag:s7], $0x7D0  }
0xfb: {  	[sflag:s7] =	ssyncset.done $0x0  }
0xfc: {  	[sflag:s7] =	ssyncadd.s32 $0xFFFFF830  }
.LBB2_9:
0xfd: {  	s12 =	sshra.s32 s14, $0x2  }
0xfe: {  	v10 =	vld [tilespmem:s12+$0xF380];
	_ =	sdelay $0x4  }
0xff: {  	vm1 =	vlt.f32 v10, $0.0e+00  }
0x100: {  	v11 =	vsel vm1, $0x1, v3  }
0x101: {  	(xrf0) =	vadd.scan.msk.s32 $0xffff, v11;
	_ =	sdelay $0x4  }
0x102: {  	v11 =	vsel vm1, $0xFFFFFFFF, v3  }
0x103: {  	v11 =	vadd.s32 v11, v9;
	v12, _, _ =	vpop (xrf0)  }
0x104: {  	v11 =	vadd.s32 v12, v11;
	_ =	sdelay $0x2  }
0x105: {  	v10 =	vadd.f32 $1.000000000e+00, v10;
	_ =	sdelay $0x1  }
0x106: {  	[tilespmem:v11+s3+$0x0] =	vst.idx.msk vm1, v10  }
0x107: {  	v10 =	vld [tilespmem:s12+$0xF390];
	_ =	sdelay $0x4  }
0x108: {  	vm2 =	vlt.f32 v10, $0.0e+00  }
0x109: {  	v11 =	vsel vm2, $0x1, v3  }
0x10a: {  	(xrf0) =	vadd.scan.msk.s32 $0xffff, v11;
	_ =	sdelay $0x2  }
0x10b: {  	v11 =	vmpcnt.ones.xlane vm1;
	_ =	sdelay $0x1  }
0x10c: {  	v9 =	vadd.s32 v9, v11;
	v11 =	vsel vm2, $0xFFFFFFFF, v3  }
0x10d: {  	v11 =	vadd.s32 v11, v9;
	v59, _, _ =	vpop (xrf0)  }
0x10e: {  	v11 =	vadd.s32 v59, v11;
	_ =	sdelay $0x2  }
0x10f: {  	v10 =	vadd.f32 $1.000000000e+00, v10;
	_ =	sdelay $0x1  }
0x110: {  	[tilespmem:v11+s3+$0x0] =	vst.idx.msk vm2, v10  }
0x111: {  	v10 =	vld [tilespmem:s12+$0xF3A0];
	_ =	sdelay $0x4  }
0x112: {  	vm1 =	vlt.f32 v10, $0.0e+00  }
0x113: {  	v11 =	vsel vm1, $0x1, v3  }
0x114: {  	(xrf0) =	vadd.scan.msk.s32 $0xffff, v11;
	_ =	sdelay $0x2  }
0x115: {  	v11 =	vmpcnt.ones.xlane vm2;
	_ =	sdelay $0x1  }
0x116: {  	v9 =	vadd.s32 v9, v11;
	v11 =	vsel vm1, $0xFFFFFFFF, v3  }
0x117: {  	v11 =	vadd.s32 v11, v9;
	v60, _, _ =	vpop (xrf0)  }
0x118: {  	v11 =	vadd.s32 v60, v11;
	_ =	sdelay $0x2  }
0x119: {  	v10 =	vadd.f32 $1.000000000e+00, v10;
	_ =	sdelay $0x1  }
0x11a: {  	[tilespmem:v11+s3+$0x0] =	vst.idx.msk vm1, v10  }
0x11b: {  	v10 =	vld [tilespmem:s12+$0xF3B0];
	_ =	sdelay $0x4  }
0x11c: {  	vm2 =	vlt.f32 v10, $0.0e+00  }
0x11d: {  	v11 =	vsel vm2, $0x1, v3  }
0x11e: {  	(xrf0) =	vadd.scan.msk.s32 $0xffff, v11;
	_ =	sdelay $0x2  }
0x11f: {  	v11 =	vmpcnt.ones.xlane vm1;
	_ =	sdelay $0x1  }
0x120: {  	v9 =	vadd.s32 v9, v11;
	v11 =	vsel vm2, $0xFFFFFFFF, v3  }
0x121: {  	v11 =	vadd.s32 v11, v9;
	v61, _, _ =	vpop (xrf0)  }
0x122: {  	v11 =	vadd.s32 v61, v11;
	_ =	sdelay $0x2  }
0x123: {  	v10 =	vadd.f32 $1.000000000e+00, v10;
	_ =	sdelay $0x1  }
0x124: {  	[tilespmem:v11+s3+$0x0] =	vst.idx.msk vm2, v10  }
0x125: {  	v10 =	vld [tilespmem:s12+$0xF3C0];
	_ =	sdelay $0x4  }
0x126: {  	vm1 =	vlt.f32 v10, $0.0e+00  }
0x127: {  	v11 =	vsel vm1, $0x1, v3  }
0x128: {  	(xrf0) =	vadd.scan.msk.s32 $0xffff, v11;
	_ =	sdelay $0x2  }
0x129: {  	v11 =	vmpcnt.ones.xlane vm2;
	_ =	sdelay $0x1  }
0x12a: {  	v9 =	vadd.s32 v9, v11;
	v11 =	vsel vm1, $0xFFFFFFFF, v3  }
0x12b: {  	v11 =	vadd.s32 v11, v9;
	v62, _, _ =	vpop (xrf0)  }
0x12c: {  	p0 =	sne.s32 s14, $0x1E00;
	v11 =	vadd.s32 v62, v11  }
.Ltmp6:
0x12d: {  	_ = 	snop;
	(pc) =	sbr.rel @p0 .LBB2_9-.Ltmp6, $3  }
0x12e: {  	_ = 	snop  }
0x12f: {  	v10 =	vadd.f32 $1.000000000e+00, v10;
	v63 =	vmpcnt.ones.xlane vm1;
	_ =	sdelay $0x1  }
0x130: {  	s14 =	sadd.s32 $0x140, s14;
	v9 =	vadd.s32 v9, v63;
	[tilespmem:v11+s3+$0x0] =	vst.idx.msk vm1, v10  }
0x131: {  	s14 =	simm.s32 $0x0;
	s12 =	rddreg [dreg:$0xb]  }
0x132: {  	[tilespmem:s8], [sflag:$0x1] =	stream.linear.gather [hbm4b:s12+s14], $0x7D0, $0x38;
	[tilespmem:$0xFC80] =	vst v63  }
0x133: {  	_ =	swait.ge [sflag:s7], $0x7D0  }
0x134: {  	[sflag:s7] =	ssyncset.done $0x0  }
0x135: {  	[sflag:s7] =	ssyncadd.s32 $0xFFFFF830  }
.LBB2_11:
0x136: {  	s12 =	sshra.s32 s14, $0x2  }
0x137: {  	v10 =	vld [tilespmem:s12+$0xF380];
	_ =	sdelay $0x4  }
0x138: {  	vm1 =	vlt.f32 v10, $0.0e+00  }
0x139: {  	v11 =	vsel vm1, $0x1, v3  }
0x13a: {  	(xrf0) =	vadd.scan.msk.s32 $0xffff, v11;
	_ =	sdelay $0x4  }
0x13b: {  	v11 =	vsel vm1, $0xFFFFFFFF, v3  }
0x13c: {  	v11 =	vadd.s32 v11, v9;
	v12, _, _ =	vpop (xrf0)  }
0x13d: {  	v11 =	vadd.s32 v12, v11;
	_ =	sdelay $0x2  }
0x13e: {  	v10 =	vadd.f32 $1.000000000e+00, v10;
	_ =	sdelay $0x1  }
0x13f: {  	[tilespmem:v11+s3+$0x0] =	vst.idx.msk vm1, v10  }
0x140: {  	v10 =	vld [tilespmem:s12+$0xF390];
	_ =	sdelay $0x4  }
0x141: {  	vm2 =	vlt.f32 v10, $0.0e+00  }
0x142: {  	v11 =	vsel vm2, $0x1, v3  }
0x143: {  	(xrf0) =	vadd.scan.msk.s32 $0xffff, v11;
	_ =	sdelay $0x2  }
0x144: {  	v11 =	vmpcnt.ones.xlane vm1;
	_ =	sdelay $0x1  }
0x145: {  	v9 =	vadd.s32 v9, v11;
	v11 =	vsel vm2, $0xFFFFFFFF, v3  }
0x146: {  	v11 =	vadd.s32 v11, v9;
	v59, _, _ =	vpop (xrf0)  }
0x147: {  	v11 =	vadd.s32 v59, v11;
	_ =	sdelay $0x2  }
0x148: {  	v10 =	vadd.f32 $1.000000000e+00, v10;
	_ =	sdelay $0x1  }
0x149: {  	[tilespmem:v11+s3+$0x0] =	vst.idx.msk vm2, v10  }
0x14a: {  	v10 =	vld [tilespmem:s12+$0xF3A0];
	_ =	sdelay $0x4  }
0x14b: {  	vm1 =	vlt.f32 v10, $0.0e+00  }
0x14c: {  	v11 =	vsel vm1, $0x1, v3  }
0x14d: {  	(xrf0) =	vadd.scan.msk.s32 $0xffff, v11;
	_ =	sdelay $0x2  }
0x14e: {  	v11 =	vmpcnt.ones.xlane vm2;
	_ =	sdelay $0x1  }
0x14f: {  	v9 =	vadd.s32 v9, v11;
	v11 =	vsel vm1, $0xFFFFFFFF, v3  }
0x150: {  	v11 =	vadd.s32 v11, v9;
	v60, _, _ =	vpop (xrf0)  }
0x151: {  	v11 =	vadd.s32 v60, v11;
	_ =	sdelay $0x2  }
0x152: {  	v10 =	vadd.f32 $1.000000000e+00, v10;
	_ =	sdelay $0x1  }
0x153: {  	[tilespmem:v11+s3+$0x0] =	vst.idx.msk vm1, v10  }
0x154: {  	v10 =	vld [tilespmem:s12+$0xF3B0];
	_ =	sdelay $0x4  }
0x155: {  	vm2 =	vlt.f32 v10, $0.0e+00  }
0x156: {  	v11 =	vsel vm2, $0x1, v3  }
0x157: {  	(xrf0) =	vadd.scan.msk.s32 $0xffff, v11;
	_ =	sdelay $0x2  }
0x158: {  	v11 =	vmpcnt.ones.xlane vm1;
	_ =	sdelay $0x1  }
0x159: {  	v9 =	vadd.s32 v9, v11;
	v11 =	vsel vm2, $0xFFFFFFFF, v3  }
0x15a: {  	v11 =	vadd.s32 v11, v9;
	v61, _, _ =	vpop (xrf0)  }
0x15b: {  	v11 =	vadd.s32 v61, v11;
	_ =	sdelay $0x2  }
0x15c: {  	v10 =	vadd.f32 $1.000000000e+00, v10;
	_ =	sdelay $0x1  }
0x15d: {  	[tilespmem:v11+s3+$0x0] =	vst.idx.msk vm2, v10  }
0x15e: {  	v10 =	vld [tilespmem:s12+$0xF3C0];
	_ =	sdelay $0x4  }
0x15f: {  	vm1 =	vlt.f32 v10, $0.0e+00  }
0x160: {  	v11 =	vsel vm1, $0x1, v3  }
0x161: {  	(xrf0) =	vadd.scan.msk.s32 $0xffff, v11;
	_ =	sdelay $0x2  }
0x162: {  	v11 =	vmpcnt.ones.xlane vm2;
	_ =	sdelay $0x1  }
0x163: {  	v9 =	vadd.s32 v9, v11;
	v11 =	vsel vm1, $0xFFFFFFFF, v3  }
0x164: {  	v11 =	vadd.s32 v11, v9;
	v62, _, _ =	vpop (xrf0)  }
0x165: {  	p0 =	sne.s32 s14, $0x1E00;
	v11 =	vadd.s32 v62, v11  }
.Ltmp7:
0x166: {  	_ = 	snop;
	(pc) =	sbr.rel @p0 .LBB2_11-.Ltmp7, $3  }
0x167: {  	_ = 	snop  }
0x168: {  	v10 =	vadd.f32 $1.000000000e+00, v10;
	v63 =	vmpcnt.ones.xlane vm1;
	_ =	sdelay $0x1  }
0x169: {  	s14 =	sadd.s32 $0x140, s14;
	v9 =	vadd.s32 v9, v63;
	[tilespmem:v11+s3+$0x0] =	vst.idx.msk vm1, v10  }
0x16a: {  	s14 =	simm.s32 $0x0;
	s12 =	rddreg [dreg:$0xc]  }
0x16b: {  	[tilespmem:s8], [sflag:$0x1] =	stream.linear.gather [hbm4b:s12+s14], $0x7D0, $0x38;
	[tilespmem:$0xFC80] =	vst v63  }
0x16c: {  	_ =	swait.ge [sflag:s7], $0x7D0  }
0x16d: {  	[sflag:s7] =	ssyncset.done $0x0  }
0x16e: {  	[sflag:s7] =	ssyncadd.s32 $0xFFFFF830  }
.LBB2_13:
0x16f: {  	s12 =	sshra.s32 s14, $0x2  }
0x170: {  	v10 =	vld [tilespmem:s12+$0xF380];
	_ =	sdelay $0x4  }
0x171: {  	vm1 =	vlt.f32 v10, $0.0e+00  }
0x172: {  	v11 =	vsel vm1, $0x1, v3  }
0x173: {  	(xrf0) =	vadd.scan.msk.s32 $0xffff, v11;
	_ =	sdelay $0x4  }
0x174: {  	v11 =	vsel vm1, $0xFFFFFFFF, v3  }
0x175: {  	v11 =	vadd.s32 v11, v9;
	v12, _, _ =	vpop (xrf0)  }
0x176: {  	v11 =	vadd.s32 v12, v11;
	_ =	sdelay $0x2  }
0x177: {  	v10 =	vadd.f32 $1.000000000e+00, v10;
	_ =	sdelay $0x1  }
0x178: {  	[tilespmem:v11+s3+$0x0] =	vst.idx.msk vm1, v10  }
0x179: {  	v10 =	vld [tilespmem:s12+$0xF390];
	_ =	sdelay $0x4  }
0x17a: {  	vm2 =	vlt.f32 v10, $0.0e+00  }
0x17b: {  	v11 =	vsel vm2, $0x1, v3  }
0x17c: {  	(xrf0) =	vadd.scan.msk.s32 $0xffff, v11;
	_ =	sdelay $0x2  }
0x17d: {  	v11 =	vmpcnt.ones.xlane vm1;
	_ =	sdelay $0x1  }
0x17e: {  	v9 =	vadd.s32 v9, v11;
	v11 =	vsel vm2, $0xFFFFFFFF, v3  }
0x17f: {  	v11 =	vadd.s32 v11, v9;
	v59, _, _ =	vpop (xrf0)  }
0x180: {  	v11 =	vadd.s32 v59, v11;
	_ =	sdelay $0x2  }
0x181: {  	v10 =	vadd.f32 $1.000000000e+00, v10;
	_ =	sdelay $0x1  }
0x182: {  	[tilespmem:v11+s3+$0x0] =	vst.idx.msk vm2, v10  }
0x183: {  	v10 =	vld [tilespmem:s12+$0xF3A0];
	_ =	sdelay $0x4  }
0x184: {  	vm1 =	vlt.f32 v10, $0.0e+00  }
0x185: {  	v11 =	vsel vm1, $0x1, v3  }
0x186: {  	(xrf0) =	vadd.scan.msk.s32 $0xffff, v11;
	_ =	sdelay $0x2  }
0x187: {  	v11 =	vmpcnt.ones.xlane vm2;
	_ =	sdelay $0x1  }
0x188: {  	v9 =	vadd.s32 v9, v11;
	v11 =	vsel vm1, $0xFFFFFFFF, v3  }
0x189: {  	v11 =	vadd.s32 v11, v9;
	v60, _, _ =	vpop (xrf0)  }
0x18a: {  	v11 =	vadd.s32 v60, v11;
	_ =	sdelay $0x2  }
0x18b: {  	v10 =	vadd.f32 $1.000000000e+00, v10;
	_ =	sdelay $0x1  }
0x18c: {  	[tilespmem:v11+s3+$0x0] =	vst.idx.msk vm1, v10  }
0x18d: {  	v10 =	vld [tilespmem:s12+$0xF3B0];
	_ =	sdelay $0x4  }
0x18e: {  	vm2 =	vlt.f32 v10, $0.0e+00  }
0x18f: {  	v11 =	vsel vm2, $0x1, v3  }
0x190: {  	(xrf0) =	vadd.scan.msk.s32 $0xffff, v11;
	_ =	sdelay $0x2  }
0x191: {  	v11 =	vmpcnt.ones.xlane vm1;
	_ =	sdelay $0x1  }
0x192: {  	v9 =	vadd.s32 v9, v11;
	v11 =	vsel vm2, $0xFFFFFFFF, v3  }
0x193: {  	v11 =	vadd.s32 v11, v9;
	v61, _, _ =	vpop (xrf0)  }
0x194: {  	v11 =	vadd.s32 v61, v11;
	_ =	sdelay $0x2  }
0x195: {  	v10 =	vadd.f32 $1.000000000e+00, v10;
	_ =	sdelay $0x1  }
0x196: {  	[tilespmem:v11+s3+$0x0] =	vst.idx.msk vm2, v10  }
0x197: {  	v10 =	vld [tilespmem:s12+$0xF3C0];
	_ =	sdelay $0x4  }
0x198: {  	vm1 =	vlt.f32 v10, $0.0e+00  }
0x199: {  	v11 =	vsel vm1, $0x1, v3  }
0x19a: {  	(xrf0) =	vadd.scan.msk.s32 $0xffff, v11;
	_ =	sdelay $0x2  }
0x19b: {  	v11 =	vmpcnt.ones.xlane vm2;
	_ =	sdelay $0x1  }
0x19c: {  	v9 =	vadd.s32 v9, v11;
	v11 =	vsel vm1, $0xFFFFFFFF, v3  }
0x19d: {  	v11 =	vadd.s32 v11, v9;
	v62, _, _ =	vpop (xrf0)  }
0x19e: {  	p0 =	sne.s32 s14, $0x1E00;
	v11 =	vadd.s32 v62, v11  }
.Ltmp8:
0x19f: {  	_ = 	snop;
	(pc) =	sbr.rel @p0 .LBB2_13-.Ltmp8, $3  }
0x1a0: {  	_ = 	snop  }
0x1a1: {  	v10 =	vadd.f32 $1.000000000e+00, v10;
	v63 =	vmpcnt.ones.xlane vm1;
	_ =	sdelay $0x1  }
0x1a2: {  	s14 =	sadd.s32 $0x140, s14;
	v9 =	vadd.s32 v9, v63;
	[tilespmem:v11+s3+$0x0] =	vst.idx.msk vm1, v10  }
0x1a3: {  	s14 =	simm.s32 $0x0;
	s12 =	rddreg [dreg:$0xd]  }
0x1a4: {  	[tilespmem:s8], [sflag:$0x1] =	stream.linear.gather [hbm4b:s12+s14], $0x7D0, $0x38;
	[tilespmem:$0xFC80] =	vst v63  }
0x1a5: {  	_ =	swait.ge [sflag:s7], $0x7D0  }
0x1a6: {  	[sflag:s7] =	ssyncset.done $0x0  }
0x1a7: {  	[sflag:s7] =	ssyncadd.s32 $0xFFFFF830  }
.LBB2_15:
0x1a8: {  	s12 =	sshra.s32 s14, $0x2  }
0x1a9: {  	v10 =	vld [tilespmem:s12+$0xF380];
	_ =	sdelay $0x4  }
0x1aa: {  	vm1 =	vlt.f32 v10, $0.0e+00  }
0x1ab: {  	v11 =	vsel vm1, $0x1, v3  }
0x1ac: {  	(xrf0) =	vadd.scan.msk.s32 $0xffff, v11;
	_ =	sdelay $0x4  }
0x1ad: {  	v11 =	vsel vm1, $0xFFFFFFFF, v3  }
0x1ae: {  	v11 =	vadd.s32 v11, v9;
	v12, _, _ =	vpop (xrf0)  }
0x1af: {  	v11 =	vadd.s32 v12, v11;
	_ =	sdelay $0x2  }
0x1b0: {  	v10 =	vadd.f32 $1.000000000e+00, v10;
	_ =	sdelay $0x1  }
0x1b1: {  	[tilespmem:v11+s3+$0x0] =	vst.idx.msk vm1, v10  }
0x1b2: {  	v10 =	vld [tilespmem:s12+$0xF390];
	_ =	sdelay $0x4  }
0x1b3: {  	vm2 =	vlt.f32 v10, $0.0e+00  }
0x1b4: {  	v11 =	vsel vm2, $0x1, v3  }
0x1b5: {  	(xrf0) =	vadd.scan.msk.s32 $0xffff, v11;
	_ =	sdelay $0x2  }
0x1b6: {  	v11 =	vmpcnt.ones.xlane vm1;
	_ =	sdelay $0x1  }
0x1b7: {  	v9 =	vadd.s32 v9, v11;
	v11 =	vsel vm2, $0xFFFFFFFF, v3  }
0x1b8: {  	v11 =	vadd.s32 v11, v9;
	v59, _, _ =	vpop (xrf0)  }
0x1b9: {  	v11 =	vadd.s32 v59, v11;
	_ =	sdelay $0x2  }
0x1ba: {  	v10 =	vadd.f32 $1.000000000e+00, v10;
	_ =	sdelay $0x1  }
0x1bb: {  	[tilespmem:v11+s3+$0x0] =	vst.idx.msk vm2, v10  }
0x1bc: {  	v10 =	vld [tilespmem:s12+$0xF3A0];
	_ =	sdelay $0x4  }
0x1bd: {  	vm1 =	vlt.f32 v10, $0.0e+00  }
0x1be: {  	v11 =	vsel vm1, $0x1, v3  }
0x1bf: {  	(xrf0) =	vadd.scan.msk.s32 $0xffff, v11;
	_ =	sdelay $0x2  }
0x1c0: {  	v11 =	vmpcnt.ones.xlane vm2;
	_ =	sdelay $0x1  }
0x1c1: {  	v9 =	vadd.s32 v9, v11;
	v11 =	vsel vm1, $0xFFFFFFFF, v3  }
0x1c2: {  	v11 =	vadd.s32 v11, v9;
	v60, _, _ =	vpop (xrf0)  }
0x1c3: {  	v11 =	vadd.s32 v60, v11;
	_ =	sdelay $0x2  }
0x1c4: {  	v10 =	vadd.f32 $1.000000000e+00, v10;
	_ =	sdelay $0x1  }
0x1c5: {  	[tilespmem:v11+s3+$0x0] =	vst.idx.msk vm1, v10  }
0x1c6: {  	v10 =	vld [tilespmem:s12+$0xF3B0];
	_ =	sdelay $0x4  }
0x1c7: {  	vm2 =	vlt.f32 v10, $0.0e+00  }
0x1c8: {  	v11 =	vsel vm2, $0x1, v3  }
0x1c9: {  	(xrf0) =	vadd.scan.msk.s32 $0xffff, v11;
	_ =	sdelay $0x2  }
0x1ca: {  	v11 =	vmpcnt.ones.xlane vm1;
	_ =	sdelay $0x1  }
0x1cb: {  	v9 =	vadd.s32 v9, v11;
	v11 =	vsel vm2, $0xFFFFFFFF, v3  }
0x1cc: {  	v11 =	vadd.s32 v11, v9;
	v61, _, _ =	vpop (xrf0)  }
0x1cd: {  	v11 =	vadd.s32 v61, v11;
	_ =	sdelay $0x2  }
0x1ce: {  	v10 =	vadd.f32 $1.000000000e+00, v10;
	_ =	sdelay $0x1  }
0x1cf: {  	[tilespmem:v11+s3+$0x0] =	vst.idx.msk vm2, v10  }
0x1d0: {  	v10 =	vld [tilespmem:s12+$0xF3C0];
	_ =	sdelay $0x4  }
0x1d1: {  	vm1 =	vlt.f32 v10, $0.0e+00  }
0x1d2: {  	v11 =	vsel vm1, $0x1, v3  }
0x1d3: {  	(xrf0) =	vadd.scan.msk.s32 $0xffff, v11;
	_ =	sdelay $0x2  }
0x1d4: {  	v11 =	vmpcnt.ones.xlane vm2;
	_ =	sdelay $0x1  }
0x1d5: {  	v9 =	vadd.s32 v9, v11;
	v11 =	vsel vm1, $0xFFFFFFFF, v3  }
0x1d6: {  	v11 =	vadd.s32 v11, v9;
	v62, _, _ =	vpop (xrf0)  }
0x1d7: {  	p0 =	sne.s32 s14, $0x1E00;
	v11 =	vadd.s32 v62, v11  }
.Ltmp9:
0x1d8: {  	_ = 	snop;
	(pc) =	sbr.rel @p0 .LBB2_15-.Ltmp9, $3  }
0x1d9: {  	_ = 	snop  }
0x1da: {  	v10 =	vadd.f32 $1.000000000e+00, v10;
	v63 =	vmpcnt.ones.xlane vm1;
	_ =	sdelay $0x1  }
0x1db: {  	s14 =	sadd.s32 $0x140, s14;
	v9 =	vadd.s32 v9, v63;
	[tilespmem:v11+s3+$0x0] =	vst.idx.msk vm1, v10  }
0x1dc: {  	s14 =	simm.s32 $0x0;
	s12 =	rddreg [dreg:$0xe]  }
0x1dd: {  	[tilespmem:s8], [sflag:$0x1] =	stream.linear.gather [hbm4b:s12+s14], $0x7D0, $0x38;
	[tilespmem:$0xFC80] =	vst v63  }
0x1de: {  	_ =	swait.ge [sflag:s7], $0x7D0  }
0x1df: {  	[sflag:s7] =	ssyncset.done $0x0  }
0x1e0: {  	[sflag:s7] =	ssyncadd.s32 $0xFFFFF830  }
.LBB2_17:
0x1e1: {  	s12 =	sshra.s32 s14, $0x2  }
0x1e2: {  	v10 =	vld [tilespmem:s12+$0xF380];
	_ =	sdelay $0x4  }
0x1e3: {  	vm1 =	vlt.f32 v10, $0.0e+00  }
0x1e4: {  	v11 =	vsel vm1, $0x1, v3  }
0x1e5: {  	(xrf0) =	vadd.scan.msk.s32 $0xffff, v11;
	_ =	sdelay $0x4  }
0x1e6: {  	v11 =	vsel vm1, $0xFFFFFFFF, v3  }
0x1e7: {  	v11 =	vadd.s32 v11, v9;
	v12, _, _ =	vpop (xrf0)  }
0x1e8: {  	v11 =	vadd.s32 v12, v11;
	_ =	sdelay $0x2  }
0x1e9: {  	v10 =	vadd.f32 $1.000000000e+00, v10;
	_ =	sdelay $0x1  }
0x1ea: {  	[tilespmem:v11+s3+$0x0] =	vst.idx.msk vm1, v10  }
0x1eb: {  	v10 =	vld [tilespmem:s12+$0xF390];
	_ =	sdelay $0x4  }
0x1ec: {  	vm2 =	vlt.f32 v10, $0.0e+00  }
0x1ed: {  	v11 =	vsel vm2, $0x1, v3  }
0x1ee: {  	(xrf0) =	vadd.scan.msk.s32 $0xffff, v11;
	_ =	sdelay $0x2  }
0x1ef: {  	v11 =	vmpcnt.ones.xlane vm1;
	_ =	sdelay $0x1  }
0x1f0: {  	v9 =	vadd.s32 v9, v11;
	v11 =	vsel vm2, $0xFFFFFFFF, v3  }
0x1f1: {  	v11 =	vadd.s32 v11, v9;
	v59, _, _ =	vpop (xrf0)  }
0x1f2: {  	v11 =	vadd.s32 v59, v11;
	_ =	sdelay $0x2  }
0x1f3: {  	v10 =	vadd.f32 $1.000000000e+00, v10;
	_ =	sdelay $0x1  }
0x1f4: {  	[tilespmem:v11+s3+$0x0] =	vst.idx.msk vm2, v10  }
0x1f5: {  	v10 =	vld [tilespmem:s12+$0xF3A0];
	_ =	sdelay $0x4  }
0x1f6: {  	vm1 =	vlt.f32 v10, $0.0e+00  }
0x1f7: {  	v11 =	vsel vm1, $0x1, v3  }
0x1f8: {  	(xrf0) =	vadd.scan.msk.s32 $0xffff, v11;
	_ =	sdelay $0x2  }
0x1f9: {  	v11 =	vmpcnt.ones.xlane vm2;
	_ =	sdelay $0x1  }
0x1fa: {  	v9 =	vadd.s32 v9, v11;
	v11 =	vsel vm1, $0xFFFFFFFF, v3  }
0x1fb: {  	v11 =	vadd.s32 v11, v9;
	v60, _, _ =	vpop (xrf0)  }
0x1fc: {  	v11 =	vadd.s32 v60, v11;
	_ =	sdelay $0x2  }
0x1fd: {  	v10 =	vadd.f32 $1.000000000e+00, v10;
	_ =	sdelay $0x1  }
0x1fe: {  	[tilespmem:v11+s3+$0x0] =	vst.idx.msk vm1, v10  }
0x1ff: {  	v10 =	vld [tilespmem:s12+$0xF3B0];
	_ =	sdelay $0x4  }
0x200: {  	vm2 =	vlt.f32 v10, $0.0e+00  }
0x201: {  	v11 =	vsel vm2, $0x1, v3  }
0x202: {  	(xrf0) =	vadd.scan.msk.s32 $0xffff, v11;
	_ =	sdelay $0x2  }
0x203: {  	v11 =	vmpcnt.ones.xlane vm1;
	_ =	sdelay $0x1  }
0x204: {  	v9 =	vadd.s32 v9, v11;
	v11 =	vsel vm2, $0xFFFFFFFF, v3  }
0x205: {  	v11 =	vadd.s32 v11, v9;
	v61, _, _ =	vpop (xrf0)  }
0x206: {  	v11 =	vadd.s32 v61, v11;
	_ =	sdelay $0x2  }
0x207: {  	v10 =	vadd.f32 $1.000000000e+00, v10;
	_ =	sdelay $0x1  }
0x208: {  	[tilespmem:v11+s3+$0x0] =	vst.idx.msk vm2, v10  }
0x209: {  	v10 =	vld [tilespmem:s12+$0xF3C0];
	_ =	sdelay $0x4  }
0x20a: {  	vm1 =	vlt.f32 v10, $0.0e+00  }
0x20b: {  	v11 =	vsel vm1, $0x1, v3  }
0x20c: {  	(xrf0) =	vadd.scan.msk.s32 $0xffff, v11;
	_ =	sdelay $0x2  }
0x20d: {  	v11 =	vmpcnt.ones.xlane vm2;
	_ =	sdelay $0x1  }
0x20e: {  	v9 =	vadd.s32 v9, v11;
	v11 =	vsel vm1, $0xFFFFFFFF, v3  }
0x20f: {  	v11 =	vadd.s32 v11, v9;
	v62, _, _ =	vpop (xrf0)  }
0x210: {  	p0 =	sne.s32 s14, $0x1E00;
	v11 =	vadd.s32 v62, v11  }
.Ltmp10:
0x211: {  	_ = 	snop;
	(pc) =	sbr.rel @p0 .LBB2_17-.Ltmp10, $3  }
0x212: {  	_ = 	snop  }
0x213: {  	v10 =	vadd.f32 $1.000000000e+00, v10;
	v63 =	vmpcnt.ones.xlane vm1;
	_ =	sdelay $0x1  }
0x214: {  	s14 =	sadd.s32 $0x140, s14;
	v9 =	vadd.s32 v9, v63;
	[tilespmem:v11+s3+$0x0] =	vst.idx.msk vm1, v10  }
0x215: {  	s14 =	simm.s32 $0x0  }
0x216: {  	[tilespmem:s8], [sflag:$0x1] =	stream.linear.gather [hbm4b:s16+s14], $0x7D0, $0x38;
	[tilespmem:$0xFC80] =	vst v63  }
0x217: {  	_ =	swait.ge [sflag:s7], $0x7D0  }
0x218: {  	[sflag:s7] =	ssyncset.done $0x0  }
0x219: {  	[sflag:s7] =	ssyncadd.s32 $0xFFFFF830  }
.LBB2_19:
0x21a: {  	s12 =	sshra.s32 s14, $0x2  }
0x21b: {  	v10 =	vld [tilespmem:s12+$0xF380];
	_ =	sdelay $0x4  }
0x21c: {  	vm1 =	vlt.f32 v10, $0.0e+00  }
0x21d: {  	v11 =	vsel vm1, $0x1, v3  }
0x21e: {  	(xrf0) =	vadd.scan.msk.s32 $0xffff, v11;
	_ =	sdelay $0x4  }
0x21f: {  	v11 =	vsel vm1, $0xFFFFFFFF, v3  }
0x220: {  	v11 =	vadd.s32 v11, v9;
	v12, _, _ =	vpop (xrf0)  }
0x221: {  	v11 =	vadd.s32 v12, v11;
	_ =	sdelay $0x2  }
0x222: {  	v10 =	vadd.f32 $1.000000000e+00, v10;
	_ =	sdelay $0x1  }
0x223: {  	[tilespmem:v11+s3+$0x0] =	vst.idx.msk vm1, v10  }
0x224: {  	v10 =	vld [tilespmem:s12+$0xF390];
	_ =	sdelay $0x4  }
0x225: {  	vm2 =	vlt.f32 v10, $0.0e+00  }
0x226: {  	v11 =	vsel vm2, $0x1, v3  }
0x227: {  	(xrf0) =	vadd.scan.msk.s32 $0xffff, v11;
	_ =	sdelay $0x2  }
0x228: {  	v11 =	vmpcnt.ones.xlane vm1;
	_ =	sdelay $0x1  }
0x229: {  	v9 =	vadd.s32 v9, v11;
	v11 =	vsel vm2, $0xFFFFFFFF, v3  }
0x22a: {  	v11 =	vadd.s32 v11, v9;
	v59, _, _ =	vpop (xrf0)  }
0x22b: {  	v11 =	vadd.s32 v59, v11;
	_ =	sdelay $0x2  }
0x22c: {  	v10 =	vadd.f32 $1.000000000e+00, v10;
	_ =	sdelay $0x1  }
0x22d: {  	[tilespmem:v11+s3+$0x0] =	vst.idx.msk vm2, v10  }
0x22e: {  	v10 =	vld [tilespmem:s12+$0xF3A0];
	_ =	sdelay $0x4  }
0x22f: {  	vm1 =	vlt.f32 v10, $0.0e+00  }
0x230: {  	v11 =	vsel vm1, $0x1, v3  }
0x231: {  	(xrf0) =	vadd.scan.msk.s32 $0xffff, v11;
	_ =	sdelay $0x2  }
0x232: {  	v11 =	vmpcnt.ones.xlane vm2;
	_ =	sdelay $0x1  }
0x233: {  	v9 =	vadd.s32 v9, v11;
	v11 =	vsel vm1, $0xFFFFFFFF, v3  }
0x234: {  	v11 =	vadd.s32 v11, v9;
	v60, _, _ =	vpop (xrf0)  }
0x235: {  	v11 =	vadd.s32 v60, v11;
	_ =	sdelay $0x2  }
0x236: {  	v10 =	vadd.f32 $1.000000000e+00, v10;
	_ =	sdelay $0x1  }
0x237: {  	[tilespmem:v11+s3+$0x0] =	vst.idx.msk vm1, v10  }
0x238: {  	v10 =	vld [tilespmem:s12+$0xF3B0];
	_ =	sdelay $0x4  }
0x239: {  	vm2 =	vlt.f32 v10, $0.0e+00  }
0x23a: {  	v11 =	vsel vm2, $0x1, v3  }
0x23b: {  	(xrf0) =	vadd.scan.msk.s32 $0xffff, v11;
	_ =	sdelay $0x2  }
0x23c: {  	v11 =	vmpcnt.ones.xlane vm1;
	_ =	sdelay $0x1  }
0x23d: {  	v9 =	vadd.s32 v9, v11;
	v11 =	vsel vm2, $0xFFFFFFFF, v3  }
0x23e: {  	v11 =	vadd.s32 v11, v9;
	v61, _, _ =	vpop (xrf0)  }
0x23f: {  	v11 =	vadd.s32 v61, v11;
	_ =	sdelay $0x2  }
0x240: {  	v10 =	vadd.f32 $1.000000000e+00, v10;
	_ =	sdelay $0x1  }
0x241: {  	[tilespmem:v11+s3+$0x0] =	vst.idx.msk vm2, v10  }
0x242: {  	v10 =	vld [tilespmem:s12+$0xF3C0];
	_ =	sdelay $0x4  }
0x243: {  	vm1 =	vlt.f32 v10, $0.0e+00  }
0x244: {  	v11 =	vsel vm1, $0x1, v3  }
0x245: {  	(xrf0) =	vadd.scan.msk.s32 $0xffff, v11;
	_ =	sdelay $0x2  }
0x246: {  	v11 =	vmpcnt.ones.xlane vm2;
	_ =	sdelay $0x1  }
0x247: {  	v9 =	vadd.s32 v9, v11;
	v11 =	vsel vm1, $0xFFFFFFFF, v3  }
0x248: {  	v11 =	vadd.s32 v11, v9;
	v62, _, _ =	vpop (xrf0)  }
0x249: {  	p0 =	sne.s32 s14, $0x1E00;
	v11 =	vadd.s32 v62, v11  }
.Ltmp11:
0x24a: {  	_ = 	snop;
	(pc) =	sbr.rel @p0 .LBB2_19-.Ltmp11, $3  }
0x24b: {  	_ = 	snop  }
0x24c: {  	v10 =	vadd.f32 $1.000000000e+00, v10;
	v63 =	vmpcnt.ones.xlane vm1;
	_ =	sdelay $0x1  }
0x24d: {  	s14 =	sadd.s32 $0x140, s14;
	v9 =	vadd.s32 v9, v63;
	[tilespmem:v11+s3+$0x0] =	vst.idx.msk vm1, v10  }
0x24e: {  	s14 =	simm.s32 $0x0  }
0x24f: {  	[tilespmem:s8], [sflag:$0x1] =	stream.linear.gather [hbm4b:s17+s14], $0x7D0, $0x38;
	[tilespmem:$0xFC80] =	vst v63  }
0x250: {  	_ =	swait.ge [sflag:s7], $0x7D0  }
0x251: {  	[sflag:s7] =	ssyncset.done $0x0  }
0x252: {  	[sflag:s7] =	ssyncadd.s32 $0xFFFFF830  }
.LBB2_21:
0x253: {  	s12 =	sshra.s32 s14, $0x2  }
0x254: {  	v10 =	vld [tilespmem:s12+$0xF380];
	_ =	sdelay $0x4  }
0x255: {  	vm1 =	vlt.f32 v10, $0.0e+00  }
0x256: {  	v11 =	vsel vm1, $0x1, v3  }
0x257: {  	(xrf0) =	vadd.scan.msk.s32 $0xffff, v11;
	_ =	sdelay $0x4  }
0x258: {  	v11 =	vsel vm1, $0xFFFFFFFF, v3  }
0x259: {  	v11 =	vadd.s32 v11, v9;
	v12, _, _ =	vpop (xrf0)  }
0x25a: {  	v11 =	vadd.s32 v12, v11;
	_ =	sdelay $0x2  }
0x25b: {  	v10 =	vadd.f32 $1.000000000e+00, v10;
	_ =	sdelay $0x1  }
0x25c: {  	[tilespmem:v11+s3+$0x0] =	vst.idx.msk vm1, v10  }
0x25d: {  	v10 =	vld [tilespmem:s12+$0xF390];
	_ =	sdelay $0x4  }
0x25e: {  	vm2 =	vlt.f32 v10, $0.0e+00  }
0x25f: {  	v11 =	vsel vm2, $0x1, v3  }
0x260: {  	(xrf0) =	vadd.scan.msk.s32 $0xffff, v11;
	_ =	sdelay $0x2  }
0x261: {  	v11 =	vmpcnt.ones.xlane vm1;
	_ =	sdelay $0x1  }
0x262: {  	v9 =	vadd.s32 v9, v11;
	v11 =	vsel vm2, $0xFFFFFFFF, v3  }
0x263: {  	v11 =	vadd.s32 v11, v9;
	v59, _, _ =	vpop (xrf0)  }
0x264: {  	v11 =	vadd.s32 v59, v11;
	_ =	sdelay $0x2  }
0x265: {  	v10 =	vadd.f32 $1.000000000e+00, v10;
	_ =	sdelay $0x1  }
0x266: {  	[tilespmem:v11+s3+$0x0] =	vst.idx.msk vm2, v10  }
0x267: {  	v10 =	vld [tilespmem:s12+$0xF3A0];
	_ =	sdelay $0x4  }
0x268: {  	vm1 =	vlt.f32 v10, $0.0e+00  }
0x269: {  	v11 =	vsel vm1, $0x1, v3  }
0x26a: {  	(xrf0) =	vadd.scan.msk.s32 $0xffff, v11;
	_ =	sdelay $0x2  }
0x26b: {  	v11 =	vmpcnt.ones.xlane vm2;
	_ =	sdelay $0x1  }
0x26c: {  	v9 =	vadd.s32 v9, v11;
	v11 =	vsel vm1, $0xFFFFFFFF, v3  }
0x26d: {  	v11 =	vadd.s32 v11, v9;
	v60, _, _ =	vpop (xrf0)  }
0x26e: {  	v11 =	vadd.s32 v60, v11;
	_ =	sdelay $0x2  }
0x26f: {  	v10 =	vadd.f32 $1.000000000e+00, v10;
	_ =	sdelay $0x1  }
0x270: {  	[tilespmem:v11+s3+$0x0] =	vst.idx.msk vm1, v10  }
0x271: {  	v10 =	vld [tilespmem:s12+$0xF3B0];
	_ =	sdelay $0x4  }
0x272: {  	vm2 =	vlt.f32 v10, $0.0e+00  }
0x273: {  	v11 =	vsel vm2, $0x1, v3  }
0x274: {  	(xrf0) =	vadd.scan.msk.s32 $0xffff, v11;
	_ =	sdelay $0x2  }
0x275: {  	v11 =	vmpcnt.ones.xlane vm1;
	_ =	sdelay $0x1  }
0x276: {  	v9 =	vadd.s32 v9, v11;
	v11 =	vsel vm2, $0xFFFFFFFF, v3  }
0x277: {  	v11 =	vadd.s32 v11, v9;
	v61, _, _ =	vpop (xrf0)  }
0x278: {  	v11 =	vadd.s32 v61, v11;
	_ =	sdelay $0x2  }
0x279: {  	v10 =	vadd.f32 $1.000000000e+00, v10;
	_ =	sdelay $0x1  }
0x27a: {  	[tilespmem:v11+s3+$0x0] =	vst.idx.msk vm2, v10  }
0x27b: {  	v10 =	vld [tilespmem:s12+$0xF3C0];
	_ =	sdelay $0x4  }
0x27c: {  	vm1 =	vlt.f32 v10, $0.0e+00  }
0x27d: {  	v11 =	vsel vm1, $0x1, v3  }
0x27e: {  	(xrf0) =	vadd.scan.msk.s32 $0xffff, v11;
	_ =	sdelay $0x2  }
0x27f: {  	v11 =	vmpcnt.ones.xlane vm2;
	_ =	sdelay $0x1  }
0x280: {  	v9 =	vadd.s32 v9, v11;
	v11 =	vsel vm1, $0xFFFFFFFF, v3  }
0x281: {  	v11 =	vadd.s32 v11, v9;
	v62, _, _ =	vpop (xrf0)  }
0x282: {  	p0 =	sne.s32 s14, $0x1E00;
	v11 =	vadd.s32 v62, v11  }
.Ltmp12:
0x283: {  	_ = 	snop;
	(pc) =	sbr.rel @p0 .LBB2_21-.Ltmp12, $3  }
0x284: {  	_ = 	snop  }
0x285: {  	v10 =	vadd.f32 $1.000000000e+00, v10;
	v63 =	vmpcnt.ones.xlane vm1;
	_ =	sdelay $0x1  }
0x286: {  	s14 =	sadd.s32 $0x140, s14;
	v9 =	vadd.s32 v9, v63;
	[tilespmem:v11+s3+$0x0] =	vst.idx.msk vm1, v10  }
0x287: {  	s14 =	simm.s32 $0x0;
	s12 =	rddreg [dreg:$0x4]  }
0x288: {  	[tilespmem:s9], [sflag:$0x1] =	stream.linear.gather [hbm4b:s12+s14], $0x7D0, $0x38;
	[tilespmem:$0xFC80] =	vst v63  }
0x289: {  	_ =	swait.ge [sflag:s7], $0x7D0  }
0x28a: {  	[sflag:s7] =	ssyncset.done $0x0  }
0x28b: {  	v10 =	vimm.s32 $0x0;
	[sflag:s7] =	ssyncadd.s32 $0xFFFFF830  }
.LBB2_23:
0x28c: {  	s12 =	sshra.s32 s14, $0x2  }
0x28d: {  	v11 =	vld [tilespmem:s12+$0xEB80];
	_ =	sdelay $0x4  }
0x28e: {  	vm1 =	vlt.s32 v11, v9  }
0x28f: {  	v12 =	vsel vm1, $0x1, v3  }
0x290: {  	(xrf0) =	vadd.scan.msk.s32 $0xffff, v12;
	_ =	sdelay $0x4  }
0x291: {  	v46 =	vsel vm1, $0xFFFFFFFF, v3  }
0x292: {  	v12 =	vadd.s32 v46, v10;
	v13, _, _ =	vpop (xrf0)  }
0x293: {  	v12 =	vadd.s32 v13, v12;
	_ =	sdelay $0x4  }
0x294: {  	[tilespmem:v12+s10+$0x0] =	vst.idx.msk vm1, v11  }
0x295: {  	v11 =	vld [tilespmem:s12+$0xEB90];
	_ =	sdelay $0x4  }
0x296: {  	vm2 =	vlt.s32 v11, v9  }
0x297: {  	v47 =	vsel vm2, $0x1, v3  }
0x298: {  	(xrf0) =	vadd.scan.msk.s32 $0xffff, v47;
	_ =	sdelay $0x2  }
0x299: {  	v48 =	vmpcnt.ones.xlane vm1;
	_ =	sdelay $0x1  }
0x29a: {  	v10 =	vadd.s32 v10, v48;
	v49 =	vsel vm2, $0xFFFFFFFF, v3  }
0x29b: {  	v12 =	vadd.s32 v49, v10;
	v50, _, _ =	vpop (xrf0)  }
0x29c: {  	v12 =	vadd.s32 v50, v12;
	_ =	sdelay $0x4  }
0x29d: {  	[tilespmem:v12+s10+$0x0] =	vst.idx.msk vm2, v11  }
0x29e: {  	v11 =	vld [tilespmem:s12+$0xEBA0];
	_ =	sdelay $0x4  }
0x29f: {  	vm1 =	vlt.s32 v11, v9  }
0x2a0: {  	v51 =	vsel vm1, $0x1, v3  }
0x2a1: {  	(xrf0) =	vadd.scan.msk.s32 $0xffff, v51;
	_ =	sdelay $0x2  }
0x2a2: {  	v52 =	vmpcnt.ones.xlane vm2;
	_ =	sdelay $0x1  }
0x2a3: {  	v10 =	vadd.s32 v10, v52;
	v53 =	vsel vm1, $0xFFFFFFFF, v3  }
0x2a4: {  	v12 =	vadd.s32 v53, v10;
	v54, _, _ =	vpop (xrf0)  }
0x2a5: {  	v12 =	vadd.s32 v54, v12;
	_ =	sdelay $0x4  }
0x2a6: {  	[tilespmem:v12+s10+$0x0] =	vst.idx.msk vm1, v11  }
0x2a7: {  	v11 =	vld [tilespmem:s12+$0xEBB0];
	_ =	sdelay $0x4  }
0x2a8: {  	vm2 =	vlt.s32 v11, v9  }
0x2a9: {  	v55 =	vsel vm2, $0x1, v3  }
0x2aa: {  	(xrf0) =	vadd.scan.msk.s32 $0xffff, v55;
	_ =	sdelay $0x2  }
0x2ab: {  	v56 =	vmpcnt.ones.xlane vm1;
	_ =	sdelay $0x1  }
0x2ac: {  	v10 =	vadd.s32 v10, v56;
	v57 =	vsel vm2, $0xFFFFFFFF, v3  }
0x2ad: {  	v12 =	vadd.s32 v57, v10;
	v58, _, _ =	vpop (xrf0)  }
0x2ae: {  	v12 =	vadd.s32 v58, v12;
	_ =	sdelay $0x4  }
0x2af: {  	[tilespmem:v12+s10+$0x0] =	vst.idx.msk vm2, v11  }
0x2b0: {  	v11 =	vld [tilespmem:s12+$0xEBC0];
	_ =	sdelay $0x4  }
0x2b1: {  	vm1 =	vlt.s32 v11, v9  }
0x2b2: {  	v59 =	vsel vm1, $0x1, v3  }
0x2b3: {  	(xrf0) =	vadd.scan.msk.s32 $0xffff, v59;
	_ =	sdelay $0x2  }
0x2b4: {  	v60 =	vmpcnt.ones.xlane vm2;
	_ =	sdelay $0x1  }
0x2b5: {  	v10 =	vadd.s32 v10, v60;
	v61 =	vsel vm1, $0xFFFFFFFF, v3  }
0x2b6: {  	v12 =	vadd.s32 v61, v10;
	v62, _, _ =	vpop (xrf0)  }
0x2b7: {  	p0 =	sne.s32 s14, $0x1E00;
	v12 =	vadd.s32 v62, v12  }
.Ltmp13:
0x2b8: {  	_ = 	snop;
	(pc) =	sbr.rel @p0 .LBB2_23-.Ltmp13, $3  }
0x2b9: {  	_ = 	snop  }
0x2ba: {  	v63 =	vmpcnt.ones.xlane vm1;
	_ =	sdelay $0x1  }
0x2bb: {  	s14 =	sadd.s32 $0x140, s14;
	v10 =	vadd.s32 v10, v63;
	[tilespmem:v12+s10+$0x0] =	vst.idx.msk vm1, v11  }
0x2bc: {  	s14 =	simm.s32 $0x0  }
0x2bd: {  	[tilespmem:s9], [sflag:$0x1] =	stream.linear.gather [hbm4b:s18+s14], $0x7D0, $0x38;
	[tilespmem:$0xFC80] =	vst v63  }
0x2be: {  	_ =	swait.ge [sflag:s7], $0x7D0  }
0x2bf: {  	[sflag:s7] =	ssyncset.done $0x0  }
0x2c0: {  	[sflag:s7] =	ssyncadd.s32 $0xFFFFF830  }
.LBB2_25:
0x2c1: {  	s12 =	sshra.s32 s14, $0x2  }
0x2c2: {  	v11 =	vld [tilespmem:s12+$0xEB80];
	_ =	sdelay $0x4  }
0x2c3: {  	vm1 =	vlt.s32 v11, v9  }
0x2c4: {  	v12 =	vsel vm1, $0x1, v3  }
0x2c5: {  	(xrf0) =	vadd.scan.msk.s32 $0xffff, v12;
	_ =	sdelay $0x4  }
0x2c6: {  	v46 =	vsel vm1, $0xFFFFFFFF, v3  }
0x2c7: {  	v12 =	vadd.s32 v46, v10;
	v13, _, _ =	vpop (xrf0)  }
0x2c8: {  	v12 =	vadd.s32 v13, v12;
	_ =	sdelay $0x4  }
0x2c9: {  	[tilespmem:v12+s10+$0x0] =	vst.idx.msk vm1, v11  }
0x2ca: {  	v11 =	vld [tilespmem:s12+$0xEB90];
	_ =	sdelay $0x4  }
0x2cb: {  	vm2 =	vlt.s32 v11, v9  }
0x2cc: {  	v47 =	vsel vm2, $0x1, v3  }
0x2cd: {  	(xrf0) =	vadd.scan.msk.s32 $0xffff, v47;
	_ =	sdelay $0x2  }
0x2ce: {  	v48 =	vmpcnt.ones.xlane vm1;
	_ =	sdelay $0x1  }
0x2cf: {  	v10 =	vadd.s32 v10, v48;
	v49 =	vsel vm2, $0xFFFFFFFF, v3  }
0x2d0: {  	v12 =	vadd.s32 v49, v10;
	v50, _, _ =	vpop (xrf0)  }
0x2d1: {  	v12 =	vadd.s32 v50, v12;
	_ =	sdelay $0x4  }
0x2d2: {  	[tilespmem:v12+s10+$0x0] =	vst.idx.msk vm2, v11  }
0x2d3: {  	v11 =	vld [tilespmem:s12+$0xEBA0];
	_ =	sdelay $0x4  }
0x2d4: {  	vm1 =	vlt.s32 v11, v9  }
0x2d5: {  	v51 =	vsel vm1, $0x1, v3  }
0x2d6: {  	(xrf0) =	vadd.scan.msk.s32 $0xffff, v51;
	_ =	sdelay $0x2  }
0x2d7: {  	v52 =	vmpcnt.ones.xlane vm2;
	_ =	sdelay $0x1  }
0x2d8: {  	v10 =	vadd.s32 v10, v52;
	v53 =	vsel vm1, $0xFFFFFFFF, v3  }
0x2d9: {  	v12 =	vadd.s32 v53, v10;
	v54, _, _ =	vpop (xrf0)  }
0x2da: {  	v12 =	vadd.s32 v54, v12;
	_ =	sdelay $0x4  }
0x2db: {  	[tilespmem:v12+s10+$0x0] =	vst.idx.msk vm1, v11  }
0x2dc: {  	v11 =	vld [tilespmem:s12+$0xEBB0];
	_ =	sdelay $0x4  }
0x2dd: {  	vm2 =	vlt.s32 v11, v9  }
0x2de: {  	v55 =	vsel vm2, $0x1, v3  }
0x2df: {  	(xrf0) =	vadd.scan.msk.s32 $0xffff, v55;
	_ =	sdelay $0x2  }
0x2e0: {  	v56 =	vmpcnt.ones.xlane vm1;
	_ =	sdelay $0x1  }
0x2e1: {  	v10 =	vadd.s32 v10, v56;
	v57 =	vsel vm2, $0xFFFFFFFF, v3  }
0x2e2: {  	v12 =	vadd.s32 v57, v10;
	v58, _, _ =	vpop (xrf0)  }
0x2e3: {  	v12 =	vadd.s32 v58, v12;
	_ =	sdelay $0x4  }
0x2e4: {  	[tilespmem:v12+s10+$0x0] =	vst.idx.msk vm2, v11  }
0x2e5: {  	v11 =	vld [tilespmem:s12+$0xEBC0];
	_ =	sdelay $0x4  }
0x2e6: {  	vm1 =	vlt.s32 v11, v9  }
0x2e7: {  	v59 =	vsel vm1, $0x1, v3  }
0x2e8: {  	(xrf0) =	vadd.scan.msk.s32 $0xffff, v59;
	_ =	sdelay $0x2  }
0x2e9: {  	v60 =	vmpcnt.ones.xlane vm2;
	_ =	sdelay $0x1  }
0x2ea: {  	v10 =	vadd.s32 v10, v60;
	v61 =	vsel vm1, $0xFFFFFFFF, v3  }
0x2eb: {  	v12 =	vadd.s32 v61, v10;
	v62, _, _ =	vpop (xrf0)  }
0x2ec: {  	p0 =	sne.s32 s14, $0x1E00;
	v12 =	vadd.s32 v62, v12  }
.Ltmp14:
0x2ed: {  	_ = 	snop;
	(pc) =	sbr.rel @p0 .LBB2_25-.Ltmp14, $3  }
0x2ee: {  	_ = 	snop  }
0x2ef: {  	v63 =	vmpcnt.ones.xlane vm1;
	_ =	sdelay $0x1  }
0x2f0: {  	s14 =	sadd.s32 $0x140, s14;
	v10 =	vadd.s32 v10, v63;
	[tilespmem:v12+s10+$0x0] =	vst.idx.msk vm1, v11  }
0x2f1: {  	s14 =	simm.s32 $0x0  }
0x2f2: {  	[tilespmem:s9], [sflag:$0x1] =	stream.linear.gather [hbm4b:s19+s14], $0x7D0, $0x38;
	[tilespmem:$0xFC80] =	vst v63  }
0x2f3: {  	_ =	swait.ge [sflag:s7], $0x7D0  }
0x2f4: {  	[sflag:s7] =	ssyncset.done $0x0  }
0x2f5: {  	[sflag:s7] =	ssyncadd.s32 $0xFFFFF830  }
.LBB2_27:
0x2f6: {  	s12 =	sshra.s32 s14, $0x2  }
0x2f7: {  	v11 =	vld [tilespmem:s12+$0xEB80];
	_ =	sdelay $0x4  }
0x2f8: {  	vm1 =	vlt.s32 v11, v9  }
0x2f9: {  	v12 =	vsel vm1, $0x1, v3  }
0x2fa: {  	(xrf0) =	vadd.scan.msk.s32 $0xffff, v12;
	_ =	sdelay $0x4  }
0x2fb: {  	v46 =	vsel vm1, $0xFFFFFFFF, v3  }
0x2fc: {  	v12 =	vadd.s32 v46, v10;
	v13, _, _ =	vpop (xrf0)  }
0x2fd: {  	v12 =	vadd.s32 v13, v12;
	_ =	sdelay $0x4  }
0x2fe: {  	[tilespmem:v12+s10+$0x0] =	vst.idx.msk vm1, v11  }
0x2ff: {  	v11 =	vld [tilespmem:s12+$0xEB90];
	_ =	sdelay $0x4  }
0x300: {  	vm2 =	vlt.s32 v11, v9  }
0x301: {  	v47 =	vsel vm2, $0x1, v3  }
0x302: {  	(xrf0) =	vadd.scan.msk.s32 $0xffff, v47;
	_ =	sdelay $0x2  }
0x303: {  	v48 =	vmpcnt.ones.xlane vm1;
	_ =	sdelay $0x1  }
0x304: {  	v10 =	vadd.s32 v10, v48;
	v49 =	vsel vm2, $0xFFFFFFFF, v3  }
0x305: {  	v12 =	vadd.s32 v49, v10;
	v50, _, _ =	vpop (xrf0)  }
0x306: {  	v12 =	vadd.s32 v50, v12;
	_ =	sdelay $0x4  }
0x307: {  	[tilespmem:v12+s10+$0x0] =	vst.idx.msk vm2, v11  }
0x308: {  	v11 =	vld [tilespmem:s12+$0xEBA0];
	_ =	sdelay $0x4  }
0x309: {  	vm1 =	vlt.s32 v11, v9  }
0x30a: {  	v51 =	vsel vm1, $0x1, v3  }
0x30b: {  	(xrf0) =	vadd.scan.msk.s32 $0xffff, v51;
	_ =	sdelay $0x2  }
0x30c: {  	v52 =	vmpcnt.ones.xlane vm2;
	_ =	sdelay $0x1  }
0x30d: {  	v10 =	vadd.s32 v10, v52;
	v53 =	vsel vm1, $0xFFFFFFFF, v3  }
0x30e: {  	v12 =	vadd.s32 v53, v10;
	v54, _, _ =	vpop (xrf0)  }
0x30f: {  	v12 =	vadd.s32 v54, v12;
	_ =	sdelay $0x4  }
0x310: {  	[tilespmem:v12+s10+$0x0] =	vst.idx.msk vm1, v11  }
0x311: {  	v11 =	vld [tilespmem:s12+$0xEBB0];
	_ =	sdelay $0x4  }
0x312: {  	vm2 =	vlt.s32 v11, v9  }
0x313: {  	v55 =	vsel vm2, $0x1, v3  }
0x314: {  	(xrf0) =	vadd.scan.msk.s32 $0xffff, v55;
	_ =	sdelay $0x2  }
0x315: {  	v56 =	vmpcnt.ones.xlane vm1;
	_ =	sdelay $0x1  }
0x316: {  	v10 =	vadd.s32 v10, v56;
	v57 =	vsel vm2, $0xFFFFFFFF, v3  }
0x317: {  	v12 =	vadd.s32 v57, v10;
	v58, _, _ =	vpop (xrf0)  }
0x318: {  	v12 =	vadd.s32 v58, v12;
	_ =	sdelay $0x4  }
0x319: {  	[tilespmem:v12+s10+$0x0] =	vst.idx.msk vm2, v11  }
0x31a: {  	v11 =	vld [tilespmem:s12+$0xEBC0];
	_ =	sdelay $0x4  }
0x31b: {  	vm1 =	vlt.s32 v11, v9  }
0x31c: {  	v59 =	vsel vm1, $0x1, v3  }
0x31d: {  	(xrf0) =	vadd.scan.msk.s32 $0xffff, v59;
	_ =	sdelay $0x2  }
0x31e: {  	v60 =	vmpcnt.ones.xlane vm2;
	_ =	sdelay $0x1  }
0x31f: {  	v10 =	vadd.s32 v10, v60;
	v61 =	vsel vm1, $0xFFFFFFFF, v3  }
0x320: {  	v12 =	vadd.s32 v61, v10;
	v62, _, _ =	vpop (xrf0)  }
0x321: {  	p0 =	sne.s32 s14, $0x1E00;
	v12 =	vadd.s32 v62, v12  }
.Ltmp15:
0x322: {  	_ = 	snop;
	(pc) =	sbr.rel @p0 .LBB2_27-.Ltmp15, $3  }
0x323: {  	_ = 	snop  }
0x324: {  	v63 =	vmpcnt.ones.xlane vm1;
	_ =	sdelay $0x1  }
0x325: {  	s14 =	sadd.s32 $0x140, s14;
	v10 =	vadd.s32 v10, v63;
	[tilespmem:v12+s10+$0x0] =	vst.idx.msk vm1, v11  }
0x326: {  	s14 =	simm.s32 $0x0  }
0x327: {  	[tilespmem:s9], [sflag:$0x1] =	stream.linear.gather [hbm4b:s20+s14], $0x7D0, $0x38;
	[tilespmem:$0xFC80] =	vst v63  }
0x328: {  	_ =	swait.ge [sflag:s7], $0x7D0  }
0x329: {  	[sflag:s7] =	ssyncset.done $0x0  }
0x32a: {  	[sflag:s7] =	ssyncadd.s32 $0xFFFFF830  }
.LBB2_29:
0x32b: {  	s12 =	sshra.s32 s14, $0x2  }
0x32c: {  	v11 =	vld [tilespmem:s12+$0xEB80];
	_ =	sdelay $0x4  }
0x32d: {  	vm1 =	vlt.s32 v11, v9  }
0x32e: {  	v12 =	vsel vm1, $0x1, v3  }
0x32f: {  	(xrf0) =	vadd.scan.msk.s32 $0xffff, v12;
	_ =	sdelay $0x4  }
0x330: {  	v46 =	vsel vm1, $0xFFFFFFFF, v3  }
0x331: {  	v12 =	vadd.s32 v46, v10;
	v13, _, _ =	vpop (xrf0)  }
0x332: {  	v12 =	vadd.s32 v13, v12;
	_ =	sdelay $0x4  }
0x333: {  	[tilespmem:v12+s10+$0x0] =	vst.idx.msk vm1, v11  }
0x334: {  	v11 =	vld [tilespmem:s12+$0xEB90];
	_ =	sdelay $0x4  }
0x335: {  	vm2 =	vlt.s32 v11, v9  }
0x336: {  	v47 =	vsel vm2, $0x1, v3  }
0x337: {  	(xrf0) =	vadd.scan.msk.s32 $0xffff, v47;
	_ =	sdelay $0x2  }
0x338: {  	v48 =	vmpcnt.ones.xlane vm1;
	_ =	sdelay $0x1  }
0x339: {  	v10 =	vadd.s32 v10, v48;
	v49 =	vsel vm2, $0xFFFFFFFF, v3  }
0x33a: {  	v12 =	vadd.s32 v49, v10;
	v50, _, _ =	vpop (xrf0)  }
0x33b: {  	v12 =	vadd.s32 v50, v12;
	_ =	sdelay $0x4  }
0x33c: {  	[tilespmem:v12+s10+$0x0] =	vst.idx.msk vm2, v11  }
0x33d: {  	v11 =	vld [tilespmem:s12+$0xEBA0];
	_ =	sdelay $0x4  }
0x33e: {  	vm1 =	vlt.s32 v11, v9  }
0x33f: {  	v51 =	vsel vm1, $0x1, v3  }
0x340: {  	(xrf0) =	vadd.scan.msk.s32 $0xffff, v51;
	_ =	sdelay $0x2  }
0x341: {  	v52 =	vmpcnt.ones.xlane vm2;
	_ =	sdelay $0x1  }
0x342: {  	v10 =	vadd.s32 v10, v52;
	v53 =	vsel vm1, $0xFFFFFFFF, v3  }
0x343: {  	v12 =	vadd.s32 v53, v10;
	v54, _, _ =	vpop (xrf0)  }
0x344: {  	v12 =	vadd.s32 v54, v12;
	_ =	sdelay $0x4  }
0x345: {  	[tilespmem:v12+s10+$0x0] =	vst.idx.msk vm1, v11  }
0x346: {  	v11 =	vld [tilespmem:s12+$0xEBB0];
	_ =	sdelay $0x4  }
0x347: {  	vm2 =	vlt.s32 v11, v9  }
0x348: {  	v55 =	vsel vm2, $0x1, v3  }
0x349: {  	(xrf0) =	vadd.scan.msk.s32 $0xffff, v55;
	_ =	sdelay $0x2  }
0x34a: {  	v56 =	vmpcnt.ones.xlane vm1;
	_ =	sdelay $0x1  }
0x34b: {  	v10 =	vadd.s32 v10, v56;
	v57 =	vsel vm2, $0xFFFFFFFF, v3  }
0x34c: {  	v12 =	vadd.s32 v57, v10;
	v58, _, _ =	vpop (xrf0)  }
0x34d: {  	v12 =	vadd.s32 v58, v12;
	_ =	sdelay $0x4  }
0x34e: {  	[tilespmem:v12+s10+$0x0] =	vst.idx.msk vm2, v11  }
0x34f: {  	v11 =	vld [tilespmem:s12+$0xEBC0];
	_ =	sdelay $0x4  }
0x350: {  	vm1 =	vlt.s32 v11, v9  }
0x351: {  	v59 =	vsel vm1, $0x1, v3  }
0x352: {  	(xrf0) =	vadd.scan.msk.s32 $0xffff, v59;
	_ =	sdelay $0x2  }
0x353: {  	v60 =	vmpcnt.ones.xlane vm2;
	_ =	sdelay $0x1  }
0x354: {  	v10 =	vadd.s32 v10, v60;
	v61 =	vsel vm1, $0xFFFFFFFF, v3  }
0x355: {  	v12 =	vadd.s32 v61, v10;
	v62, _, _ =	vpop (xrf0)  }
0x356: {  	p0 =	sne.s32 s14, $0x1E00;
	v12 =	vadd.s32 v62, v12  }
.Ltmp16:
0x357: {  	_ = 	snop;
	(pc) =	sbr.rel @p0 .LBB2_29-.Ltmp16, $3  }
0x358: {  	_ = 	snop  }
0x359: {  	v63 =	vmpcnt.ones.xlane vm1;
	_ =	sdelay $0x1  }
0x35a: {  	s14 =	sadd.s32 $0x140, s14;
	v10 =	vadd.s32 v10, v63;
	[tilespmem:v12+s10+$0x0] =	vst.idx.msk vm1, v11  }
0x35b: {  	s14 =	simm.s32 $0x0  }
0x35c: {  	[tilespmem:s9], [sflag:$0x1] =	stream.linear.gather [hbm4b:s21+s14], $0x7D0, $0x38;
	[tilespmem:$0xFC80] =	vst v63  }
0x35d: {  	_ =	swait.ge [sflag:s7], $0x7D0  }
0x35e: {  	[sflag:s7] =	ssyncset.done $0x0  }
0x35f: {  	[sflag:s7] =	ssyncadd.s32 $0xFFFFF830  }
.LBB2_31:
0x360: {  	s12 =	sshra.s32 s14, $0x2  }
0x361: {  	v11 =	vld [tilespmem:s12+$0xEB80];
	_ =	sdelay $0x4  }
0x362: {  	vm1 =	vlt.s32 v11, v9  }
0x363: {  	v12 =	vsel vm1, $0x1, v3  }
0x364: {  	(xrf0) =	vadd.scan.msk.s32 $0xffff, v12;
	_ =	sdelay $0x4  }
0x365: {  	v46 =	vsel vm1, $0xFFFFFFFF, v3  }
0x366: {  	v12 =	vadd.s32 v46, v10;
	v13, _, _ =	vpop (xrf0)  }
0x367: {  	v12 =	vadd.s32 v13, v12;
	_ =	sdelay $0x4  }
0x368: {  	[tilespmem:v12+s10+$0x0] =	vst.idx.msk vm1, v11  }
0x369: {  	v11 =	vld [tilespmem:s12+$0xEB90];
	_ =	sdelay $0x4  }
0x36a: {  	vm2 =	vlt.s32 v11, v9  }
0x36b: {  	v47 =	vsel vm2, $0x1, v3  }
0x36c: {  	(xrf0) =	vadd.scan.msk.s32 $0xffff, v47;
	_ =	sdelay $0x2  }
0x36d: {  	v48 =	vmpcnt.ones.xlane vm1;
	_ =	sdelay $0x1  }
0x36e: {  	v10 =	vadd.s32 v10, v48;
	v49 =	vsel vm2, $0xFFFFFFFF, v3  }
0x36f: {  	v12 =	vadd.s32 v49, v10;
	v50, _, _ =	vpop (xrf0)  }
0x370: {  	v12 =	vadd.s32 v50, v12;
	_ =	sdelay $0x4  }
0x371: {  	[tilespmem:v12+s10+$0x0] =	vst.idx.msk vm2, v11  }
0x372: {  	v11 =	vld [tilespmem:s12+$0xEBA0];
	_ =	sdelay $0x4  }
0x373: {  	vm1 =	vlt.s32 v11, v9  }
0x374: {  	v51 =	vsel vm1, $0x1, v3  }
0x375: {  	(xrf0) =	vadd.scan.msk.s32 $0xffff, v51;
	_ =	sdelay $0x2  }
0x376: {  	v52 =	vmpcnt.ones.xlane vm2;
	_ =	sdelay $0x1  }
0x377: {  	v10 =	vadd.s32 v10, v52;
	v53 =	vsel vm1, $0xFFFFFFFF, v3  }
0x378: {  	v12 =	vadd.s32 v53, v10;
	v54, _, _ =	vpop (xrf0)  }
0x379: {  	v12 =	vadd.s32 v54, v12;
	_ =	sdelay $0x4  }
0x37a: {  	[tilespmem:v12+s10+$0x0] =	vst.idx.msk vm1, v11  }
0x37b: {  	v11 =	vld [tilespmem:s12+$0xEBB0];
	_ =	sdelay $0x4  }
0x37c: {  	vm2 =	vlt.s32 v11, v9  }
0x37d: {  	v55 =	vsel vm2, $0x1, v3  }
0x37e: {  	(xrf0) =	vadd.scan.msk.s32 $0xffff, v55;
	_ =	sdelay $0x2  }
0x37f: {  	v56 =	vmpcnt.ones.xlane vm1;
	_ =	sdelay $0x1  }
0x380: {  	v10 =	vadd.s32 v10, v56;
	v57 =	vsel vm2, $0xFFFFFFFF, v3  }
0x381: {  	v12 =	vadd.s32 v57, v10;
	v58, _, _ =	vpop (xrf0)  }
0x382: {  	v12 =	vadd.s32 v58, v12;
	_ =	sdelay $0x4  }
0x383: {  	[tilespmem:v12+s10+$0x0] =	vst.idx.msk vm2, v11  }
0x384: {  	v11 =	vld [tilespmem:s12+$0xEBC0];
	_ =	sdelay $0x4  }
0x385: {  	vm1 =	vlt.s32 v11, v9  }
0x386: {  	v59 =	vsel vm1, $0x1, v3  }
0x387: {  	(xrf0) =	vadd.scan.msk.s32 $0xffff, v59;
	_ =	sdelay $0x2  }
0x388: {  	v60 =	vmpcnt.ones.xlane vm2;
	_ =	sdelay $0x1  }
0x389: {  	v10 =	vadd.s32 v10, v60;
	v61 =	vsel vm1, $0xFFFFFFFF, v3  }
0x38a: {  	v12 =	vadd.s32 v61, v10;
	v62, _, _ =	vpop (xrf0)  }
0x38b: {  	p0 =	sne.s32 s14, $0x1E00;
	v12 =	vadd.s32 v62, v12  }
.Ltmp17:
0x38c: {  	_ = 	snop;
	(pc) =	sbr.rel @p0 .LBB2_31-.Ltmp17, $3  }
0x38d: {  	_ = 	snop  }
0x38e: {  	v63 =	vmpcnt.ones.xlane vm1;
	_ =	sdelay $0x1  }
0x38f: {  	s14 =	sadd.s32 $0x140, s14;
	v10 =	vadd.s32 v10, v63;
	[tilespmem:v12+s10+$0x0] =	vst.idx.msk vm1, v11  }
0x390: {  	s14 =	simm.s32 $0x0  }
0x391: {  	[tilespmem:s9], [sflag:$0x1] =	stream.linear.gather [hbm4b:s22+s14], $0x7D0, $0x38;
	[tilespmem:$0xFC80] =	vst v63  }
0x392: {  	_ =	swait.ge [sflag:s7], $0x7D0  }
0x393: {  	[sflag:s7] =	ssyncset.done $0x0  }
0x394: {  	[sflag:s7] =	ssyncadd.s32 $0xFFFFF830  }
.LBB2_33:
0x395: {  	s12 =	sshra.s32 s14, $0x2  }
0x396: {  	v11 =	vld [tilespmem:s12+$0xEB80];
	_ =	sdelay $0x4  }
0x397: {  	vm1 =	vlt.s32 v11, v9  }
0x398: {  	v12 =	vsel vm1, $0x1, v3  }
0x399: {  	(xrf0) =	vadd.scan.msk.s32 $0xffff, v12;
	_ =	sdelay $0x4  }
0x39a: {  	v46 =	vsel vm1, $0xFFFFFFFF, v3  }
0x39b: {  	v12 =	vadd.s32 v46, v10;
	v13, _, _ =	vpop (xrf0)  }
0x39c: {  	v12 =	vadd.s32 v13, v12;
	_ =	sdelay $0x4  }
0x39d: {  	[tilespmem:v12+s10+$0x0] =	vst.idx.msk vm1, v11  }
0x39e: {  	v11 =	vld [tilespmem:s12+$0xEB90];
	_ =	sdelay $0x4  }
0x39f: {  	vm2 =	vlt.s32 v11, v9  }
0x3a0: {  	v47 =	vsel vm2, $0x1, v3  }
0x3a1: {  	(xrf0) =	vadd.scan.msk.s32 $0xffff, v47;
	_ =	sdelay $0x2  }
0x3a2: {  	v48 =	vmpcnt.ones.xlane vm1;
	_ =	sdelay $0x1  }
0x3a3: {  	v10 =	vadd.s32 v10, v48;
	v49 =	vsel vm2, $0xFFFFFFFF, v3  }
0x3a4: {  	v12 =	vadd.s32 v49, v10;
	v50, _, _ =	vpop (xrf0)  }
0x3a5: {  	v12 =	vadd.s32 v50, v12;
	_ =	sdelay $0x4  }
0x3a6: {  	[tilespmem:v12+s10+$0x0] =	vst.idx.msk vm2, v11  }
0x3a7: {  	v11 =	vld [tilespmem:s12+$0xEBA0];
	_ =	sdelay $0x4  }
0x3a8: {  	vm1 =	vlt.s32 v11, v9  }
0x3a9: {  	v51 =	vsel vm1, $0x1, v3  }
0x3aa: {  	(xrf0) =	vadd.scan.msk.s32 $0xffff, v51;
	_ =	sdelay $0x2  }
0x3ab: {  	v52 =	vmpcnt.ones.xlane vm2;
	_ =	sdelay $0x1  }
0x3ac: {  	v10 =	vadd.s32 v10, v52;
	v53 =	vsel vm1, $0xFFFFFFFF, v3  }
0x3ad: {  	v12 =	vadd.s32 v53, v10;
	v54, _, _ =	vpop (xrf0)  }
0x3ae: {  	v12 =	vadd.s32 v54, v12;
	_ =	sdelay $0x4  }
0x3af: {  	[tilespmem:v12+s10+$0x0] =	vst.idx.msk vm1, v11  }
0x3b0: {  	v11 =	vld [tilespmem:s12+$0xEBB0];
	_ =	sdelay $0x4  }
0x3b1: {  	vm2 =	vlt.s32 v11, v9  }
0x3b2: {  	v55 =	vsel vm2, $0x1, v3  }
0x3b3: {  	(xrf0) =	vadd.scan.msk.s32 $0xffff, v55;
	_ =	sdelay $0x2  }
0x3b4: {  	v56 =	vmpcnt.ones.xlane vm1;
	_ =	sdelay $0x1  }
0x3b5: {  	v10 =	vadd.s32 v10, v56;
	v57 =	vsel vm2, $0xFFFFFFFF, v3  }
0x3b6: {  	v12 =	vadd.s32 v57, v10;
	v58, _, _ =	vpop (xrf0)  }
0x3b7: {  	v12 =	vadd.s32 v58, v12;
	_ =	sdelay $0x4  }
0x3b8: {  	[tilespmem:v12+s10+$0x0] =	vst.idx.msk vm2, v11  }
0x3b9: {  	v11 =	vld [tilespmem:s12+$0xEBC0];
	_ =	sdelay $0x4  }
0x3ba: {  	vm1 =	vlt.s32 v11, v9  }
0x3bb: {  	v59 =	vsel vm1, $0x1, v3  }
0x3bc: {  	(xrf0) =	vadd.scan.msk.s32 $0xffff, v59;
	_ =	sdelay $0x2  }
0x3bd: {  	v60 =	vmpcnt.ones.xlane vm2;
	_ =	sdelay $0x1  }
0x3be: {  	v10 =	vadd.s32 v10, v60;
	v61 =	vsel vm1, $0xFFFFFFFF, v3  }
0x3bf: {  	v12 =	vadd.s32 v61, v10;
	v62, _, _ =	vpop (xrf0)  }
0x3c0: {  	p0 =	sne.s32 s14, $0x1E00;
	v12 =	vadd.s32 v62, v12  }
.Ltmp18:
0x3c1: {  	_ = 	snop;
	(pc) =	sbr.rel @p0 .LBB2_33-.Ltmp18, $3  }
0x3c2: {  	_ = 	snop  }
0x3c3: {  	v63 =	vmpcnt.ones.xlane vm1;
	_ =	sdelay $0x1  }
0x3c4: {  	s14 =	sadd.s32 $0x140, s14;
	v10 =	vadd.s32 v10, v63;
	[tilespmem:v12+s10+$0x0] =	vst.idx.msk vm1, v11  }
0x3c5: {  	s14 =	simm.s32 $0x0  }
0x3c6: {  	[tilespmem:s9], [sflag:$0x1] =	stream.linear.gather [hbm4b:s23+s14], $0x7D0, $0x38;
	[tilespmem:$0xFC80] =	vst v63  }
0x3c7: {  	_ =	swait.ge [sflag:s7], $0x7D0  }
0x3c8: {  	[sflag:s7] =	ssyncset.done $0x0  }
0x3c9: {  	[sflag:s7] =	ssyncadd.s32 $0xFFFFF830  }
.LBB2_35:
0x3ca: {  	s12 =	sshra.s32 s14, $0x2  }
0x3cb: {  	v11 =	vld [tilespmem:s12+$0xEB80];
	_ =	sdelay $0x4  }
0x3cc: {  	vm1 =	vlt.s32 v11, v9  }
0x3cd: {  	v12 =	vsel vm1, $0x1, v3  }
0x3ce: {  	(xrf0) =	vadd.scan.msk.s32 $0xffff, v12;
	_ =	sdelay $0x4  }
0x3cf: {  	v46 =	vsel vm1, $0xFFFFFFFF, v3  }
0x3d0: {  	v12 =	vadd.s32 v46, v10;
	v13, _, _ =	vpop (xrf0)  }
0x3d1: {  	v12 =	vadd.s32 v13, v12;
	_ =	sdelay $0x4  }
0x3d2: {  	[tilespmem:v12+s10+$0x0] =	vst.idx.msk vm1, v11  }
0x3d3: {  	v11 =	vld [tilespmem:s12+$0xEB90];
	_ =	sdelay $0x4  }
0x3d4: {  	vm2 =	vlt.s32 v11, v9  }
0x3d5: {  	v47 =	vsel vm2, $0x1, v3  }
0x3d6: {  	(xrf0) =	vadd.scan.msk.s32 $0xffff, v47;
	_ =	sdelay $0x2  }
0x3d7: {  	v48 =	vmpcnt.ones.xlane vm1;
	_ =	sdelay $0x1  }
0x3d8: {  	v10 =	vadd.s32 v10, v48;
	v49 =	vsel vm2, $0xFFFFFFFF, v3  }
0x3d9: {  	v12 =	vadd.s32 v49, v10;
	v50, _, _ =	vpop (xrf0)  }
0x3da: {  	v12 =	vadd.s32 v50, v12;
	_ =	sdelay $0x4  }
0x3db: {  	[tilespmem:v12+s10+$0x0] =	vst.idx.msk vm2, v11  }
0x3dc: {  	v11 =	vld [tilespmem:s12+$0xEBA0];
	_ =	sdelay $0x4  }
0x3dd: {  	vm1 =	vlt.s32 v11, v9  }
0x3de: {  	v51 =	vsel vm1, $0x1, v3  }
0x3df: {  	(xrf0) =	vadd.scan.msk.s32 $0xffff, v51;
	_ =	sdelay $0x2  }
0x3e0: {  	v52 =	vmpcnt.ones.xlane vm2;
	_ =	sdelay $0x1  }
0x3e1: {  	v10 =	vadd.s32 v10, v52;
	v53 =	vsel vm1, $0xFFFFFFFF, v3  }
0x3e2: {  	v12 =	vadd.s32 v53, v10;
	v54, _, _ =	vpop (xrf0)  }
0x3e3: {  	v12 =	vadd.s32 v54, v12;
	_ =	sdelay $0x4  }
0x3e4: {  	[tilespmem:v12+s10+$0x0] =	vst.idx.msk vm1, v11  }
0x3e5: {  	v11 =	vld [tilespmem:s12+$0xEBB0];
	_ =	sdelay $0x4  }
0x3e6: {  	vm2 =	vlt.s32 v11, v9  }
0x3e7: {  	v55 =	vsel vm2, $0x1, v3  }
0x3e8: {  	(xrf0) =	vadd.scan.msk.s32 $0xffff, v55;
	_ =	sdelay $0x2  }
0x3e9: {  	v56 =	vmpcnt.ones.xlane vm1;
	_ =	sdelay $0x1  }
0x3ea: {  	v10 =	vadd.s32 v10, v56;
	v57 =	vsel vm2, $0xFFFFFFFF, v3  }
0x3eb: {  	v12 =	vadd.s32 v57, v10;
	v58, _, _ =	vpop (xrf0)  }
0x3ec: {  	v12 =	vadd.s32 v58, v12;
	_ =	sdelay $0x4  }
0x3ed: {  	[tilespmem:v12+s10+$0x0] =	vst.idx.msk vm2, v11  }
0x3ee: {  	v11 =	vld [tilespmem:s12+$0xEBC0];
	_ =	sdelay $0x4  }
0x3ef: {  	vm1 =	vlt.s32 v11, v9  }
0x3f0: {  	v59 =	vsel vm1, $0x1, v3  }
0x3f1: {  	(xrf0) =	vadd.scan.msk.s32 $0xffff, v59;
	_ =	sdelay $0x2  }
0x3f2: {  	v60 =	vmpcnt.ones.xlane vm2;
	_ =	sdelay $0x1  }
0x3f3: {  	v10 =	vadd.s32 v10, v60;
	v61 =	vsel vm1, $0xFFFFFFFF, v3  }
0x3f4: {  	v12 =	vadd.s32 v61, v10;
	v62, _, _ =	vpop (xrf0)  }
0x3f5: {  	p0 =	sne.s32 s14, $0x1E00;
	v12 =	vadd.s32 v62, v12  }
.Ltmp19:
0x3f6: {  	_ = 	snop;
	(pc) =	sbr.rel @p0 .LBB2_35-.Ltmp19, $3  }
0x3f7: {  	_ = 	snop  }
0x3f8: {  	v63 =	vmpcnt.ones.xlane vm1;
	_ =	sdelay $0x1  }
0x3f9: {  	s14 =	sadd.s32 $0x140, s14;
	v10 =	vadd.s32 v10, v63;
	[tilespmem:v12+s10+$0x0] =	vst.idx.msk vm1, v11  }
0x3fa: {  	s14 =	simm.s32 $0x0  }
0x3fb: {  	[tilespmem:s9], [sflag:$0x1] =	stream.linear.gather [hbm4b:s24+s14], $0x7D0, $0x38;
	[tilespmem:$0xFC80] =	vst v63  }
0x3fc: {  	_ =	swait.ge [sflag:s7], $0x7D0  }
0x3fd: {  	[sflag:s7] =	ssyncset.done $0x0  }
0x3fe: {  	[sflag:s7] =	ssyncadd.s32 $0xFFFFF830  }
.LBB2_37:
0x3ff: {  	s12 =	sshra.s32 s14, $0x2  }
0x400: {  	v11 =	vld [tilespmem:s12+$0xEB80];
	_ =	sdelay $0x4  }
0x401: {  	vm1 =	vlt.s32 v11, v9  }
0x402: {  	v12 =	vsel vm1, $0x1, v3  }
0x403: {  	(xrf0) =	vadd.scan.msk.s32 $0xffff, v12;
	_ =	sdelay $0x4  }
0x404: {  	v46 =	vsel vm1, $0xFFFFFFFF, v3  }
0x405: {  	v12 =	vadd.s32 v46, v10;
	v13, _, _ =	vpop (xrf0)  }
0x406: {  	v12 =	vadd.s32 v13, v12;
	_ =	sdelay $0x4  }
0x407: {  	[tilespmem:v12+s10+$0x0] =	vst.idx.msk vm1, v11  }
0x408: {  	v11 =	vld [tilespmem:s12+$0xEB90];
	_ =	sdelay $0x4  }
0x409: {  	vm2 =	vlt.s32 v11, v9  }
0x40a: {  	v47 =	vsel vm2, $0x1, v3  }
0x40b: {  	(xrf0) =	vadd.scan.msk.s32 $0xffff, v47;
	_ =	sdelay $0x2  }
0x40c: {  	v48 =	vmpcnt.ones.xlane vm1;
	_ =	sdelay $0x1  }
0x40d: {  	v10 =	vadd.s32 v10, v48;
	v49 =	vsel vm2, $0xFFFFFFFF, v3  }
0x40e: {  	v12 =	vadd.s32 v49, v10;
	v50, _, _ =	vpop (xrf0)  }
0x40f: {  	v12 =	vadd.s32 v50, v12;
	_ =	sdelay $0x4  }
0x410: {  	[tilespmem:v12+s10+$0x0] =	vst.idx.msk vm2, v11  }
0x411: {  	v11 =	vld [tilespmem:s12+$0xEBA0];
	_ =	sdelay $0x4  }
0x412: {  	vm1 =	vlt.s32 v11, v9  }
0x413: {  	v51 =	vsel vm1, $0x1, v3  }
0x414: {  	(xrf0) =	vadd.scan.msk.s32 $0xffff, v51;
	_ =	sdelay $0x2  }
0x415: {  	v52 =	vmpcnt.ones.xlane vm2;
	_ =	sdelay $0x1  }
0x416: {  	v10 =	vadd.s32 v10, v52;
	v53 =	vsel vm1, $0xFFFFFFFF, v3  }
0x417: {  	v12 =	vadd.s32 v53, v10;
	v54, _, _ =	vpop (xrf0)  }
0x418: {  	v12 =	vadd.s32 v54, v12;
	_ =	sdelay $0x4  }
0x419: {  	[tilespmem:v12+s10+$0x0] =	vst.idx.msk vm1, v11  }
0x41a: {  	v11 =	vld [tilespmem:s12+$0xEBB0];
	_ =	sdelay $0x4  }
0x41b: {  	vm2 =	vlt.s32 v11, v9  }
0x41c: {  	v55 =	vsel vm2, $0x1, v3  }
0x41d: {  	(xrf0) =	vadd.scan.msk.s32 $0xffff, v55;
	_ =	sdelay $0x2  }
0x41e: {  	v56 =	vmpcnt.ones.xlane vm1;
	_ =	sdelay $0x1  }
0x41f: {  	v10 =	vadd.s32 v10, v56;
	v57 =	vsel vm2, $0xFFFFFFFF, v3  }
0x420: {  	v12 =	vadd.s32 v57, v10;
	v58, _, _ =	vpop (xrf0)  }
0x421: {  	v12 =	vadd.s32 v58, v12;
	_ =	sdelay $0x4  }
0x422: {  	[tilespmem:v12+s10+$0x0] =	vst.idx.msk vm2, v11  }
0x423: {  	v11 =	vld [tilespmem:s12+$0xEBC0];
	_ =	sdelay $0x4  }
0x424: {  	vm1 =	vlt.s32 v11, v9  }
0x425: {  	v59 =	vsel vm1, $0x1, v3  }
0x426: {  	(xrf0) =	vadd.scan.msk.s32 $0xffff, v59;
	_ =	sdelay $0x2  }
0x427: {  	v60 =	vmpcnt.ones.xlane vm2;
	_ =	sdelay $0x1  }
0x428: {  	v10 =	vadd.s32 v10, v60;
	v61 =	vsel vm1, $0xFFFFFFFF, v3  }
0x429: {  	v12 =	vadd.s32 v61, v10;
	v62, _, _ =	vpop (xrf0)  }
0x42a: {  	p0 =	sne.s32 s14, $0x1E00;
	v12 =	vadd.s32 v62, v12  }
.Ltmp20:
0x42b: {  	_ = 	snop;
	(pc) =	sbr.rel @p0 .LBB2_37-.Ltmp20, $3  }
0x42c: {  	_ = 	snop  }
0x42d: {  	v63 =	vmpcnt.ones.xlane vm1;
	_ =	sdelay $0x1  }
0x42e: {  	s14 =	sadd.s32 $0x140, s14;
	v10 =	vadd.s32 v10, v63;
	[tilespmem:v12+s10+$0x0] =	vst.idx.msk vm1, v11  }
0x42f: {  	s14 =	simm.s32 $0x0  }
0x430: {  	[tilespmem:s9], [sflag:$0x1] =	stream.linear.gather [hbm4b:s25+s14], $0x7D0, $0x38;
	[tilespmem:$0xFC80] =	vst v63  }
0x431: {  	_ =	swait.ge [sflag:s7], $0x7D0  }
0x432: {  	[sflag:s7] =	ssyncset.done $0x0  }
0x433: {  	[sflag:s7] =	ssyncadd.s32 $0xFFFFF830  }
.LBB2_39:
0x434: {  	s12 =	sshra.s32 s14, $0x2  }
0x435: {  	v11 =	vld [tilespmem:s12+$0xEB80];
	_ =	sdelay $0x4  }
0x436: {  	vm1 =	vlt.s32 v11, v9  }
0x437: {  	v12 =	vsel vm1, $0x1, v3  }
0x438: {  	(xrf0) =	vadd.scan.msk.s32 $0xffff, v12;
	_ =	sdelay $0x4  }
0x439: {  	v46 =	vsel vm1, $0xFFFFFFFF, v3  }
0x43a: {  	v12 =	vadd.s32 v46, v10;
	v13, _, _ =	vpop (xrf0)  }
0x43b: {  	v12 =	vadd.s32 v13, v12;
	_ =	sdelay $0x4  }
0x43c: {  	[tilespmem:v12+s10+$0x0] =	vst.idx.msk vm1, v11  }
0x43d: {  	v11 =	vld [tilespmem:s12+$0xEB90];
	_ =	sdelay $0x4  }
0x43e: {  	vm2 =	vlt.s32 v11, v9  }
0x43f: {  	v47 =	vsel vm2, $0x1, v3  }
0x440: {  	(xrf0) =	vadd.scan.msk.s32 $0xffff, v47;
	_ =	sdelay $0x2  }
0x441: {  	v48 =	vmpcnt.ones.xlane vm1;
	_ =	sdelay $0x1  }
0x442: {  	v10 =	vadd.s32 v10, v48;
	v49 =	vsel vm2, $0xFFFFFFFF, v3  }
0x443: {  	v12 =	vadd.s32 v49, v10;
	v50, _, _ =	vpop (xrf0)  }
0x444: {  	v12 =	vadd.s32 v50, v12;
	_ =	sdelay $0x4  }
0x445: {  	[tilespmem:v12+s10+$0x0] =	vst.idx.msk vm2, v11  }
0x446: {  	v11 =	vld [tilespmem:s12+$0xEBA0];
	_ =	sdelay $0x4  }
0x447: {  	vm1 =	vlt.s32 v11, v9  }
0x448: {  	v51 =	vsel vm1, $0x1, v3  }
0x449: {  	(xrf0) =	vadd.scan.msk.s32 $0xffff, v51;
	_ =	sdelay $0x2  }
0x44a: {  	v52 =	vmpcnt.ones.xlane vm2;
	_ =	sdelay $0x1  }
0x44b: {  	v10 =	vadd.s32 v10, v52;
	v53 =	vsel vm1, $0xFFFFFFFF, v3  }
0x44c: {  	v12 =	vadd.s32 v53, v10;
	v54, _, _ =	vpop (xrf0)  }
0x44d: {  	v12 =	vadd.s32 v54, v12;
	_ =	sdelay $0x4  }
0x44e: {  	[tilespmem:v12+s10+$0x0] =	vst.idx.msk vm1, v11  }
0x44f: {  	v11 =	vld [tilespmem:s12+$0xEBB0];
	_ =	sdelay $0x4  }
0x450: {  	vm2 =	vlt.s32 v11, v9  }
0x451: {  	v55 =	vsel vm2, $0x1, v3  }
0x452: {  	(xrf0) =	vadd.scan.msk.s32 $0xffff, v55;
	_ =	sdelay $0x2  }
0x453: {  	v56 =	vmpcnt.ones.xlane vm1;
	_ =	sdelay $0x1  }
0x454: {  	v10 =	vadd.s32 v10, v56;
	v57 =	vsel vm2, $0xFFFFFFFF, v3  }
0x455: {  	v12 =	vadd.s32 v57, v10;
	v58, _, _ =	vpop (xrf0)  }
0x456: {  	v12 =	vadd.s32 v58, v12;
	_ =	sdelay $0x4  }
0x457: {  	[tilespmem:v12+s10+$0x0] =	vst.idx.msk vm2, v11  }
0x458: {  	v11 =	vld [tilespmem:s12+$0xEBC0];
	_ =	sdelay $0x4  }
0x459: {  	vm1 =	vlt.s32 v11, v9  }
0x45a: {  	v59 =	vsel vm1, $0x1, v3  }
0x45b: {  	(xrf0) =	vadd.scan.msk.s32 $0xffff, v59;
	_ =	sdelay $0x2  }
0x45c: {  	v60 =	vmpcnt.ones.xlane vm2;
	_ =	sdelay $0x1  }
0x45d: {  	v10 =	vadd.s32 v10, v60;
	v61 =	vsel vm1, $0xFFFFFFFF, v3  }
0x45e: {  	v12 =	vadd.s32 v61, v10;
	v62, _, _ =	vpop (xrf0)  }
0x45f: {  	p0 =	sne.s32 s14, $0x1E00;
	v12 =	vadd.s32 v62, v12  }
.Ltmp21:
0x460: {  	_ = 	snop;
	(pc) =	sbr.rel @p0 .LBB2_39-.Ltmp21, $3  }
0x461: {  	_ = 	snop  }
0x462: {  	v63 =	vmpcnt.ones.xlane vm1;
	_ =	sdelay $0x1  }
0x463: {  	s14 =	sadd.s32 $0x140, s14;
	v10 =	vadd.s32 v10, v63;
	[tilespmem:v12+s10+$0x0] =	vst.idx.msk vm1, v11  }
0x464: {  	s14 =	simm.s32 $0x0  }
0x465: {  	[tilespmem:s9], [sflag:$0x1] =	stream.linear.gather [hbm4b:s26+s14], $0x7D0, $0x38;
	[tilespmem:$0xFC80] =	vst v63  }
0x466: {  	_ =	swait.ge [sflag:s7], $0x7D0  }
0x467: {  	[sflag:s7] =	ssyncset.done $0x0  }
0x468: {  	[sflag:s7] =	ssyncadd.s32 $0xFFFFF830  }
.LBB2_41:
0x469: {  	s12 =	sshra.s32 s14, $0x2  }
0x46a: {  	v11 =	vld [tilespmem:s12+$0xEB80];
	_ =	sdelay $0x4  }
0x46b: {  	vm1 =	vlt.s32 v11, v9  }
0x46c: {  	v12 =	vsel vm1, $0x1, v3  }
0x46d: {  	(xrf0) =	vadd.scan.msk.s32 $0xffff, v12;
	_ =	sdelay $0x4  }
0x46e: {  	v46 =	vsel vm1, $0xFFFFFFFF, v3  }
0x46f: {  	v12 =	vadd.s32 v46, v10;
	v13, _, _ =	vpop (xrf0)  }
0x470: {  	v12 =	vadd.s32 v13, v12;
	_ =	sdelay $0x4  }
0x471: {  	[tilespmem:v12+s10+$0x0] =	vst.idx.msk vm1, v11  }
0x472: {  	v11 =	vld [tilespmem:s12+$0xEB90];
	_ =	sdelay $0x4  }
0x473: {  	vm2 =	vlt.s32 v11, v9  }
0x474: {  	v47 =	vsel vm2, $0x1, v3  }
0x475: {  	(xrf0) =	vadd.scan.msk.s32 $0xffff, v47;
	_ =	sdelay $0x2  }
0x476: {  	v48 =	vmpcnt.ones.xlane vm1;
	_ =	sdelay $0x1  }
0x477: {  	v10 =	vadd.s32 v10, v48;
	v49 =	vsel vm2, $0xFFFFFFFF, v3  }
0x478: {  	v12 =	vadd.s32 v49, v10;
	v50, _, _ =	vpop (xrf0)  }
0x479: {  	v12 =	vadd.s32 v50, v12;
	_ =	sdelay $0x4  }
0x47a: {  	[tilespmem:v12+s10+$0x0] =	vst.idx.msk vm2, v11  }
0x47b: {  	v11 =	vld [tilespmem:s12+$0xEBA0];
	_ =	sdelay $0x4  }
0x47c: {  	vm1 =	vlt.s32 v11, v9  }
0x47d: {  	v51 =	vsel vm1, $0x1, v3  }
0x47e: {  	(xrf0) =	vadd.scan.msk.s32 $0xffff, v51;
	_ =	sdelay $0x2  }
0x47f: {  	v52 =	vmpcnt.ones.xlane vm2;
	_ =	sdelay $0x1  }
0x480: {  	v10 =	vadd.s32 v10, v52;
	v53 =	vsel vm1, $0xFFFFFFFF, v3  }
0x481: {  	v12 =	vadd.s32 v53, v10;
	v54, _, _ =	vpop (xrf0)  }
0x482: {  	v12 =	vadd.s32 v54, v12;
	_ =	sdelay $0x4  }
0x483: {  	[tilespmem:v12+s10+$0x0] =	vst.idx.msk vm1, v11  }
0x484: {  	v11 =	vld [tilespmem:s12+$0xEBB0];
	_ =	sdelay $0x4  }
0x485: {  	vm2 =	vlt.s32 v11, v9  }
0x486: {  	v55 =	vsel vm2, $0x1, v3  }
0x487: {  	(xrf0) =	vadd.scan.msk.s32 $0xffff, v55;
	_ =	sdelay $0x2  }
0x488: {  	v56 =	vmpcnt.ones.xlane vm1;
	_ =	sdelay $0x1  }
0x489: {  	v10 =	vadd.s32 v10, v56;
	v57 =	vsel vm2, $0xFFFFFFFF, v3  }
0x48a: {  	v12 =	vadd.s32 v57, v10;
	v58, _, _ =	vpop (xrf0)  }
0x48b: {  	v12 =	vadd.s32 v58, v12;
	_ =	sdelay $0x4  }
0x48c: {  	[tilespmem:v12+s10+$0x0] =	vst.idx.msk vm2, v11  }
0x48d: {  	v11 =	vld [tilespmem:s12+$0xEBC0];
	_ =	sdelay $0x4  }
0x48e: {  	vm1 =	vlt.s32 v11, v9  }
0x48f: {  	v59 =	vsel vm1, $0x1, v3  }
0x490: {  	(xrf0) =	vadd.scan.msk.s32 $0xffff, v59;
	_ =	sdelay $0x2  }
0x491: {  	v60 =	vmpcnt.ones.xlane vm2;
	_ =	sdelay $0x1  }
0x492: {  	v10 =	vadd.s32 v10, v60;
	v61 =	vsel vm1, $0xFFFFFFFF, v3  }
0x493: {  	v12 =	vadd.s32 v61, v10;
	v62, _, _ =	vpop (xrf0)  }
0x494: {  	p0 =	sne.s32 s14, $0x1E00;
	v12 =	vadd.s32 v62, v12  }
.Ltmp22:
0x495: {  	_ = 	snop;
	(pc) =	sbr.rel @p0 .LBB2_41-.Ltmp22, $3  }
0x496: {  	_ = 	snop  }
0x497: {  	v63 =	vmpcnt.ones.xlane vm1;
	_ =	sdelay $0x1  }
0x498: {  	s14 =	sadd.s32 $0x140, s14;
	v10 =	vadd.s32 v10, v63;
	[tilespmem:v12+s10+$0x0] =	vst.idx.msk vm1, v11  }
0x499: {  	s14 =	simm.s32 $0x0;
	s12 =	rddreg [dreg:$0x5]  }
0x49a: {  	[tilespmem:s9], [sflag:$0x1] =	stream.linear.gather [hbm4b:s12+s14], $0x7D0, $0x38;
	[tilespmem:$0xFC80] =	vst v63  }
0x49b: {  	_ =	swait.ge [sflag:s7], $0x7D0  }
0x49c: {  	[sflag:s7] =	ssyncset.done $0x0  }
0x49d: {  	v10 =	vimm.s32 $0x0;
	[sflag:s7] =	ssyncadd.s32 $0xFFFFF830  }
.LBB2_43:
0x49e: {  	s12 =	sshra.s32 s14, $0x2  }
0x49f: {  	v11 =	vld [tilespmem:s12+$0xEB80];
	_ =	sdelay $0x4  }
0x4a0: {  	vm1 =	vlt.s32 v11, v9  }
0x4a1: {  	v12 =	vsel vm1, $0x1, v3  }
0x4a2: {  	(xrf0) =	vadd.scan.msk.s32 $0xffff, v12;
	_ =	sdelay $0x4  }
0x4a3: {  	v46 =	vsel vm1, $0xFFFFFFFF, v3  }
0x4a4: {  	v12 =	vadd.s32 v46, v10;
	v13, _, _ =	vpop (xrf0)  }
0x4a5: {  	v12 =	vadd.s32 v13, v12;
	_ =	sdelay $0x4  }
0x4a6: {  	[tilespmem:v12+s11+$0x0] =	vst.idx.msk vm1, v11  }
0x4a7: {  	v11 =	vld [tilespmem:s12+$0xEB90];
	_ =	sdelay $0x4  }
0x4a8: {  	vm2 =	vlt.s32 v11, v9  }
0x4a9: {  	v47 =	vsel vm2, $0x1, v3  }
0x4aa: {  	(xrf0) =	vadd.scan.msk.s32 $0xffff, v47;
	_ =	sdelay $0x2  }
0x4ab: {  	v48 =	vmpcnt.ones.xlane vm1;
	_ =	sdelay $0x1  }
0x4ac: {  	v10 =	vadd.s32 v10, v48;
	v49 =	vsel vm2, $0xFFFFFFFF, v3  }
0x4ad: {  	v12 =	vadd.s32 v49, v10;
	v50, _, _ =	vpop (xrf0)  }
0x4ae: {  	v12 =	vadd.s32 v50, v12;
	_ =	sdelay $0x4  }
0x4af: {  	[tilespmem:v12+s11+$0x0] =	vst.idx.msk vm2, v11  }
0x4b0: {  	v11 =	vld [tilespmem:s12+$0xEBA0];
	_ =	sdelay $0x4  }
0x4b1: {  	vm1 =	vlt.s32 v11, v9  }
0x4b2: {  	v51 =	vsel vm1, $0x1, v3  }
0x4b3: {  	(xrf0) =	vadd.scan.msk.s32 $0xffff, v51;
	_ =	sdelay $0x2  }
0x4b4: {  	v52 =	vmpcnt.ones.xlane vm2;
	_ =	sdelay $0x1  }
0x4b5: {  	v10 =	vadd.s32 v10, v52;
	v53 =	vsel vm1, $0xFFFFFFFF, v3  }
0x4b6: {  	v12 =	vadd.s32 v53, v10;
	v54, _, _ =	vpop (xrf0)  }
0x4b7: {  	v12 =	vadd.s32 v54, v12;
	_ =	sdelay $0x4  }
0x4b8: {  	[tilespmem:v12+s11+$0x0] =	vst.idx.msk vm1, v11  }
0x4b9: {  	v11 =	vld [tilespmem:s12+$0xEBB0];
	_ =	sdelay $0x4  }
0x4ba: {  	vm2 =	vlt.s32 v11, v9  }
0x4bb: {  	v55 =	vsel vm2, $0x1, v3  }
0x4bc: {  	(xrf0) =	vadd.scan.msk.s32 $0xffff, v55;
	_ =	sdelay $0x2  }
0x4bd: {  	v56 =	vmpcnt.ones.xlane vm1;
	_ =	sdelay $0x1  }
0x4be: {  	v10 =	vadd.s32 v10, v56;
	v57 =	vsel vm2, $0xFFFFFFFF, v3  }
0x4bf: {  	v12 =	vadd.s32 v57, v10;
	v58, _, _ =	vpop (xrf0)  }
0x4c0: {  	v12 =	vadd.s32 v58, v12;
	_ =	sdelay $0x4  }
0x4c1: {  	[tilespmem:v12+s11+$0x0] =	vst.idx.msk vm2, v11  }
0x4c2: {  	v11 =	vld [tilespmem:s12+$0xEBC0];
	_ =	sdelay $0x4  }
0x4c3: {  	vm1 =	vlt.s32 v11, v9  }
0x4c4: {  	v59 =	vsel vm1, $0x1, v3  }
0x4c5: {  	(xrf0) =	vadd.scan.msk.s32 $0xffff, v59;
	_ =	sdelay $0x2  }
0x4c6: {  	v60 =	vmpcnt.ones.xlane vm2;
	_ =	sdelay $0x1  }
0x4c7: {  	v10 =	vadd.s32 v10, v60;
	v61 =	vsel vm1, $0xFFFFFFFF, v3  }
0x4c8: {  	v12 =	vadd.s32 v61, v10;
	v62, _, _ =	vpop (xrf0)  }
0x4c9: {  	p0 =	sne.s32 s14, $0x1E00;
	v12 =	vadd.s32 v62, v12  }
.Ltmp23:
0x4ca: {  	_ = 	snop;
	(pc) =	sbr.rel @p0 .LBB2_43-.Ltmp23, $3  }
0x4cb: {  	_ = 	snop  }
0x4cc: {  	v63 =	vmpcnt.ones.xlane vm1;
	_ =	sdelay $0x1  }
0x4cd: {  	s14 =	sadd.s32 $0x140, s14;
	v10 =	vadd.s32 v10, v63;
	[tilespmem:v12+s11+$0x0] =	vst.idx.msk vm1, v11  }
0x4ce: {  	s14 =	simm.s32 $0x0  }
0x4cf: {  	[tilespmem:s9], [sflag:$0x1] =	stream.linear.gather [hbm4b:s28+s14], $0x7D0, $0x38;
	[tilespmem:$0xFC80] =	vst v63  }
0x4d0: {  	_ =	swait.ge [sflag:s7], $0x7D0  }
0x4d1: {  	[sflag:s7] =	ssyncset.done $0x0  }
0x4d2: {  	[sflag:s7] =	ssyncadd.s32 $0xFFFFF830  }
.LBB2_45:
0x4d3: {  	s12 =	sshra.s32 s14, $0x2  }
0x4d4: {  	v11 =	vld [tilespmem:s12+$0xEB80];
	_ =	sdelay $0x4  }
0x4d5: {  	vm1 =	vlt.s32 v11, v9  }
0x4d6: {  	v12 =	vsel vm1, $0x1, v3  }
0x4d7: {  	(xrf0) =	vadd.scan.msk.s32 $0xffff, v12;
	_ =	sdelay $0x4  }
0x4d8: {  	v46 =	vsel vm1, $0xFFFFFFFF, v3  }
0x4d9: {  	v12 =	vadd.s32 v46, v10;
	v13, _, _ =	vpop (xrf0)  }
0x4da: {  	v12 =	vadd.s32 v13, v12;
	_ =	sdelay $0x4  }
0x4db: {  	[tilespmem:v12+s11+$0x0] =	vst.idx.msk vm1, v11  }
0x4dc: {  	v11 =	vld [tilespmem:s12+$0xEB90];
	_ =	sdelay $0x4  }
0x4dd: {  	vm2 =	vlt.s32 v11, v9  }
0x4de: {  	v47 =	vsel vm2, $0x1, v3  }
0x4df: {  	(xrf0) =	vadd.scan.msk.s32 $0xffff, v47;
	_ =	sdelay $0x2  }
0x4e0: {  	v48 =	vmpcnt.ones.xlane vm1;
	_ =	sdelay $0x1  }
0x4e1: {  	v10 =	vadd.s32 v10, v48;
	v49 =	vsel vm2, $0xFFFFFFFF, v3  }
0x4e2: {  	v12 =	vadd.s32 v49, v10;
	v50, _, _ =	vpop (xrf0)  }
0x4e3: {  	v12 =	vadd.s32 v50, v12;
	_ =	sdelay $0x4  }
0x4e4: {  	[tilespmem:v12+s11+$0x0] =	vst.idx.msk vm2, v11  }
0x4e5: {  	v11 =	vld [tilespmem:s12+$0xEBA0];
	_ =	sdelay $0x4  }
0x4e6: {  	vm1 =	vlt.s32 v11, v9  }
0x4e7: {  	v51 =	vsel vm1, $0x1, v3  }
0x4e8: {  	(xrf0) =	vadd.scan.msk.s32 $0xffff, v51;
	_ =	sdelay $0x2  }
0x4e9: {  	v52 =	vmpcnt.ones.xlane vm2;
	_ =	sdelay $0x1  }
0x4ea: {  	v10 =	vadd.s32 v10, v52;
	v53 =	vsel vm1, $0xFFFFFFFF, v3  }
0x4eb: {  	v12 =	vadd.s32 v53, v10;
	v54, _, _ =	vpop (xrf0)  }
0x4ec: {  	v12 =	vadd.s32 v54, v12;
	_ =	sdelay $0x4  }
0x4ed: {  	[tilespmem:v12+s11+$0x0] =	vst.idx.msk vm1, v11  }
0x4ee: {  	v11 =	vld [tilespmem:s12+$0xEBB0];
	_ =	sdelay $0x4  }
0x4ef: {  	vm2 =	vlt.s32 v11, v9  }
0x4f0: {  	v55 =	vsel vm2, $0x1, v3  }
0x4f1: {  	(xrf0) =	vadd.scan.msk.s32 $0xffff, v55;
	_ =	sdelay $0x2  }
0x4f2: {  	v56 =	vmpcnt.ones.xlane vm1;
	_ =	sdelay $0x1  }
0x4f3: {  	v10 =	vadd.s32 v10, v56;
	v57 =	vsel vm2, $0xFFFFFFFF, v3  }
0x4f4: {  	v12 =	vadd.s32 v57, v10;
	v58, _, _ =	vpop (xrf0)  }
0x4f5: {  	v12 =	vadd.s32 v58, v12;
	_ =	sdelay $0x4  }
0x4f6: {  	[tilespmem:v12+s11+$0x0] =	vst.idx.msk vm2, v11  }
0x4f7: {  	v11 =	vld [tilespmem:s12+$0xEBC0];
	_ =	sdelay $0x4  }
0x4f8: {  	vm1 =	vlt.s32 v11, v9  }
0x4f9: {  	v59 =	vsel vm1, $0x1, v3  }
0x4fa: {  	(xrf0) =	vadd.scan.msk.s32 $0xffff, v59;
	_ =	sdelay $0x2  }
0x4fb: {  	v60 =	vmpcnt.ones.xlane vm2;
	_ =	sdelay $0x1  }
0x4fc: {  	v10 =	vadd.s32 v10, v60;
	v61 =	vsel vm1, $0xFFFFFFFF, v3  }
0x4fd: {  	v12 =	vadd.s32 v61, v10;
	v62, _, _ =	vpop (xrf0)  }
0x4fe: {  	p0 =	sne.s32 s14, $0x1E00;
	v12 =	vadd.s32 v62, v12  }
.Ltmp24:
0x4ff: {  	_ = 	snop;
	(pc) =	sbr.rel @p0 .LBB2_45-.Ltmp24, $3  }
0x500: {  	_ = 	snop  }
0x501: {  	v63 =	vmpcnt.ones.xlane vm1;
	_ =	sdelay $0x1  }
0x502: {  	s14 =	sadd.s32 $0x140, s14;
	v10 =	vadd.s32 v10, v63;
	[tilespmem:v12+s11+$0x0] =	vst.idx.msk vm1, v11  }
0x503: {  	s14 =	simm.s32 $0x0  }
0x504: {  	[tilespmem:s9], [sflag:$0x1] =	stream.linear.gather [hbm4b:s29+s14], $0x7D0, $0x38;
	[tilespmem:$0xFC80] =	vst v63  }
0x505: {  	_ =	swait.ge [sflag:s7], $0x7D0  }
0x506: {  	[sflag:s7] =	ssyncset.done $0x0  }
0x507: {  	[sflag:s7] =	ssyncadd.s32 $0xFFFFF830  }
.LBB2_47:
0x508: {  	s12 =	sshra.s32 s14, $0x2  }
0x509: {  	v11 =	vld [tilespmem:s12+$0xEB80];
	_ =	sdelay $0x4  }
0x50a: {  	vm1 =	vlt.s32 v11, v9  }
0x50b: {  	v12 =	vsel vm1, $0x1, v3  }
0x50c: {  	(xrf0) =	vadd.scan.msk.s32 $0xffff, v12;
	_ =	sdelay $0x4  }
0x50d: {  	v46 =	vsel vm1, $0xFFFFFFFF, v3  }
0x50e: {  	v12 =	vadd.s32 v46, v10;
	v13, _, _ =	vpop (xrf0)  }
0x50f: {  	v12 =	vadd.s32 v13, v12;
	_ =	sdelay $0x4  }
0x510: {  	[tilespmem:v12+s11+$0x0] =	vst.idx.msk vm1, v11  }
0x511: {  	v11 =	vld [tilespmem:s12+$0xEB90];
	_ =	sdelay $0x4  }
0x512: {  	vm2 =	vlt.s32 v11, v9  }
0x513: {  	v47 =	vsel vm2, $0x1, v3  }
0x514: {  	(xrf0) =	vadd.scan.msk.s32 $0xffff, v47;
	_ =	sdelay $0x2  }
0x515: {  	v48 =	vmpcnt.ones.xlane vm1;
	_ =	sdelay $0x1  }
0x516: {  	v10 =	vadd.s32 v10, v48;
	v49 =	vsel vm2, $0xFFFFFFFF, v3  }
0x517: {  	v12 =	vadd.s32 v49, v10;
	v50, _, _ =	vpop (xrf0)  }
0x518: {  	v12 =	vadd.s32 v50, v12;
	_ =	sdelay $0x4  }
0x519: {  	[tilespmem:v12+s11+$0x0] =	vst.idx.msk vm2, v11  }
0x51a: {  	v11 =	vld [tilespmem:s12+$0xEBA0];
	_ =	sdelay $0x4  }
0x51b: {  	vm1 =	vlt.s32 v11, v9  }
0x51c: {  	v51 =	vsel vm1, $0x1, v3  }
0x51d: {  	(xrf0) =	vadd.scan.msk.s32 $0xffff, v51;
	_ =	sdelay $0x2  }
0x51e: {  	v52 =	vmpcnt.ones.xlane vm2;
	_ =	sdelay $0x1  }
0x51f: {  	v10 =	vadd.s32 v10, v52;
	v53 =	vsel vm1, $0xFFFFFFFF, v3  }
0x520: {  	v12 =	vadd.s32 v53, v10;
	v54, _, _ =	vpop (xrf0)  }
0x521: {  	v12 =	vadd.s32 v54, v12;
	_ =	sdelay $0x4  }
0x522: {  	[tilespmem:v12+s11+$0x0] =	vst.idx.msk vm1, v11  }
0x523: {  	v11 =	vld [tilespmem:s12+$0xEBB0];
	_ =	sdelay $0x4  }
0x524: {  	vm2 =	vlt.s32 v11, v9  }
0x525: {  	v55 =	vsel vm2, $0x1, v3  }
0x526: {  	(xrf0) =	vadd.scan.msk.s32 $0xffff, v55;
	_ =	sdelay $0x2  }
0x527: {  	v56 =	vmpcnt.ones.xlane vm1;
	_ =	sdelay $0x1  }
0x528: {  	v10 =	vadd.s32 v10, v56;
	v57 =	vsel vm2, $0xFFFFFFFF, v3  }
0x529: {  	v12 =	vadd.s32 v57, v10;
	v58, _, _ =	vpop (xrf0)  }
0x52a: {  	v12 =	vadd.s32 v58, v12;
	_ =	sdelay $0x4  }
0x52b: {  	[tilespmem:v12+s11+$0x0] =	vst.idx.msk vm2, v11  }
0x52c: {  	v11 =	vld [tilespmem:s12+$0xEBC0];
	_ =	sdelay $0x4  }
0x52d: {  	vm1 =	vlt.s32 v11, v9  }
0x52e: {  	v59 =	vsel vm1, $0x1, v3  }
0x52f: {  	(xrf0) =	vadd.scan.msk.s32 $0xffff, v59;
	_ =	sdelay $0x2  }
0x530: {  	v60 =	vmpcnt.ones.xlane vm2;
	_ =	sdelay $0x1  }
0x531: {  	v10 =	vadd.s32 v10, v60;
	v61 =	vsel vm1, $0xFFFFFFFF, v3  }
0x532: {  	v12 =	vadd.s32 v61, v10;
	v62, _, _ =	vpop (xrf0)  }
0x533: {  	p0 =	sne.s32 s14, $0x1E00;
	v12 =	vadd.s32 v62, v12  }
.Ltmp25:
0x534: {  	_ = 	snop;
	(pc) =	sbr.rel @p0 .LBB2_47-.Ltmp25, $3  }
0x535: {  	_ = 	snop  }
0x536: {  	v63 =	vmpcnt.ones.xlane vm1;
	_ =	sdelay $0x1  }
0x537: {  	s14 =	sadd.s32 $0x140, s14;
	v10 =	vadd.s32 v10, v63;
	[tilespmem:v12+s11+$0x0] =	vst.idx.msk vm1, v11  }
0x538: {  	s14 =	simm.s32 $0x0  }
0x539: {  	[tilespmem:s9], [sflag:$0x1] =	stream.linear.gather [hbm4b:s30+s14], $0x7D0, $0x38;
	[tilespmem:$0xFC80] =	vst v63  }
0x53a: {  	_ =	swait.ge [sflag:s7], $0x7D0  }
0x53b: {  	[sflag:s7] =	ssyncset.done $0x0  }
0x53c: {  	[sflag:s7] =	ssyncadd.s32 $0xFFFFF830  }
.LBB2_49:
0x53d: {  	s12 =	sshra.s32 s14, $0x2  }
0x53e: {  	v11 =	vld [tilespmem:s12+$0xEB80];
	_ =	sdelay $0x4  }
0x53f: {  	vm1 =	vlt.s32 v11, v9  }
0x540: {  	v12 =	vsel vm1, $0x1, v3  }
0x541: {  	(xrf0) =	vadd.scan.msk.s32 $0xffff, v12;
	_ =	sdelay $0x4  }
0x542: {  	v46 =	vsel vm1, $0xFFFFFFFF, v3  }
0x543: {  	v12 =	vadd.s32 v46, v10;
	v13, _, _ =	vpop (xrf0)  }
0x544: {  	v12 =	vadd.s32 v13, v12;
	_ =	sdelay $0x4  }
0x545: {  	[tilespmem:v12+s11+$0x0] =	vst.idx.msk vm1, v11  }
0x546: {  	v11 =	vld [tilespmem:s12+$0xEB90];
	_ =	sdelay $0x4  }
0x547: {  	vm2 =	vlt.s32 v11, v9  }
0x548: {  	v47 =	vsel vm2, $0x1, v3  }
0x549: {  	(xrf0) =	vadd.scan.msk.s32 $0xffff, v47;
	_ =	sdelay $0x2  }
0x54a: {  	v48 =	vmpcnt.ones.xlane vm1;
	_ =	sdelay $0x1  }
0x54b: {  	v10 =	vadd.s32 v10, v48;
	v49 =	vsel vm2, $0xFFFFFFFF, v3  }
0x54c: {  	v12 =	vadd.s32 v49, v10;
	v50, _, _ =	vpop (xrf0)  }
0x54d: {  	v12 =	vadd.s32 v50, v12;
	_ =	sdelay $0x4  }
0x54e: {  	[tilespmem:v12+s11+$0x0] =	vst.idx.msk vm2, v11  }
0x54f: {  	v11 =	vld [tilespmem:s12+$0xEBA0];
	_ =	sdelay $0x4  }
0x550: {  	vm1 =	vlt.s32 v11, v9  }
0x551: {  	v51 =	vsel vm1, $0x1, v3  }
0x552: {  	(xrf0) =	vadd.scan.msk.s32 $0xffff, v51;
	_ =	sdelay $0x2  }
0x553: {  	v52 =	vmpcnt.ones.xlane vm2;
	_ =	sdelay $0x1  }
0x554: {  	v10 =	vadd.s32 v10, v52;
	v53 =	vsel vm1, $0xFFFFFFFF, v3  }
0x555: {  	v12 =	vadd.s32 v53, v10;
	v54, _, _ =	vpop (xrf0)  }
0x556: {  	v12 =	vadd.s32 v54, v12;
	_ =	sdelay $0x4  }
0x557: {  	[tilespmem:v12+s11+$0x0] =	vst.idx.msk vm1, v11  }
0x558: {  	v11 =	vld [tilespmem:s12+$0xEBB0];
	_ =	sdelay $0x4  }
0x559: {  	vm2 =	vlt.s32 v11, v9  }
0x55a: {  	v55 =	vsel vm2, $0x1, v3  }
0x55b: {  	(xrf0) =	vadd.scan.msk.s32 $0xffff, v55;
	_ =	sdelay $0x2  }
0x55c: {  	v56 =	vmpcnt.ones.xlane vm1;
	_ =	sdelay $0x1  }
0x55d: {  	v10 =	vadd.s32 v10, v56;
	v57 =	vsel vm2, $0xFFFFFFFF, v3  }
0x55e: {  	v12 =	vadd.s32 v57, v10;
	v58, _, _ =	vpop (xrf0)  }
0x55f: {  	v12 =	vadd.s32 v58, v12;
	_ =	sdelay $0x4  }
0x560: {  	[tilespmem:v12+s11+$0x0] =	vst.idx.msk vm2, v11  }
0x561: {  	v11 =	vld [tilespmem:s12+$0xEBC0];
	_ =	sdelay $0x4  }
0x562: {  	vm1 =	vlt.s32 v11, v9  }
0x563: {  	v59 =	vsel vm1, $0x1, v3  }
0x564: {  	(xrf0) =	vadd.scan.msk.s32 $0xffff, v59;
	_ =	sdelay $0x2  }
0x565: {  	v60 =	vmpcnt.ones.xlane vm2;
	_ =	sdelay $0x1  }
0x566: {  	v10 =	vadd.s32 v10, v60;
	v61 =	vsel vm1, $0xFFFFFFFF, v3  }
0x567: {  	v12 =	vadd.s32 v61, v10;
	v62, _, _ =	vpop (xrf0)  }
0x568: {  	p0 =	sne.s32 s14, $0x1E00;
	v12 =	vadd.s32 v62, v12  }
.Ltmp26:
0x569: {  	_ = 	snop;
	(pc) =	sbr.rel @p0 .LBB2_49-.Ltmp26, $3  }
0x56a: {  	_ = 	snop  }
0x56b: {  	v63 =	vmpcnt.ones.xlane vm1;
	_ =	sdelay $0x1  }
0x56c: {  	s14 =	sadd.s32 $0x140, s14;
	v10 =	vadd.s32 v10, v63;
	[tilespmem:v12+s11+$0x0] =	vst.idx.msk vm1, v11  }
0x56d: {  	s14 =	simm.s32 $0x0  }
0x56e: {  	[tilespmem:s9], [sflag:$0x1] =	stream.linear.gather [hbm4b:s31+s14], $0x7D0, $0x38;
	[tilespmem:$0xFC80] =	vst v63  }
0x56f: {  	_ =	swait.ge [sflag:s7], $0x7D0  }
0x570: {  	[sflag:s7] =	ssyncset.done $0x0  }
0x571: {  	[sflag:s7] =	ssyncadd.s32 $0xFFFFF830  }
.LBB2_51:
0x572: {  	s12 =	sshra.s32 s14, $0x2  }
0x573: {  	v11 =	vld [tilespmem:s12+$0xEB80];
	_ =	sdelay $0x4  }
0x574: {  	vm1 =	vlt.s32 v11, v9  }
0x575: {  	v12 =	vsel vm1, $0x1, v3  }
0x576: {  	(xrf0) =	vadd.scan.msk.s32 $0xffff, v12;
	_ =	sdelay $0x4  }
0x577: {  	v46 =	vsel vm1, $0xFFFFFFFF, v3  }
0x578: {  	v12 =	vadd.s32 v46, v10;
	v13, _, _ =	vpop (xrf0)  }
0x579: {  	v12 =	vadd.s32 v13, v12;
	_ =	sdelay $0x4  }
0x57a: {  	[tilespmem:v12+s11+$0x0] =	vst.idx.msk vm1, v11  }
0x57b: {  	v11 =	vld [tilespmem:s12+$0xEB90];
	_ =	sdelay $0x4  }
0x57c: {  	vm2 =	vlt.s32 v11, v9  }
0x57d: {  	v47 =	vsel vm2, $0x1, v3  }
0x57e: {  	(xrf0) =	vadd.scan.msk.s32 $0xffff, v47;
	_ =	sdelay $0x2  }
0x57f: {  	v48 =	vmpcnt.ones.xlane vm1;
	_ =	sdelay $0x1  }
0x580: {  	v10 =	vadd.s32 v10, v48;
	v49 =	vsel vm2, $0xFFFFFFFF, v3  }
0x581: {  	v12 =	vadd.s32 v49, v10;
	v50, _, _ =	vpop (xrf0)  }
0x582: {  	v12 =	vadd.s32 v50, v12;
	_ =	sdelay $0x4  }
0x583: {  	[tilespmem:v12+s11+$0x0] =	vst.idx.msk vm2, v11  }
0x584: {  	v11 =	vld [tilespmem:s12+$0xEBA0];
	_ =	sdelay $0x4  }
0x585: {  	vm1 =	vlt.s32 v11, v9  }
0x586: {  	v51 =	vsel vm1, $0x1, v3  }
0x587: {  	(xrf0) =	vadd.scan.msk.s32 $0xffff, v51;
	_ =	sdelay $0x2  }
0x588: {  	v52 =	vmpcnt.ones.xlane vm2;
	_ =	sdelay $0x1  }
0x589: {  	v10 =	vadd.s32 v10, v52;
	v53 =	vsel vm1, $0xFFFFFFFF, v3  }
0x58a: {  	v12 =	vadd.s32 v53, v10;
	v54, _, _ =	vpop (xrf0)  }
0x58b: {  	v12 =	vadd.s32 v54, v12;
	_ =	sdelay $0x4  }
0x58c: {  	[tilespmem:v12+s11+$0x0] =	vst.idx.msk vm1, v11  }
0x58d: {  	v11 =	vld [tilespmem:s12+$0xEBB0];
	_ =	sdelay $0x4  }
0x58e: {  	vm2 =	vlt.s32 v11, v9  }
0x58f: {  	v55 =	vsel vm2, $0x1, v3  }
0x590: {  	(xrf0) =	vadd.scan.msk.s32 $0xffff, v55;
	_ =	sdelay $0x2  }
0x591: {  	v56 =	vmpcnt.ones.xlane vm1;
	_ =	sdelay $0x1  }
0x592: {  	v10 =	vadd.s32 v10, v56;
	v57 =	vsel vm2, $0xFFFFFFFF, v3  }
0x593: {  	v12 =	vadd.s32 v57, v10;
	v58, _, _ =	vpop (xrf0)  }
0x594: {  	v12 =	vadd.s32 v58, v12;
	_ =	sdelay $0x4  }
0x595: {  	[tilespmem:v12+s11+$0x0] =	vst.idx.msk vm2, v11  }
0x596: {  	v11 =	vld [tilespmem:s12+$0xEBC0];
	_ =	sdelay $0x4  }
0x597: {  	vm1 =	vlt.s32 v11, v9  }
0x598: {  	v59 =	vsel vm1, $0x1, v3  }
0x599: {  	(xrf0) =	vadd.scan.msk.s32 $0xffff, v59;
	_ =	sdelay $0x2  }
0x59a: {  	v60 =	vmpcnt.ones.xlane vm2;
	_ =	sdelay $0x1  }
0x59b: {  	v10 =	vadd.s32 v10, v60;
	v61 =	vsel vm1, $0xFFFFFFFF, v3  }
0x59c: {  	v12 =	vadd.s32 v61, v10;
	v62, _, _ =	vpop (xrf0)  }
0x59d: {  	p0 =	sne.s32 s14, $0x1E00;
	v12 =	vadd.s32 v62, v12  }
.Ltmp27:
0x59e: {  	_ = 	snop;
	(pc) =	sbr.rel @p0 .LBB2_51-.Ltmp27, $3  }
0x59f: {  	_ = 	snop  }
0x5a0: {  	v63 =	vmpcnt.ones.xlane vm1;
	_ =	sdelay $0x1  }
0x5a1: {  	s14 =	sadd.s32 $0x140, s14;
	v10 =	vadd.s32 v10, v63;
	[tilespmem:v12+s11+$0x0] =	vst.idx.msk vm1, v11  }
0x5a2: {  	s14 =	simm.s32 $0x0  }
0x5a3: {  	[tilespmem:s9], [sflag:$0x1] =	stream.linear.gather [hbm4b:s0+s14], $0x7D0, $0x38;
	[tilespmem:$0xFC80] =	vst v63  }
0x5a4: {  	_ =	swait.ge [sflag:s7], $0x7D0  }
0x5a5: {  	[sflag:s7] =	ssyncset.done $0x0  }
0x5a6: {  	[sflag:s7] =	ssyncadd.s32 $0xFFFFF830  }
.LBB2_53:
0x5a7: {  	s12 =	sshra.s32 s14, $0x2  }
0x5a8: {  	v11 =	vld [tilespmem:s12+$0xEB80];
	_ =	sdelay $0x4  }
0x5a9: {  	vm1 =	vlt.s32 v11, v9  }
0x5aa: {  	v12 =	vsel vm1, $0x1, v3  }
0x5ab: {  	(xrf0) =	vadd.scan.msk.s32 $0xffff, v12;
	_ =	sdelay $0x4  }
0x5ac: {  	v46 =	vsel vm1, $0xFFFFFFFF, v3  }
0x5ad: {  	v12 =	vadd.s32 v46, v10;
	v13, _, _ =	vpop (xrf0)  }
0x5ae: {  	v12 =	vadd.s32 v13, v12;
	_ =	sdelay $0x4  }
0x5af: {  	[tilespmem:v12+s11+$0x0] =	vst.idx.msk vm1, v11  }
0x5b0: {  	v11 =	vld [tilespmem:s12+$0xEB90];
	_ =	sdelay $0x4  }
0x5b1: {  	vm2 =	vlt.s32 v11, v9  }
0x5b2: {  	v47 =	vsel vm2, $0x1, v3  }
0x5b3: {  	(xrf0) =	vadd.scan.msk.s32 $0xffff, v47;
	_ =	sdelay $0x2  }
0x5b4: {  	v48 =	vmpcnt.ones.xlane vm1;
	_ =	sdelay $0x1  }
0x5b5: {  	v10 =	vadd.s32 v10, v48;
	v49 =	vsel vm2, $0xFFFFFFFF, v3  }
0x5b6: {  	v12 =	vadd.s32 v49, v10;
	v50, _, _ =	vpop (xrf0)  }
0x5b7: {  	v12 =	vadd.s32 v50, v12;
	_ =	sdelay $0x4  }
0x5b8: {  	[tilespmem:v12+s11+$0x0] =	vst.idx.msk vm2, v11  }
0x5b9: {  	v11 =	vld [tilespmem:s12+$0xEBA0];
	_ =	sdelay $0x4  }
0x5ba: {  	vm1 =	vlt.s32 v11, v9  }
0x5bb: {  	v51 =	vsel vm1, $0x1, v3  }
0x5bc: {  	(xrf0) =	vadd.scan.msk.s32 $0xffff, v51;
	_ =	sdelay $0x2  }
0x5bd: {  	v52 =	vmpcnt.ones.xlane vm2;
	_ =	sdelay $0x1  }
0x5be: {  	v10 =	vadd.s32 v10, v52;
	v53 =	vsel vm1, $0xFFFFFFFF, v3  }
0x5bf: {  	v12 =	vadd.s32 v53, v10;
	v54, _, _ =	vpop (xrf0)  }
0x5c0: {  	v12 =	vadd.s32 v54, v12;
	_ =	sdelay $0x4  }
0x5c1: {  	[tilespmem:v12+s11+$0x0] =	vst.idx.msk vm1, v11  }
0x5c2: {  	v11 =	vld [tilespmem:s12+$0xEBB0];
	_ =	sdelay $0x4  }
0x5c3: {  	vm2 =	vlt.s32 v11, v9  }
0x5c4: {  	v55 =	vsel vm2, $0x1, v3  }
0x5c5: {  	(xrf0) =	vadd.scan.msk.s32 $0xffff, v55;
	_ =	sdelay $0x2  }
0x5c6: {  	v56 =	vmpcnt.ones.xlane vm1;
	_ =	sdelay $0x1  }
0x5c7: {  	v10 =	vadd.s32 v10, v56;
	v57 =	vsel vm2, $0xFFFFFFFF, v3  }
0x5c8: {  	v12 =	vadd.s32 v57, v10;
	v58, _, _ =	vpop (xrf0)  }
0x5c9: {  	v12 =	vadd.s32 v58, v12;
	_ =	sdelay $0x4  }
0x5ca: {  	[tilespmem:v12+s11+$0x0] =	vst.idx.msk vm2, v11  }
0x5cb: {  	v11 =	vld [tilespmem:s12+$0xEBC0];
	_ =	sdelay $0x4  }
0x5cc: {  	vm1 =	vlt.s32 v11, v9  }
0x5cd: {  	v59 =	vsel vm1, $0x1, v3  }
0x5ce: {  	(xrf0) =	vadd.scan.msk.s32 $0xffff, v59;
	_ =	sdelay $0x2  }
0x5cf: {  	v60 =	vmpcnt.ones.xlane vm2;
	_ =	sdelay $0x1  }
0x5d0: {  	v10 =	vadd.s32 v10, v60;
	v61 =	vsel vm1, $0xFFFFFFFF, v3  }
0x5d1: {  	v12 =	vadd.s32 v61, v10;
	v62, _, _ =	vpop (xrf0)  }
0x5d2: {  	p0 =	sne.s32 s14, $0x1E00;
	v12 =	vadd.s32 v62, v12  }
.Ltmp28:
0x5d3: {  	_ = 	snop;
	(pc) =	sbr.rel @p0 .LBB2_53-.Ltmp28, $3  }
0x5d4: {  	_ = 	snop  }
0x5d5: {  	v63 =	vmpcnt.ones.xlane vm1;
	_ =	sdelay $0x1  }
0x5d6: {  	s14 =	sadd.s32 $0x140, s14;
	v10 =	vadd.s32 v10, v63;
	[tilespmem:v12+s11+$0x0] =	vst.idx.msk vm1, v11  }
0x5d7: {  	s14 =	simm.s32 $0x0  }
0x5d8: {  	[tilespmem:s9], [sflag:$0x1] =	stream.linear.gather [hbm4b:s1+s14], $0x7D0, $0x38;
	[tilespmem:$0xFC80] =	vst v63  }
0x5d9: {  	_ =	swait.ge [sflag:s7], $0x7D0  }
0x5da: {  	[sflag:s7] =	ssyncset.done $0x0  }
0x5db: {  	[sflag:s7] =	ssyncadd.s32 $0xFFFFF830  }
.LBB2_55:
0x5dc: {  	s12 =	sshra.s32 s14, $0x2  }
0x5dd: {  	v11 =	vld [tilespmem:s12+$0xEB80];
	_ =	sdelay $0x4  }
0x5de: {  	vm1 =	vlt.s32 v11, v9  }
0x5df: {  	v12 =	vsel vm1, $0x1, v3  }
0x5e0: {  	(xrf0) =	vadd.scan.msk.s32 $0xffff, v12;
	_ =	sdelay $0x4  }
0x5e1: {  	v46 =	vsel vm1, $0xFFFFFFFF, v3  }
0x5e2: {  	v12 =	vadd.s32 v46, v10;
	v13, _, _ =	vpop (xrf0)  }
0x5e3: {  	v12 =	vadd.s32 v13, v12;
	_ =	sdelay $0x4  }
0x5e4: {  	[tilespmem:v12+s11+$0x0] =	vst.idx.msk vm1, v11  }
0x5e5: {  	v11 =	vld [tilespmem:s12+$0xEB90];
	_ =	sdelay $0x4  }
0x5e6: {  	vm2 =	vlt.s32 v11, v9  }
0x5e7: {  	v47 =	vsel vm2, $0x1, v3  }
0x5e8: {  	(xrf0) =	vadd.scan.msk.s32 $0xffff, v47;
	_ =	sdelay $0x2  }
0x5e9: {  	v48 =	vmpcnt.ones.xlane vm1;
	_ =	sdelay $0x1  }
0x5ea: {  	v10 =	vadd.s32 v10, v48;
	v49 =	vsel vm2, $0xFFFFFFFF, v3  }
0x5eb: {  	v12 =	vadd.s32 v49, v10;
	v50, _, _ =	vpop (xrf0)  }
0x5ec: {  	v12 =	vadd.s32 v50, v12;
	_ =	sdelay $0x4  }
0x5ed: {  	[tilespmem:v12+s11+$0x0] =	vst.idx.msk vm2, v11  }
0x5ee: {  	v11 =	vld [tilespmem:s12+$0xEBA0];
	_ =	sdelay $0x4  }
0x5ef: {  	vm1 =	vlt.s32 v11, v9  }
0x5f0: {  	v51 =	vsel vm1, $0x1, v3  }
0x5f1: {  	(xrf0) =	vadd.scan.msk.s32 $0xffff, v51;
	_ =	sdelay $0x2  }
0x5f2: {  	v52 =	vmpcnt.ones.xlane vm2;
	_ =	sdelay $0x1  }
0x5f3: {  	v10 =	vadd.s32 v10, v52;
	v53 =	vsel vm1, $0xFFFFFFFF, v3  }
0x5f4: {  	v12 =	vadd.s32 v53, v10;
	v54, _, _ =	vpop (xrf0)  }
0x5f5: {  	v12 =	vadd.s32 v54, v12;
	_ =	sdelay $0x4  }
0x5f6: {  	[tilespmem:v12+s11+$0x0] =	vst.idx.msk vm1, v11  }
0x5f7: {  	v11 =	vld [tilespmem:s12+$0xEBB0];
	_ =	sdelay $0x4  }
0x5f8: {  	vm2 =	vlt.s32 v11, v9  }
0x5f9: {  	v55 =	vsel vm2, $0x1, v3  }
0x5fa: {  	(xrf0) =	vadd.scan.msk.s32 $0xffff, v55;
	_ =	sdelay $0x2  }
0x5fb: {  	v56 =	vmpcnt.ones.xlane vm1;
	_ =	sdelay $0x1  }
0x5fc: {  	v10 =	vadd.s32 v10, v56;
	v57 =	vsel vm2, $0xFFFFFFFF, v3  }
0x5fd: {  	v12 =	vadd.s32 v57, v10;
	v58, _, _ =	vpop (xrf0)  }
0x5fe: {  	v12 =	vadd.s32 v58, v12;
	_ =	sdelay $0x4  }
0x5ff: {  	[tilespmem:v12+s11+$0x0] =	vst.idx.msk vm2, v11  }
0x600: {  	v11 =	vld [tilespmem:s12+$0xEBC0];
	_ =	sdelay $0x4  }
0x601: {  	vm1 =	vlt.s32 v11, v9  }
0x602: {  	v59 =	vsel vm1, $0x1, v3  }
0x603: {  	(xrf0) =	vadd.scan.msk.s32 $0xffff, v59;
	_ =	sdelay $0x2  }
0x604: {  	v60 =	vmpcnt.ones.xlane vm2;
	_ =	sdelay $0x1  }
0x605: {  	v10 =	vadd.s32 v10, v60;
	v61 =	vsel vm1, $0xFFFFFFFF, v3  }
0x606: {  	v12 =	vadd.s32 v61, v10;
	v62, _, _ =	vpop (xrf0)  }
0x607: {  	p0 =	sne.s32 s14, $0x1E00;
	v12 =	vadd.s32 v62, v12  }
.Ltmp29:
0x608: {  	_ = 	snop;
	(pc) =	sbr.rel @p0 .LBB2_55-.Ltmp29, $3  }
0x609: {  	_ = 	snop  }
0x60a: {  	v63 =	vmpcnt.ones.xlane vm1;
	_ =	sdelay $0x1  }
0x60b: {  	s14 =	sadd.s32 $0x140, s14;
	v10 =	vadd.s32 v10, v63;
	[tilespmem:v12+s11+$0x0] =	vst.idx.msk vm1, v11  }
0x60c: {  	s14 =	simm.s32 $0x0  }
0x60d: {  	[tilespmem:s9], [sflag:$0x1] =	stream.linear.gather [hbm4b:s2+s14], $0x7D0, $0x38;
	[tilespmem:$0xFC80] =	vst v63  }
0x60e: {  	_ =	swait.ge [sflag:s7], $0x7D0  }
0x60f: {  	[sflag:s7] =	ssyncset.done $0x0  }
0x610: {  	[sflag:s7] =	ssyncadd.s32 $0xFFFFF830  }
.LBB2_57:
0x611: {  	s12 =	sshra.s32 s14, $0x2  }
0x612: {  	v11 =	vld [tilespmem:s12+$0xEB80];
	_ =	sdelay $0x4  }
0x613: {  	vm1 =	vlt.s32 v11, v9  }
0x614: {  	v12 =	vsel vm1, $0x1, v3  }
0x615: {  	(xrf0) =	vadd.scan.msk.s32 $0xffff, v12;
	_ =	sdelay $0x4  }
0x616: {  	v46 =	vsel vm1, $0xFFFFFFFF, v3  }
0x617: {  	v12 =	vadd.s32 v46, v10;
	v13, _, _ =	vpop (xrf0)  }
0x618: {  	v12 =	vadd.s32 v13, v12;
	_ =	sdelay $0x4  }
0x619: {  	[tilespmem:v12+s11+$0x0] =	vst.idx.msk vm1, v11  }
0x61a: {  	v11 =	vld [tilespmem:s12+$0xEB90];
	_ =	sdelay $0x4  }
0x61b: {  	vm2 =	vlt.s32 v11, v9  }
0x61c: {  	v47 =	vsel vm2, $0x1, v3  }
0x61d: {  	(xrf0) =	vadd.scan.msk.s32 $0xffff, v47;
	_ =	sdelay $0x2  }
0x61e: {  	v48 =	vmpcnt.ones.xlane vm1;
	_ =	sdelay $0x1  }
0x61f: {  	v10 =	vadd.s32 v10, v48;
	v49 =	vsel vm2, $0xFFFFFFFF, v3  }
0x620: {  	v12 =	vadd.s32 v49, v10;
	v50, _, _ =	vpop (xrf0)  }
0x621: {  	v12 =	vadd.s32 v50, v12;
	_ =	sdelay $0x4  }
0x622: {  	[tilespmem:v12+s11+$0x0] =	vst.idx.msk vm2, v11  }
0x623: {  	v11 =	vld [tilespmem:s12+$0xEBA0];
	_ =	sdelay $0x4  }
0x624: {  	vm1 =	vlt.s32 v11, v9  }
0x625: {  	v51 =	vsel vm1, $0x1, v3  }
0x626: {  	(xrf0) =	vadd.scan.msk.s32 $0xffff, v51;
	_ =	sdelay $0x2  }
0x627: {  	v52 =	vmpcnt.ones.xlane vm2;
	_ =	sdelay $0x1  }
0x628: {  	v10 =	vadd.s32 v10, v52;
	v53 =	vsel vm1, $0xFFFFFFFF, v3  }
0x629: {  	v12 =	vadd.s32 v53, v10;
	v54, _, _ =	vpop (xrf0)  }
0x62a: {  	v12 =	vadd.s32 v54, v12;
	_ =	sdelay $0x4  }
0x62b: {  	[tilespmem:v12+s11+$0x0] =	vst.idx.msk vm1, v11  }
0x62c: {  	v11 =	vld [tilespmem:s12+$0xEBB0];
	_ =	sdelay $0x4  }
0x62d: {  	vm2 =	vlt.s32 v11, v9  }
0x62e: {  	v55 =	vsel vm2, $0x1, v3  }
0x62f: {  	(xrf0) =	vadd.scan.msk.s32 $0xffff, v55;
	_ =	sdelay $0x2  }
0x630: {  	v56 =	vmpcnt.ones.xlane vm1;
	_ =	sdelay $0x1  }
0x631: {  	v10 =	vadd.s32 v10, v56;
	v57 =	vsel vm2, $0xFFFFFFFF, v3  }
0x632: {  	v12 =	vadd.s32 v57, v10;
	v58, _, _ =	vpop (xrf0)  }
0x633: {  	v12 =	vadd.s32 v58, v12;
	_ =	sdelay $0x4  }
0x634: {  	[tilespmem:v12+s11+$0x0] =	vst.idx.msk vm2, v11  }
0x635: {  	v11 =	vld [tilespmem:s12+$0xEBC0];
	_ =	sdelay $0x4  }
0x636: {  	vm1 =	vlt.s32 v11, v9  }
0x637: {  	v59 =	vsel vm1, $0x1, v3  }
0x638: {  	(xrf0) =	vadd.scan.msk.s32 $0xffff, v59;
	_ =	sdelay $0x2  }
0x639: {  	v60 =	vmpcnt.ones.xlane vm2;
	_ =	sdelay $0x1  }
0x63a: {  	v10 =	vadd.s32 v10, v60;
	v61 =	vsel vm1, $0xFFFFFFFF, v3  }
0x63b: {  	v12 =	vadd.s32 v61, v10;
	v62, _, _ =	vpop (xrf0)  }
0x63c: {  	p0 =	sne.s32 s14, $0x1E00;
	v12 =	vadd.s32 v62, v12  }
.Ltmp30:
0x63d: {  	_ = 	snop;
	(pc) =	sbr.rel @p0 .LBB2_57-.Ltmp30, $3  }
0x63e: {  	_ = 	snop  }
0x63f: {  	v63 =	vmpcnt.ones.xlane vm1;
	_ =	sdelay $0x1  }
0x640: {  	s14 =	sadd.s32 $0x140, s14;
	v10 =	vadd.s32 v10, v63;
	[tilespmem:v12+s11+$0x0] =	vst.idx.msk vm1, v11  }
0x641: {  	s14 =	simm.s32 $0x0  }
0x642: {  	[tilespmem:s9], [sflag:$0x1] =	stream.linear.gather [hbm4b:s4+s14], $0x7D0, $0x38;
	[tilespmem:$0xFC80] =	vst v63  }
0x643: {  	_ =	swait.ge [sflag:s7], $0x7D0  }
0x644: {  	[sflag:s7] =	ssyncset.done $0x0  }
0x645: {  	[sflag:s7] =	ssyncadd.s32 $0xFFFFF830  }
.LBB2_59:
0x646: {  	s12 =	sshra.s32 s14, $0x2  }
0x647: {  	v11 =	vld [tilespmem:s12+$0xEB80];
	_ =	sdelay $0x4  }
0x648: {  	vm1 =	vlt.s32 v11, v9  }
0x649: {  	v12 =	vsel vm1, $0x1, v3  }
0x64a: {  	(xrf0) =	vadd.scan.msk.s32 $0xffff, v12;
	_ =	sdelay $0x4  }
0x64b: {  	v46 =	vsel vm1, $0xFFFFFFFF, v3  }
0x64c: {  	v12 =	vadd.s32 v46, v10;
	v13, _, _ =	vpop (xrf0)  }
0x64d: {  	v12 =	vadd.s32 v13, v12;
	_ =	sdelay $0x4  }
0x64e: {  	[tilespmem:v12+s11+$0x0] =	vst.idx.msk vm1, v11  }
0x64f: {  	v11 =	vld [tilespmem:s12+$0xEB90];
	_ =	sdelay $0x4  }
0x650: {  	vm2 =	vlt.s32 v11, v9  }
0x651: {  	v47 =	vsel vm2, $0x1, v3  }
0x652: {  	(xrf0) =	vadd.scan.msk.s32 $0xffff, v47;
	_ =	sdelay $0x2  }
0x653: {  	v48 =	vmpcnt.ones.xlane vm1;
	_ =	sdelay $0x1  }
0x654: {  	v10 =	vadd.s32 v10, v48;
	v49 =	vsel vm2, $0xFFFFFFFF, v3  }
0x655: {  	v12 =	vadd.s32 v49, v10;
	v50, _, _ =	vpop (xrf0)  }
0x656: {  	v12 =	vadd.s32 v50, v12;
	_ =	sdelay $0x4  }
0x657: {  	[tilespmem:v12+s11+$0x0] =	vst.idx.msk vm2, v11  }
0x658: {  	v11 =	vld [tilespmem:s12+$0xEBA0];
	_ =	sdelay $0x4  }
0x659: {  	vm1 =	vlt.s32 v11, v9  }
0x65a: {  	v51 =	vsel vm1, $0x1, v3  }
0x65b: {  	(xrf0) =	vadd.scan.msk.s32 $0xffff, v51;
	_ =	sdelay $0x2  }
0x65c: {  	v52 =	vmpcnt.ones.xlane vm2;
	_ =	sdelay $0x1  }
0x65d: {  	v10 =	vadd.s32 v10, v52;
	v53 =	vsel vm1, $0xFFFFFFFF, v3  }
0x65e: {  	v12 =	vadd.s32 v53, v10;
	v54, _, _ =	vpop (xrf0)  }
0x65f: {  	v12 =	vadd.s32 v54, v12;
	_ =	sdelay $0x4  }
0x660: {  	[tilespmem:v12+s11+$0x0] =	vst.idx.msk vm1, v11  }
0x661: {  	v11 =	vld [tilespmem:s12+$0xEBB0];
	_ =	sdelay $0x4  }
0x662: {  	vm2 =	vlt.s32 v11, v9  }
0x663: {  	v55 =	vsel vm2, $0x1, v3  }
0x664: {  	(xrf0) =	vadd.scan.msk.s32 $0xffff, v55;
	_ =	sdelay $0x2  }
0x665: {  	v56 =	vmpcnt.ones.xlane vm1;
	_ =	sdelay $0x1  }
0x666: {  	v10 =	vadd.s32 v10, v56;
	v57 =	vsel vm2, $0xFFFFFFFF, v3  }
0x667: {  	v12 =	vadd.s32 v57, v10;
	v58, _, _ =	vpop (xrf0)  }
0x668: {  	v12 =	vadd.s32 v58, v12;
	_ =	sdelay $0x4  }
0x669: {  	[tilespmem:v12+s11+$0x0] =	vst.idx.msk vm2, v11  }
0x66a: {  	v11 =	vld [tilespmem:s12+$0xEBC0];
	_ =	sdelay $0x4  }
0x66b: {  	vm1 =	vlt.s32 v11, v9  }
0x66c: {  	v59 =	vsel vm1, $0x1, v3  }
0x66d: {  	(xrf0) =	vadd.scan.msk.s32 $0xffff, v59;
	_ =	sdelay $0x2  }
0x66e: {  	v60 =	vmpcnt.ones.xlane vm2;
	_ =	sdelay $0x1  }
0x66f: {  	v10 =	vadd.s32 v10, v60;
	v61 =	vsel vm1, $0xFFFFFFFF, v3  }
0x670: {  	v12 =	vadd.s32 v61, v10;
	v62, _, _ =	vpop (xrf0)  }
0x671: {  	p0 =	sne.s32 s14, $0x1E00;
	v12 =	vadd.s32 v62, v12  }
.Ltmp31:
0x672: {  	_ = 	snop;
	(pc) =	sbr.rel @p0 .LBB2_59-.Ltmp31, $3  }
0x673: {  	_ = 	snop  }
0x674: {  	v63 =	vmpcnt.ones.xlane vm1;
	_ =	sdelay $0x1  }
0x675: {  	s14 =	sadd.s32 $0x140, s14;
	v10 =	vadd.s32 v10, v63;
	[tilespmem:v12+s11+$0x0] =	vst.idx.msk vm1, v11  }
0x676: {  	s14 =	simm.s32 $0x0  }
0x677: {  	[tilespmem:s9], [sflag:$0x1] =	stream.linear.gather [hbm4b:s5+s14], $0x7D0, $0x38;
	[tilespmem:$0xFC80] =	vst v63  }
0x678: {  	_ =	swait.ge [sflag:s7], $0x7D0  }
0x679: {  	[sflag:s7] =	ssyncset.done $0x0  }
0x67a: {  	[sflag:s7] =	ssyncadd.s32 $0xFFFFF830  }
.LBB2_61:
0x67b: {  	s12 =	sshra.s32 s14, $0x2  }
0x67c: {  	v11 =	vld [tilespmem:s12+$0xEB80];
	_ =	sdelay $0x4  }
0x67d: {  	vm1 =	vlt.s32 v11, v9  }
0x67e: {  	v12 =	vsel vm1, $0x1, v3  }
0x67f: {  	(xrf0) =	vadd.scan.msk.s32 $0xffff, v12;
	_ =	sdelay $0x4  }
0x680: {  	v46 =	vsel vm1, $0xFFFFFFFF, v3  }
0x681: {  	v12 =	vadd.s32 v46, v10;
	v13, _, _ =	vpop (xrf0)  }
0x682: {  	v12 =	vadd.s32 v13, v12;
	_ =	sdelay $0x4  }
0x683: {  	[tilespmem:v12+s11+$0x0] =	vst.idx.msk vm1, v11  }
0x684: {  	v11 =	vld [tilespmem:s12+$0xEB90];
	_ =	sdelay $0x4  }
0x685: {  	vm2 =	vlt.s32 v11, v9  }
0x686: {  	v47 =	vsel vm2, $0x1, v3  }
0x687: {  	(xrf0) =	vadd.scan.msk.s32 $0xffff, v47;
	_ =	sdelay $0x2  }
0x688: {  	v48 =	vmpcnt.ones.xlane vm1;
	_ =	sdelay $0x1  }
0x689: {  	v10 =	vadd.s32 v10, v48;
	v49 =	vsel vm2, $0xFFFFFFFF, v3  }
0x68a: {  	v12 =	vadd.s32 v49, v10;
	v50, _, _ =	vpop (xrf0)  }
0x68b: {  	v12 =	vadd.s32 v50, v12;
	_ =	sdelay $0x4  }
0x68c: {  	[tilespmem:v12+s11+$0x0] =	vst.idx.msk vm2, v11  }
0x68d: {  	v11 =	vld [tilespmem:s12+$0xEBA0];
	_ =	sdelay $0x4  }
0x68e: {  	vm1 =	vlt.s32 v11, v9  }
0x68f: {  	v51 =	vsel vm1, $0x1, v3  }
0x690: {  	(xrf0) =	vadd.scan.msk.s32 $0xffff, v51;
	_ =	sdelay $0x2  }
0x691: {  	v52 =	vmpcnt.ones.xlane vm2;
	_ =	sdelay $0x1  }
0x692: {  	v10 =	vadd.s32 v10, v52;
	v53 =	vsel vm1, $0xFFFFFFFF, v3  }
0x693: {  	v12 =	vadd.s32 v53, v10;
	v54, _, _ =	vpop (xrf0)  }
0x694: {  	v12 =	vadd.s32 v54, v12;
	_ =	sdelay $0x4  }
0x695: {  	[tilespmem:v12+s11+$0x0] =	vst.idx.msk vm1, v11  }
0x696: {  	v11 =	vld [tilespmem:s12+$0xEBB0];
	_ =	sdelay $0x4  }
0x697: {  	vm2 =	vlt.s32 v11, v9  }
0x698: {  	v55 =	vsel vm2, $0x1, v3  }
0x699: {  	(xrf0) =	vadd.scan.msk.s32 $0xffff, v55;
	_ =	sdelay $0x2  }
0x69a: {  	v56 =	vmpcnt.ones.xlane vm1;
	_ =	sdelay $0x1  }
0x69b: {  	v10 =	vadd.s32 v10, v56;
	v57 =	vsel vm2, $0xFFFFFFFF, v3  }
0x69c: {  	v12 =	vadd.s32 v57, v10;
	v58, _, _ =	vpop (xrf0)  }
0x69d: {  	v12 =	vadd.s32 v58, v12;
	_ =	sdelay $0x4  }
0x69e: {  	[tilespmem:v12+s11+$0x0] =	vst.idx.msk vm2, v11  }
0x69f: {  	v11 =	vld [tilespmem:s12+$0xEBC0];
	_ =	sdelay $0x4  }
0x6a0: {  	vm1 =	vlt.s32 v11, v9  }
0x6a1: {  	v59 =	vsel vm1, $0x1, v3  }
0x6a2: {  	(xrf0) =	vadd.scan.msk.s32 $0xffff, v59;
	_ =	sdelay $0x2  }
0x6a3: {  	v60 =	vmpcnt.ones.xlane vm2;
	_ =	sdelay $0x1  }
0x6a4: {  	v10 =	vadd.s32 v10, v60;
	v61 =	vsel vm1, $0xFFFFFFFF, v3  }
0x6a5: {  	v12 =	vadd.s32 v61, v10;
	v62, _, _ =	vpop (xrf0)  }
0x6a6: {  	p0 =	sne.s32 s14, $0x1E00;
	v12 =	vadd.s32 v62, v12  }
.Ltmp32:
0x6a7: {  	_ = 	snop;
	(pc) =	sbr.rel @p0 .LBB2_61-.Ltmp32, $3  }
0x6a8: {  	_ = 	snop  }
0x6a9: {  	v63 =	vmpcnt.ones.xlane vm1;
	_ =	sdelay $0x1  }
0x6aa: {  	s14 =	sadd.s32 $0x140, s14;
	v10 =	vadd.s32 v10, v63;
	[tilespmem:v12+s11+$0x0] =	vst.idx.msk vm1, v11  }
0x6ab: {  	v8 =	vtrunc.f32 v8  }
0x6ac: {  	v8 =	vcvt.f32.s32 v8;
	_ =	sdelay $0x1  }
0x6ad: {  	vm1 =	vlt.s32 v8, v9  }
0x6ae: {  	v9 =	vsel vm1, v8, v9  }
0x6af: {  	v10 =	vxor.u32 $0x80000000, v9  }
0x6b0: {  	(xrf0) =	vmax.scan.msk.u32 $0xffff, v10;
	_ =	sdelay $0x5  }
0x6b1: {  	v10, _, _ =	vpop (xrf0)  }
0x6b2: {  	(v2sf) =	vpush v10, $0xF;
	_ =	sdelay $0xe  }
0x6b3: {  	s12 =	spop (v2sf)  }
0x6b4: {  	s12 =	sadd.s32 $0x8000000F, s12  }
0x6b5: {  	s14 =	sand.u32 $0xF, s12  }
0x6b6: {  	s15 =	sshra.s32 s12, $0x1F;
	p1 =	slt.s32 s12, $0x1;
	p0 =	sne.s32 s14, $0x0  }
0x6b7: {  	s14 =	sshrl.u32 s15, $0x1C;
	p0 =	por !p1, !p0  }
0x6b8: {  	s12 =	sadd.s32 s14, s12;
	s14 =	simm.s32 $0x1;
	p0 =	por !p0, !p0  }
0x6b9: {  	s12 =	sshra.s32 s12, $0x4;
	s14 =	simm.s32 @!p0 $0x0  }
0x6ba: {  	s12 =	ssub.s32 s12, s14  }
0x6bb: {  	p0 =	slt.s32 s12, $0x1  }
.Ltmp33:
0x6bc: {  	_ = 	snop;
	(pc) =	sbr.rel @p0 .LBB2_71-.Ltmp33, $2  }
0x6bd: {  	_ =	sdelay $0x2  }
0x6be: {  	v10 =	vimm.f32 $0.0e+00  }
0x6bf: {  	p2 =	sne.s32 s12, $0x1  }
.Ltmp34:
0x6c0: {  	_ = 	snop;
	(pc) =	sbr.rel @!p2 .LBB2_64-.Ltmp34, $3  }
0x6c1: {  	_ =	sdelay $0x1  }
0x6c2: {  	s15 =	simm.s32 $0x9D00;
	s14 =	simm.s32 $0x0  }
0x6c3: {  	s12 =	sadd.s32 $0xFFFFFFFF, s12;
	p0 =	por $0x0, $0x0;
	p1 =	por $0x0, $0x0;
	v11 =	vld [tilespmem:s15+$0x0]  }
0x6c4: {  	_ = 	snop  }
0x6c5: {  	v12 =	vor.u32 s14, v4  }
0x6c6: {  	vm2 =	vlt.s32 v12, v9;
	_ =	sdelay $0x1  }
0x6c7: {  	p2 =	sne.s32 s12, $0x1  }
.Ltmp35:
0x6c8: {  	_ = 	snop;
	(pc) =	sbr.rel @!p2 .LBB2_66-.Ltmp35, $3  }
0x6c9: {  	_ =	sdelay $0x1  }
0x6ca: {  	s15 =	simm.s32 $0x9D10;
	v12 =	vld.idx.msk [tilespmem:v11+s10+$0x0], vm2  }
0x6cb: {  	s14 =	simm.s32 $0x10;
	p0 =	por $0x1, $0x1;
	vm1 =	vmmov vm2;
	vm2 =	vmmov vm2;
	v11 =	vld [tilespmem:s15+$0x0];
	s15 =	sadd.s32 $0xFFFFFFFF, s12  }
0x6cc: {  	_ = 	snop  }
0x6cd: {  	v13 =	vor.u32 s14, v4  }
0x6ce: {  	vm4 =	vlt.s32 v13, v9;
	_ =	sdelay $0x1  }
0x6cf: {  	p2 =	sne.s32 s15, $0x1  }
.Ltmp36:
0x6d0: {  	_ = 	snop;
	(pc) =	sbr.rel @!p2 .LBB2_68-.Ltmp36, $4  }
0x6d1: {  	_ = 	snop  }
0x6d2: {  	v13 =	vld.idx.msk [tilespmem:v12+s3+$0x0], vm2  }
0x6d3: {  	vm3 =	vmmov vm1;
	s12 =	simm.s32 $0x9D20;
	v12 =	vld.idx.msk [tilespmem:v11+s10+$0x0], vm4  }
0x6d4: {  	s15 =	sadd.s32 $0xFFFFFFFF, s15;
	s14 =	simm.s32 $0x20;
	p1 =	por $0x1, $0x1;
	v14 =	vimm.f32 $0.0e+00;
	vm1 =	vmmov vm4;
	vm2 =	vmmov vm4;
	v11 =	vld [tilespmem:s12+$0x0]  }
.LBB2_69:
0x6d5: {  	p2 =	sne.s32 s15, $0x1;
	v15 =	vor.u32 s14, v4  }
0x6d6: {  	vm4 =	vlt.s32 v15, v9;
	_ =	sdelay $0x1  }
0x6d7: {  	v13 =	vnsel vm3, $0x0, v13;
	vm3 =	vmmov vm1;
	vm1 =	vmmov vm4  }
.Ltmp37:
0x6d8: {  	v14 =	vadd.f32 v13, v14;
	(pc) =	sbr.rel @p2 .LBB2_69-.Ltmp37, $4  }
0x6d9: {  	_ = 	snop  }
0x6da: {  	v13 =	vld.idx.msk [tilespmem:v12+s3+$0x0], vm2;
	vm2 =	vmmov vm4  }
0x6db: {  	s12 =	sadd.s32 $0x10, s12;
	v12 =	vld.idx.msk [tilespmem:v11+s10+$0x0], vm4  }
0x6dc: {  	s15 =	sadd.s32 $0xFFFFFFFF, s15;
	s14 =	sadd.s32 $0x10, s14;
	v11 =	vld [tilespmem:s12+$0x0]  }
.Ltmp38:
0x6dd: {  	_ = 	snop;
	(pc) =	sbr.rel .LBB2_70-.Ltmp38, $1  }
0x6de: {  	_ =	sdelay $0x3  }
.LBB2_66:
.Ltmp39:
0x6df: {  	(pc) =	sbr.rel .LBB2_70-.Ltmp39, $2  }
0x6e0: {  	_ =	sdelay $0x2  }
0x6e1: {  	v14 =	vimm.f32 $0.0e+00  }
.LBB2_68:
.Ltmp40:
0x6e2: {  	(pc) =	sbr.rel .LBB2_70-.Ltmp40, $2  }
0x6e3: {  	_ =	sdelay $0x2  }
0x6e4: {  	v14 =	vimm.f32 $0.0e+00  }
.Lfunc_end2:
_tile_overlayer_lowered:
.L_overlay_start_2:
0x6e5: {  	(tag) =	ssettag $0x2  }
0x6e6: {  	s0 =	rddreg [dreg:$0x0];
	s2 =	stileid.u32  }
0x6e7: {  	s1 =	rddreg [dreg:$0x1];
	p0 =	sne.s32 s2, $0x0  }
0x6e8: {  	s3 =	rddreg [dreg:$0x2];
	[bflag:$0x3] =	sbarrier.arrive $0xFFFF;
	s2 =	simm.s32 @!p0 $0x1C01  }
0x6e9: {  	[timem:s3], [sflag:s2] =	dma.local @!p0 [hbm:s0], s1  }
0x6ea: {  	s0 =	simm.s32 @!p0 $0x1  }
0x6eb: {  	_ =	swait.ge @!p0 [sflag:s0], s1  }
0x6ec: {  	s1 =	ssub.s32 @!p0 $0x0, s1;
	[sflag:s0] =	ssyncset.done @!p0 $0x0  }
0x6ed: {  	[sflag:s0] =	ssyncadd.s32 @!p0 s1  }
0x6ee: {  	[bflag:$0x3] =	sbarrier.arrive $0xFFFF  }
0x6ef: {  	_ =	shalt  }

</sc_bundles>
